<compile_context>
chip_gen: v7x
topology: tpu7x:2x2x1
jax: 0.10.2.dev20260603
libtpu: 0.0.44.dev20260713+nightly
codegen_flags: <defaults>
</compile_context>

<pallas_src>
import functools

import jax
import jax.numpy as jnp
from jax import lax
from jax.experimental import pallas as pl
from jax.experimental.pallas import tpu as pltpu
from jax.experimental.pallas import tpu_sc as plsc

N = 10000
E = 320000
D = 128
H = 128
C = 40
CP = 64
NP = 10240

NC = 2
NS = 16
NW = NC * NS
CHUNK = 128
RPL = 16
ROWS_TOTAL = 2560
EP = ROWS_TOTAL * CHUNK
ROWS_PW = ROWS_TOTAL // NW
NSLICE = NP // NS
ZCOPIES = NSLICE // CHUNK


def _fill_rows(ref, rows, width, value):

    @pl.loop(0, rows)
    def _(r):
        @pl.loop(0, width // 16)
        def _(c):
            ref.at[pl.ds(r, 1), pl.ds(c * 16, 16)][...] = jnp.full(
                (1, 16), value, jnp.float32
            )


def _deg_body(dst_hbm, degp_hbm, idxv, onesv, zerov, deg_sh, sem):
    cid = lax.axis_index("c")
    sid = lax.axis_index("s")
    wid = sid * NC + cid

    _fill_rows(onesv, CHUNK, 16, 1.0)
    _fill_rows(zerov, CHUNK, 16, 0.0)

    @pl.loop(0, ZCOPIES)
    def _(k):
        pltpu.sync_copy(zerov, deg_sh.at[pl.ds(sid * NSLICE + k * CHUNK, CHUNK)])

    plsc.subcore_barrier()

    @pl.loop(0, ROWS_PW, step=RPL)
    def _(r0):
        pltpu.sync_copy(dst_hbm.at[pl.ds(wid * ROWS_PW + r0, RPL)], idxv)

        @pl.loop(0, RPL)
        def _(j):
            pltpu.sync_copy(onesv, deg_sh.at[idxv.at[j]], add=True)

    plsc.subcore_barrier()

    @pl.loop(0, ZCOPIES)
    def _(k):
        off = sid * NSLICE + k * CHUNK
        pltpu.sync_copy(
            deg_sh.at[pl.ds(off, CHUNK)], degp_hbm.at[pl.ds(cid * NP + off, CHUNK)]
        )


@functools.cache
def _deg_kernel():
    return functools.partial(
        pl.kernel,
        out_type=jax.ShapeDtypeStruct((NC * NP, 16), jnp.float32),
        mesh=plsc.VectorSubcoreMesh(core_axis_name="c", subcore_axis_name="s"),
        compiler_params=pltpu.CompilerParams(use_tc_tiling_on_sc=False),
        scratch_types=[
            pltpu.VMEM((RPL, CHUNK), jnp.int32),
            pltpu.VMEM((CHUNK, 16), jnp.float32),
            pltpu.VMEM((CHUNK, 16), jnp.float32),
            pltpu.VMEM_SHARED((NP, 16), jnp.float32),
            pltpu.SemaphoreType.DMA,
        ],
    )(_deg_body)


RPT = ROWS_TOTAL // NS


def _agg_body(W, NB, NSTAGE, h_hbm, src_hbm, dst_hbm, outp_hbm, srcv, dstv, *rest):
    bufs = rest[:NB]
    tab_sh = rest[NB]
    acc_sh = rest[NB + 1]
    gsems = rest[NB + 2 :]
    cid = lax.axis_index("c")
    sid = lax.axis_index("s")

    pltpu.sync_copy(
        h_hbm.at[pl.ds(cid * NP + sid * NSLICE, NSLICE)],
        tab_sh.at[pl.ds(sid * NSLICE, NSLICE)],
    )

    _fill_rows(bufs[0], CHUNK, W, 0.0)

    @pl.loop(0, ZCOPIES)
    def _(k):
        pltpu.sync_copy(bufs[0], acc_sh.at[pl.ds(sid * NSLICE + k * CHUNK, CHUNK)])

    plsc.subcore_barrier()

    for h0 in range(0, RPT, NSTAGE):
        base = sid * RPT + h0
        pltpu.sync_copy(src_hbm.at[pl.ds(base, NSTAGE)], srcv)
        pltpu.sync_copy(dst_hbm.at[pl.ds(base, NSTAGE)], dstv)

        for b in range(NB):
            pltpu.async_copy(tab_sh.at[srcv.at[b]], bufs[b], gsems[b])

        @pl.loop(0, NSTAGE - NB, step=NB)
        def _(j):
            for b in range(NB):
                pltpu.make_async_copy(
                    tab_sh.at[srcv.at[j + b]], bufs[b], gsems[b]
                ).wait()
                pltpu.sync_copy(bufs[b], acc_sh.at[dstv.at[j + b]], add=True)
                pltpu.async_copy(tab_sh.at[srcv.at[j + NB + b]], bufs[b], gsems[b])

        for b in range(NB):
            jl = NSTAGE - NB + b
            pltpu.make_async_copy(tab_sh.at[srcv.at[jl]], bufs[b], gsems[b]).wait()
            pltpu.sync_copy(bufs[b], acc_sh.at[dstv.at[jl]], add=True)

    plsc.subcore_barrier()

    @pl.loop(0, ZCOPIES)
    def _(k):
        off = sid * NSLICE + k * CHUNK
        pltpu.sync_copy(
            acc_sh.at[pl.ds(off, CHUNK)], outp_hbm.at[pl.ds(cid * NP + off, CHUNK)]
        )


@functools.cache
def _make_agg(W, NB, NSTAGE):
    return functools.partial(
        pl.kernel,
        out_type=jax.ShapeDtypeStruct((NC * NP, W), jnp.float32),
        mesh=plsc.VectorSubcoreMesh(core_axis_name="c", subcore_axis_name="s"),
        compiler_params=pltpu.CompilerParams(use_tc_tiling_on_sc=False),
        scratch_types=[
            pltpu.VMEM((NSTAGE, CHUNK), jnp.int32),
            pltpu.VMEM((NSTAGE, CHUNK), jnp.int32),
            *[pltpu.VMEM((CHUNK, W), jnp.float32) for _ in range(NB)],
            pltpu.VMEM_SHARED((NP, W), jnp.float32),
            pltpu.VMEM_SHARED((NP, W), jnp.float32),
            *[pltpu.SemaphoreType.DMA for _ in range(NB)],
        ],
    )(functools.partial(_agg_body, W, NB, NSTAGE))


def _tc1_body(degp_ref, x_ref, w1_ref, h1p_ref, dis_ref):
    dp = degp_ref[...]
    deg = (dp[:NP] + dp[NP:]).sum(axis=1, keepdims=True) * (1.0 / 16.0) + 1.0
    dis = lax.rsqrt(deg)
    h = jnp.dot(
        x_ref[...],
        w1_ref[...],
        preferred_element_type=jnp.float32,
        precision=lax.Precision.DEFAULT,
    )
    hp = h * dis[:N]
    zpad = jnp.zeros((NP - N, H // 2), jnp.float32)
    h1p_ref[pl.ds(0, N)] = hp[:, : H // 2]
    h1p_ref[pl.ds(N, NP - N)] = zpad
    h1p_ref[pl.ds(NP, N)] = hp[:, H // 2 :]
    h1p_ref[pl.ds(NP + N, NP - N)] = zpad
    dis_ref[...] = dis


def _tc2_body(acc_ref, h1p_ref, dis_ref, b1_ref, w2p_ref, gp_ref):
    dis = dis_ref[...]
    b1 = b1_ref[...]
    hw = H // 2
    hr_lo = jnp.maximum((acc_ref[:NP] + h1p_ref[:NP]) * dis + b1[None, :hw], 0.0)
    hr_hi = jnp.maximum((acc_ref[NP:] + h1p_ref[NP:]) * dis + b1[None, hw:], 0.0)
    g = jnp.dot(
        hr_lo,
        w2p_ref[:hw],
        preferred_element_type=jnp.float32,
        precision=lax.Precision.DEFAULT,
    ) + jnp.dot(
        hr_hi,
        w2p_ref[hw:],
        preferred_element_type=jnp.float32,
        precision=lax.Precision.DEFAULT,
    )
    gd = g * dis
    gp_ref[:NP] = gd[:, : CP // 2]
    gp_ref[NP:] = gd[:, CP // 2 :]


def _tc3_body(acc_ref, gp_ref, dis_ref, b2p_ref, feat_ref, logp_ref):
    s = jnp.concatenate(
        [
            acc_ref[pl.ds(0, N)] + gp_ref[pl.ds(0, N)],
            acc_ref[pl.ds(NP, N)] + gp_ref[pl.ds(NP, N)],
        ],
        axis=1,
    )
    out = s * dis_ref[pl.ds(0, N)] + b2p_ref[...][None, :]
    col = lax.broadcasted_iota(jnp.int32, (N, CP), 1)
    valid = col < C
    xm = jnp.where(valid, out, -jnp.inf)
    m = jnp.max(xm, axis=1, keepdims=True)
    e = jnp.where(valid, jnp.exp(out - m), 0.0)
    lse = m + jnp.log(jnp.sum(e, axis=1, keepdims=True))
    feat_ref[...] = out[:, :C]
    logp_ref[...] = (out - lse)[:, :C]


_tc1 = pl.pallas_call(
    _tc1_body,
    out_shape=[
        jax.ShapeDtypeStruct((NC * NP, H // 2), jnp.float32),
        jax.ShapeDtypeStruct((NP, 1), jnp.float32),
    ],
)

_tc2 = pl.pallas_call(
    _tc2_body,
    out_shape=jax.ShapeDtypeStruct((NC * NP, CP // 2), jnp.float32),
)

_tc3 = pl.pallas_call(
    _tc3_body,
    out_shape=[
        jax.ShapeDtypeStruct((N, C), jnp.float32),
        jax.ShapeDtypeStruct((N, C), jnp.float32),
    ],
)


def kernel(x, edge_index, W1, b1, W2, b2):
    src2 = jnp.full((EP,), N, jnp.int32).at[:E].set(edge_index[0]).reshape(
        ROWS_TOTAL, CHUNK
    )
    dst2 = jnp.full((EP,), N, jnp.int32).at[:E].set(edge_index[1]).reshape(
        ROWS_TOTAL, CHUNK
    )
    w2p = jnp.pad(W2, ((0, 0), (0, CP - C)))
    b2p = jnp.pad(b2, (0, CP - C))

    degp = _deg_kernel()(dst2)
    h1p, dis = _tc1(degp, x, W1)
    acc1 = _make_agg(H // 2, 4, 40)(h1p, src2, dst2)
    gp = _tc2(acc1, h1p, dis, b1, w2p)
    acc2 = _make_agg(CP // 2, 4, 40)(gp, src2, dst2)
    feat, logp = _tc3(acc2, gp, dis, b2p)
    return logp, feat

# --- scband reference (transcript-rebuilt; emitter-appended) ---
"""Pipeline reference for scband-gnn-18159121727555 (READ-ONLY COPY).

The authoritative reference and input builder live on the scoring server;
editing this copy changes nothing except your own understanding.
"""

import jax, jax.numpy as jnp
import numpy as np

N = 10000
E = 320000
D = 128
H = 128
C = 40


def gcn_conv(x, edge_index, W, b):
    # PyG GCNConv: add self-loops, symmetric normalization, linear, scatter-add aggregate to dst, add bias
    n = x.shape[0]
    src = edge_index[0]
    dst = edge_index[1]
    loop = jnp.arange(n, dtype=src.dtype)
    src = jnp.concatenate([src, loop])
    dst = jnp.concatenate([dst, loop])
    w = jnp.ones(src.shape[0], dtype=x.dtype)
    deg = jnp.zeros(n, dtype=x.dtype).at[dst].add(w)
    deg_inv_sqrt = jnp.where(deg > 0, deg ** -0.5, 0.0)
    norm = deg_inv_sqrt[src] * deg_inv_sqrt[dst]
    h = x @ W
    out = jnp.zeros((n, W.shape[1]), dtype=x.dtype).at[dst].add(h[src] * norm[:, None])
    return out + b


def setup_inputs(seed: int = 0) -> dict:
    key = jax.random.key(seed)
    k1, k2, k3, k4, k5, k6 = jax.random.split(key, 6)
    x = jax.random.normal(k1, (N, D), dtype=jnp.float32)
    edge_index = jax.random.randint(k2, (2, E), 0, N, dtype=jnp.int32)
    W1 = jax.random.normal(k3, (D, H), dtype=jnp.float32) * 0.05
    b1 = jnp.zeros((H,), dtype=jnp.float32)
    W2 = jax.random.normal(k4, (H, C), dtype=jnp.float32) * 0.05
    b2 = jnp.zeros((C,), dtype=jnp.float32)
    return {"x": x, "edge_index": edge_index, "W1": W1, "b1": b1, "W2": W2, "b2": b2}


def reference(x, edge_index, W1, b1, W2, b2):
    # layer 0: conv -> relu -> dropout(p=0, eval => identity)
    h = gcn_conv(x, edge_index, W1, b1)
    h = jax.nn.relu(h)
    # layer 1 (last): no activation, no dropout
    out = gcn_conv(h, edge_index, W2, b2)
    features_before_lin = out
    logp = jax.nn.log_softmax(out, axis=1)
    return (logp, features_before_lin)

if __name__ == "__main__":
    import jax
    _d = setup_inputs()
    print(jax.jit(kernel)(*tuple(_d.values())))

</pallas_src>

<mosaic_0001>
#map = affine_map<(d0, d1) -> (0, 0)>
module attributes {stable_mosaic.version = 14 : i64} {
  func.func @_agg_body(%arg0: i32, %arg1: i32, %arg2: memref<20480x64xf32, #tpu.memory_space<hbm>>, %arg3: memref<2560x128xi32, #tpu.memory_space<hbm>>, %arg4: memref<2560x128xi32, #tpu.memory_space<hbm>>, %arg5: memref<20480x64xf32, #tpu.memory_space<hbm>>, %arg6: memref<40x128xi32, #tpu.memory_space<vmem>>, %arg7: memref<40x128xi32, #tpu.memory_space<vmem>>, %arg8: memref<128x64xf32, #tpu.memory_space<vmem>>, %arg9: memref<128x64xf32, #tpu.memory_space<vmem>>, %arg10: memref<128x64xf32, #tpu.memory_space<vmem>>, %arg11: memref<128x64xf32, #tpu.memory_space<vmem>>, %arg12: memref<10240x64xf32, #tpu.memory_space<vmem_shared>>, %arg13: memref<10240x64xf32, #tpu.memory_space<vmem_shared>>, %arg14: memref<!tpu.dma_semaphore, #tpu.memory_space<semaphore_mem>>, %arg15: memref<!tpu.dma_semaphore, #tpu.memory_space<semaphore_mem>>, %arg16: memref<!tpu.dma_semaphore, #tpu.memory_space<semaphore_mem>>, %arg17: memref<!tpu.dma_semaphore, #tpu.memory_space<semaphore_mem>>) attributes {dimension_semantics = [#tpu.dimension_semantics<core_parallel>, #tpu.dimension_semantics<subcore_parallel>], iteration_bounds = array<i64: 2, 16>, scalar_prefetch = 0 : i64, scratch_operands = 12 : i64, tpu.core_type = #tpu.core_type<sc_vector_subcore>, window_params = [{transform_indices = #map}, {transform_indices = #map}, {transform_indices = #map}, {transform_indices = #map}]} {
    %mul3A = arith.constant 10240 : i32
    %mul3A_0 = arith.muli %arg0, %mul3A : i32
    %mul3A_1 = arith.constant 640 : i32
    %mul3A_2 = arith.muli %arg1, %mul3A_1 : i32
    %add3A = arith.addi %mul3A_0, %mul3A_2 : i32
    %mul3A_3 = arith.constant 640 : i32
    %mul3A_4 = arith.muli %arg1, %mul3A_3 : i32
    "tpu.region"() ({
      %run_scoped3A_293 = tpu.sem_alloc : memref<!tpu.dma_semaphore, #tpu.memory_space<semaphore_mem>>
      %dma_start3A_294 = arith.constant 0 : i32
      %dma_start3A_295 = tpu.memref_slice %arg12[%mul3A_4, %dma_start3A_294] : memref<10240x64xf32, #tpu.memory_space<vmem_shared>> -> memref<640x64xf32, #tpu.memory_space<vmem_shared>>
      %dma_start3A_296 = arith.constant 0 : i32
      %dma_start3A_297 = tpu.memref_slice %arg2[%add3A, %dma_start3A_296] : memref<20480x64xf32, #tpu.memory_space<hbm>> -> memref<640x64xf32, #tpu.memory_space<hbm>>
      tpu.enqueue_dma source(%dma_start3A_297 : memref<640x64xf32, #tpu.memory_space<hbm>>) target(%dma_start3A_295 : memref<640x64xf32, #tpu.memory_space<vmem_shared>>) target_semaphore(%run_scoped3A_293 : memref<!tpu.dma_semaphore, #tpu.memory_space<semaphore_mem>>)
      %dma_wait3A_298 = arith.constant 0 : i32
      %dma_wait3A_299 = tpu.memref_slice %arg12[%mul3A_4, %dma_wait3A_298] : memref<10240x64xf32, #tpu.memory_space<vmem_shared>> -> memref<640x64xf32, #tpu.memory_space<vmem_shared>>
      %dma_wait3A_300 = arith.constant 0 : i32
      %dma_wait3A_301 = tpu.memref_slice %arg2[%add3A, %dma_wait3A_300] : memref<20480x64xf32, #tpu.memory_space<hbm>> -> memref<640x64xf32, #tpu.memory_space<hbm>>
      tpu.wait_dma2 semaphore(%run_scoped3A_293 : memref<!tpu.dma_semaphore, #tpu.memory_space<semaphore_mem>>) src(%dma_wait3A_301 : memref<640x64xf32, #tpu.memory_space<hbm>>) dst(%dma_wait3A_299 : memref<640x64xf32, #tpu.memory_space<vmem_shared>>)
      tpu.yield
    }) : () -> ()
    %scan3A = arith.constant 0 : i32
    %scan3A_5 = arith.constant 128 : i32
    %scan3A_6 = arith.addi %scan3A, %scan3A_5 : i32
    %scan3A_7 = arith.constant 1 : i32
    scf.for %scan3A_293 = %scan3A to %scan3A_6 step %scan3A_7  : i32 {
      %mul3A_294 = arith.constant 1 : i32
      %mul3A_295 = arith.muli %scan3A_293, %mul3A_294 : i32
      %add3A_296 = arith.constant 0 : i32
      %add3A_297 = arith.addi %add3A_296, %mul3A_295 : i32
      %scan3A_298 = arith.constant 0 : i32
      %scan3A_299 = arith.constant 4 : i32
      %scan3A_300 = arith.addi %scan3A_298, %scan3A_299 : i32
      %scan3A_301 = arith.constant 1 : i32
      scf.for %scan3A_303 = %scan3A_298 to %scan3A_300 step %scan3A_301  : i32 {
        %mul3A_304 = arith.constant 1 : i32
        %mul3A_305 = arith.muli %scan3A_303, %mul3A_304 : i32
        %add3A_306 = arith.constant 0 : i32
        %add3A_307 = arith.addi %add3A_306, %mul3A_305 : i32
        %broadcast_in_dim3A = arith.constant 0.000000e+00 : f32
        %broadcast_in_dim3A_308 = vector.broadcast %broadcast_in_dim3A : f32 to vector<1x16xf32>
        %mul3A_309 = arith.constant 16 : i32
        %mul3A_310 = arith.muli %add3A_307, %mul3A_309 : i32
        %swap3A = arith.index_cast %add3A_297 : i32 to index
        %swap3A_311 = arith.index_cast %mul3A_310 : i32 to index
        %swap3A_312 = tpu.vector_load %arg8[%swap3A, %swap3A_311] {strides = array<i32>} : memref<128x64xf32, #tpu.memory_space<vmem>>, vector<1x16xf32>,
        %swap3A_313 = vector.shape_cast %swap3A_312 : vector<1x16xf32> to vector<1x16xf32>
        %swap3A_314 = vector.shape_cast %broadcast_in_dim3A_308 : vector<1x16xf32> to vector<1x16xf32>
        tpu.vector_store %arg8[%swap3A, %swap3A_311], %swap3A_314 {strides = array<i32>} : memref<128x64xf32, #tpu.memory_space<vmem>>, vector<1x16xf32>,
      }
      %scan3A_302 = arith.constant 4 : i32
    }
    %scan3A_8 = arith.constant 128 : i32
    %scan3A_9 = arith.constant 0 : i32
    %scan3A_10 = arith.constant 5 : i32
    %scan3A_11 = arith.addi %scan3A_9, %scan3A_10 : i32
    %scan3A_12 = arith.constant 1 : i32
    scf.for %scan3A_293 = %scan3A_9 to %scan3A_11 step %scan3A_12  : i32 {
      %mul3A_294 = arith.constant 1 : i32
      %mul3A_295 = arith.muli %scan3A_293, %mul3A_294 : i32
      %add3A_296 = arith.constant 0 : i32
      %add3A_297 = arith.addi %add3A_296, %mul3A_295 : i32
      %mul3A_298 = arith.constant 640 : i32
      %mul3A_299 = arith.muli %arg1, %mul3A_298 : i32
      %mul3A_300 = arith.constant 128 : i32
      %mul3A_301 = arith.muli %add3A_297, %mul3A_300 : i32
      %add3A_302 = arith.addi %mul3A_299, %mul3A_301 : i32
      "tpu.region"() ({
        %run_scoped3A_303 = tpu.sem_alloc : memref<!tpu.dma_semaphore, #tpu.memory_space<semaphore_mem>>
        %dma_start3A_304 = arith.constant 0 : i32
        %dma_start3A_305 = tpu.memref_slice %arg13[%add3A_302, %dma_start3A_304] : memref<10240x64xf32, #tpu.memory_space<vmem_shared>> -> memref<128x64xf32, #tpu.memory_space<vmem_shared>>
        %dma_start3A_306 = arith.constant 0 : i32
        %dma_start3A_307 = tpu.memref_slice %arg13[%add3A_302, %dma_start3A_306] : memref<10240x64xf32, #tpu.memory_space<vmem_shared>> -> memref<128x64xf32, #tpu.memory_space<vmem_shared>>
        tpu.enqueue_dma source(%arg8 : memref<128x64xf32, #tpu.memory_space<vmem>>) target(%dma_start3A_307 : memref<128x64xf32, #tpu.memory_space<vmem_shared>>) target_semaphore(%run_scoped3A_303 : memref<!tpu.dma_semaphore, #tpu.memory_space<semaphore_mem>>)
        %dma_wait3A_308 = arith.constant 0 : i32
        %dma_wait3A_309 = tpu.memref_slice %arg13[%add3A_302, %dma_wait3A_308] : memref<10240x64xf32, #tpu.memory_space<vmem_shared>> -> memref<128x64xf32, #tpu.memory_space<vmem_shared>>
        %dma_wait3A_310 = arith.constant 0 : i32
        %dma_wait3A_311 = tpu.memref_slice %arg13[%add3A_302, %dma_wait3A_310] : memref<10240x64xf32, #tpu.memory_space<vmem_shared>> -> memref<128x64xf32, #tpu.memory_space<vmem_shared>>
        tpu.wait_dma2 semaphore(%run_scoped3A_303 : memref<!tpu.dma_semaphore, #tpu.memory_space<semaphore_mem>>) src(%arg8 : memref<128x64xf32, #tpu.memory_space<vmem>>) dst(%dma_wait3A_311 : memref<128x64xf32, #tpu.memory_space<vmem_shared>>)
        tpu.yield
      }) : () -> ()
    }
    %scan3A_13 = arith.constant 5 : i32
    %barrier3A = arith.constant 0 : index
    tpu.barrier barrier_id(%barrier3A)
    %mul3A_14 = arith.constant 160 : i32
    %mul3A_15 = arith.muli %arg1, %mul3A_14 : i32
    %add3A_16 = arith.constant 0 : i32
    %add3A_17 = arith.addi %mul3A_15, %add3A_16 : i32
    "tpu.region"() ({
      %run_scoped3A_293 = tpu.sem_alloc : memref<!tpu.dma_semaphore, #tpu.memory_space<semaphore_mem>>
      %dma_start3A_294 = arith.constant 0 : i32
      %dma_start3A_295 = tpu.memref_slice %arg3[%add3A_17, %dma_start3A_294] : memref<2560x128xi32, #tpu.memory_space<hbm>> -> memref<40x128xi32, #tpu.memory_space<hbm>>
      %dma_start3A_296 = arith.constant 0 : i32
      %dma_start3A_297 = tpu.memref_slice %arg3[%add3A_17, %dma_start3A_296] : memref<2560x128xi32, #tpu.memory_space<hbm>> -> memref<40x128xi32, #tpu.memory_space<hbm>>
      tpu.enqueue_dma source(%dma_start3A_297 : memref<40x128xi32, #tpu.memory_space<hbm>>) target(%arg6 : memref<40x128xi32, #tpu.memory_space<vmem>>) target_semaphore(%run_scoped3A_293 : memref<!tpu.dma_semaphore, #tpu.memory_space<semaphore_mem>>)
      %dma_wait3A_298 = arith.constant 0 : i32
      %dma_wait3A_299 = tpu.memref_slice %arg3[%add3A_17, %dma_wait3A_298] : memref<2560x128xi32, #tpu.memory_space<hbm>> -> memref<40x128xi32, #tpu.memory_space<hbm>>
      %dma_wait3A_300 = arith.constant 0 : i32
      %dma_wait3A_301 = tpu.memref_slice %arg3[%add3A_17, %dma_wait3A_300] : memref<2560x128xi32, #tpu.memory_space<hbm>> -> memref<40x128xi32, #tpu.memory_space<hbm>>
      tpu.wait_dma2 semaphore(%run_scoped3A_293 : memref<!tpu.dma_semaphore, #tpu.memory_space<semaphore_mem>>) src(%dma_wait3A_301 : memref<40x128xi32, #tpu.memory_space<hbm>>) dst(%arg6 : memref<40x128xi32, #tpu.memory_space<vmem>>)
      tpu.yield
    }) : () -> ()
    "tpu.region"() ({
      %run_scoped3A_293 = tpu.sem_alloc : memref<!tpu.dma_semaphore, #tpu.memory_space<semaphore_mem>>
      %dma_start3A_294 = arith.constant 0 : i32
      %dma_start3A_295 = tpu.memref_slice %arg4[%add3A_17, %dma_start3A_294] : memref<2560x128xi32, #tpu.memory_space<hbm>> -> memref<40x128xi32, #tpu.memory_space<hbm>>
      %dma_start3A_296 = arith.constant 0 : i32
      %dma_start3A_297 = tpu.memref_slice %arg4[%add3A_17, %dma_start3A_296] : memref<2560x128xi32, #tpu.memory_space<hbm>> -> memref<40x128xi32, #tpu.memory_space<hbm>>
      tpu.enqueue_dma source(%dma_start3A_297 : memref<40x128xi32, #tpu.memory_space<hbm>>) target(%arg7 : memref<40x128xi32, #tpu.memory_space<vmem>>) target_semaphore(%run_scoped3A_293 : memref<!tpu.dma_semaphore, #tpu.memory_space<semaphore_mem>>)
      %dma_wait3A_298 = arith.constant 0 : i32
      %dma_wait3A_299 = tpu.memref_slice %arg4[%add3A_17, %dma_wait3A_298] : memref<2560x128xi32, #tpu.memory_space<hbm>> -> memref<40x128xi32, #tpu.memory_space<hbm>>
      %dma_wait3A_300 = arith.constant 0 : i32
      %dma_wait3A_301 = tpu.memref_slice %arg4[%add3A_17, %dma_wait3A_300] : memref<2560x128xi32, #tpu.memory_space<hbm>> -> memref<40x128xi32, #tpu.memory_space<hbm>>
      tpu.wait_dma2 semaphore(%run_scoped3A_293 : memref<!tpu.dma_semaphore, #tpu.memory_space<semaphore_mem>>) src(%dma_wait3A_301 : memref<40x128xi32, #tpu.memory_space<hbm>>) dst(%arg7 : memref<40x128xi32, #tpu.memory_space<vmem>>)
      tpu.yield
    }) : () -> ()
    %dma_start3A = arith.constant 0 : i32
    %dma_start3A_18 = arith.constant 0 : i32
    %dma_start3A_19 = tpu.memref_slice %arg6[%dma_start3A, %dma_start3A_18] : memref<40x128xi32, #tpu.memory_space<vmem>> -> memref<1x128xi32, #tpu.memory_space<vmem>>
    %dma_start3A_20 = tpu.memref_squeeze %dma_start3A_19 : memref<1x128xi32, #tpu.memory_space<vmem>> -> memref<128xi32, #tpu.memory_space<vmem>>
    %dma_start3A_21 = arith.constant 0 : i32
    %dma_start3A_22 = arith.constant 0 : i32
    %dma_start3A_23 = tpu.memref_slice %arg12[%dma_start3A_21, %dma_start3A_22] : memref<10240x64xf32, #tpu.memory_space<vmem_shared>> -> memref<10240x64xf32, #tpu.memory_space<vmem_shared>>
    tpu.enqueue_indirect_dma source(%dma_start3A_23 : memref<10240x64xf32, #tpu.memory_space<vmem_shared>>) target(%arg8 : memref<128x64xf32, #tpu.memory_space<vmem>>) offsets(%dma_start3A_20 : memref<128xi32, #tpu.memory_space<vmem>>) semaphore(%arg14 : memref<!tpu.dma_semaphore, #tpu.memory_space<semaphore_mem>>)
    %dma_start3A_24 = arith.constant 1 : i32
    %dma_start3A_25 = arith.constant 0 : i32
    %dma_start3A_26 = tpu.memref_slice %arg6[%dma_start3A_24, %dma_start3A_25] : memref<40x128xi32, #tpu.memory_space<vmem>> -> memref<1x128xi32, #tpu.memory_space<vmem>>
    %dma_start3A_27 = tpu.memref_squeeze %dma_start3A_26 : memref<1x128xi32, #tpu.memory_space<vmem>> -> memref<128xi32, #tpu.memory_space<vmem>>
    %dma_start3A_28 = arith.constant 0 : i32
    %dma_start3A_29 = arith.constant 0 : i32
    %dma_start3A_30 = tpu.memref_slice %arg12[%dma_start3A_28, %dma_start3A_29] : memref<10240x64xf32, #tpu.memory_space<vmem_shared>> -> memref<10240x64xf32, #tpu.memory_space<vmem_shared>>
    tpu.enqueue_indirect_dma source(%dma_start3A_30 : memref<10240x64xf32, #tpu.memory_space<vmem_shared>>) target(%arg9 : memref<128x64xf32, #tpu.memory_space<vmem>>) offsets(%dma_start3A_27 : memref<128xi32, #tpu.memory_space<vmem>>) semaphore(%arg15 : memref<!tpu.dma_semaphore, #tpu.memory_space<semaphore_mem>>)
    %dma_start3A_31 = arith.constant 2 : i32
    %dma_start3A_32 = arith.constant 0 : i32
    %dma_start3A_33 = tpu.memref_slice %arg6[%dma_start3A_31, %dma_start3A_32] : memref<40x128xi32, #tpu.memory_space<vmem>> -> memref<1x128xi32, #tpu.memory_space<vmem>>
    %dma_start3A_34 = tpu.memref_squeeze %dma_start3A_33 : memref<1x128xi32, #tpu.memory_space<vmem>> -> memref<128xi32, #tpu.memory_space<vmem>>
    %dma_start3A_35 = arith.constant 0 : i32
    %dma_start3A_36 = arith.constant 0 : i32
    %dma_start3A_37 = tpu.memref_slice %arg12[%dma_start3A_35, %dma_start3A_36] : memref<10240x64xf32, #tpu.memory_space<vmem_shared>> -> memref<10240x64xf32, #tpu.memory_space<vmem_shared>>
    tpu.enqueue_indirect_dma source(%dma_start3A_37 : memref<10240x64xf32, #tpu.memory_space<vmem_shared>>) target(%arg10 : memref<128x64xf32, #tpu.memory_space<vmem>>) offsets(%dma_start3A_34 : memref<128xi32, #tpu.memory_space<vmem>>) semaphore(%arg16 : memref<!tpu.dma_semaphore, #tpu.memory_space<semaphore_mem>>)
    %dma_start3A_38 = arith.constant 3 : i32
    %dma_start3A_39 = arith.constant 0 : i32
    %dma_start3A_40 = tpu.memref_slice %arg6[%dma_start3A_38, %dma_start3A_39] : memref<40x128xi32, #tpu.memory_space<vmem>> -> memref<1x128xi32, #tpu.memory_space<vmem>>
    %dma_start3A_41 = tpu.memref_squeeze %dma_start3A_40 : memref<1x128xi32, #tpu.memory_space<vmem>> -> memref<128xi32, #tpu.memory_space<vmem>>
    %dma_start3A_42 = arith.constant 0 : i32
    %dma_start3A_43 = arith.constant 0 : i32
    %dma_start3A_44 = tpu.memref_slice %arg12[%dma_start3A_42, %dma_start3A_43] : memref<10240x64xf32, #tpu.memory_space<vmem_shared>> -> memref<10240x64xf32, #tpu.memory_space<vmem_shared>>
    tpu.enqueue_indirect_dma source(%dma_start3A_44 : memref<10240x64xf32, #tpu.memory_space<vmem_shared>>) target(%arg11 : memref<128x64xf32, #tpu.memory_space<vmem>>) offsets(%dma_start3A_41 : memref<128xi32, #tpu.memory_space<vmem>>) semaphore(%arg17 : memref<!tpu.dma_semaphore, #tpu.memory_space<semaphore_mem>>)
    %scan3A_45 = arith.constant 0 : i32
    %scan3A_46 = arith.constant 9 : i32
    %scan3A_47 = arith.addi %scan3A_45, %scan3A_46 : i32
    %scan3A_48 = arith.constant 1 : i32
    scf.for %scan3A_293 = %scan3A_45 to %scan3A_47 step %scan3A_48  : i32 {
      %mul3A_294 = arith.constant 4 : i32
      %mul3A_295 = arith.muli %scan3A_293, %mul3A_294 : i32
      %add3A_296 = arith.constant 0 : i32
      %add3A_297 = arith.addi %add3A_296, %mul3A_295 : i32
      %add3A_298 = arith.constant 0 : i32
      %add3A_299 = arith.addi %add3A_297, %add3A_298 : i32
      %dma_wait3A_300 = arith.constant 0 : i32
      %dma_wait3A_301 = tpu.memref_slice %arg6[%add3A_299, %dma_wait3A_300] : memref<40x128xi32, #tpu.memory_space<vmem>> -> memref<1x128xi32, #tpu.memory_space<vmem>>
      %dma_wait3A_302 = tpu.memref_squeeze %dma_wait3A_301 : memref<1x128xi32, #tpu.memory_space<vmem>> -> memref<128xi32, #tpu.memory_space<vmem>>
      %dma_wait3A_303 = arith.constant 0 : i32
      %dma_wait3A_304 = arith.constant 0 : i32
      %dma_wait3A_305 = tpu.memref_slice %arg12[%dma_wait3A_303, %dma_wait3A_304] : memref<10240x64xf32, #tpu.memory_space<vmem_shared>> -> memref<10240x64xf32, #tpu.memory_space<vmem_shared>>
      tpu.wait_indirect_dma semaphore(%arg14 : memref<!tpu.dma_semaphore, #tpu.memory_space<semaphore_mem>>) src(%dma_wait3A_305 : memref<10240x64xf32, #tpu.memory_space<vmem_shared>>) dst(%arg8 : memref<128x64xf32, #tpu.memory_space<vmem>>)
      %add3A_306 = arith.constant 0 : i32
      %add3A_307 = arith.addi %add3A_297, %add3A_306 : i32
      "tpu.region"() ({
        %run_scoped3A_378 = tpu.sem_alloc : memref<!tpu.dma_semaphore, #tpu.memory_space<semaphore_mem>>
        %dma_start3A_379 = arith.constant 0 : i32
        %dma_start3A_380 = tpu.memref_slice %arg7[%add3A_307, %dma_start3A_379] : memref<40x128xi32, #tpu.memory_space<vmem>> -> memref<1x128xi32, #tpu.memory_space<vmem>>
        %dma_start3A_381 = tpu.memref_squeeze %dma_start3A_380 : memref<1x128xi32, #tpu.memory_space<vmem>> -> memref<128xi32, #tpu.memory_space<vmem>>
        %dma_start3A_382 = arith.constant 0 : i32
        %dma_start3A_383 = arith.constant 0 : i32
        %dma_start3A_384 = tpu.memref_slice %arg13[%dma_start3A_382, %dma_start3A_383] : memref<10240x64xf32, #tpu.memory_space<vmem_shared>> -> memref<10240x64xf32, #tpu.memory_space<vmem_shared>>
        tpu.enqueue_indirect_dma source(%arg8 : memref<128x64xf32, #tpu.memory_space<vmem>>) target(%dma_start3A_384 : memref<10240x64xf32, #tpu.memory_space<vmem_shared>>) offsets(%dma_start3A_381 : memref<128xi32, #tpu.memory_space<vmem>>) semaphore(%run_scoped3A_378 : memref<!tpu.dma_semaphore, #tpu.memory_space<semaphore_mem>>) {add = true}
        %dma_wait3A_385 = arith.constant 0 : i32
        %dma_wait3A_386 = tpu.memref_slice %arg7[%add3A_307, %dma_wait3A_385] : memref<40x128xi32, #tpu.memory_space<vmem>> -> memref<1x128xi32, #tpu.memory_space<vmem>>
        %dma_wait3A_387 = tpu.memref_squeeze %dma_wait3A_386 : memref<1x128xi32, #tpu.memory_space<vmem>> -> memref<128xi32, #tpu.memory_space<vmem>>
        %dma_wait3A_388 = arith.constant 0 : i32
        %dma_wait3A_389 = arith.constant 0 : i32
        %dma_wait3A_390 = tpu.memref_slice %arg13[%dma_wait3A_388, %dma_wait3A_389] : memref<10240x64xf32, #tpu.memory_space<vmem_shared>> -> memref<10240x64xf32, #tpu.memory_space<vmem_shared>>
        tpu.wait_indirect_dma semaphore(%run_scoped3A_378 : memref<!tpu.dma_semaphore, #tpu.memory_space<semaphore_mem>>) src(%arg8 : memref<128x64xf32, #tpu.memory_space<vmem>>) dst(%dma_wait3A_390 : memref<10240x64xf32, #tpu.memory_space<vmem_shared>>)
        tpu.yield
      }) : () -> ()
      %add3A_308 = arith.constant 4 : i32
      %add3A_309 = arith.addi %add3A_297, %add3A_308 : i32
      %add3A_310 = arith.constant 0 : i32
      %add3A_311 = arith.addi %add3A_309, %add3A_310 : i32
      %dma_start3A_312 = arith.constant 0 : i32
      %dma_start3A_313 = tpu.memref_slice %arg6[%add3A_311, %dma_start3A_312] : memref<40x128xi32, #tpu.memory_space<vmem>> -> memref<1x128xi32, #tpu.memory_space<vmem>>
      %dma_start3A_314 = tpu.memref_squeeze %dma_start3A_313 : memref<1x128xi32, #tpu.memory_space<vmem>> -> memref<128xi32, #tpu.memory_space<vmem>>
      %dma_start3A_315 = arith.constant 0 : i32
      %dma_start3A_316 = arith.constant 0 : i32
      %dma_start3A_317 = tpu.memref_slice %arg12[%dma_start3A_315, %dma_start3A_316] : memref<10240x64xf32, #tpu.memory_space<vmem_shared>> -> memref<10240x64xf32, #tpu.memory_space<vmem_shared>>
      tpu.enqueue_indirect_dma source(%dma_start3A_317 : memref<10240x64xf32, #tpu.memory_space<vmem_shared>>) target(%arg8 : memref<128x64xf32, #tpu.memory_space<vmem>>) offsets(%dma_start3A_314 : memref<128xi32, #tpu.memory_space<vmem>>) semaphore(%arg14 : memref<!tpu.dma_semaphore, #tpu.memory_space<semaphore_mem>>)
      %add3A_318 = arith.constant 1 : i32
      %add3A_319 = arith.addi %add3A_297, %add3A_318 : i32
      %dma_wait3A_320 = arith.constant 0 : i32
      %dma_wait3A_321 = tpu.memref_slice %arg6[%add3A_319, %dma_wait3A_320] : memref<40x128xi32, #tpu.memory_space<vmem>> -> memref<1x128xi32, #tpu.memory_space<vmem>>
      %dma_wait3A_322 = tpu.memref_squeeze %dma_wait3A_321 : memref<1x128xi32, #tpu.memory_space<vmem>> -> memref<128xi32, #tpu.memory_space<vmem>>
      %dma_wait3A_323 = arith.constant 0 : i32
      %dma_wait3A_324 = arith.constant 0 : i32
      %dma_wait3A_325 = tpu.memref_slice %arg12[%dma_wait3A_323, %dma_wait3A_324] : memref<10240x64xf32, #tpu.memory_space<vmem_shared>> -> memref<10240x64xf32, #tpu.memory_space<vmem_shared>>
      tpu.wait_indirect_dma semaphore(%arg15 : memref<!tpu.dma_semaphore, #tpu.memory_space<semaphore_mem>>) src(%dma_wait3A_325 : memref<10240x64xf32, #tpu.memory_space<vmem_shared>>) dst(%arg9 : memref<128x64xf32, #tpu.memory_space<vmem>>)
      %add3A_326 = arith.constant 1 : i32
      %add3A_327 = arith.addi %add3A_297, %add3A_326 : i32
      "tpu.region"() ({
        %run_scoped3A_378 = tpu.sem_alloc : memref<!tpu.dma_semaphore, #tpu.memory_space<semaphore_mem>>
        %dma_start3A_379 = arith.constant 0 : i32
        %dma_start3A_380 = tpu.memref_slice %arg7[%add3A_327, %dma_start3A_379] : memref<40x128xi32, #tpu.memory_space<vmem>> -> memref<1x128xi32, #tpu.memory_space<vmem>>
        %dma_start3A_381 = tpu.memref_squeeze %dma_start3A_380 : memref<1x128xi32, #tpu.memory_space<vmem>> -> memref<128xi32, #tpu.memory_space<vmem>>
        %dma_start3A_382 = arith.constant 0 : i32
        %dma_start3A_383 = arith.constant 0 : i32
        %dma_start3A_384 = tpu.memref_slice %arg13[%dma_start3A_382, %dma_start3A_383] : memref<10240x64xf32, #tpu.memory_space<vmem_shared>> -> memref<10240x64xf32, #tpu.memory_space<vmem_shared>>
        tpu.enqueue_indirect_dma source(%arg9 : memref<128x64xf32, #tpu.memory_space<vmem>>) target(%dma_start3A_384 : memref<10240x64xf32, #tpu.memory_space<vmem_shared>>) offsets(%dma_start3A_381 : memref<128xi32, #tpu.memory_space<vmem>>) semaphore(%run_scoped3A_378 : memref<!tpu.dma_semaphore, #tpu.memory_space<semaphore_mem>>) {add = true}
        %dma_wait3A_385 = arith.constant 0 : i32
        %dma_wait3A_386 = tpu.memref_slice %arg7[%add3A_327, %dma_wait3A_385] : memref<40x128xi32, #tpu.memory_space<vmem>> -> memref<1x128xi32, #tpu.memory_space<vmem>>
        %dma_wait3A_387 = tpu.memref_squeeze %dma_wait3A_386 : memref<1x128xi32, #tpu.memory_space<vmem>> -> memref<128xi32, #tpu.memory_space<vmem>>
        %dma_wait3A_388 = arith.constant 0 : i32
        %dma_wait3A_389 = arith.constant 0 : i32
        %dma_wait3A_390 = tpu.memref_slice %arg13[%dma_wait3A_388, %dma_wait3A_389] : memref<10240x64xf32, #tpu.memory_space<vmem_shared>> -> memref<10240x64xf32, #tpu.memory_space<vmem_shared>>
        tpu.wait_indirect_dma semaphore(%run_scoped3A_378 : memref<!tpu.dma_semaphore, #tpu.memory_space<semaphore_mem>>) src(%arg9 : memref<128x64xf32, #tpu.memory_space<vmem>>) dst(%dma_wait3A_390 : memref<10240x64xf32, #tpu.memory_space<vmem_shared>>)
        tpu.yield
      }) : () -> ()
      %add3A_328 = arith.constant 4 : i32
      %add3A_329 = arith.addi %add3A_297, %add3A_328 : i32
      %add3A_330 = arith.constant 1 : i32
      %add3A_331 = arith.addi %add3A_329, %add3A_330 : i32
      %dma_start3A_332 = arith.constant 0 : i32
      %dma_start3A_333 = tpu.memref_slice %arg6[%add3A_331, %dma_start3A_332] : memref<40x128xi32, #tpu.memory_space<vmem>> -> memref<1x128xi32, #tpu.memory_space<vmem>>
      %dma_start3A_334 = tpu.memref_squeeze %dma_start3A_333 : memref<1x128xi32, #tpu.memory_space<vmem>> -> memref<128xi32, #tpu.memory_space<vmem>>
      %dma_start3A_335 = arith.constant 0 : i32
      %dma_start3A_336 = arith.constant 0 : i32
      %dma_start3A_337 = tpu.memref_slice %arg12[%dma_start3A_335, %dma_start3A_336] : memref<10240x64xf32, #tpu.memory_space<vmem_shared>> -> memref<10240x64xf32, #tpu.memory_space<vmem_shared>>
      tpu.enqueue_indirect_dma source(%dma_start3A_337 : memref<10240x64xf32, #tpu.memory_space<vmem_shared>>) target(%arg9 : memref<128x64xf32, #tpu.memory_space<vmem>>) offsets(%dma_start3A_334 : memref<128xi32, #tpu.memory_space<vmem>>) semaphore(%arg15 : memref<!tpu.dma_semaphore, #tpu.memory_space<semaphore_mem>>)
      %add3A_338 = arith.constant 2 : i32
      %add3A_339 = arith.addi %add3A_297, %add3A_338 : i32
      %dma_wait3A_340 = arith.constant 0 : i32
      %dma_wait3A_341 = tpu.memref_slice %arg6[%add3A_339, %dma_wait3A_340] : memref<40x128xi32, #tpu.memory_space<vmem>> -> memref<1x128xi32, #tpu.memory_space<vmem>>
      %dma_wait3A_342 = tpu.memref_squeeze %dma_wait3A_341 : memref<1x128xi32, #tpu.memory_space<vmem>> -> memref<128xi32, #tpu.memory_space<vmem>>
      %dma_wait3A_343 = arith.constant 0 : i32
      %dma_wait3A_344 = arith.constant 0 : i32
      %dma_wait3A_345 = tpu.memref_slice %arg12[%dma_wait3A_343, %dma_wait3A_344] : memref<10240x64xf32, #tpu.memory_space<vmem_shared>> -> memref<10240x64xf32, #tpu.memory_space<vmem_shared>>
      tpu.wait_indirect_dma semaphore(%arg16 : memref<!tpu.dma_semaphore, #tpu.memory_space<semaphore_mem>>) src(%dma_wait3A_345 : memref<10240x64xf32, #tpu.memory_space<vmem_shared>>) dst(%arg10 : memref<128x64xf32, #tpu.memory_space<vmem>>)
      %add3A_346 = arith.constant 2 : i32
      %add3A_347 = arith.addi %add3A_297, %add3A_346 : i32
      "tpu.region"() ({
        %run_scoped3A_378 = tpu.sem_alloc : memref<!tpu.dma_semaphore, #tpu.memory_space<semaphore_mem>>
        %dma_start3A_379 = arith.constant 0 : i32
        %dma_start3A_380 = tpu.memref_slice %arg7[%add3A_347, %dma_start3A_379] : memref<40x128xi32, #tpu.memory_space<vmem>> -> memref<1x128xi32, #tpu.memory_space<vmem>>
        %dma_start3A_381 = tpu.memref_squeeze %dma_start3A_380 : memref<1x128xi32, #tpu.memory_space<vmem>> -> memref<128xi32, #tpu.memory_space<vmem>>
        %dma_start3A_382 = arith.constant 0 : i32
        %dma_start3A_383 = arith.constant 0 : i32
        %dma_start3A_384 = tpu.memref_slice %arg13[%dma_start3A_382, %dma_start3A_383] : memref<10240x64xf32, #tpu.memory_space<vmem_shared>> -> memref<10240x64xf32, #tpu.memory_space<vmem_shared>>
        tpu.enqueue_indirect_dma source(%arg10 : memref<128x64xf32, #tpu.memory_space<vmem>>) target(%dma_start3A_384 : memref<10240x64xf32, #tpu.memory_space<vmem_shared>>) offsets(%dma_start3A_381 : memref<128xi32, #tpu.memory_space<vmem>>) semaphore(%run_scoped3A_378 : memref<!tpu.dma_semaphore, #tpu.memory_space<semaphore_mem>>) {add = true}
        %dma_wait3A_385 = arith.constant 0 : i32
        %dma_wait3A_386 = tpu.memref_slice %arg7[%add3A_347, %dma_wait3A_385] : memref<40x128xi32, #tpu.memory_space<vmem>> -> memref<1x128xi32, #tpu.memory_space<vmem>>
        %dma_wait3A_387 = tpu.memref_squeeze %dma_wait3A_386 : memref<1x128xi32, #tpu.memory_space<vmem>> -> memref<128xi32, #tpu.memory_space<vmem>>
        %dma_wait3A_388 = arith.constant 0 : i32
        %dma_wait3A_389 = arith.constant 0 : i32
        %dma_wait3A_390 = tpu.memref_slice %arg13[%dma_wait3A_388, %dma_wait3A_389] : memref<10240x64xf32, #tpu.memory_space<vmem_shared>> -> memref<10240x64xf32, #tpu.memory_space<vmem_shared>>
        tpu.wait_indirect_dma semaphore(%run_scoped3A_378 : memref<!tpu.dma_semaphore, #tpu.memory_space<semaphore_mem>>) src(%arg10 : memref<128x64xf32, #tpu.memory_space<vmem>>) dst(%dma_wait3A_390 : memref<10240x64xf32, #tpu.memory_space<vmem_shared>>)
        tpu.yield
      }) : () -> ()
      %add3A_348 = arith.constant 4 : i32
      %add3A_349 = arith.addi %add3A_297, %add3A_348 : i32
      %add3A_350 = arith.constant 2 : i32
      %add3A_351 = arith.addi %add3A_349, %add3A_350 : i32
      %dma_start3A_352 = arith.constant 0 : i32
      %dma_start3A_353 = tpu.memref_slice %arg6[%add3A_351, %dma_start3A_352] : memref<40x128xi32, #tpu.memory_space<vmem>> -> memref<1x128xi32, #tpu.memory_space<vmem>>
      %dma_start3A_354 = tpu.memref_squeeze %dma_start3A_353 : memref<1x128xi32, #tpu.memory_space<vmem>> -> memref<128xi32, #tpu.memory_space<vmem>>
      %dma_start3A_355 = arith.constant 0 : i32
      %dma_start3A_356 = arith.constant 0 : i32
      %dma_start3A_357 = tpu.memref_slice %arg12[%dma_start3A_355, %dma_start3A_356] : memref<10240x64xf32, #tpu.memory_space<vmem_shared>> -> memref<10240x64xf32, #tpu.memory_space<vmem_shared>>
      tpu.enqueue_indirect_dma source(%dma_start3A_357 : memref<10240x64xf32, #tpu.memory_space<vmem_shared>>) target(%arg10 : memref<128x64xf32, #tpu.memory_space<vmem>>) offsets(%dma_start3A_354 : memref<128xi32, #tpu.memory_space<vmem>>) semaphore(%arg16 : memref<!tpu.dma_semaphore, #tpu.memory_space<semaphore_mem>>)
      %add3A_358 = arith.constant 3 : i32
      %add3A_359 = arith.addi %add3A_297, %add3A_358 : i32
      %dma_wait3A_360 = arith.constant 0 : i32
      %dma_wait3A_361 = tpu.memref_slice %arg6[%add3A_359, %dma_wait3A_360] : memref<40x128xi32, #tpu.memory_space<vmem>> -> memref<1x128xi32, #tpu.memory_space<vmem>>
      %dma_wait3A_362 = tpu.memref_squeeze %dma_wait3A_361 : memref<1x128xi32, #tpu.memory_space<vmem>> -> memref<128xi32, #tpu.memory_space<vmem>>
      %dma_wait3A_363 = arith.constant 0 : i32
      %dma_wait3A_364 = arith.constant 0 : i32
      %dma_wait3A_365 = tpu.memref_slice %arg12[%dma_wait3A_363, %dma_wait3A_364] : memref<10240x64xf32, #tpu.memory_space<vmem_shared>> -> memref<10240x64xf32, #tpu.memory_space<vmem_shared>>
      tpu.wait_indirect_dma semaphore(%arg17 : memref<!tpu.dma_semaphore, #tpu.memory_space<semaphore_mem>>) src(%dma_wait3A_365 : memref<10240x64xf32, #tpu.memory_space<vmem_shared>>) dst(%arg11 : memref<128x64xf32, #tpu.memory_space<vmem>>)
      %add3A_366 = arith.constant 3 : i32
      %add3A_367 = arith.addi %add3A_297, %add3A_366 : i32
      "tpu.region"() ({
        %run_scoped3A_378 = tpu.sem_alloc : memref<!tpu.dma_semaphore, #tpu.memory_space<semaphore_mem>>
        %dma_start3A_379 = arith.constant 0 : i32
        %dma_start3A_380 = tpu.memref_slice %arg7[%add3A_367, %dma_start3A_379] : memref<40x128xi32, #tpu.memory_space<vmem>> -> memref<1x128xi32, #tpu.memory_space<vmem>>
        %dma_start3A_381 = tpu.memref_squeeze %dma_start3A_380 : memref<1x128xi32, #tpu.memory_space<vmem>> -> memref<128xi32, #tpu.memory_space<vmem>>
        %dma_start3A_382 = arith.constant 0 : i32
        %dma_start3A_383 = arith.constant 0 : i32
        %dma_start3A_384 = tpu.memref_slice %arg13[%dma_start3A_382, %dma_start3A_383] : memref<10240x64xf32, #tpu.memory_space<vmem_shared>> -> memref<10240x64xf32, #tpu.memory_space<vmem_shared>>
        tpu.enqueue_indirect_dma source(%arg11 : memref<128x64xf32, #tpu.memory_space<vmem>>) target(%dma_start3A_384 : memref<10240x64xf32, #tpu.memory_space<vmem_shared>>) offsets(%dma_start3A_381 : memref<128xi32, #tpu.memory_space<vmem>>) semaphore(%run_scoped3A_378 : memref<!tpu.dma_semaphore, #tpu.memory_space<semaphore_mem>>) {add = true}
        %dma_wait3A_385 = arith.constant 0 : i32
        %dma_wait3A_386 = tpu.memref_slice %arg7[%add3A_367, %dma_wait3A_385] : memref<40x128xi32, #tpu.memory_space<vmem>> -> memref<1x128xi32, #tpu.memory_space<vmem>>
        %dma_wait3A_387 = tpu.memref_squeeze %dma_wait3A_386 : memref<1x128xi32, #tpu.memory_space<vmem>> -> memref<128xi32, #tpu.memory_space<vmem>>
        %dma_wait3A_388 = arith.constant 0 : i32
        %dma_wait3A_389 = arith.constant 0 : i32
        %dma_wait3A_390 = tpu.memref_slice %arg13[%dma_wait3A_388, %dma_wait3A_389] : memref<10240x64xf32, #tpu.memory_space<vmem_shared>> -> memref<10240x64xf32, #tpu.memory_space<vmem_shared>>
        tpu.wait_indirect_dma semaphore(%run_scoped3A_378 : memref<!tpu.dma_semaphore, #tpu.memory_space<semaphore_mem>>) src(%arg11 : memref<128x64xf32, #tpu.memory_space<vmem>>) dst(%dma_wait3A_390 : memref<10240x64xf32, #tpu.memory_space<vmem_shared>>)
        tpu.yield
      }) : () -> ()
      %add3A_368 = arith.constant 4 : i32
      %add3A_369 = arith.addi %add3A_297, %add3A_368 : i32
      %add3A_370 = arith.constant 3 : i32
      %add3A_371 = arith.addi %add3A_369, %add3A_370 : i32
      %dma_start3A_372 = arith.constant 0 : i32
      %dma_start3A_373 = tpu.memref_slice %arg6[%add3A_371, %dma_start3A_372] : memref<40x128xi32, #tpu.memory_space<vmem>> -> memref<1x128xi32, #tpu.memory_space<vmem>>
      %dma_start3A_374 = tpu.memref_squeeze %dma_start3A_373 : memref<1x128xi32, #tpu.memory_space<vmem>> -> memref<128xi32, #tpu.memory_space<vmem>>
      %dma_start3A_375 = arith.constant 0 : i32
      %dma_start3A_376 = arith.constant 0 : i32
      %dma_start3A_377 = tpu.memref_slice %arg12[%dma_start3A_375, %dma_start3A_376] : memref<10240x64xf32, #tpu.memory_space<vmem_shared>> -> memref<10240x64xf32, #tpu.memory_space<vmem_shared>>
      tpu.enqueue_indirect_dma source(%dma_start3A_377 : memref<10240x64xf32, #tpu.memory_space<vmem_shared>>) target(%arg11 : memref<128x64xf32, #tpu.memory_space<vmem>>) offsets(%dma_start3A_374 : memref<128xi32, #tpu.memory_space<vmem>>) semaphore(%arg17 : memref<!tpu.dma_semaphore, #tpu.memory_space<semaphore_mem>>)
    }
    %scan3A_49 = arith.constant 9 : i32
    %dma_wait3A = arith.constant 36 : i32
    %dma_wait3A_50 = arith.constant 0 : i32
    %dma_wait3A_51 = tpu.memref_slice %arg6[%dma_wait3A, %dma_wait3A_50] : memref<40x128xi32, #tpu.memory_space<vmem>> -> memref<1x128xi32, #tpu.memory_space<vmem>>
    %dma_wait3A_52 = tpu.memref_squeeze %dma_wait3A_51 : memref<1x128xi32, #tpu.memory_space<vmem>> -> memref<128xi32, #tpu.memory_space<vmem>>
    %dma_wait3A_53 = arith.constant 0 : i32
    %dma_wait3A_54 = arith.constant 0 : i32
    %dma_wait3A_55 = tpu.memref_slice %arg12[%dma_wait3A_53, %dma_wait3A_54] : memref<10240x64xf32, #tpu.memory_space<vmem_shared>> -> memref<10240x64xf32, #tpu.memory_space<vmem_shared>>
    tpu.wait_indirect_dma semaphore(%arg14 : memref<!tpu.dma_semaphore, #tpu.memory_space<semaphore_mem>>) src(%dma_wait3A_55 : memref<10240x64xf32, #tpu.memory_space<vmem_shared>>) dst(%arg8 : memref<128x64xf32, #tpu.memory_space<vmem>>)
    %run_scoped3A = arith.constant 36 : i32
    "tpu.region"() ({
      %run_scoped3A_293 = tpu.sem_alloc : memref<!tpu.dma_semaphore, #tpu.memory_space<semaphore_mem>>
      %dma_start3A_294 = arith.constant 0 : i32
      %dma_start3A_295 = tpu.memref_slice %arg7[%run_scoped3A, %dma_start3A_294] : memref<40x128xi32, #tpu.memory_space<vmem>> -> memref<1x128xi32, #tpu.memory_space<vmem>>
      %dma_start3A_296 = tpu.memref_squeeze %dma_start3A_295 : memref<1x128xi32, #tpu.memory_space<vmem>> -> memref<128xi32, #tpu.memory_space<vmem>>
      %dma_start3A_297 = arith.constant 0 : i32
      %dma_start3A_298 = arith.constant 0 : i32
      %dma_start3A_299 = tpu.memref_slice %arg13[%dma_start3A_297, %dma_start3A_298] : memref<10240x64xf32, #tpu.memory_space<vmem_shared>> -> memref<10240x64xf32, #tpu.memory_space<vmem_shared>>
      tpu.enqueue_indirect_dma source(%arg8 : memref<128x64xf32, #tpu.memory_space<vmem>>) target(%dma_start3A_299 : memref<10240x64xf32, #tpu.memory_space<vmem_shared>>) offsets(%dma_start3A_296 : memref<128xi32, #tpu.memory_space<vmem>>) semaphore(%run_scoped3A_293 : memref<!tpu.dma_semaphore, #tpu.memory_space<semaphore_mem>>) {add = true}
      %dma_wait3A_300 = arith.constant 0 : i32
      %dma_wait3A_301 = tpu.memref_slice %arg7[%run_scoped3A, %dma_wait3A_300] : memref<40x128xi32, #tpu.memory_space<vmem>> -> memref<1x128xi32, #tpu.memory_space<vmem>>
      %dma_wait3A_302 = tpu.memref_squeeze %dma_wait3A_301 : memref<1x128xi32, #tpu.memory_space<vmem>> -> memref<128xi32, #tpu.memory_space<vmem>>
      %dma_wait3A_303 = arith.constant 0 : i32
      %dma_wait3A_304 = arith.constant 0 : i32
      %dma_wait3A_305 = tpu.memref_slice %arg13[%dma_wait3A_303, %dma_wait3A_304] : memref<10240x64xf32, #tpu.memory_space<vmem_shared>> -> memref<10240x64xf32, #tpu.memory_space<vmem_shared>>
      tpu.wait_indirect_dma semaphore(%run_scoped3A_293 : memref<!tpu.dma_semaphore, #tpu.memory_space<semaphore_mem>>) src(%arg8 : memref<128x64xf32, #tpu.memory_space<vmem>>) dst(%dma_wait3A_305 : memref<10240x64xf32, #tpu.memory_space<vmem_shared>>)
      tpu.yield
    }) : () -> ()
    %dma_wait3A_56 = arith.constant 37 : i32
    %dma_wait3A_57 = arith.constant 0 : i32
    %dma_wait3A_58 = tpu.memref_slice %arg6[%dma_wait3A_56, %dma_wait3A_57] : memref<40x128xi32, #tpu.memory_space<vmem>> -> memref<1x128xi32, #tpu.memory_space<vmem>>
    %dma_wait3A_59 = tpu.memref_squeeze %dma_wait3A_58 : memref<1x128xi32, #tpu.memory_space<vmem>> -> memref<128xi32, #tpu.memory_space<vmem>>
    %dma_wait3A_60 = arith.constant 0 : i32
    %dma_wait3A_61 = arith.constant 0 : i32
    %dma_wait3A_62 = tpu.memref_slice %arg12[%dma_wait3A_60, %dma_wait3A_61] : memref<10240x64xf32, #tpu.memory_space<vmem_shared>> -> memref<10240x64xf32, #tpu.memory_space<vmem_shared>>
    tpu.wait_indirect_dma semaphore(%arg15 : memref<!tpu.dma_semaphore, #tpu.memory_space<semaphore_mem>>) src(%dma_wait3A_62 : memref<10240x64xf32, #tpu.memory_space<vmem_shared>>) dst(%arg9 : memref<128x64xf32, #tpu.memory_space<vmem>>)
    %run_scoped3A_63 = arith.constant 37 : i32
    "tpu.region"() ({
      %run_scoped3A_293 = tpu.sem_alloc : memref<!tpu.dma_semaphore, #tpu.memory_space<semaphore_mem>>
      %dma_start3A_294 = arith.constant 0 : i32
      %dma_start3A_295 = tpu.memref_slice %arg7[%run_scoped3A_63, %dma_start3A_294] : memref<40x128xi32, #tpu.memory_space<vmem>> -> memref<1x128xi32, #tpu.memory_space<vmem>>
      %dma_start3A_296 = tpu.memref_squeeze %dma_start3A_295 : memref<1x128xi32, #tpu.memory_space<vmem>> -> memref<128xi32, #tpu.memory_space<vmem>>
      %dma_start3A_297 = arith.constant 0 : i32
      %dma_start3A_298 = arith.constant 0 : i32
      %dma_start3A_299 = tpu.memref_slice %arg13[%dma_start3A_297, %dma_start3A_298] : memref<10240x64xf32, #tpu.memory_space<vmem_shared>> -> memref<10240x64xf32, #tpu.memory_space<vmem_shared>>
      tpu.enqueue_indirect_dma source(%arg9 : memref<128x64xf32, #tpu.memory_space<vmem>>) target(%dma_start3A_299 : memref<10240x64xf32, #tpu.memory_space<vmem_shared>>) offsets(%dma_start3A_296 : memref<128xi32, #tpu.memory_space<vmem>>) semaphore(%run_scoped3A_293 : memref<!tpu.dma_semaphore, #tpu.memory_space<semaphore_mem>>) {add = true}
      %dma_wait3A_300 = arith.constant 0 : i32
      %dma_wait3A_301 = tpu.memref_slice %arg7[%run_scoped3A_63, %dma_wait3A_300] : memref<40x128xi32, #tpu.memory_space<vmem>> -> memref<1x128xi32, #tpu.memory_space<vmem>>
      %dma_wait3A_302 = tpu.memref_squeeze %dma_wait3A_301 : memref<1x128xi32, #tpu.memory_space<vmem>> -> memref<128xi32, #tpu.memory_space<vmem>>
      %dma_wait3A_303 = arith.constant 0 : i32
      %dma_wait3A_304 = arith.constant 0 : i32
      %dma_wait3A_305 = tpu.memref_slice %arg13[%dma_wait3A_303, %dma_wait3A_304] : memref<10240x64xf32, #tpu.memory_space<vmem_shared>> -> memref<10240x64xf32, #tpu.memory_space<vmem_shared>>
      tpu.wait_indirect_dma semaphore(%run_scoped3A_293 : memref<!tpu.dma_semaphore, #tpu.memory_space<semaphore_mem>>) src(%arg9 : memref<128x64xf32, #tpu.memory_space<vmem>>) dst(%dma_wait3A_305 : memref<10240x64xf32, #tpu.memory_space<vmem_shared>>)
      tpu.yield
    }) : () -> ()
    %dma_wait3A_64 = arith.constant 38 : i32
    %dma_wait3A_65 = arith.constant 0 : i32
    %dma_wait3A_66 = tpu.memref_slice %arg6[%dma_wait3A_64, %dma_wait3A_65] : memref<40x128xi32, #tpu.memory_space<vmem>> -> memref<1x128xi32, #tpu.memory_space<vmem>>
    %dma_wait3A_67 = tpu.memref_squeeze %dma_wait3A_66 : memref<1x128xi32, #tpu.memory_space<vmem>> -> memref<128xi32, #tpu.memory_space<vmem>>
    %dma_wait3A_68 = arith.constant 0 : i32
    %dma_wait3A_69 = arith.constant 0 : i32
    %dma_wait3A_70 = tpu.memref_slice %arg12[%dma_wait3A_68, %dma_wait3A_69] : memref<10240x64xf32, #tpu.memory_space<vmem_shared>> -> memref<10240x64xf32, #tpu.memory_space<vmem_shared>>
    tpu.wait_indirect_dma semaphore(%arg16 : memref<!tpu.dma_semaphore, #tpu.memory_space<semaphore_mem>>) src(%dma_wait3A_70 : memref<10240x64xf32, #tpu.memory_space<vmem_shared>>) dst(%arg10 : memref<128x64xf32, #tpu.memory_space<vmem>>)
    %run_scoped3A_71 = arith.constant 38 : i32
    "tpu.region"() ({
      %run_scoped3A_293 = tpu.sem_alloc : memref<!tpu.dma_semaphore, #tpu.memory_space<semaphore_mem>>
      %dma_start3A_294 = arith.constant 0 : i32
      %dma_start3A_295 = tpu.memref_slice %arg7[%run_scoped3A_71, %dma_start3A_294] : memref<40x128xi32, #tpu.memory_space<vmem>> -> memref<1x128xi32, #tpu.memory_space<vmem>>
      %dma_start3A_296 = tpu.memref_squeeze %dma_start3A_295 : memref<1x128xi32, #tpu.memory_space<vmem>> -> memref<128xi32, #tpu.memory_space<vmem>>
      %dma_start3A_297 = arith.constant 0 : i32
      %dma_start3A_298 = arith.constant 0 : i32
      %dma_start3A_299 = tpu.memref_slice %arg13[%dma_start3A_297, %dma_start3A_298] : memref<10240x64xf32, #tpu.memory_space<vmem_shared>> -> memref<10240x64xf32, #tpu.memory_space<vmem_shared>>
      tpu.enqueue_indirect_dma source(%arg10 : memref<128x64xf32, #tpu.memory_space<vmem>>) target(%dma_start3A_299 : memref<10240x64xf32, #tpu.memory_space<vmem_shared>>) offsets(%dma_start3A_296 : memref<128xi32, #tpu.memory_space<vmem>>) semaphore(%run_scoped3A_293 : memref<!tpu.dma_semaphore, #tpu.memory_space<semaphore_mem>>) {add = true}
      %dma_wait3A_300 = arith.constant 0 : i32
      %dma_wait3A_301 = tpu.memref_slice %arg7[%run_scoped3A_71, %dma_wait3A_300] : memref<40x128xi32, #tpu.memory_space<vmem>> -> memref<1x128xi32, #tpu.memory_space<vmem>>
      %dma_wait3A_302 = tpu.memref_squeeze %dma_wait3A_301 : memref<1x128xi32, #tpu.memory_space<vmem>> -> memref<128xi32, #tpu.memory_space<vmem>>
      %dma_wait3A_303 = arith.constant 0 : i32
      %dma_wait3A_304 = arith.constant 0 : i32
      %dma_wait3A_305 = tpu.memref_slice %arg13[%dma_wait3A_303, %dma_wait3A_304] : memref<10240x64xf32, #tpu.memory_space<vmem_shared>> -> memref<10240x64xf32, #tpu.memory_space<vmem_shared>>
      tpu.wait_indirect_dma semaphore(%run_scoped3A_293 : memref<!tpu.dma_semaphore, #tpu.memory_space<semaphore_mem>>) src(%arg10 : memref<128x64xf32, #tpu.memory_space<vmem>>) dst(%dma_wait3A_305 : memref<10240x64xf32, #tpu.memory_space<vmem_shared>>)
      tpu.yield
    }) : () -> ()
    %dma_wait3A_72 = arith.constant 39 : i32
    %dma_wait3A_73 = arith.constant 0 : i32
    %dma_wait3A_74 = tpu.memref_slice %arg6[%dma_wait3A_72, %dma_wait3A_73] : memref<40x128xi32, #tpu.memory_space<vmem>> -> memref<1x128xi32, #tpu.memory_space<vmem>>
    %dma_wait3A_75 = tpu.memref_squeeze %dma_wait3A_74 : memref<1x128xi32, #tpu.memory_space<vmem>> -> memref<128xi32, #tpu.memory_space<vmem>>
    %dma_wait3A_76 = arith.constant 0 : i32
    %dma_wait3A_77 = arith.constant 0 : i32
    %dma_wait3A_78 = tpu.memref_slice %arg12[%dma_wait3A_76, %dma_wait3A_77] : memref<10240x64xf32, #tpu.memory_space<vmem_shared>> -> memref<10240x64xf32, #tpu.memory_space<vmem_shared>>
    tpu.wait_indirect_dma semaphore(%arg17 : memref<!tpu.dma_semaphore, #tpu.memory_space<semaphore_mem>>) src(%dma_wait3A_78 : memref<10240x64xf32, #tpu.memory_space<vmem_shared>>) dst(%arg11 : memref<128x64xf32, #tpu.memory_space<vmem>>)
    %run_scoped3A_79 = arith.constant 39 : i32
    "tpu.region"() ({
      %run_scoped3A_293 = tpu.sem_alloc : memref<!tpu.dma_semaphore, #tpu.memory_space<semaphore_mem>>
      %dma_start3A_294 = arith.constant 0 : i32
      %dma_start3A_295 = tpu.memref_slice %arg7[%run_scoped3A_79, %dma_start3A_294] : memref<40x128xi32, #tpu.memory_space<vmem>> -> memref<1x128xi32, #tpu.memory_space<vmem>>
      %dma_start3A_296 = tpu.memref_squeeze %dma_start3A_295 : memref<1x128xi32, #tpu.memory_space<vmem>> -> memref<128xi32, #tpu.memory_space<vmem>>
      %dma_start3A_297 = arith.constant 0 : i32
      %dma_start3A_298 = arith.constant 0 : i32
      %dma_start3A_299 = tpu.memref_slice %arg13[%dma_start3A_297, %dma_start3A_298] : memref<10240x64xf32, #tpu.memory_space<vmem_shared>> -> memref<10240x64xf32, #tpu.memory_space<vmem_shared>>
      tpu.enqueue_indirect_dma source(%arg11 : memref<128x64xf32, #tpu.memory_space<vmem>>) target(%dma_start3A_299 : memref<10240x64xf32, #tpu.memory_space<vmem_shared>>) offsets(%dma_start3A_296 : memref<128xi32, #tpu.memory_space<vmem>>) semaphore(%run_scoped3A_293 : memref<!tpu.dma_semaphore, #tpu.memory_space<semaphore_mem>>) {add = true}
      %dma_wait3A_300 = arith.constant 0 : i32
      %dma_wait3A_301 = tpu.memref_slice %arg7[%run_scoped3A_79, %dma_wait3A_300] : memref<40x128xi32, #tpu.memory_space<vmem>> -> memref<1x128xi32, #tpu.memory_space<vmem>>
      %dma_wait3A_302 = tpu.memref_squeeze %dma_wait3A_301 : memref<1x128xi32, #tpu.memory_space<vmem>> -> memref<128xi32, #tpu.memory_space<vmem>>
      %dma_wait3A_303 = arith.constant 0 : i32
      %dma_wait3A_304 = arith.constant 0 : i32
      %dma_wait3A_305 = tpu.memref_slice %arg13[%dma_wait3A_303, %dma_wait3A_304] : memref<10240x64xf32, #tpu.memory_space<vmem_shared>> -> memref<10240x64xf32, #tpu.memory_space<vmem_shared>>
      tpu.wait_indirect_dma semaphore(%run_scoped3A_293 : memref<!tpu.dma_semaphore, #tpu.memory_space<semaphore_mem>>) src(%arg11 : memref<128x64xf32, #tpu.memory_space<vmem>>) dst(%dma_wait3A_305 : memref<10240x64xf32, #tpu.memory_space<vmem_shared>>)
      tpu.yield
    }) : () -> ()
    %mul3A_80 = arith.constant 160 : i32
    %mul3A_81 = arith.muli %arg1, %mul3A_80 : i32
    %add3A_82 = arith.constant 40 : i32
    %add3A_83 = arith.addi %mul3A_81, %add3A_82 : i32
    "tpu.region"() ({
      %run_scoped3A_293 = tpu.sem_alloc : memref<!tpu.dma_semaphore, #tpu.memory_space<semaphore_mem>>
      %dma_start3A_294 = arith.constant 0 : i32
      %dma_start3A_295 = tpu.memref_slice %arg3[%add3A_83, %dma_start3A_294] : memref<2560x128xi32, #tpu.memory_space<hbm>> -> memref<40x128xi32, #tpu.memory_space<hbm>>
      %dma_start3A_296 = arith.constant 0 : i32
      %dma_start3A_297 = tpu.memref_slice %arg3[%add3A_83, %dma_start3A_296] : memref<2560x128xi32, #tpu.memory_space<hbm>> -> memref<40x128xi32, #tpu.memory_space<hbm>>
      tpu.enqueue_dma source(%dma_start3A_297 : memref<40x128xi32, #tpu.memory_space<hbm>>) target(%arg6 : memref<40x128xi32, #tpu.memory_space<vmem>>) target_semaphore(%run_scoped3A_293 : memref<!tpu.dma_semaphore, #tpu.memory_space<semaphore_mem>>)
      %dma_wait3A_298 = arith.constant 0 : i32
      %dma_wait3A_299 = tpu.memref_slice %arg3[%add3A_83, %dma_wait3A_298] : memref<2560x128xi32, #tpu.memory_space<hbm>> -> memref<40x128xi32, #tpu.memory_space<hbm>>
      %dma_wait3A_300 = arith.constant 0 : i32
      %dma_wait3A_301 = tpu.memref_slice %arg3[%add3A_83, %dma_wait3A_300] : memref<2560x128xi32, #tpu.memory_space<hbm>> -> memref<40x128xi32, #tpu.memory_space<hbm>>
      tpu.wait_dma2 semaphore(%run_scoped3A_293 : memref<!tpu.dma_semaphore, #tpu.memory_space<semaphore_mem>>) src(%dma_wait3A_301 : memref<40x128xi32, #tpu.memory_space<hbm>>) dst(%arg6 : memref<40x128xi32, #tpu.memory_space<vmem>>)
      tpu.yield
    }) : () -> ()
    "tpu.region"() ({
      %run_scoped3A_293 = tpu.sem_alloc : memref<!tpu.dma_semaphore, #tpu.memory_space<semaphore_mem>>
      %dma_start3A_294 = arith.constant 0 : i32
      %dma_start3A_295 = tpu.memref_slice %arg4[%add3A_83, %dma_start3A_294] : memref<2560x128xi32, #tpu.memory_space<hbm>> -> memref<40x128xi32, #tpu.memory_space<hbm>>
      %dma_start3A_296 = arith.constant 0 : i32
      %dma_start3A_297 = tpu.memref_slice %arg4[%add3A_83, %dma_start3A_296] : memref<2560x128xi32, #tpu.memory_space<hbm>> -> memref<40x128xi32, #tpu.memory_space<hbm>>
      tpu.enqueue_dma source(%dma_start3A_297 : memref<40x128xi32, #tpu.memory_space<hbm>>) target(%arg7 : memref<40x128xi32, #tpu.memory_space<vmem>>) target_semaphore(%run_scoped3A_293 : memref<!tpu.dma_semaphore, #tpu.memory_space<semaphore_mem>>)
      %dma_wait3A_298 = arith.constant 0 : i32
      %dma_wait3A_299 = tpu.memref_slice %arg4[%add3A_83, %dma_wait3A_298] : memref<2560x128xi32, #tpu.memory_space<hbm>> -> memref<40x128xi32, #tpu.memory_space<hbm>>
      %dma_wait3A_300 = arith.constant 0 : i32
      %dma_wait3A_301 = tpu.memref_slice %arg4[%add3A_83, %dma_wait3A_300] : memref<2560x128xi32, #tpu.memory_space<hbm>> -> memref<40x128xi32, #tpu.memory_space<hbm>>
      tpu.wait_dma2 semaphore(%run_scoped3A_293 : memref<!tpu.dma_semaphore, #tpu.memory_space<semaphore_mem>>) src(%dma_wait3A_301 : memref<40x128xi32, #tpu.memory_space<hbm>>) dst(%arg7 : memref<40x128xi32, #tpu.memory_space<vmem>>)
      tpu.yield
    }) : () -> ()
    %dma_start3A_84 = arith.constant 0 : i32
    %dma_start3A_85 = arith.constant 0 : i32
    %dma_start3A_86 = tpu.memref_slice %arg6[%dma_start3A_84, %dma_start3A_85] : memref<40x128xi32, #tpu.memory_space<vmem>> -> memref<1x128xi32, #tpu.memory_space<vmem>>
    %dma_start3A_87 = tpu.memref_squeeze %dma_start3A_86 : memref<1x128xi32, #tpu.memory_space<vmem>> -> memref<128xi32, #tpu.memory_space<vmem>>
    %dma_start3A_88 = arith.constant 0 : i32
    %dma_start3A_89 = arith.constant 0 : i32
    %dma_start3A_90 = tpu.memref_slice %arg12[%dma_start3A_88, %dma_start3A_89] : memref<10240x64xf32, #tpu.memory_space<vmem_shared>> -> memref<10240x64xf32, #tpu.memory_space<vmem_shared>>
    tpu.enqueue_indirect_dma source(%dma_start3A_90 : memref<10240x64xf32, #tpu.memory_space<vmem_shared>>) target(%arg8 : memref<128x64xf32, #tpu.memory_space<vmem>>) offsets(%dma_start3A_87 : memref<128xi32, #tpu.memory_space<vmem>>) semaphore(%arg14 : memref<!tpu.dma_semaphore, #tpu.memory_space<semaphore_mem>>)
    %dma_start3A_91 = arith.constant 1 : i32
    %dma_start3A_92 = arith.constant 0 : i32
    %dma_start3A_93 = tpu.memref_slice %arg6[%dma_start3A_91, %dma_start3A_92] : memref<40x128xi32, #tpu.memory_space<vmem>> -> memref<1x128xi32, #tpu.memory_space<vmem>>
    %dma_start3A_94 = tpu.memref_squeeze %dma_start3A_93 : memref<1x128xi32, #tpu.memory_space<vmem>> -> memref<128xi32, #tpu.memory_space<vmem>>
    %dma_start3A_95 = arith.constant 0 : i32
    %dma_start3A_96 = arith.constant 0 : i32
    %dma_start3A_97 = tpu.memref_slice %arg12[%dma_start3A_95, %dma_start3A_96] : memref<10240x64xf32, #tpu.memory_space<vmem_shared>> -> memref<10240x64xf32, #tpu.memory_space<vmem_shared>>
    tpu.enqueue_indirect_dma source(%dma_start3A_97 : memref<10240x64xf32, #tpu.memory_space<vmem_shared>>) target(%arg9 : memref<128x64xf32, #tpu.memory_space<vmem>>) offsets(%dma_start3A_94 : memref<128xi32, #tpu.memory_space<vmem>>) semaphore(%arg15 : memref<!tpu.dma_semaphore, #tpu.memory_space<semaphore_mem>>)
    %dma_start3A_98 = arith.constant 2 : i32
    %dma_start3A_99 = arith.constant 0 : i32
    %dma_start3A_100 = tpu.memref_slice %arg6[%dma_start3A_98, %dma_start3A_99] : memref<40x128xi32, #tpu.memory_space<vmem>> -> memref<1x128xi32, #tpu.memory_space<vmem>>
    %dma_start3A_101 = tpu.memref_squeeze %dma_start3A_100 : memref<1x128xi32, #tpu.memory_space<vmem>> -> memref<128xi32, #tpu.memory_space<vmem>>
    %dma_start3A_102 = arith.constant 0 : i32
    %dma_start3A_103 = arith.constant 0 : i32
    %dma_start3A_104 = tpu.memref_slice %arg12[%dma_start3A_102, %dma_start3A_103] : memref<10240x64xf32, #tpu.memory_space<vmem_shared>> -> memref<10240x64xf32, #tpu.memory_space<vmem_shared>>
    tpu.enqueue_indirect_dma source(%dma_start3A_104 : memref<10240x64xf32, #tpu.memory_space<vmem_shared>>) target(%arg10 : memref<128x64xf32, #tpu.memory_space<vmem>>) offsets(%dma_start3A_101 : memref<128xi32, #tpu.memory_space<vmem>>) semaphore(%arg16 : memref<!tpu.dma_semaphore, #tpu.memory_space<semaphore_mem>>)
    %dma_start3A_105 = arith.constant 3 : i32
    %dma_start3A_106 = arith.constant 0 : i32
    %dma_start3A_107 = tpu.memref_slice %arg6[%dma_start3A_105, %dma_start3A_106] : memref<40x128xi32, #tpu.memory_space<vmem>> -> memref<1x128xi32, #tpu.memory_space<vmem>>
    %dma_start3A_108 = tpu.memref_squeeze %dma_start3A_107 : memref<1x128xi32, #tpu.memory_space<vmem>> -> memref<128xi32, #tpu.memory_space<vmem>>
    %dma_start3A_109 = arith.constant 0 : i32
    %dma_start3A_110 = arith.constant 0 : i32
    %dma_start3A_111 = tpu.memref_slice %arg12[%dma_start3A_109, %dma_start3A_110] : memref<10240x64xf32, #tpu.memory_space<vmem_shared>> -> memref<10240x64xf32, #tpu.memory_space<vmem_shared>>
    tpu.enqueue_indirect_dma source(%dma_start3A_111 : memref<10240x64xf32, #tpu.memory_space<vmem_shared>>) target(%arg11 : memref<128x64xf32, #tpu.memory_space<vmem>>) offsets(%dma_start3A_108 : memref<128xi32, #tpu.memory_space<vmem>>) semaphore(%arg17 : memref<!tpu.dma_semaphore, #tpu.memory_space<semaphore_mem>>)
    %scan3A_112 = arith.constant 0 : i32
    %scan3A_113 = arith.constant 9 : i32
    %scan3A_114 = arith.addi %scan3A_112, %scan3A_113 : i32
    %scan3A_115 = arith.constant 1 : i32
    scf.for %scan3A_293 = %scan3A_112 to %scan3A_114 step %scan3A_115  : i32 {
      %mul3A_294 = arith.constant 4 : i32
      %mul3A_295 = arith.muli %scan3A_293, %mul3A_294 : i32
      %add3A_296 = arith.constant 0 : i32
      %add3A_297 = arith.addi %add3A_296, %mul3A_295 : i32
      %add3A_298 = arith.constant 0 : i32
      %add3A_299 = arith.addi %add3A_297, %add3A_298 : i32
      %dma_wait3A_300 = arith.constant 0 : i32
      %dma_wait3A_301 = tpu.memref_slice %arg6[%add3A_299, %dma_wait3A_300] : memref<40x128xi32, #tpu.memory_space<vmem>> -> memref<1x128xi32, #tpu.memory_space<vmem>>
      %dma_wait3A_302 = tpu.memref_squeeze %dma_wait3A_301 : memref<1x128xi32, #tpu.memory_space<vmem>> -> memref<128xi32, #tpu.memory_space<vmem>>
      %dma_wait3A_303 = arith.constant 0 : i32
      %dma_wait3A_304 = arith.constant 0 : i32
      %dma_wait3A_305 = tpu.memref_slice %arg12[%dma_wait3A_303, %dma_wait3A_304] : memref<10240x64xf32, #tpu.memory_space<vmem_shared>> -> memref<10240x64xf32, #tpu.memory_space<vmem_shared>>
      tpu.wait_indirect_dma semaphore(%arg14 : memref<!tpu.dma_semaphore, #tpu.memory_space<semaphore_mem>>) src(%dma_wait3A_305 : memref<10240x64xf32, #tpu.memory_space<vmem_shared>>) dst(%arg8 : memref<128x64xf32, #tpu.memory_space<vmem>>)
      %add3A_306 = arith.constant 0 : i32
      %add3A_307 = arith.addi %add3A_297, %add3A_306 : i32
      "tpu.region"() ({
        %run_scoped3A_378 = tpu.sem_alloc : memref<!tpu.dma_semaphore, #tpu.memory_space<semaphore_mem>>
        %dma_start3A_379 = arith.constant 0 : i32
        %dma_start3A_380 = tpu.memref_slice %arg7[%add3A_307, %dma_start3A_379] : memref<40x128xi32, #tpu.memory_space<vmem>> -> memref<1x128xi32, #tpu.memory_space<vmem>>
        %dma_start3A_381 = tpu.memref_squeeze %dma_start3A_380 : memref<1x128xi32, #tpu.memory_space<vmem>> -> memref<128xi32, #tpu.memory_space<vmem>>
        %dma_start3A_382 = arith.constant 0 : i32
        %dma_start3A_383 = arith.constant 0 : i32
        %dma_start3A_384 = tpu.memref_slice %arg13[%dma_start3A_382, %dma_start3A_383] : memref<10240x64xf32, #tpu.memory_space<vmem_shared>> -> memref<10240x64xf32, #tpu.memory_space<vmem_shared>>
        tpu.enqueue_indirect_dma source(%arg8 : memref<128x64xf32, #tpu.memory_space<vmem>>) target(%dma_start3A_384 : memref<10240x64xf32, #tpu.memory_space<vmem_shared>>) offsets(%dma_start3A_381 : memref<128xi32, #tpu.memory_space<vmem>>) semaphore(%run_scoped3A_378 : memref<!tpu.dma_semaphore, #tpu.memory_space<semaphore_mem>>) {add = true}
        %dma_wait3A_385 = arith.constant 0 : i32
        %dma_wait3A_386 = tpu.memref_slice %arg7[%add3A_307, %dma_wait3A_385] : memref<40x128xi32, #tpu.memory_space<vmem>> -> memref<1x128xi32, #tpu.memory_space<vmem>>
        %dma_wait3A_387 = tpu.memref_squeeze %dma_wait3A_386 : memref<1x128xi32, #tpu.memory_space<vmem>> -> memref<128xi32, #tpu.memory_space<vmem>>
        %dma_wait3A_388 = arith.constant 0 : i32
        %dma_wait3A_389 = arith.constant 0 : i32
        %dma_wait3A_390 = tpu.memref_slice %arg13[%dma_wait3A_388, %dma_wait3A_389] : memref<10240x64xf32, #tpu.memory_space<vmem_shared>> -> memref<10240x64xf32, #tpu.memory_space<vmem_shared>>
        tpu.wait_indirect_dma semaphore(%run_scoped3A_378 : memref<!tpu.dma_semaphore, #tpu.memory_space<semaphore_mem>>) src(%arg8 : memref<128x64xf32, #tpu.memory_space<vmem>>) dst(%dma_wait3A_390 : memref<10240x64xf32, #tpu.memory_space<vmem_shared>>)
        tpu.yield
      }) : () -> ()
      %add3A_308 = arith.constant 4 : i32
      %add3A_309 = arith.addi %add3A_297, %add3A_308 : i32
      %add3A_310 = arith.constant 0 : i32
      %add3A_311 = arith.addi %add3A_309, %add3A_310 : i32
      %dma_start3A_312 = arith.constant 0 : i32
      %dma_start3A_313 = tpu.memref_slice %arg6[%add3A_311, %dma_start3A_312] : memref<40x128xi32, #tpu.memory_space<vmem>> -> memref<1x128xi32, #tpu.memory_space<vmem>>
      %dma_start3A_314 = tpu.memref_squeeze %dma_start3A_313 : memref<1x128xi32, #tpu.memory_space<vmem>> -> memref<128xi32, #tpu.memory_space<vmem>>
      %dma_start3A_315 = arith.constant 0 : i32
      %dma_start3A_316 = arith.constant 0 : i32
      %dma_start3A_317 = tpu.memref_slice %arg12[%dma_start3A_315, %dma_start3A_316] : memref<10240x64xf32, #tpu.memory_space<vmem_shared>> -> memref<10240x64xf32, #tpu.memory_space<vmem_shared>>
      tpu.enqueue_indirect_dma source(%dma_start3A_317 : memref<10240x64xf32, #tpu.memory_space<vmem_shared>>) target(%arg8 : memref<128x64xf32, #tpu.memory_space<vmem>>) offsets(%dma_start3A_314 : memref<128xi32, #tpu.memory_space<vmem>>) semaphore(%arg14 : memref<!tpu.dma_semaphore, #tpu.memory_space<semaphore_mem>>)
      %add3A_318 = arith.constant 1 : i32
      %add3A_319 = arith.addi %add3A_297, %add3A_318 : i32
      %dma_wait3A_320 = arith.constant 0 : i32
      %dma_wait3A_321 = tpu.memref_slice %arg6[%add3A_319, %dma_wait3A_320] : memref<40x128xi32, #tpu.memory_space<vmem>> -> memref<1x128xi32, #tpu.memory_space<vmem>>
      %dma_wait3A_322 = tpu.memref_squeeze %dma_wait3A_321 : memref<1x128xi32, #tpu.memory_space<vmem>> -> memref<128xi32, #tpu.memory_space<vmem>>
      %dma_wait3A_323 = arith.constant 0 : i32
      %dma_wait3A_324 = arith.constant 0 : i32
      %dma_wait3A_325 = tpu.memref_slice %arg12[%dma_wait3A_323, %dma_wait3A_324] : memref<10240x64xf32, #tpu.memory_space<vmem_shared>> -> memref<10240x64xf32, #tpu.memory_space<vmem_shared>>
      tpu.wait_indirect_dma semaphore(%arg15 : memref<!tpu.dma_semaphore, #tpu.memory_space<semaphore_mem>>) src(%dma_wait3A_325 : memref<10240x64xf32, #tpu.memory_space<vmem_shared>>) dst(%arg9 : memref<128x64xf32, #tpu.memory_space<vmem>>)
      %add3A_326 = arith.constant 1 : i32
      %add3A_327 = arith.addi %add3A_297, %add3A_326 : i32
      "tpu.region"() ({
        %run_scoped3A_378 = tpu.sem_alloc : memref<!tpu.dma_semaphore, #tpu.memory_space<semaphore_mem>>
        %dma_start3A_379 = arith.constant 0 : i32
        %dma_start3A_380 = tpu.memref_slice %arg7[%add3A_327, %dma_start3A_379] : memref<40x128xi32, #tpu.memory_space<vmem>> -> memref<1x128xi32, #tpu.memory_space<vmem>>
        %dma_start3A_381 = tpu.memref_squeeze %dma_start3A_380 : memref<1x128xi32, #tpu.memory_space<vmem>> -> memref<128xi32, #tpu.memory_space<vmem>>
        %dma_start3A_382 = arith.constant 0 : i32
        %dma_start3A_383 = arith.constant 0 : i32
        %dma_start3A_384 = tpu.memref_slice %arg13[%dma_start3A_382, %dma_start3A_383] : memref<10240x64xf32, #tpu.memory_space<vmem_shared>> -> memref<10240x64xf32, #tpu.memory_space<vmem_shared>>
        tpu.enqueue_indirect_dma source(%arg9 : memref<128x64xf32, #tpu.memory_space<vmem>>) target(%dma_start3A_384 : memref<10240x64xf32, #tpu.memory_space<vmem_shared>>) offsets(%dma_start3A_381 : memref<128xi32, #tpu.memory_space<vmem>>) semaphore(%run_scoped3A_378 : memref<!tpu.dma_semaphore, #tpu.memory_space<semaphore_mem>>) {add = true}
        %dma_wait3A_385 = arith.constant 0 : i32
        %dma_wait3A_386 = tpu.memref_slice %arg7[%add3A_327, %dma_wait3A_385] : memref<40x128xi32, #tpu.memory_space<vmem>> -> memref<1x128xi32, #tpu.memory_space<vmem>>
        %dma_wait3A_387 = tpu.memref_squeeze %dma_wait3A_386 : memref<1x128xi32, #tpu.memory_space<vmem>> -> memref<128xi32, #tpu.memory_space<vmem>>
        %dma_wait3A_388 = arith.constant 0 : i32
        %dma_wait3A_389 = arith.constant 0 : i32
        %dma_wait3A_390 = tpu.memref_slice %arg13[%dma_wait3A_388, %dma_wait3A_389] : memref<10240x64xf32, #tpu.memory_space<vmem_shared>> -> memref<10240x64xf32, #tpu.memory_space<vmem_shared>>
        tpu.wait_indirect_dma semaphore(%run_scoped3A_378 : memref<!tpu.dma_semaphore, #tpu.memory_space<semaphore_mem>>) src(%arg9 : memref<128x64xf32, #tpu.memory_space<vmem>>) dst(%dma_wait3A_390 : memref<10240x64xf32, #tpu.memory_space<vmem_shared>>)
        tpu.yield
      }) : () -> ()
      %add3A_328 = arith.constant 4 : i32
      %add3A_329 = arith.addi %add3A_297, %add3A_328 : i32
      %add3A_330 = arith.constant 1 : i32
      %add3A_331 = arith.addi %add3A_329, %add3A_330 : i32
      %dma_start3A_332 = arith.constant 0 : i32
      %dma_start3A_333 = tpu.memref_slice %arg6[%add3A_331, %dma_start3A_332] : memref<40x128xi32, #tpu.memory_space<vmem>> -> memref<1x128xi32, #tpu.memory_space<vmem>>
      %dma_start3A_334 = tpu.memref_squeeze %dma_start3A_333 : memref<1x128xi32, #tpu.memory_space<vmem>> -> memref<128xi32, #tpu.memory_space<vmem>>
      %dma_start3A_335 = arith.constant 0 : i32
      %dma_start3A_336 = arith.constant 0 : i32
      %dma_start3A_337 = tpu.memref_slice %arg12[%dma_start3A_335, %dma_start3A_336] : memref<10240x64xf32, #tpu.memory_space<vmem_shared>> -> memref<10240x64xf32, #tpu.memory_space<vmem_shared>>
      tpu.enqueue_indirect_dma source(%dma_start3A_337 : memref<10240x64xf32, #tpu.memory_space<vmem_shared>>) target(%arg9 : memref<128x64xf32, #tpu.memory_space<vmem>>) offsets(%dma_start3A_334 : memref<128xi32, #tpu.memory_space<vmem>>) semaphore(%arg15 : memref<!tpu.dma_semaphore, #tpu.memory_space<semaphore_mem>>)
      %add3A_338 = arith.constant 2 : i32
      %add3A_339 = arith.addi %add3A_297, %add3A_338 : i32
      %dma_wait3A_340 = arith.constant 0 : i32
      %dma_wait3A_341 = tpu.memref_slice %arg6[%add3A_339, %dma_wait3A_340] : memref<40x128xi32, #tpu.memory_space<vmem>> -> memref<1x128xi32, #tpu.memory_space<vmem>>
      %dma_wait3A_342 = tpu.memref_squeeze %dma_wait3A_341 : memref<1x128xi32, #tpu.memory_space<vmem>> -> memref<128xi32, #tpu.memory_space<vmem>>
      %dma_wait3A_343 = arith.constant 0 : i32
      %dma_wait3A_344 = arith.constant 0 : i32
      %dma_wait3A_345 = tpu.memref_slice %arg12[%dma_wait3A_343, %dma_wait3A_344] : memref<10240x64xf32, #tpu.memory_space<vmem_shared>> -> memref<10240x64xf32, #tpu.memory_space<vmem_shared>>
      tpu.wait_indirect_dma semaphore(%arg16 : memref<!tpu.dma_semaphore, #tpu.memory_space<semaphore_mem>>) src(%dma_wait3A_345 : memref<10240x64xf32, #tpu.memory_space<vmem_shared>>) dst(%arg10 : memref<128x64xf32, #tpu.memory_space<vmem>>)
      %add3A_346 = arith.constant 2 : i32
      %add3A_347 = arith.addi %add3A_297, %add3A_346 : i32
      "tpu.region"() ({
        %run_scoped3A_378 = tpu.sem_alloc : memref<!tpu.dma_semaphore, #tpu.memory_space<semaphore_mem>>
        %dma_start3A_379 = arith.constant 0 : i32
        %dma_start3A_380 = tpu.memref_slice %arg7[%add3A_347, %dma_start3A_379] : memref<40x128xi32, #tpu.memory_space<vmem>> -> memref<1x128xi32, #tpu.memory_space<vmem>>
        %dma_start3A_381 = tpu.memref_squeeze %dma_start3A_380 : memref<1x128xi32, #tpu.memory_space<vmem>> -> memref<128xi32, #tpu.memory_space<vmem>>
        %dma_start3A_382 = arith.constant 0 : i32
        %dma_start3A_383 = arith.constant 0 : i32
        %dma_start3A_384 = tpu.memref_slice %arg13[%dma_start3A_382, %dma_start3A_383] : memref<10240x64xf32, #tpu.memory_space<vmem_shared>> -> memref<10240x64xf32, #tpu.memory_space<vmem_shared>>
        tpu.enqueue_indirect_dma source(%arg10 : memref<128x64xf32, #tpu.memory_space<vmem>>) target(%dma_start3A_384 : memref<10240x64xf32, #tpu.memory_space<vmem_shared>>) offsets(%dma_start3A_381 : memref<128xi32, #tpu.memory_space<vmem>>) semaphore(%run_scoped3A_378 : memref<!tpu.dma_semaphore, #tpu.memory_space<semaphore_mem>>) {add = true}
        %dma_wait3A_385 = arith.constant 0 : i32
        %dma_wait3A_386 = tpu.memref_slice %arg7[%add3A_347, %dma_wait3A_385] : memref<40x128xi32, #tpu.memory_space<vmem>> -> memref<1x128xi32, #tpu.memory_space<vmem>>
        %dma_wait3A_387 = tpu.memref_squeeze %dma_wait3A_386 : memref<1x128xi32, #tpu.memory_space<vmem>> -> memref<128xi32, #tpu.memory_space<vmem>>
        %dma_wait3A_388 = arith.constant 0 : i32
        %dma_wait3A_389 = arith.constant 0 : i32
        %dma_wait3A_390 = tpu.memref_slice %arg13[%dma_wait3A_388, %dma_wait3A_389] : memref<10240x64xf32, #tpu.memory_space<vmem_shared>> -> memref<10240x64xf32, #tpu.memory_space<vmem_shared>>
        tpu.wait_indirect_dma semaphore(%run_scoped3A_378 : memref<!tpu.dma_semaphore, #tpu.memory_space<semaphore_mem>>) src(%arg10 : memref<128x64xf32, #tpu.memory_space<vmem>>) dst(%dma_wait3A_390 : memref<10240x64xf32, #tpu.memory_space<vmem_shared>>)
        tpu.yield
      }) : () -> ()
      %add3A_348 = arith.constant 4 : i32
      %add3A_349 = arith.addi %add3A_297, %add3A_348 : i32
      %add3A_350 = arith.constant 2 : i32
      %add3A_351 = arith.addi %add3A_349, %add3A_350 : i32
      %dma_start3A_352 = arith.constant 0 : i32
      %dma_start3A_353 = tpu.memref_slice %arg6[%add3A_351, %dma_start3A_352] : memref<40x128xi32, #tpu.memory_space<vmem>> -> memref<1x128xi32, #tpu.memory_space<vmem>>
      %dma_start3A_354 = tpu.memref_squeeze %dma_start3A_353 : memref<1x128xi32, #tpu.memory_space<vmem>> -> memref<128xi32, #tpu.memory_space<vmem>>
      %dma_start3A_355 = arith.constant 0 : i32
      %dma_start3A_356 = arith.constant 0 : i32
      %dma_start3A_357 = tpu.memref_slice %arg12[%dma_start3A_355, %dma_start3A_356] : memref<10240x64xf32, #tpu.memory_space<vmem_shared>> -> memref<10240x64xf32, #tpu.memory_space<vmem_shared>>
      tpu.enqueue_indirect_dma source(%dma_start3A_357 : memref<10240x64xf32, #tpu.memory_space<vmem_shared>>) target(%arg10 : memref<128x64xf32, #tpu.memory_space<vmem>>) offsets(%dma_start3A_354 : memref<128xi32, #tpu.memory_space<vmem>>) semaphore(%arg16 : memref<!tpu.dma_semaphore, #tpu.memory_space<semaphore_mem>>)
      %add3A_358 = arith.constant 3 : i32
      %add3A_359 = arith.addi %add3A_297, %add3A_358 : i32
      %dma_wait3A_360 = arith.constant 0 : i32
      %dma_wait3A_361 = tpu.memref_slice %arg6[%add3A_359, %dma_wait3A_360] : memref<40x128xi32, #tpu.memory_space<vmem>> -> memref<1x128xi32, #tpu.memory_space<vmem>>
      %dma_wait3A_362 = tpu.memref_squeeze %dma_wait3A_361 : memref<1x128xi32, #tpu.memory_space<vmem>> -> memref<128xi32, #tpu.memory_space<vmem>>
      %dma_wait3A_363 = arith.constant 0 : i32
      %dma_wait3A_364 = arith.constant 0 : i32
      %dma_wait3A_365 = tpu.memref_slice %arg12[%dma_wait3A_363, %dma_wait3A_364] : memref<10240x64xf32, #tpu.memory_space<vmem_shared>> -> memref<10240x64xf32, #tpu.memory_space<vmem_shared>>
      tpu.wait_indirect_dma semaphore(%arg17 : memref<!tpu.dma_semaphore, #tpu.memory_space<semaphore_mem>>) src(%dma_wait3A_365 : memref<10240x64xf32, #tpu.memory_space<vmem_shared>>) dst(%arg11 : memref<128x64xf32, #tpu.memory_space<vmem>>)
      %add3A_366 = arith.constant 3 : i32
      %add3A_367 = arith.addi %add3A_297, %add3A_366 : i32
      "tpu.region"() ({
        %run_scoped3A_378 = tpu.sem_alloc : memref<!tpu.dma_semaphore, #tpu.memory_space<semaphore_mem>>
        %dma_start3A_379 = arith.constant 0 : i32
        %dma_start3A_380 = tpu.memref_slice %arg7[%add3A_367, %dma_start3A_379] : memref<40x128xi32, #tpu.memory_space<vmem>> -> memref<1x128xi32, #tpu.memory_space<vmem>>
        %dma_start3A_381 = tpu.memref_squeeze %dma_start3A_380 : memref<1x128xi32, #tpu.memory_space<vmem>> -> memref<128xi32, #tpu.memory_space<vmem>>
        %dma_start3A_382 = arith.constant 0 : i32
        %dma_start3A_383 = arith.constant 0 : i32
        %dma_start3A_384 = tpu.memref_slice %arg13[%dma_start3A_382, %dma_start3A_383] : memref<10240x64xf32, #tpu.memory_space<vmem_shared>> -> memref<10240x64xf32, #tpu.memory_space<vmem_shared>>
        tpu.enqueue_indirect_dma source(%arg11 : memref<128x64xf32, #tpu.memory_space<vmem>>) target(%dma_start3A_384 : memref<10240x64xf32, #tpu.memory_space<vmem_shared>>) offsets(%dma_start3A_381 : memref<128xi32, #tpu.memory_space<vmem>>) semaphore(%run_scoped3A_378 : memref<!tpu.dma_semaphore, #tpu.memory_space<semaphore_mem>>) {add = true}
        %dma_wait3A_385 = arith.constant 0 : i32
        %dma_wait3A_386 = tpu.memref_slice %arg7[%add3A_367, %dma_wait3A_385] : memref<40x128xi32, #tpu.memory_space<vmem>> -> memref<1x128xi32, #tpu.memory_space<vmem>>
        %dma_wait3A_387 = tpu.memref_squeeze %dma_wait3A_386 : memref<1x128xi32, #tpu.memory_space<vmem>> -> memref<128xi32, #tpu.memory_space<vmem>>
        %dma_wait3A_388 = arith.constant 0 : i32
        %dma_wait3A_389 = arith.constant 0 : i32
        %dma_wait3A_390 = tpu.memref_slice %arg13[%dma_wait3A_388, %dma_wait3A_389] : memref<10240x64xf32, #tpu.memory_space<vmem_shared>> -> memref<10240x64xf32, #tpu.memory_space<vmem_shared>>
        tpu.wait_indirect_dma semaphore(%run_scoped3A_378 : memref<!tpu.dma_semaphore, #tpu.memory_space<semaphore_mem>>) src(%arg11 : memref<128x64xf32, #tpu.memory_space<vmem>>) dst(%dma_wait3A_390 : memref<10240x64xf32, #tpu.memory_space<vmem_shared>>)
        tpu.yield
      }) : () -> ()
      %add3A_368 = arith.constant 4 : i32
      %add3A_369 = arith.addi %add3A_297, %add3A_368 : i32
      %add3A_370 = arith.constant 3 : i32
      %add3A_371 = arith.addi %add3A_369, %add3A_370 : i32
      %dma_start3A_372 = arith.constant 0 : i32
      %dma_start3A_373 = tpu.memref_slice %arg6[%add3A_371, %dma_start3A_372] : memref<40x128xi32, #tpu.memory_space<vmem>> -> memref<1x128xi32, #tpu.memory_space<vmem>>
      %dma_start3A_374 = tpu.memref_squeeze %dma_start3A_373 : memref<1x128xi32, #tpu.memory_space<vmem>> -> memref<128xi32, #tpu.memory_space<vmem>>
      %dma_start3A_375 = arith.constant 0 : i32
      %dma_start3A_376 = arith.constant 0 : i32
      %dma_start3A_377 = tpu.memref_slice %arg12[%dma_start3A_375, %dma_start3A_376] : memref<10240x64xf32, #tpu.memory_space<vmem_shared>> -> memref<10240x64xf32, #tpu.memory_space<vmem_shared>>
      tpu.enqueue_indirect_dma source(%dma_start3A_377 : memref<10240x64xf32, #tpu.memory_space<vmem_shared>>) target(%arg11 : memref<128x64xf32, #tpu.memory_space<vmem>>) offsets(%dma_start3A_374 : memref<128xi32, #tpu.memory_space<vmem>>) semaphore(%arg17 : memref<!tpu.dma_semaphore, #tpu.memory_space<semaphore_mem>>)
    }
    %scan3A_116 = arith.constant 9 : i32
    %dma_wait3A_117 = arith.constant 36 : i32
    %dma_wait3A_118 = arith.constant 0 : i32
    %dma_wait3A_119 = tpu.memref_slice %arg6[%dma_wait3A_117, %dma_wait3A_118] : memref<40x128xi32, #tpu.memory_space<vmem>> -> memref<1x128xi32, #tpu.memory_space<vmem>>
    %dma_wait3A_120 = tpu.memref_squeeze %dma_wait3A_119 : memref<1x128xi32, #tpu.memory_space<vmem>> -> memref<128xi32, #tpu.memory_space<vmem>>
    %dma_wait3A_121 = arith.constant 0 : i32
    %dma_wait3A_122 = arith.constant 0 : i32
    %dma_wait3A_123 = tpu.memref_slice %arg12[%dma_wait3A_121, %dma_wait3A_122] : memref<10240x64xf32, #tpu.memory_space<vmem_shared>> -> memref<10240x64xf32, #tpu.memory_space<vmem_shared>>
    tpu.wait_indirect_dma semaphore(%arg14 : memref<!tpu.dma_semaphore, #tpu.memory_space<semaphore_mem>>) src(%dma_wait3A_123 : memref<10240x64xf32, #tpu.memory_space<vmem_shared>>) dst(%arg8 : memref<128x64xf32, #tpu.memory_space<vmem>>)
    %run_scoped3A_124 = arith.constant 36 : i32
    "tpu.region"() ({
      %run_scoped3A_293 = tpu.sem_alloc : memref<!tpu.dma_semaphore, #tpu.memory_space<semaphore_mem>>
      %dma_start3A_294 = arith.constant 0 : i32
      %dma_start3A_295 = tpu.memref_slice %arg7[%run_scoped3A_124, %dma_start3A_294] : memref<40x128xi32, #tpu.memory_space<vmem>> -> memref<1x128xi32, #tpu.memory_space<vmem>>
      %dma_start3A_296 = tpu.memref_squeeze %dma_start3A_295 : memref<1x128xi32, #tpu.memory_space<vmem>> -> memref<128xi32, #tpu.memory_space<vmem>>
      %dma_start3A_297 = arith.constant 0 : i32
      %dma_start3A_298 = arith.constant 0 : i32
      %dma_start3A_299 = tpu.memref_slice %arg13[%dma_start3A_297, %dma_start3A_298] : memref<10240x64xf32, #tpu.memory_space<vmem_shared>> -> memref<10240x64xf32, #tpu.memory_space<vmem_shared>>
      tpu.enqueue_indirect_dma source(%arg8 : memref<128x64xf32, #tpu.memory_space<vmem>>) target(%dma_start3A_299 : memref<10240x64xf32, #tpu.memory_space<vmem_shared>>) offsets(%dma_start3A_296 : memref<128xi32, #tpu.memory_space<vmem>>) semaphore(%run_scoped3A_293 : memref<!tpu.dma_semaphore, #tpu.memory_space<semaphore_mem>>) {add = true}
      %dma_wait3A_300 = arith.constant 0 : i32
      %dma_wait3A_301 = tpu.memref_slice %arg7[%run_scoped3A_124, %dma_wait3A_300] : memref<40x128xi32, #tpu.memory_space<vmem>> -> memref<1x128xi32, #tpu.memory_space<vmem>>
      %dma_wait3A_302 = tpu.memref_squeeze %dma_wait3A_301 : memref<1x128xi32, #tpu.memory_space<vmem>> -> memref<128xi32, #tpu.memory_space<vmem>>
      %dma_wait3A_303 = arith.constant 0 : i32
      %dma_wait3A_304 = arith.constant 0 : i32
      %dma_wait3A_305 = tpu.memref_slice %arg13[%dma_wait3A_303, %dma_wait3A_304] : memref<10240x64xf32, #tpu.memory_space<vmem_shared>> -> memref<10240x64xf32, #tpu.memory_space<vmem_shared>>
      tpu.wait_indirect_dma semaphore(%run_scoped3A_293 : memref<!tpu.dma_semaphore, #tpu.memory_space<semaphore_mem>>) src(%arg8 : memref<128x64xf32, #tpu.memory_space<vmem>>) dst(%dma_wait3A_305 : memref<10240x64xf32, #tpu.memory_space<vmem_shared>>)
      tpu.yield
    }) : () -> ()
    %dma_wait3A_125 = arith.constant 37 : i32
    %dma_wait3A_126 = arith.constant 0 : i32
    %dma_wait3A_127 = tpu.memref_slice %arg6[%dma_wait3A_125, %dma_wait3A_126] : memref<40x128xi32, #tpu.memory_space<vmem>> -> memref<1x128xi32, #tpu.memory_space<vmem>>
    %dma_wait3A_128 = tpu.memref_squeeze %dma_wait3A_127 : memref<1x128xi32, #tpu.memory_space<vmem>> -> memref<128xi32, #tpu.memory_space<vmem>>
    %dma_wait3A_129 = arith.constant 0 : i32
    %dma_wait3A_130 = arith.constant 0 : i32
    %dma_wait3A_131 = tpu.memref_slice %arg12[%dma_wait3A_129, %dma_wait3A_130] : memref<10240x64xf32, #tpu.memory_space<vmem_shared>> -> memref<10240x64xf32, #tpu.memory_space<vmem_shared>>
    tpu.wait_indirect_dma semaphore(%arg15 : memref<!tpu.dma_semaphore, #tpu.memory_space<semaphore_mem>>) src(%dma_wait3A_131 : memref<10240x64xf32, #tpu.memory_space<vmem_shared>>) dst(%arg9 : memref<128x64xf32, #tpu.memory_space<vmem>>)
    %run_scoped3A_132 = arith.constant 37 : i32
    "tpu.region"() ({
      %run_scoped3A_293 = tpu.sem_alloc : memref<!tpu.dma_semaphore, #tpu.memory_space<semaphore_mem>>
      %dma_start3A_294 = arith.constant 0 : i32
      %dma_start3A_295 = tpu.memref_slice %arg7[%run_scoped3A_132, %dma_start3A_294] : memref<40x128xi32, #tpu.memory_space<vmem>> -> memref<1x128xi32, #tpu.memory_space<vmem>>
      %dma_start3A_296 = tpu.memref_squeeze %dma_start3A_295 : memref<1x128xi32, #tpu.memory_space<vmem>> -> memref<128xi32, #tpu.memory_space<vmem>>
      %dma_start3A_297 = arith.constant 0 : i32
      %dma_start3A_298 = arith.constant 0 : i32
      %dma_start3A_299 = tpu.memref_slice %arg13[%dma_start3A_297, %dma_start3A_298] : memref<10240x64xf32, #tpu.memory_space<vmem_shared>> -> memref<10240x64xf32, #tpu.memory_space<vmem_shared>>
      tpu.enqueue_indirect_dma source(%arg9 : memref<128x64xf32, #tpu.memory_space<vmem>>) target(%dma_start3A_299 : memref<10240x64xf32, #tpu.memory_space<vmem_shared>>) offsets(%dma_start3A_296 : memref<128xi32, #tpu.memory_space<vmem>>) semaphore(%run_scoped3A_293 : memref<!tpu.dma_semaphore, #tpu.memory_space<semaphore_mem>>) {add = true}
      %dma_wait3A_300 = arith.constant 0 : i32
      %dma_wait3A_301 = tpu.memref_slice %arg7[%run_scoped3A_132, %dma_wait3A_300] : memref<40x128xi32, #tpu.memory_space<vmem>> -> memref<1x128xi32, #tpu.memory_space<vmem>>
      %dma_wait3A_302 = tpu.memref_squeeze %dma_wait3A_301 : memref<1x128xi32, #tpu.memory_space<vmem>> -> memref<128xi32, #tpu.memory_space<vmem>>
      %dma_wait3A_303 = arith.constant 0 : i32
      %dma_wait3A_304 = arith.constant 0 : i32
      %dma_wait3A_305 = tpu.memref_slice %arg13[%dma_wait3A_303, %dma_wait3A_304] : memref<10240x64xf32, #tpu.memory_space<vmem_shared>> -> memref<10240x64xf32, #tpu.memory_space<vmem_shared>>
      tpu.wait_indirect_dma semaphore(%run_scoped3A_293 : memref<!tpu.dma_semaphore, #tpu.memory_space<semaphore_mem>>) src(%arg9 : memref<128x64xf32, #tpu.memory_space<vmem>>) dst(%dma_wait3A_305 : memref<10240x64xf32, #tpu.memory_space<vmem_shared>>)
      tpu.yield
    }) : () -> ()
    %dma_wait3A_133 = arith.constant 38 : i32
    %dma_wait3A_134 = arith.constant 0 : i32
    %dma_wait3A_135 = tpu.memref_slice %arg6[%dma_wait3A_133, %dma_wait3A_134] : memref<40x128xi32, #tpu.memory_space<vmem>> -> memref<1x128xi32, #tpu.memory_space<vmem>>
    %dma_wait3A_136 = tpu.memref_squeeze %dma_wait3A_135 : memref<1x128xi32, #tpu.memory_space<vmem>> -> memref<128xi32, #tpu.memory_space<vmem>>
    %dma_wait3A_137 = arith.constant 0 : i32
    %dma_wait3A_138 = arith.constant 0 : i32
    %dma_wait3A_139 = tpu.memref_slice %arg12[%dma_wait3A_137, %dma_wait3A_138] : memref<10240x64xf32, #tpu.memory_space<vmem_shared>> -> memref<10240x64xf32, #tpu.memory_space<vmem_shared>>
    tpu.wait_indirect_dma semaphore(%arg16 : memref<!tpu.dma_semaphore, #tpu.memory_space<semaphore_mem>>) src(%dma_wait3A_139 : memref<10240x64xf32, #tpu.memory_space<vmem_shared>>) dst(%arg10 : memref<128x64xf32, #tpu.memory_space<vmem>>)
    %run_scoped3A_140 = arith.constant 38 : i32
    "tpu.region"() ({
      %run_scoped3A_293 = tpu.sem_alloc : memref<!tpu.dma_semaphore, #tpu.memory_space<semaphore_mem>>
      %dma_start3A_294 = arith.constant 0 : i32
      %dma_start3A_295 = tpu.memref_slice %arg7[%run_scoped3A_140, %dma_start3A_294] : memref<40x128xi32, #tpu.memory_space<vmem>> -> memref<1x128xi32, #tpu.memory_space<vmem>>
      %dma_start3A_296 = tpu.memref_squeeze %dma_start3A_295 : memref<1x128xi32, #tpu.memory_space<vmem>> -> memref<128xi32, #tpu.memory_space<vmem>>
      %dma_start3A_297 = arith.constant 0 : i32
      %dma_start3A_298 = arith.constant 0 : i32
      %dma_start3A_299 = tpu.memref_slice %arg13[%dma_start3A_297, %dma_start3A_298] : memref<10240x64xf32, #tpu.memory_space<vmem_shared>> -> memref<10240x64xf32, #tpu.memory_space<vmem_shared>>
      tpu.enqueue_indirect_dma source(%arg10 : memref<128x64xf32, #tpu.memory_space<vmem>>) target(%dma_start3A_299 : memref<10240x64xf32, #tpu.memory_space<vmem_shared>>) offsets(%dma_start3A_296 : memref<128xi32, #tpu.memory_space<vmem>>) semaphore(%run_scoped3A_293 : memref<!tpu.dma_semaphore, #tpu.memory_space<semaphore_mem>>) {add = true}
      %dma_wait3A_300 = arith.constant 0 : i32
      %dma_wait3A_301 = tpu.memref_slice %arg7[%run_scoped3A_140, %dma_wait3A_300] : memref<40x128xi32, #tpu.memory_space<vmem>> -> memref<1x128xi32, #tpu.memory_space<vmem>>
      %dma_wait3A_302 = tpu.memref_squeeze %dma_wait3A_301 : memref<1x128xi32, #tpu.memory_space<vmem>> -> memref<128xi32, #tpu.memory_space<vmem>>
      %dma_wait3A_303 = arith.constant 0 : i32
      %dma_wait3A_304 = arith.constant 0 : i32
      %dma_wait3A_305 = tpu.memref_slice %arg13[%dma_wait3A_303, %dma_wait3A_304] : memref<10240x64xf32, #tpu.memory_space<vmem_shared>> -> memref<10240x64xf32, #tpu.memory_space<vmem_shared>>
      tpu.wait_indirect_dma semaphore(%run_scoped3A_293 : memref<!tpu.dma_semaphore, #tpu.memory_space<semaphore_mem>>) src(%arg10 : memref<128x64xf32, #tpu.memory_space<vmem>>) dst(%dma_wait3A_305 : memref<10240x64xf32, #tpu.memory_space<vmem_shared>>)
      tpu.yield
    }) : () -> ()
    %dma_wait3A_141 = arith.constant 39 : i32
    %dma_wait3A_142 = arith.constant 0 : i32
    %dma_wait3A_143 = tpu.memref_slice %arg6[%dma_wait3A_141, %dma_wait3A_142] : memref<40x128xi32, #tpu.memory_space<vmem>> -> memref<1x128xi32, #tpu.memory_space<vmem>>
    %dma_wait3A_144 = tpu.memref_squeeze %dma_wait3A_143 : memref<1x128xi32, #tpu.memory_space<vmem>> -> memref<128xi32, #tpu.memory_space<vmem>>
    %dma_wait3A_145 = arith.constant 0 : i32
    %dma_wait3A_146 = arith.constant 0 : i32
    %dma_wait3A_147 = tpu.memref_slice %arg12[%dma_wait3A_145, %dma_wait3A_146] : memref<10240x64xf32, #tpu.memory_space<vmem_shared>> -> memref<10240x64xf32, #tpu.memory_space<vmem_shared>>
    tpu.wait_indirect_dma semaphore(%arg17 : memref<!tpu.dma_semaphore, #tpu.memory_space<semaphore_mem>>) src(%dma_wait3A_147 : memref<10240x64xf32, #tpu.memory_space<vmem_shared>>) dst(%arg11 : memref<128x64xf32, #tpu.memory_space<vmem>>)
    %run_scoped3A_148 = arith.constant 39 : i32
    "tpu.region"() ({
      %run_scoped3A_293 = tpu.sem_alloc : memref<!tpu.dma_semaphore, #tpu.memory_space<semaphore_mem>>
      %dma_start3A_294 = arith.constant 0 : i32
      %dma_start3A_295 = tpu.memref_slice %arg7[%run_scoped3A_148, %dma_start3A_294] : memref<40x128xi32, #tpu.memory_space<vmem>> -> memref<1x128xi32, #tpu.memory_space<vmem>>
      %dma_start3A_296 = tpu.memref_squeeze %dma_start3A_295 : memref<1x128xi32, #tpu.memory_space<vmem>> -> memref<128xi32, #tpu.memory_space<vmem>>
      %dma_start3A_297 = arith.constant 0 : i32
      %dma_start3A_298 = arith.constant 0 : i32
      %dma_start3A_299 = tpu.memref_slice %arg13[%dma_start3A_297, %dma_start3A_298] : memref<10240x64xf32, #tpu.memory_space<vmem_shared>> -> memref<10240x64xf32, #tpu.memory_space<vmem_shared>>
      tpu.enqueue_indirect_dma source(%arg11 : memref<128x64xf32, #tpu.memory_space<vmem>>) target(%dma_start3A_299 : memref<10240x64xf32, #tpu.memory_space<vmem_shared>>) offsets(%dma_start3A_296 : memref<128xi32, #tpu.memory_space<vmem>>) semaphore(%run_scoped3A_293 : memref<!tpu.dma_semaphore, #tpu.memory_space<semaphore_mem>>) {add = true}
      %dma_wait3A_300 = arith.constant 0 : i32
      %dma_wait3A_301 = tpu.memref_slice %arg7[%run_scoped3A_148, %dma_wait3A_300] : memref<40x128xi32, #tpu.memory_space<vmem>> -> memref<1x128xi32, #tpu.memory_space<vmem>>
      %dma_wait3A_302 = tpu.memref_squeeze %dma_wait3A_301 : memref<1x128xi32, #tpu.memory_space<vmem>> -> memref<128xi32, #tpu.memory_space<vmem>>
      %dma_wait3A_303 = arith.constant 0 : i32
      %dma_wait3A_304 = arith.constant 0 : i32
      %dma_wait3A_305 = tpu.memref_slice %arg13[%dma_wait3A_303, %dma_wait3A_304] : memref<10240x64xf32, #tpu.memory_space<vmem_shared>> -> memref<10240x64xf32, #tpu.memory_space<vmem_shared>>
      tpu.wait_indirect_dma semaphore(%run_scoped3A_293 : memref<!tpu.dma_semaphore, #tpu.memory_space<semaphore_mem>>) src(%arg11 : memref<128x64xf32, #tpu.memory_space<vmem>>) dst(%dma_wait3A_305 : memref<10240x64xf32, #tpu.memory_space<vmem_shared>>)
      tpu.yield
    }) : () -> ()
    %mul3A_149 = arith.constant 160 : i32
    %mul3A_150 = arith.muli %arg1, %mul3A_149 : i32
    %add3A_151 = arith.constant 80 : i32
    %add3A_152 = arith.addi %mul3A_150, %add3A_151 : i32
    "tpu.region"() ({
      %run_scoped3A_293 = tpu.sem_alloc : memref<!tpu.dma_semaphore, #tpu.memory_space<semaphore_mem>>
      %dma_start3A_294 = arith.constant 0 : i32
      %dma_start3A_295 = tpu.memref_slice %arg3[%add3A_152, %dma_start3A_294] : memref<2560x128xi32, #tpu.memory_space<hbm>> -> memref<40x128xi32, #tpu.memory_space<hbm>>
      %dma_start3A_296 = arith.constant 0 : i32
      %dma_start3A_297 = tpu.memref_slice %arg3[%add3A_152, %dma_start3A_296] : memref<2560x128xi32, #tpu.memory_space<hbm>> -> memref<40x128xi32, #tpu.memory_space<hbm>>
      tpu.enqueue_dma source(%dma_start3A_297 : memref<40x128xi32, #tpu.memory_space<hbm>>) target(%arg6 : memref<40x128xi32, #tpu.memory_space<vmem>>) target_semaphore(%run_scoped3A_293 : memref<!tpu.dma_semaphore, #tpu.memory_space<semaphore_mem>>)
      %dma_wait3A_298 = arith.constant 0 : i32
      %dma_wait3A_299 = tpu.memref_slice %arg3[%add3A_152, %dma_wait3A_298] : memref<2560x128xi32, #tpu.memory_space<hbm>> -> memref<40x128xi32, #tpu.memory_space<hbm>>
      %dma_wait3A_300 = arith.constant 0 : i32
      %dma_wait3A_301 = tpu.memref_slice %arg3[%add3A_152, %dma_wait3A_300] : memref<2560x128xi32, #tpu.memory_space<hbm>> -> memref<40x128xi32, #tpu.memory_space<hbm>>
      tpu.wait_dma2 semaphore(%run_scoped3A_293 : memref<!tpu.dma_semaphore, #tpu.memory_space<semaphore_mem>>) src(%dma_wait3A_301 : memref<40x128xi32, #tpu.memory_space<hbm>>) dst(%arg6 : memref<40x128xi32, #tpu.memory_space<vmem>>)
      tpu.yield
    }) : () -> ()
    "tpu.region"() ({
      %run_scoped3A_293 = tpu.sem_alloc : memref<!tpu.dma_semaphore, #tpu.memory_space<semaphore_mem>>
      %dma_start3A_294 = arith.constant 0 : i32
      %dma_start3A_295 = tpu.memref_slice %arg4[%add3A_152, %dma_start3A_294] : memref<2560x128xi32, #tpu.memory_space<hbm>> -> memref<40x128xi32, #tpu.memory_space<hbm>>
      %dma_start3A_296 = arith.constant 0 : i32
      %dma_start3A_297 = tpu.memref_slice %arg4[%add3A_152, %dma_start3A_296] : memref<2560x128xi32, #tpu.memory_space<hbm>> -> memref<40x128xi32, #tpu.memory_space<hbm>>
      tpu.enqueue_dma source(%dma_start3A_297 : memref<40x128xi32, #tpu.memory_space<hbm>>) target(%arg7 : memref<40x128xi32, #tpu.memory_space<vmem>>) target_semaphore(%run_scoped3A_293 : memref<!tpu.dma_semaphore, #tpu.memory_space<semaphore_mem>>)
      %dma_wait3A_298 = arith.constant 0 : i32
      %dma_wait3A_299 = tpu.memref_slice %arg4[%add3A_152, %dma_wait3A_298] : memref<2560x128xi32, #tpu.memory_space<hbm>> -> memref<40x128xi32, #tpu.memory_space<hbm>>
      %dma_wait3A_300 = arith.constant 0 : i32
      %dma_wait3A_301 = tpu.memref_slice %arg4[%add3A_152, %dma_wait3A_300] : memref<2560x128xi32, #tpu.memory_space<hbm>> -> memref<40x128xi32, #tpu.memory_space<hbm>>
      tpu.wait_dma2 semaphore(%run_scoped3A_293 : memref<!tpu.dma_semaphore, #tpu.memory_space<semaphore_mem>>) src(%dma_wait3A_301 : memref<40x128xi32, #tpu.memory_space<hbm>>) dst(%arg7 : memref<40x128xi32, #tpu.memory_space<vmem>>)
      tpu.yield
    }) : () -> ()
    %dma_start3A_153 = arith.constant 0 : i32
    %dma_start3A_154 = arith.constant 0 : i32
    %dma_start3A_155 = tpu.memref_slice %arg6[%dma_start3A_153, %dma_start3A_154] : memref<40x128xi32, #tpu.memory_space<vmem>> -> memref<1x128xi32, #tpu.memory_space<vmem>>
    %dma_start3A_156 = tpu.memref_squeeze %dma_start3A_155 : memref<1x128xi32, #tpu.memory_space<vmem>> -> memref<128xi32, #tpu.memory_space<vmem>>
    %dma_start3A_157 = arith.constant 0 : i32
    %dma_start3A_158 = arith.constant 0 : i32
    %dma_start3A_159 = tpu.memref_slice %arg12[%dma_start3A_157, %dma_start3A_158] : memref<10240x64xf32, #tpu.memory_space<vmem_shared>> -> memref<10240x64xf32, #tpu.memory_space<vmem_shared>>
    tpu.enqueue_indirect_dma source(%dma_start3A_159 : memref<10240x64xf32, #tpu.memory_space<vmem_shared>>) target(%arg8 : memref<128x64xf32, #tpu.memory_space<vmem>>) offsets(%dma_start3A_156 : memref<128xi32, #tpu.memory_space<vmem>>) semaphore(%arg14 : memref<!tpu.dma_semaphore, #tpu.memory_space<semaphore_mem>>)
    %dma_start3A_160 = arith.constant 1 : i32
    %dma_start3A_161 = arith.constant 0 : i32
    %dma_start3A_162 = tpu.memref_slice %arg6[%dma_start3A_160, %dma_start3A_161] : memref<40x128xi32, #tpu.memory_space<vmem>> -> memref<1x128xi32, #tpu.memory_space<vmem>>
    %dma_start3A_163 = tpu.memref_squeeze %dma_start3A_162 : memref<1x128xi32, #tpu.memory_space<vmem>> -> memref<128xi32, #tpu.memory_space<vmem>>
    %dma_start3A_164 = arith.constant 0 : i32
    %dma_start3A_165 = arith.constant 0 : i32
    %dma_start3A_166 = tpu.memref_slice %arg12[%dma_start3A_164, %dma_start3A_165] : memref<10240x64xf32, #tpu.memory_space<vmem_shared>> -> memref<10240x64xf32, #tpu.memory_space<vmem_shared>>
    tpu.enqueue_indirect_dma source(%dma_start3A_166 : memref<10240x64xf32, #tpu.memory_space<vmem_shared>>) target(%arg9 : memref<128x64xf32, #tpu.memory_space<vmem>>) offsets(%dma_start3A_163 : memref<128xi32, #tpu.memory_space<vmem>>) semaphore(%arg15 : memref<!tpu.dma_semaphore, #tpu.memory_space<semaphore_mem>>)
    %dma_start3A_167 = arith.constant 2 : i32
    %dma_start3A_168 = arith.constant 0 : i32
    %dma_start3A_169 = tpu.memref_slice %arg6[%dma_start3A_167, %dma_start3A_168] : memref<40x128xi32, #tpu.memory_space<vmem>> -> memref<1x128xi32, #tpu.memory_space<vmem>>
    %dma_start3A_170 = tpu.memref_squeeze %dma_start3A_169 : memref<1x128xi32, #tpu.memory_space<vmem>> -> memref<128xi32, #tpu.memory_space<vmem>>
    %dma_start3A_171 = arith.constant 0 : i32
    %dma_start3A_172 = arith.constant 0 : i32
    %dma_start3A_173 = tpu.memref_slice %arg12[%dma_start3A_171, %dma_start3A_172] : memref<10240x64xf32, #tpu.memory_space<vmem_shared>> -> memref<10240x64xf32, #tpu.memory_space<vmem_shared>>
    tpu.enqueue_indirect_dma source(%dma_start3A_173 : memref<10240x64xf32, #tpu.memory_space<vmem_shared>>) target(%arg10 : memref<128x64xf32, #tpu.memory_space<vmem>>) offsets(%dma_start3A_170 : memref<128xi32, #tpu.memory_space<vmem>>) semaphore(%arg16 : memref<!tpu.dma_semaphore, #tpu.memory_space<semaphore_mem>>)
    %dma_start3A_174 = arith.constant 3 : i32
    %dma_start3A_175 = arith.constant 0 : i32
    %dma_start3A_176 = tpu.memref_slice %arg6[%dma_start3A_174, %dma_start3A_175] : memref<40x128xi32, #tpu.memory_space<vmem>> -> memref<1x128xi32, #tpu.memory_space<vmem>>
    %dma_start3A_177 = tpu.memref_squeeze %dma_start3A_176 : memref<1x128xi32, #tpu.memory_space<vmem>> -> memref<128xi32, #tpu.memory_space<vmem>>
    %dma_start3A_178 = arith.constant 0 : i32
    %dma_start3A_179 = arith.constant 0 : i32
    %dma_start3A_180 = tpu.memref_slice %arg12[%dma_start3A_178, %dma_start3A_179] : memref<10240x64xf32, #tpu.memory_space<vmem_shared>> -> memref<10240x64xf32, #tpu.memory_space<vmem_shared>>
    tpu.enqueue_indirect_dma source(%dma_start3A_180 : memref<10240x64xf32, #tpu.memory_space<vmem_shared>>) target(%arg11 : memref<128x64xf32, #tpu.memory_space<vmem>>) offsets(%dma_start3A_177 : memref<128xi32, #tpu.memory_space<vmem>>) semaphore(%arg17 : memref<!tpu.dma_semaphore, #tpu.memory_space<semaphore_mem>>)
    %scan3A_181 = arith.constant 0 : i32
    %scan3A_182 = arith.constant 9 : i32
    %scan3A_183 = arith.addi %scan3A_181, %scan3A_182 : i32
    %scan3A_184 = arith.constant 1 : i32
    scf.for %scan3A_293 = %scan3A_181 to %scan3A_183 step %scan3A_184  : i32 {
      %mul3A_294 = arith.constant 4 : i32
      %mul3A_295 = arith.muli %scan3A_293, %mul3A_294 : i32
      %add3A_296 = arith.constant 0 : i32
      %add3A_297 = arith.addi %add3A_296, %mul3A_295 : i32
      %add3A_298 = arith.constant 0 : i32
      %add3A_299 = arith.addi %add3A_297, %add3A_298 : i32
      %dma_wait3A_300 = arith.constant 0 : i32
      %dma_wait3A_301 = tpu.memref_slice %arg6[%add3A_299, %dma_wait3A_300] : memref<40x128xi32, #tpu.memory_space<vmem>> -> memref<1x128xi32, #tpu.memory_space<vmem>>
      %dma_wait3A_302 = tpu.memref_squeeze %dma_wait3A_301 : memref<1x128xi32, #tpu.memory_space<vmem>> -> memref<128xi32, #tpu.memory_space<vmem>>
      %dma_wait3A_303 = arith.constant 0 : i32
      %dma_wait3A_304 = arith.constant 0 : i32
      %dma_wait3A_305 = tpu.memref_slice %arg12[%dma_wait3A_303, %dma_wait3A_304] : memref<10240x64xf32, #tpu.memory_space<vmem_shared>> -> memref<10240x64xf32, #tpu.memory_space<vmem_shared>>
      tpu.wait_indirect_dma semaphore(%arg14 : memref<!tpu.dma_semaphore, #tpu.memory_space<semaphore_mem>>) src(%dma_wait3A_305 : memref<10240x64xf32, #tpu.memory_space<vmem_shared>>) dst(%arg8 : memref<128x64xf32, #tpu.memory_space<vmem>>)
      %add3A_306 = arith.constant 0 : i32
      %add3A_307 = arith.addi %add3A_297, %add3A_306 : i32
      "tpu.region"() ({
        %run_scoped3A_378 = tpu.sem_alloc : memref<!tpu.dma_semaphore, #tpu.memory_space<semaphore_mem>>
        %dma_start3A_379 = arith.constant 0 : i32
        %dma_start3A_380 = tpu.memref_slice %arg7[%add3A_307, %dma_start3A_379] : memref<40x128xi32, #tpu.memory_space<vmem>> -> memref<1x128xi32, #tpu.memory_space<vmem>>
        %dma_start3A_381 = tpu.memref_squeeze %dma_start3A_380 : memref<1x128xi32, #tpu.memory_space<vmem>> -> memref<128xi32, #tpu.memory_space<vmem>>
        %dma_start3A_382 = arith.constant 0 : i32
        %dma_start3A_383 = arith.constant 0 : i32
        %dma_start3A_384 = tpu.memref_slice %arg13[%dma_start3A_382, %dma_start3A_383] : memref<10240x64xf32, #tpu.memory_space<vmem_shared>> -> memref<10240x64xf32, #tpu.memory_space<vmem_shared>>
        tpu.enqueue_indirect_dma source(%arg8 : memref<128x64xf32, #tpu.memory_space<vmem>>) target(%dma_start3A_384 : memref<10240x64xf32, #tpu.memory_space<vmem_shared>>) offsets(%dma_start3A_381 : memref<128xi32, #tpu.memory_space<vmem>>) semaphore(%run_scoped3A_378 : memref<!tpu.dma_semaphore, #tpu.memory_space<semaphore_mem>>) {add = true}
        %dma_wait3A_385 = arith.constant 0 : i32
        %dma_wait3A_386 = tpu.memref_slice %arg7[%add3A_307, %dma_wait3A_385] : memref<40x128xi32, #tpu.memory_space<vmem>> -> memref<1x128xi32, #tpu.memory_space<vmem>>
        %dma_wait3A_387 = tpu.memref_squeeze %dma_wait3A_386 : memref<1x128xi32, #tpu.memory_space<vmem>> -> memref<128xi32, #tpu.memory_space<vmem>>
        %dma_wait3A_388 = arith.constant 0 : i32
        %dma_wait3A_389 = arith.constant 0 : i32
        %dma_wait3A_390 = tpu.memref_slice %arg13[%dma_wait3A_388, %dma_wait3A_389] : memref<10240x64xf32, #tpu.memory_space<vmem_shared>> -> memref<10240x64xf32, #tpu.memory_space<vmem_shared>>
        tpu.wait_indirect_dma semaphore(%run_scoped3A_378 : memref<!tpu.dma_semaphore, #tpu.memory_space<semaphore_mem>>) src(%arg8 : memref<128x64xf32, #tpu.memory_space<vmem>>) dst(%dma_wait3A_390 : memref<10240x64xf32, #tpu.memory_space<vmem_shared>>)
        tpu.yield
      }) : () -> ()
      %add3A_308 = arith.constant 4 : i32
      %add3A_309 = arith.addi %add3A_297, %add3A_308 : i32
      %add3A_310 = arith.constant 0 : i32
      %add3A_311 = arith.addi %add3A_309, %add3A_310 : i32
      %dma_start3A_312 = arith.constant 0 : i32
      %dma_start3A_313 = tpu.memref_slice %arg6[%add3A_311, %dma_start3A_312] : memref<40x128xi32, #tpu.memory_space<vmem>> -> memref<1x128xi32, #tpu.memory_space<vmem>>
      %dma_start3A_314 = tpu.memref_squeeze %dma_start3A_313 : memref<1x128xi32, #tpu.memory_space<vmem>> -> memref<128xi32, #tpu.memory_space<vmem>>
      %dma_start3A_315 = arith.constant 0 : i32
      %dma_start3A_316 = arith.constant 0 : i32
      %dma_start3A_317 = tpu.memref_slice %arg12[%dma_start3A_315, %dma_start3A_316] : memref<10240x64xf32, #tpu.memory_space<vmem_shared>> -> memref<10240x64xf32, #tpu.memory_space<vmem_shared>>
      tpu.enqueue_indirect_dma source(%dma_start3A_317 : memref<10240x64xf32, #tpu.memory_space<vmem_shared>>) target(%arg8 : memref<128x64xf32, #tpu.memory_space<vmem>>) offsets(%dma_start3A_314 : memref<128xi32, #tpu.memory_space<vmem>>) semaphore(%arg14 : memref<!tpu.dma_semaphore, #tpu.memory_space<semaphore_mem>>)
      %add3A_318 = arith.constant 1 : i32
      %add3A_319 = arith.addi %add3A_297, %add3A_318 : i32
      %dma_wait3A_320 = arith.constant 0 : i32
      %dma_wait3A_321 = tpu.memref_slice %arg6[%add3A_319, %dma_wait3A_320] : memref<40x128xi32, #tpu.memory_space<vmem>> -> memref<1x128xi32, #tpu.memory_space<vmem>>
      %dma_wait3A_322 = tpu.memref_squeeze %dma_wait3A_321 : memref<1x128xi32, #tpu.memory_space<vmem>> -> memref<128xi32, #tpu.memory_space<vmem>>
      %dma_wait3A_323 = arith.constant 0 : i32
      %dma_wait3A_324 = arith.constant 0 : i32
      %dma_wait3A_325 = tpu.memref_slice %arg12[%dma_wait3A_323, %dma_wait3A_324] : memref<10240x64xf32, #tpu.memory_space<vmem_shared>> -> memref<10240x64xf32, #tpu.memory_space<vmem_shared>>
      tpu.wait_indirect_dma semaphore(%arg15 : memref<!tpu.dma_semaphore, #tpu.memory_space<semaphore_mem>>) src(%dma_wait3A_325 : memref<10240x64xf32, #tpu.memory_space<vmem_shared>>) dst(%arg9 : memref<128x64xf32, #tpu.memory_space<vmem>>)
      %add3A_326 = arith.constant 1 : i32
      %add3A_327 = arith.addi %add3A_297, %add3A_326 : i32
      "tpu.region"() ({
        %run_scoped3A_378 = tpu.sem_alloc : memref<!tpu.dma_semaphore, #tpu.memory_space<semaphore_mem>>
        %dma_start3A_379 = arith.constant 0 : i32
        %dma_start3A_380 = tpu.memref_slice %arg7[%add3A_327, %dma_start3A_379] : memref<40x128xi32, #tpu.memory_space<vmem>> -> memref<1x128xi32, #tpu.memory_space<vmem>>
        %dma_start3A_381 = tpu.memref_squeeze %dma_start3A_380 : memref<1x128xi32, #tpu.memory_space<vmem>> -> memref<128xi32, #tpu.memory_space<vmem>>
        %dma_start3A_382 = arith.constant 0 : i32
        %dma_start3A_383 = arith.constant 0 : i32
        %dma_start3A_384 = tpu.memref_slice %arg13[%dma_start3A_382, %dma_start3A_383] : memref<10240x64xf32, #tpu.memory_space<vmem_shared>> -> memref<10240x64xf32, #tpu.memory_space<vmem_shared>>
        tpu.enqueue_indirect_dma source(%arg9 : memref<128x64xf32, #tpu.memory_space<vmem>>) target(%dma_start3A_384 : memref<10240x64xf32, #tpu.memory_space<vmem_shared>>) offsets(%dma_start3A_381 : memref<128xi32, #tpu.memory_space<vmem>>) semaphore(%run_scoped3A_378 : memref<!tpu.dma_semaphore, #tpu.memory_space<semaphore_mem>>) {add = true}
        %dma_wait3A_385 = arith.constant 0 : i32
        %dma_wait3A_386 = tpu.memref_slice %arg7[%add3A_327, %dma_wait3A_385] : memref<40x128xi32, #tpu.memory_space<vmem>> -> memref<1x128xi32, #tpu.memory_space<vmem>>
        %dma_wait3A_387 = tpu.memref_squeeze %dma_wait3A_386 : memref<1x128xi32, #tpu.memory_space<vmem>> -> memref<128xi32, #tpu.memory_space<vmem>>
        %dma_wait3A_388 = arith.constant 0 : i32
        %dma_wait3A_389 = arith.constant 0 : i32
        %dma_wait3A_390 = tpu.memref_slice %arg13[%dma_wait3A_388, %dma_wait3A_389] : memref<10240x64xf32, #tpu.memory_space<vmem_shared>> -> memref<10240x64xf32, #tpu.memory_space<vmem_shared>>
        tpu.wait_indirect_dma semaphore(%run_scoped3A_378 : memref<!tpu.dma_semaphore, #tpu.memory_space<semaphore_mem>>) src(%arg9 : memref<128x64xf32, #tpu.memory_space<vmem>>) dst(%dma_wait3A_390 : memref<10240x64xf32, #tpu.memory_space<vmem_shared>>)
        tpu.yield
      }) : () -> ()
      %add3A_328 = arith.constant 4 : i32
      %add3A_329 = arith.addi %add3A_297, %add3A_328 : i32
      %add3A_330 = arith.constant 1 : i32
      %add3A_331 = arith.addi %add3A_329, %add3A_330 : i32
      %dma_start3A_332 = arith.constant 0 : i32
      %dma_start3A_333 = tpu.memref_slice %arg6[%add3A_331, %dma_start3A_332] : memref<40x128xi32, #tpu.memory_space<vmem>> -> memref<1x128xi32, #tpu.memory_space<vmem>>
      %dma_start3A_334 = tpu.memref_squeeze %dma_start3A_333 : memref<1x128xi32, #tpu.memory_space<vmem>> -> memref<128xi32, #tpu.memory_space<vmem>>
      %dma_start3A_335 = arith.constant 0 : i32
      %dma_start3A_336 = arith.constant 0 : i32
      %dma_start3A_337 = tpu.memref_slice %arg12[%dma_start3A_335, %dma_start3A_336] : memref<10240x64xf32, #tpu.memory_space<vmem_shared>> -> memref<10240x64xf32, #tpu.memory_space<vmem_shared>>
      tpu.enqueue_indirect_dma source(%dma_start3A_337 : memref<10240x64xf32, #tpu.memory_space<vmem_shared>>) target(%arg9 : memref<128x64xf32, #tpu.memory_space<vmem>>) offsets(%dma_start3A_334 : memref<128xi32, #tpu.memory_space<vmem>>) semaphore(%arg15 : memref<!tpu.dma_semaphore, #tpu.memory_space<semaphore_mem>>)
      %add3A_338 = arith.constant 2 : i32
      %add3A_339 = arith.addi %add3A_297, %add3A_338 : i32
      %dma_wait3A_340 = arith.constant 0 : i32
      %dma_wait3A_341 = tpu.memref_slice %arg6[%add3A_339, %dma_wait3A_340] : memref<40x128xi32, #tpu.memory_space<vmem>> -> memref<1x128xi32, #tpu.memory_space<vmem>>
      %dma_wait3A_342 = tpu.memref_squeeze %dma_wait3A_341 : memref<1x128xi32, #tpu.memory_space<vmem>> -> memref<128xi32, #tpu.memory_space<vmem>>
      %dma_wait3A_343 = arith.constant 0 : i32
      %dma_wait3A_344 = arith.constant 0 : i32
      %dma_wait3A_345 = tpu.memref_slice %arg12[%dma_wait3A_343, %dma_wait3A_344] : memref<10240x64xf32, #tpu.memory_space<vmem_shared>> -> memref<10240x64xf32, #tpu.memory_space<vmem_shared>>
      tpu.wait_indirect_dma semaphore(%arg16 : memref<!tpu.dma_semaphore, #tpu.memory_space<semaphore_mem>>) src(%dma_wait3A_345 : memref<10240x64xf32, #tpu.memory_space<vmem_shared>>) dst(%arg10 : memref<128x64xf32, #tpu.memory_space<vmem>>)
      %add3A_346 = arith.constant 2 : i32
      %add3A_347 = arith.addi %add3A_297, %add3A_346 : i32
      "tpu.region"() ({
        %run_scoped3A_378 = tpu.sem_alloc : memref<!tpu.dma_semaphore, #tpu.memory_space<semaphore_mem>>
        %dma_start3A_379 = arith.constant 0 : i32
        %dma_start3A_380 = tpu.memref_slice %arg7[%add3A_347, %dma_start3A_379] : memref<40x128xi32, #tpu.memory_space<vmem>> -> memref<1x128xi32, #tpu.memory_space<vmem>>
        %dma_start3A_381 = tpu.memref_squeeze %dma_start3A_380 : memref<1x128xi32, #tpu.memory_space<vmem>> -> memref<128xi32, #tpu.memory_space<vmem>>
        %dma_start3A_382 = arith.constant 0 : i32
        %dma_start3A_383 = arith.constant 0 : i32
        %dma_start3A_384 = tpu.memref_slice %arg13[%dma_start3A_382, %dma_start3A_383] : memref<10240x64xf32, #tpu.memory_space<vmem_shared>> -> memref<10240x64xf32, #tpu.memory_space<vmem_shared>>
        tpu.enqueue_indirect_dma source(%arg10 : memref<128x64xf32, #tpu.memory_space<vmem>>) target(%dma_start3A_384 : memref<10240x64xf32, #tpu.memory_space<vmem_shared>>) offsets(%dma_start3A_381 : memref<128xi32, #tpu.memory_space<vmem>>) semaphore(%run_scoped3A_378 : memref<!tpu.dma_semaphore, #tpu.memory_space<semaphore_mem>>) {add = true}
        %dma_wait3A_385 = arith.constant 0 : i32
        %dma_wait3A_386 = tpu.memref_slice %arg7[%add3A_347, %dma_wait3A_385] : memref<40x128xi32, #tpu.memory_space<vmem>> -> memref<1x128xi32, #tpu.memory_space<vmem>>
        %dma_wait3A_387 = tpu.memref_squeeze %dma_wait3A_386 : memref<1x128xi32, #tpu.memory_space<vmem>> -> memref<128xi32, #tpu.memory_space<vmem>>
        %dma_wait3A_388 = arith.constant 0 : i32
        %dma_wait3A_389 = arith.constant 0 : i32
        %dma_wait3A_390 = tpu.memref_slice %arg13[%dma_wait3A_388, %dma_wait3A_389] : memref<10240x64xf32, #tpu.memory_space<vmem_shared>> -> memref<10240x64xf32, #tpu.memory_space<vmem_shared>>
        tpu.wait_indirect_dma semaphore(%run_scoped3A_378 : memref<!tpu.dma_semaphore, #tpu.memory_space<semaphore_mem>>) src(%arg10 : memref<128x64xf32, #tpu.memory_space<vmem>>) dst(%dma_wait3A_390 : memref<10240x64xf32, #tpu.memory_space<vmem_shared>>)
        tpu.yield
      }) : () -> ()
      %add3A_348 = arith.constant 4 : i32
      %add3A_349 = arith.addi %add3A_297, %add3A_348 : i32
      %add3A_350 = arith.constant 2 : i32
      %add3A_351 = arith.addi %add3A_349, %add3A_350 : i32
      %dma_start3A_352 = arith.constant 0 : i32
      %dma_start3A_353 = tpu.memref_slice %arg6[%add3A_351, %dma_start3A_352] : memref<40x128xi32, #tpu.memory_space<vmem>> -> memref<1x128xi32, #tpu.memory_space<vmem>>
      %dma_start3A_354 = tpu.memref_squeeze %dma_start3A_353 : memref<1x128xi32, #tpu.memory_space<vmem>> -> memref<128xi32, #tpu.memory_space<vmem>>
      %dma_start3A_355 = arith.constant 0 : i32
      %dma_start3A_356 = arith.constant 0 : i32
      %dma_start3A_357 = tpu.memref_slice %arg12[%dma_start3A_355, %dma_start3A_356] : memref<10240x64xf32, #tpu.memory_space<vmem_shared>> -> memref<10240x64xf32, #tpu.memory_space<vmem_shared>>
      tpu.enqueue_indirect_dma source(%dma_start3A_357 : memref<10240x64xf32, #tpu.memory_space<vmem_shared>>) target(%arg10 : memref<128x64xf32, #tpu.memory_space<vmem>>) offsets(%dma_start3A_354 : memref<128xi32, #tpu.memory_space<vmem>>) semaphore(%arg16 : memref<!tpu.dma_semaphore, #tpu.memory_space<semaphore_mem>>)
      %add3A_358 = arith.constant 3 : i32
      %add3A_359 = arith.addi %add3A_297, %add3A_358 : i32
      %dma_wait3A_360 = arith.constant 0 : i32
      %dma_wait3A_361 = tpu.memref_slice %arg6[%add3A_359, %dma_wait3A_360] : memref<40x128xi32, #tpu.memory_space<vmem>> -> memref<1x128xi32, #tpu.memory_space<vmem>>
      %dma_wait3A_362 = tpu.memref_squeeze %dma_wait3A_361 : memref<1x128xi32, #tpu.memory_space<vmem>> -> memref<128xi32, #tpu.memory_space<vmem>>
      %dma_wait3A_363 = arith.constant 0 : i32
      %dma_wait3A_364 = arith.constant 0 : i32
      %dma_wait3A_365 = tpu.memref_slice %arg12[%dma_wait3A_363, %dma_wait3A_364] : memref<10240x64xf32, #tpu.memory_space<vmem_shared>> -> memref<10240x64xf32, #tpu.memory_space<vmem_shared>>
      tpu.wait_indirect_dma semaphore(%arg17 : memref<!tpu.dma_semaphore, #tpu.memory_space<semaphore_mem>>) src(%dma_wait3A_365 : memref<10240x64xf32, #tpu.memory_space<vmem_shared>>) dst(%arg11 : memref<128x64xf32, #tpu.memory_space<vmem>>)
      %add3A_366 = arith.constant 3 : i32
      %add3A_367 = arith.addi %add3A_297, %add3A_366 : i32
      "tpu.region"() ({
        %run_scoped3A_378 = tpu.sem_alloc : memref<!tpu.dma_semaphore, #tpu.memory_space<semaphore_mem>>
        %dma_start3A_379 = arith.constant 0 : i32
        %dma_start3A_380 = tpu.memref_slice %arg7[%add3A_367, %dma_start3A_379] : memref<40x128xi32, #tpu.memory_space<vmem>> -> memref<1x128xi32, #tpu.memory_space<vmem>>
        %dma_start3A_381 = tpu.memref_squeeze %dma_start3A_380 : memref<1x128xi32, #tpu.memory_space<vmem>> -> memref<128xi32, #tpu.memory_space<vmem>>
        %dma_start3A_382 = arith.constant 0 : i32
        %dma_start3A_383 = arith.constant 0 : i32
        %dma_start3A_384 = tpu.memref_slice %arg13[%dma_start3A_382, %dma_start3A_383] : memref<10240x64xf32, #tpu.memory_space<vmem_shared>> -> memref<10240x64xf32, #tpu.memory_space<vmem_shared>>
        tpu.enqueue_indirect_dma source(%arg11 : memref<128x64xf32, #tpu.memory_space<vmem>>) target(%dma_start3A_384 : memref<10240x64xf32, #tpu.memory_space<vmem_shared>>) offsets(%dma_start3A_381 : memref<128xi32, #tpu.memory_space<vmem>>) semaphore(%run_scoped3A_378 : memref<!tpu.dma_semaphore, #tpu.memory_space<semaphore_mem>>) {add = true}
        %dma_wait3A_385 = arith.constant 0 : i32
        %dma_wait3A_386 = tpu.memref_slice %arg7[%add3A_367, %dma_wait3A_385] : memref<40x128xi32, #tpu.memory_space<vmem>> -> memref<1x128xi32, #tpu.memory_space<vmem>>
        %dma_wait3A_387 = tpu.memref_squeeze %dma_wait3A_386 : memref<1x128xi32, #tpu.memory_space<vmem>> -> memref<128xi32, #tpu.memory_space<vmem>>
        %dma_wait3A_388 = arith.constant 0 : i32
        %dma_wait3A_389 = arith.constant 0 : i32
        %dma_wait3A_390 = tpu.memref_slice %arg13[%dma_wait3A_388, %dma_wait3A_389] : memref<10240x64xf32, #tpu.memory_space<vmem_shared>> -> memref<10240x64xf32, #tpu.memory_space<vmem_shared>>
        tpu.wait_indirect_dma semaphore(%run_scoped3A_378 : memref<!tpu.dma_semaphore, #tpu.memory_space<semaphore_mem>>) src(%arg11 : memref<128x64xf32, #tpu.memory_space<vmem>>) dst(%dma_wait3A_390 : memref<10240x64xf32, #tpu.memory_space<vmem_shared>>)
        tpu.yield
      }) : () -> ()
      %add3A_368 = arith.constant 4 : i32
      %add3A_369 = arith.addi %add3A_297, %add3A_368 : i32
      %add3A_370 = arith.constant 3 : i32
      %add3A_371 = arith.addi %add3A_369, %add3A_370 : i32
      %dma_start3A_372 = arith.constant 0 : i32
      %dma_start3A_373 = tpu.memref_slice %arg6[%add3A_371, %dma_start3A_372] : memref<40x128xi32, #tpu.memory_space<vmem>> -> memref<1x128xi32, #tpu.memory_space<vmem>>
      %dma_start3A_374 = tpu.memref_squeeze %dma_start3A_373 : memref<1x128xi32, #tpu.memory_space<vmem>> -> memref<128xi32, #tpu.memory_space<vmem>>
      %dma_start3A_375 = arith.constant 0 : i32
      %dma_start3A_376 = arith.constant 0 : i32
      %dma_start3A_377 = tpu.memref_slice %arg12[%dma_start3A_375, %dma_start3A_376] : memref<10240x64xf32, #tpu.memory_space<vmem_shared>> -> memref<10240x64xf32, #tpu.memory_space<vmem_shared>>
      tpu.enqueue_indirect_dma source(%dma_start3A_377 : memref<10240x64xf32, #tpu.memory_space<vmem_shared>>) target(%arg11 : memref<128x64xf32, #tpu.memory_space<vmem>>) offsets(%dma_start3A_374 : memref<128xi32, #tpu.memory_space<vmem>>) semaphore(%arg17 : memref<!tpu.dma_semaphore, #tpu.memory_space<semaphore_mem>>)
    }
    %scan3A_185 = arith.constant 9 : i32
    %dma_wait3A_186 = arith.constant 36 : i32
    %dma_wait3A_187 = arith.constant 0 : i32
    %dma_wait3A_188 = tpu.memref_slice %arg6[%dma_wait3A_186, %dma_wait3A_187] : memref<40x128xi32, #tpu.memory_space<vmem>> -> memref<1x128xi32, #tpu.memory_space<vmem>>
    %dma_wait3A_189 = tpu.memref_squeeze %dma_wait3A_188 : memref<1x128xi32, #tpu.memory_space<vmem>> -> memref<128xi32, #tpu.memory_space<vmem>>
    %dma_wait3A_190 = arith.constant 0 : i32
    %dma_wait3A_191 = arith.constant 0 : i32
    %dma_wait3A_192 = tpu.memref_slice %arg12[%dma_wait3A_190, %dma_wait3A_191] : memref<10240x64xf32, #tpu.memory_space<vmem_shared>> -> memref<10240x64xf32, #tpu.memory_space<vmem_shared>>
    tpu.wait_indirect_dma semaphore(%arg14 : memref<!tpu.dma_semaphore, #tpu.memory_space<semaphore_mem>>) src(%dma_wait3A_192 : memref<10240x64xf32, #tpu.memory_space<vmem_shared>>) dst(%arg8 : memref<128x64xf32, #tpu.memory_space<vmem>>)
    %run_scoped3A_193 = arith.constant 36 : i32
    "tpu.region"() ({
      %run_scoped3A_293 = tpu.sem_alloc : memref<!tpu.dma_semaphore, #tpu.memory_space<semaphore_mem>>
      %dma_start3A_294 = arith.constant 0 : i32
      %dma_start3A_295 = tpu.memref_slice %arg7[%run_scoped3A_193, %dma_start3A_294] : memref<40x128xi32, #tpu.memory_space<vmem>> -> memref<1x128xi32, #tpu.memory_space<vmem>>
      %dma_start3A_296 = tpu.memref_squeeze %dma_start3A_295 : memref<1x128xi32, #tpu.memory_space<vmem>> -> memref<128xi32, #tpu.memory_space<vmem>>
      %dma_start3A_297 = arith.constant 0 : i32
      %dma_start3A_298 = arith.constant 0 : i32
      %dma_start3A_299 = tpu.memref_slice %arg13[%dma_start3A_297, %dma_start3A_298] : memref<10240x64xf32, #tpu.memory_space<vmem_shared>> -> memref<10240x64xf32, #tpu.memory_space<vmem_shared>>
      tpu.enqueue_indirect_dma source(%arg8 : memref<128x64xf32, #tpu.memory_space<vmem>>) target(%dma_start3A_299 : memref<10240x64xf32, #tpu.memory_space<vmem_shared>>) offsets(%dma_start3A_296 : memref<128xi32, #tpu.memory_space<vmem>>) semaphore(%run_scoped3A_293 : memref<!tpu.dma_semaphore, #tpu.memory_space<semaphore_mem>>) {add = true}
      %dma_wait3A_300 = arith.constant 0 : i32
      %dma_wait3A_301 = tpu.memref_slice %arg7[%run_scoped3A_193, %dma_wait3A_300] : memref<40x128xi32, #tpu.memory_space<vmem>> -> memref<1x128xi32, #tpu.memory_space<vmem>>
      %dma_wait3A_302 = tpu.memref_squeeze %dma_wait3A_301 : memref<1x128xi32, #tpu.memory_space<vmem>> -> memref<128xi32, #tpu.memory_space<vmem>>
      %dma_wait3A_303 = arith.constant 0 : i32
      %dma_wait3A_304 = arith.constant 0 : i32
      %dma_wait3A_305 = tpu.memref_slice %arg13[%dma_wait3A_303, %dma_wait3A_304] : memref<10240x64xf32, #tpu.memory_space<vmem_shared>> -> memref<10240x64xf32, #tpu.memory_space<vmem_shared>>
      tpu.wait_indirect_dma semaphore(%run_scoped3A_293 : memref<!tpu.dma_semaphore, #tpu.memory_space<semaphore_mem>>) src(%arg8 : memref<128x64xf32, #tpu.memory_space<vmem>>) dst(%dma_wait3A_305 : memref<10240x64xf32, #tpu.memory_space<vmem_shared>>)
      tpu.yield
    }) : () -> ()
    %dma_wait3A_194 = arith.constant 37 : i32
    %dma_wait3A_195 = arith.constant 0 : i32
    %dma_wait3A_196 = tpu.memref_slice %arg6[%dma_wait3A_194, %dma_wait3A_195] : memref<40x128xi32, #tpu.memory_space<vmem>> -> memref<1x128xi32, #tpu.memory_space<vmem>>
    %dma_wait3A_197 = tpu.memref_squeeze %dma_wait3A_196 : memref<1x128xi32, #tpu.memory_space<vmem>> -> memref<128xi32, #tpu.memory_space<vmem>>
    %dma_wait3A_198 = arith.constant 0 : i32
    %dma_wait3A_199 = arith.constant 0 : i32
    %dma_wait3A_200 = tpu.memref_slice %arg12[%dma_wait3A_198, %dma_wait3A_199] : memref<10240x64xf32, #tpu.memory_space<vmem_shared>> -> memref<10240x64xf32, #tpu.memory_space<vmem_shared>>
    tpu.wait_indirect_dma semaphore(%arg15 : memref<!tpu.dma_semaphore, #tpu.memory_space<semaphore_mem>>) src(%dma_wait3A_200 : memref<10240x64xf32, #tpu.memory_space<vmem_shared>>) dst(%arg9 : memref<128x64xf32, #tpu.memory_space<vmem>>)
    %run_scoped3A_201 = arith.constant 37 : i32
    "tpu.region"() ({
      %run_scoped3A_293 = tpu.sem_alloc : memref<!tpu.dma_semaphore, #tpu.memory_space<semaphore_mem>>
      %dma_start3A_294 = arith.constant 0 : i32
      %dma_start3A_295 = tpu.memref_slice %arg7[%run_scoped3A_201, %dma_start3A_294] : memref<40x128xi32, #tpu.memory_space<vmem>> -> memref<1x128xi32, #tpu.memory_space<vmem>>
      %dma_start3A_296 = tpu.memref_squeeze %dma_start3A_295 : memref<1x128xi32, #tpu.memory_space<vmem>> -> memref<128xi32, #tpu.memory_space<vmem>>
      %dma_start3A_297 = arith.constant 0 : i32
      %dma_start3A_298 = arith.constant 0 : i32
      %dma_start3A_299 = tpu.memref_slice %arg13[%dma_start3A_297, %dma_start3A_298] : memref<10240x64xf32, #tpu.memory_space<vmem_shared>> -> memref<10240x64xf32, #tpu.memory_space<vmem_shared>>
      tpu.enqueue_indirect_dma source(%arg9 : memref<128x64xf32, #tpu.memory_space<vmem>>) target(%dma_start3A_299 : memref<10240x64xf32, #tpu.memory_space<vmem_shared>>) offsets(%dma_start3A_296 : memref<128xi32, #tpu.memory_space<vmem>>) semaphore(%run_scoped3A_293 : memref<!tpu.dma_semaphore, #tpu.memory_space<semaphore_mem>>) {add = true}
      %dma_wait3A_300 = arith.constant 0 : i32
      %dma_wait3A_301 = tpu.memref_slice %arg7[%run_scoped3A_201, %dma_wait3A_300] : memref<40x128xi32, #tpu.memory_space<vmem>> -> memref<1x128xi32, #tpu.memory_space<vmem>>
      %dma_wait3A_302 = tpu.memref_squeeze %dma_wait3A_301 : memref<1x128xi32, #tpu.memory_space<vmem>> -> memref<128xi32, #tpu.memory_space<vmem>>
      %dma_wait3A_303 = arith.constant 0 : i32
      %dma_wait3A_304 = arith.constant 0 : i32
      %dma_wait3A_305 = tpu.memref_slice %arg13[%dma_wait3A_303, %dma_wait3A_304] : memref<10240x64xf32, #tpu.memory_space<vmem_shared>> -> memref<10240x64xf32, #tpu.memory_space<vmem_shared>>
      tpu.wait_indirect_dma semaphore(%run_scoped3A_293 : memref<!tpu.dma_semaphore, #tpu.memory_space<semaphore_mem>>) src(%arg9 : memref<128x64xf32, #tpu.memory_space<vmem>>) dst(%dma_wait3A_305 : memref<10240x64xf32, #tpu.memory_space<vmem_shared>>)
      tpu.yield
    }) : () -> ()
    %dma_wait3A_202 = arith.constant 38 : i32
    %dma_wait3A_203 = arith.constant 0 : i32
    %dma_wait3A_204 = tpu.memref_slice %arg6[%dma_wait3A_202, %dma_wait3A_203] : memref<40x128xi32, #tpu.memory_space<vmem>> -> memref<1x128xi32, #tpu.memory_space<vmem>>
    %dma_wait3A_205 = tpu.memref_squeeze %dma_wait3A_204 : memref<1x128xi32, #tpu.memory_space<vmem>> -> memref<128xi32, #tpu.memory_space<vmem>>
    %dma_wait3A_206 = arith.constant 0 : i32
    %dma_wait3A_207 = arith.constant 0 : i32
    %dma_wait3A_208 = tpu.memref_slice %arg12[%dma_wait3A_206, %dma_wait3A_207] : memref<10240x64xf32, #tpu.memory_space<vmem_shared>> -> memref<10240x64xf32, #tpu.memory_space<vmem_shared>>
    tpu.wait_indirect_dma semaphore(%arg16 : memref<!tpu.dma_semaphore, #tpu.memory_space<semaphore_mem>>) src(%dma_wait3A_208 : memref<10240x64xf32, #tpu.memory_space<vmem_shared>>) dst(%arg10 : memref<128x64xf32, #tpu.memory_space<vmem>>)
    %run_scoped3A_209 = arith.constant 38 : i32
    "tpu.region"() ({
      %run_scoped3A_293 = tpu.sem_alloc : memref<!tpu.dma_semaphore, #tpu.memory_space<semaphore_mem>>
      %dma_start3A_294 = arith.constant 0 : i32
      %dma_start3A_295 = tpu.memref_slice %arg7[%run_scoped3A_209, %dma_start3A_294] : memref<40x128xi32, #tpu.memory_space<vmem>> -> memref<1x128xi32, #tpu.memory_space<vmem>>
      %dma_start3A_296 = tpu.memref_squeeze %dma_start3A_295 : memref<1x128xi32, #tpu.memory_space<vmem>> -> memref<128xi32, #tpu.memory_space<vmem>>
      %dma_start3A_297 = arith.constant 0 : i32
      %dma_start3A_298 = arith.constant 0 : i32
      %dma_start3A_299 = tpu.memref_slice %arg13[%dma_start3A_297, %dma_start3A_298] : memref<10240x64xf32, #tpu.memory_space<vmem_shared>> -> memref<10240x64xf32, #tpu.memory_space<vmem_shared>>
      tpu.enqueue_indirect_dma source(%arg10 : memref<128x64xf32, #tpu.memory_space<vmem>>) target(%dma_start3A_299 : memref<10240x64xf32, #tpu.memory_space<vmem_shared>>) offsets(%dma_start3A_296 : memref<128xi32, #tpu.memory_space<vmem>>) semaphore(%run_scoped3A_293 : memref<!tpu.dma_semaphore, #tpu.memory_space<semaphore_mem>>) {add = true}
      %dma_wait3A_300 = arith.constant 0 : i32
      %dma_wait3A_301 = tpu.memref_slice %arg7[%run_scoped3A_209, %dma_wait3A_300] : memref<40x128xi32, #tpu.memory_space<vmem>> -> memref<1x128xi32, #tpu.memory_space<vmem>>
      %dma_wait3A_302 = tpu.memref_squeeze %dma_wait3A_301 : memref<1x128xi32, #tpu.memory_space<vmem>> -> memref<128xi32, #tpu.memory_space<vmem>>
      %dma_wait3A_303 = arith.constant 0 : i32
      %dma_wait3A_304 = arith.constant 0 : i32
      %dma_wait3A_305 = tpu.memref_slice %arg13[%dma_wait3A_303, %dma_wait3A_304] : memref<10240x64xf32, #tpu.memory_space<vmem_shared>> -> memref<10240x64xf32, #tpu.memory_space<vmem_shared>>
      tpu.wait_indirect_dma semaphore(%run_scoped3A_293 : memref<!tpu.dma_semaphore, #tpu.memory_space<semaphore_mem>>) src(%arg10 : memref<128x64xf32, #tpu.memory_space<vmem>>) dst(%dma_wait3A_305 : memref<10240x64xf32, #tpu.memory_space<vmem_shared>>)
      tpu.yield
    }) : () -> ()
    %dma_wait3A_210 = arith.constant 39 : i32
    %dma_wait3A_211 = arith.constant 0 : i32
    %dma_wait3A_212 = tpu.memref_slice %arg6[%dma_wait3A_210, %dma_wait3A_211] : memref<40x128xi32, #tpu.memory_space<vmem>> -> memref<1x128xi32, #tpu.memory_space<vmem>>
    %dma_wait3A_213 = tpu.memref_squeeze %dma_wait3A_212 : memref<1x128xi32, #tpu.memory_space<vmem>> -> memref<128xi32, #tpu.memory_space<vmem>>
    %dma_wait3A_214 = arith.constant 0 : i32
    %dma_wait3A_215 = arith.constant 0 : i32
    %dma_wait3A_216 = tpu.memref_slice %arg12[%dma_wait3A_214, %dma_wait3A_215] : memref<10240x64xf32, #tpu.memory_space<vmem_shared>> -> memref<10240x64xf32, #tpu.memory_space<vmem_shared>>
    tpu.wait_indirect_dma semaphore(%arg17 : memref<!tpu.dma_semaphore, #tpu.memory_space<semaphore_mem>>) src(%dma_wait3A_216 : memref<10240x64xf32, #tpu.memory_space<vmem_shared>>) dst(%arg11 : memref<128x64xf32, #tpu.memory_space<vmem>>)
    %run_scoped3A_217 = arith.constant 39 : i32
    "tpu.region"() ({
      %run_scoped3A_293 = tpu.sem_alloc : memref<!tpu.dma_semaphore, #tpu.memory_space<semaphore_mem>>
      %dma_start3A_294 = arith.constant 0 : i32
      %dma_start3A_295 = tpu.memref_slice %arg7[%run_scoped3A_217, %dma_start3A_294] : memref<40x128xi32, #tpu.memory_space<vmem>> -> memref<1x128xi32, #tpu.memory_space<vmem>>
      %dma_start3A_296 = tpu.memref_squeeze %dma_start3A_295 : memref<1x128xi32, #tpu.memory_space<vmem>> -> memref<128xi32, #tpu.memory_space<vmem>>
      %dma_start3A_297 = arith.constant 0 : i32
      %dma_start3A_298 = arith.constant 0 : i32
      %dma_start3A_299 = tpu.memref_slice %arg13[%dma_start3A_297, %dma_start3A_298] : memref<10240x64xf32, #tpu.memory_space<vmem_shared>> -> memref<10240x64xf32, #tpu.memory_space<vmem_shared>>
      tpu.enqueue_indirect_dma source(%arg11 : memref<128x64xf32, #tpu.memory_space<vmem>>) target(%dma_start3A_299 : memref<10240x64xf32, #tpu.memory_space<vmem_shared>>) offsets(%dma_start3A_296 : memref<128xi32, #tpu.memory_space<vmem>>) semaphore(%run_scoped3A_293 : memref<!tpu.dma_semaphore, #tpu.memory_space<semaphore_mem>>) {add = true}
      %dma_wait3A_300 = arith.constant 0 : i32
      %dma_wait3A_301 = tpu.memref_slice %arg7[%run_scoped3A_217, %dma_wait3A_300] : memref<40x128xi32, #tpu.memory_space<vmem>> -> memref<1x128xi32, #tpu.memory_space<vmem>>
      %dma_wait3A_302 = tpu.memref_squeeze %dma_wait3A_301 : memref<1x128xi32, #tpu.memory_space<vmem>> -> memref<128xi32, #tpu.memory_space<vmem>>
      %dma_wait3A_303 = arith.constant 0 : i32
      %dma_wait3A_304 = arith.constant 0 : i32
      %dma_wait3A_305 = tpu.memref_slice %arg13[%dma_wait3A_303, %dma_wait3A_304] : memref<10240x64xf32, #tpu.memory_space<vmem_shared>> -> memref<10240x64xf32, #tpu.memory_space<vmem_shared>>
      tpu.wait_indirect_dma semaphore(%run_scoped3A_293 : memref<!tpu.dma_semaphore, #tpu.memory_space<semaphore_mem>>) src(%arg11 : memref<128x64xf32, #tpu.memory_space<vmem>>) dst(%dma_wait3A_305 : memref<10240x64xf32, #tpu.memory_space<vmem_shared>>)
      tpu.yield
    }) : () -> ()
    %mul3A_218 = arith.constant 160 : i32
    %mul3A_219 = arith.muli %arg1, %mul3A_218 : i32
    %add3A_220 = arith.constant 120 : i32
    %add3A_221 = arith.addi %mul3A_219, %add3A_220 : i32
    "tpu.region"() ({
      %run_scoped3A_293 = tpu.sem_alloc : memref<!tpu.dma_semaphore, #tpu.memory_space<semaphore_mem>>
      %dma_start3A_294 = arith.constant 0 : i32
      %dma_start3A_295 = tpu.memref_slice %arg3[%add3A_221, %dma_start3A_294] : memref<2560x128xi32, #tpu.memory_space<hbm>> -> memref<40x128xi32, #tpu.memory_space<hbm>>
      %dma_start3A_296 = arith.constant 0 : i32
      %dma_start3A_297 = tpu.memref_slice %arg3[%add3A_221, %dma_start3A_296] : memref<2560x128xi32, #tpu.memory_space<hbm>> -> memref<40x128xi32, #tpu.memory_space<hbm>>
      tpu.enqueue_dma source(%dma_start3A_297 : memref<40x128xi32, #tpu.memory_space<hbm>>) target(%arg6 : memref<40x128xi32, #tpu.memory_space<vmem>>) target_semaphore(%run_scoped3A_293 : memref<!tpu.dma_semaphore, #tpu.memory_space<semaphore_mem>>)
      %dma_wait3A_298 = arith.constant 0 : i32
      %dma_wait3A_299 = tpu.memref_slice %arg3[%add3A_221, %dma_wait3A_298] : memref<2560x128xi32, #tpu.memory_space<hbm>> -> memref<40x128xi32, #tpu.memory_space<hbm>>
      %dma_wait3A_300 = arith.constant 0 : i32
      %dma_wait3A_301 = tpu.memref_slice %arg3[%add3A_221, %dma_wait3A_300] : memref<2560x128xi32, #tpu.memory_space<hbm>> -> memref<40x128xi32, #tpu.memory_space<hbm>>
      tpu.wait_dma2 semaphore(%run_scoped3A_293 : memref<!tpu.dma_semaphore, #tpu.memory_space<semaphore_mem>>) src(%dma_wait3A_301 : memref<40x128xi32, #tpu.memory_space<hbm>>) dst(%arg6 : memref<40x128xi32, #tpu.memory_space<vmem>>)
      tpu.yield
    }) : () -> ()
    "tpu.region"() ({
      %run_scoped3A_293 = tpu.sem_alloc : memref<!tpu.dma_semaphore, #tpu.memory_space<semaphore_mem>>
      %dma_start3A_294 = arith.constant 0 : i32
      %dma_start3A_295 = tpu.memref_slice %arg4[%add3A_221, %dma_start3A_294] : memref<2560x128xi32, #tpu.memory_space<hbm>> -> memref<40x128xi32, #tpu.memory_space<hbm>>
      %dma_start3A_296 = arith.constant 0 : i32
      %dma_start3A_297 = tpu.memref_slice %arg4[%add3A_221, %dma_start3A_296] : memref<2560x128xi32, #tpu.memory_space<hbm>> -> memref<40x128xi32, #tpu.memory_space<hbm>>
      tpu.enqueue_dma source(%dma_start3A_297 : memref<40x128xi32, #tpu.memory_space<hbm>>) target(%arg7 : memref<40x128xi32, #tpu.memory_space<vmem>>) target_semaphore(%run_scoped3A_293 : memref<!tpu.dma_semaphore, #tpu.memory_space<semaphore_mem>>)
      %dma_wait3A_298 = arith.constant 0 : i32
      %dma_wait3A_299 = tpu.memref_slice %arg4[%add3A_221, %dma_wait3A_298] : memref<2560x128xi32, #tpu.memory_space<hbm>> -> memref<40x128xi32, #tpu.memory_space<hbm>>
      %dma_wait3A_300 = arith.constant 0 : i32
      %dma_wait3A_301 = tpu.memref_slice %arg4[%add3A_221, %dma_wait3A_300] : memref<2560x128xi32, #tpu.memory_space<hbm>> -> memref<40x128xi32, #tpu.memory_space<hbm>>
      tpu.wait_dma2 semaphore(%run_scoped3A_293 : memref<!tpu.dma_semaphore, #tpu.memory_space<semaphore_mem>>) src(%dma_wait3A_301 : memref<40x128xi32, #tpu.memory_space<hbm>>) dst(%arg7 : memref<40x128xi32, #tpu.memory_space<vmem>>)
      tpu.yield
    }) : () -> ()
    %dma_start3A_222 = arith.constant 0 : i32
    %dma_start3A_223 = arith.constant 0 : i32
    %dma_start3A_224 = tpu.memref_slice %arg6[%dma_start3A_222, %dma_start3A_223] : memref<40x128xi32, #tpu.memory_space<vmem>> -> memref<1x128xi32, #tpu.memory_space<vmem>>
    %dma_start3A_225 = tpu.memref_squeeze %dma_start3A_224 : memref<1x128xi32, #tpu.memory_space<vmem>> -> memref<128xi32, #tpu.memory_space<vmem>>
    %dma_start3A_226 = arith.constant 0 : i32
    %dma_start3A_227 = arith.constant 0 : i32
    %dma_start3A_228 = tpu.memref_slice %arg12[%dma_start3A_226, %dma_start3A_227] : memref<10240x64xf32, #tpu.memory_space<vmem_shared>> -> memref<10240x64xf32, #tpu.memory_space<vmem_shared>>
    tpu.enqueue_indirect_dma source(%dma_start3A_228 : memref<10240x64xf32, #tpu.memory_space<vmem_shared>>) target(%arg8 : memref<128x64xf32, #tpu.memory_space<vmem>>) offsets(%dma_start3A_225 : memref<128xi32, #tpu.memory_space<vmem>>) semaphore(%arg14 : memref<!tpu.dma_semaphore, #tpu.memory_space<semaphore_mem>>)
    %dma_start3A_229 = arith.constant 1 : i32
    %dma_start3A_230 = arith.constant 0 : i32
    %dma_start3A_231 = tpu.memref_slice %arg6[%dma_start3A_229, %dma_start3A_230] : memref<40x128xi32, #tpu.memory_space<vmem>> -> memref<1x128xi32, #tpu.memory_space<vmem>>
    %dma_start3A_232 = tpu.memref_squeeze %dma_start3A_231 : memref<1x128xi32, #tpu.memory_space<vmem>> -> memref<128xi32, #tpu.memory_space<vmem>>
    %dma_start3A_233 = arith.constant 0 : i32
    %dma_start3A_234 = arith.constant 0 : i32
    %dma_start3A_235 = tpu.memref_slice %arg12[%dma_start3A_233, %dma_start3A_234] : memref<10240x64xf32, #tpu.memory_space<vmem_shared>> -> memref<10240x64xf32, #tpu.memory_space<vmem_shared>>
    tpu.enqueue_indirect_dma source(%dma_start3A_235 : memref<10240x64xf32, #tpu.memory_space<vmem_shared>>) target(%arg9 : memref<128x64xf32, #tpu.memory_space<vmem>>) offsets(%dma_start3A_232 : memref<128xi32, #tpu.memory_space<vmem>>) semaphore(%arg15 : memref<!tpu.dma_semaphore, #tpu.memory_space<semaphore_mem>>)
    %dma_start3A_236 = arith.constant 2 : i32
    %dma_start3A_237 = arith.constant 0 : i32
    %dma_start3A_238 = tpu.memref_slice %arg6[%dma_start3A_236, %dma_start3A_237] : memref<40x128xi32, #tpu.memory_space<vmem>> -> memref<1x128xi32, #tpu.memory_space<vmem>>
    %dma_start3A_239 = tpu.memref_squeeze %dma_start3A_238 : memref<1x128xi32, #tpu.memory_space<vmem>> -> memref<128xi32, #tpu.memory_space<vmem>>
    %dma_start3A_240 = arith.constant 0 : i32
    %dma_start3A_241 = arith.constant 0 : i32
    %dma_start3A_242 = tpu.memref_slice %arg12[%dma_start3A_240, %dma_start3A_241] : memref<10240x64xf32, #tpu.memory_space<vmem_shared>> -> memref<10240x64xf32, #tpu.memory_space<vmem_shared>>
    tpu.enqueue_indirect_dma source(%dma_start3A_242 : memref<10240x64xf32, #tpu.memory_space<vmem_shared>>) target(%arg10 : memref<128x64xf32, #tpu.memory_space<vmem>>) offsets(%dma_start3A_239 : memref<128xi32, #tpu.memory_space<vmem>>) semaphore(%arg16 : memref<!tpu.dma_semaphore, #tpu.memory_space<semaphore_mem>>)
    %dma_start3A_243 = arith.constant 3 : i32
    %dma_start3A_244 = arith.constant 0 : i32
    %dma_start3A_245 = tpu.memref_slice %arg6[%dma_start3A_243, %dma_start3A_244] : memref<40x128xi32, #tpu.memory_space<vmem>> -> memref<1x128xi32, #tpu.memory_space<vmem>>
    %dma_start3A_246 = tpu.memref_squeeze %dma_start3A_245 : memref<1x128xi32, #tpu.memory_space<vmem>> -> memref<128xi32, #tpu.memory_space<vmem>>
    %dma_start3A_247 = arith.constant 0 : i32
    %dma_start3A_248 = arith.constant 0 : i32
    %dma_start3A_249 = tpu.memref_slice %arg12[%dma_start3A_247, %dma_start3A_248] : memref<10240x64xf32, #tpu.memory_space<vmem_shared>> -> memref<10240x64xf32, #tpu.memory_space<vmem_shared>>
    tpu.enqueue_indirect_dma source(%dma_start3A_249 : memref<10240x64xf32, #tpu.memory_space<vmem_shared>>) target(%arg11 : memref<128x64xf32, #tpu.memory_space<vmem>>) offsets(%dma_start3A_246 : memref<128xi32, #tpu.memory_space<vmem>>) semaphore(%arg17 : memref<!tpu.dma_semaphore, #tpu.memory_space<semaphore_mem>>)
    %scan3A_250 = arith.constant 0 : i32
    %scan3A_251 = arith.constant 9 : i32
    %scan3A_252 = arith.addi %scan3A_250, %scan3A_251 : i32
    %scan3A_253 = arith.constant 1 : i32
    scf.for %scan3A_293 = %scan3A_250 to %scan3A_252 step %scan3A_253  : i32 {
      %mul3A_294 = arith.constant 4 : i32
      %mul3A_295 = arith.muli %scan3A_293, %mul3A_294 : i32
      %add3A_296 = arith.constant 0 : i32
      %add3A_297 = arith.addi %add3A_296, %mul3A_295 : i32
      %add3A_298 = arith.constant 0 : i32
      %add3A_299 = arith.addi %add3A_297, %add3A_298 : i32
      %dma_wait3A_300 = arith.constant 0 : i32
      %dma_wait3A_301 = tpu.memref_slice %arg6[%add3A_299, %dma_wait3A_300] : memref<40x128xi32, #tpu.memory_space<vmem>> -> memref<1x128xi32, #tpu.memory_space<vmem>>
      %dma_wait3A_302 = tpu.memref_squeeze %dma_wait3A_301 : memref<1x128xi32, #tpu.memory_space<vmem>> -> memref<128xi32, #tpu.memory_space<vmem>>
      %dma_wait3A_303 = arith.constant 0 : i32
      %dma_wait3A_304 = arith.constant 0 : i32
      %dma_wait3A_305 = tpu.memref_slice %arg12[%dma_wait3A_303, %dma_wait3A_304] : memref<10240x64xf32, #tpu.memory_space<vmem_shared>> -> memref<10240x64xf32, #tpu.memory_space<vmem_shared>>
      tpu.wait_indirect_dma semaphore(%arg14 : memref<!tpu.dma_semaphore, #tpu.memory_space<semaphore_mem>>) src(%dma_wait3A_305 : memref<10240x64xf32, #tpu.memory_space<vmem_shared>>) dst(%arg8 : memref<128x64xf32, #tpu.memory_space<vmem>>)
      %add3A_306 = arith.constant 0 : i32
      %add3A_307 = arith.addi %add3A_297, %add3A_306 : i32
      "tpu.region"() ({
        %run_scoped3A_378 = tpu.sem_alloc : memref<!tpu.dma_semaphore, #tpu.memory_space<semaphore_mem>>
        %dma_start3A_379 = arith.constant 0 : i32
        %dma_start3A_380 = tpu.memref_slice %arg7[%add3A_307, %dma_start3A_379] : memref<40x128xi32, #tpu.memory_space<vmem>> -> memref<1x128xi32, #tpu.memory_space<vmem>>
        %dma_start3A_381 = tpu.memref_squeeze %dma_start3A_380 : memref<1x128xi32, #tpu.memory_space<vmem>> -> memref<128xi32, #tpu.memory_space<vmem>>
        %dma_start3A_382 = arith.constant 0 : i32
        %dma_start3A_383 = arith.constant 0 : i32
        %dma_start3A_384 = tpu.memref_slice %arg13[%dma_start3A_382, %dma_start3A_383] : memref<10240x64xf32, #tpu.memory_space<vmem_shared>> -> memref<10240x64xf32, #tpu.memory_space<vmem_shared>>
        tpu.enqueue_indirect_dma source(%arg8 : memref<128x64xf32, #tpu.memory_space<vmem>>) target(%dma_start3A_384 : memref<10240x64xf32, #tpu.memory_space<vmem_shared>>) offsets(%dma_start3A_381 : memref<128xi32, #tpu.memory_space<vmem>>) semaphore(%run_scoped3A_378 : memref<!tpu.dma_semaphore, #tpu.memory_space<semaphore_mem>>) {add = true}
        %dma_wait3A_385 = arith.constant 0 : i32
        %dma_wait3A_386 = tpu.memref_slice %arg7[%add3A_307, %dma_wait3A_385] : memref<40x128xi32, #tpu.memory_space<vmem>> -> memref<1x128xi32, #tpu.memory_space<vmem>>
        %dma_wait3A_387 = tpu.memref_squeeze %dma_wait3A_386 : memref<1x128xi32, #tpu.memory_space<vmem>> -> memref<128xi32, #tpu.memory_space<vmem>>
        %dma_wait3A_388 = arith.constant 0 : i32
        %dma_wait3A_389 = arith.constant 0 : i32
        %dma_wait3A_390 = tpu.memref_slice %arg13[%dma_wait3A_388, %dma_wait3A_389] : memref<10240x64xf32, #tpu.memory_space<vmem_shared>> -> memref<10240x64xf32, #tpu.memory_space<vmem_shared>>
        tpu.wait_indirect_dma semaphore(%run_scoped3A_378 : memref<!tpu.dma_semaphore, #tpu.memory_space<semaphore_mem>>) src(%arg8 : memref<128x64xf32, #tpu.memory_space<vmem>>) dst(%dma_wait3A_390 : memref<10240x64xf32, #tpu.memory_space<vmem_shared>>)
        tpu.yield
      }) : () -> ()
      %add3A_308 = arith.constant 4 : i32
      %add3A_309 = arith.addi %add3A_297, %add3A_308 : i32
      %add3A_310 = arith.constant 0 : i32
      %add3A_311 = arith.addi %add3A_309, %add3A_310 : i32
      %dma_start3A_312 = arith.constant 0 : i32
      %dma_start3A_313 = tpu.memref_slice %arg6[%add3A_311, %dma_start3A_312] : memref<40x128xi32, #tpu.memory_space<vmem>> -> memref<1x128xi32, #tpu.memory_space<vmem>>
      %dma_start3A_314 = tpu.memref_squeeze %dma_start3A_313 : memref<1x128xi32, #tpu.memory_space<vmem>> -> memref<128xi32, #tpu.memory_space<vmem>>
      %dma_start3A_315 = arith.constant 0 : i32
      %dma_start3A_316 = arith.constant 0 : i32
      %dma_start3A_317 = tpu.memref_slice %arg12[%dma_start3A_315, %dma_start3A_316] : memref<10240x64xf32, #tpu.memory_space<vmem_shared>> -> memref<10240x64xf32, #tpu.memory_space<vmem_shared>>
      tpu.enqueue_indirect_dma source(%dma_start3A_317 : memref<10240x64xf32, #tpu.memory_space<vmem_shared>>) target(%arg8 : memref<128x64xf32, #tpu.memory_space<vmem>>) offsets(%dma_start3A_314 : memref<128xi32, #tpu.memory_space<vmem>>) semaphore(%arg14 : memref<!tpu.dma_semaphore, #tpu.memory_space<semaphore_mem>>)
      %add3A_318 = arith.constant 1 : i32
      %add3A_319 = arith.addi %add3A_297, %add3A_318 : i32
      %dma_wait3A_320 = arith.constant 0 : i32
      %dma_wait3A_321 = tpu.memref_slice %arg6[%add3A_319, %dma_wait3A_320] : memref<40x128xi32, #tpu.memory_space<vmem>> -> memref<1x128xi32, #tpu.memory_space<vmem>>
      %dma_wait3A_322 = tpu.memref_squeeze %dma_wait3A_321 : memref<1x128xi32, #tpu.memory_space<vmem>> -> memref<128xi32, #tpu.memory_space<vmem>>
      %dma_wait3A_323 = arith.constant 0 : i32
      %dma_wait3A_324 = arith.constant 0 : i32
      %dma_wait3A_325 = tpu.memref_slice %arg12[%dma_wait3A_323, %dma_wait3A_324] : memref<10240x64xf32, #tpu.memory_space<vmem_shared>> -> memref<10240x64xf32, #tpu.memory_space<vmem_shared>>
      tpu.wait_indirect_dma semaphore(%arg15 : memref<!tpu.dma_semaphore, #tpu.memory_space<semaphore_mem>>) src(%dma_wait3A_325 : memref<10240x64xf32, #tpu.memory_space<vmem_shared>>) dst(%arg9 : memref<128x64xf32, #tpu.memory_space<vmem>>)
      %add3A_326 = arith.constant 1 : i32
      %add3A_327 = arith.addi %add3A_297, %add3A_326 : i32
      "tpu.region"() ({
        %run_scoped3A_378 = tpu.sem_alloc : memref<!tpu.dma_semaphore, #tpu.memory_space<semaphore_mem>>
        %dma_start3A_379 = arith.constant 0 : i32
        %dma_start3A_380 = tpu.memref_slice %arg7[%add3A_327, %dma_start3A_379] : memref<40x128xi32, #tpu.memory_space<vmem>> -> memref<1x128xi32, #tpu.memory_space<vmem>>
        %dma_start3A_381 = tpu.memref_squeeze %dma_start3A_380 : memref<1x128xi32, #tpu.memory_space<vmem>> -> memref<128xi32, #tpu.memory_space<vmem>>
        %dma_start3A_382 = arith.constant 0 : i32
        %dma_start3A_383 = arith.constant 0 : i32
        %dma_start3A_384 = tpu.memref_slice %arg13[%dma_start3A_382, %dma_start3A_383] : memref<10240x64xf32, #tpu.memory_space<vmem_shared>> -> memref<10240x64xf32, #tpu.memory_space<vmem_shared>>
        tpu.enqueue_indirect_dma source(%arg9 : memref<128x64xf32, #tpu.memory_space<vmem>>) target(%dma_start3A_384 : memref<10240x64xf32, #tpu.memory_space<vmem_shared>>) offsets(%dma_start3A_381 : memref<128xi32, #tpu.memory_space<vmem>>) semaphore(%run_scoped3A_378 : memref<!tpu.dma_semaphore, #tpu.memory_space<semaphore_mem>>) {add = true}
        %dma_wait3A_385 = arith.constant 0 : i32
        %dma_wait3A_386 = tpu.memref_slice %arg7[%add3A_327, %dma_wait3A_385] : memref<40x128xi32, #tpu.memory_space<vmem>> -> memref<1x128xi32, #tpu.memory_space<vmem>>
        %dma_wait3A_387 = tpu.memref_squeeze %dma_wait3A_386 : memref<1x128xi32, #tpu.memory_space<vmem>> -> memref<128xi32, #tpu.memory_space<vmem>>
        %dma_wait3A_388 = arith.constant 0 : i32
        %dma_wait3A_389 = arith.constant 0 : i32
        %dma_wait3A_390 = tpu.memref_slice %arg13[%dma_wait3A_388, %dma_wait3A_389] : memref<10240x64xf32, #tpu.memory_space<vmem_shared>> -> memref<10240x64xf32, #tpu.memory_space<vmem_shared>>
        tpu.wait_indirect_dma semaphore(%run_scoped3A_378 : memref<!tpu.dma_semaphore, #tpu.memory_space<semaphore_mem>>) src(%arg9 : memref<128x64xf32, #tpu.memory_space<vmem>>) dst(%dma_wait3A_390 : memref<10240x64xf32, #tpu.memory_space<vmem_shared>>)
        tpu.yield
      }) : () -> ()
      %add3A_328 = arith.constant 4 : i32
      %add3A_329 = arith.addi %add3A_297, %add3A_328 : i32
      %add3A_330 = arith.constant 1 : i32
      %add3A_331 = arith.addi %add3A_329, %add3A_330 : i32
      %dma_start3A_332 = arith.constant 0 : i32
      %dma_start3A_333 = tpu.memref_slice %arg6[%add3A_331, %dma_start3A_332] : memref<40x128xi32, #tpu.memory_space<vmem>> -> memref<1x128xi32, #tpu.memory_space<vmem>>
      %dma_start3A_334 = tpu.memref_squeeze %dma_start3A_333 : memref<1x128xi32, #tpu.memory_space<vmem>> -> memref<128xi32, #tpu.memory_space<vmem>>
      %dma_start3A_335 = arith.constant 0 : i32
      %dma_start3A_336 = arith.constant 0 : i32
      %dma_start3A_337 = tpu.memref_slice %arg12[%dma_start3A_335, %dma_start3A_336] : memref<10240x64xf32, #tpu.memory_space<vmem_shared>> -> memref<10240x64xf32, #tpu.memory_space<vmem_shared>>
      tpu.enqueue_indirect_dma source(%dma_start3A_337 : memref<10240x64xf32, #tpu.memory_space<vmem_shared>>) target(%arg9 : memref<128x64xf32, #tpu.memory_space<vmem>>) offsets(%dma_start3A_334 : memref<128xi32, #tpu.memory_space<vmem>>) semaphore(%arg15 : memref<!tpu.dma_semaphore, #tpu.memory_space<semaphore_mem>>)
      %add3A_338 = arith.constant 2 : i32
      %add3A_339 = arith.addi %add3A_297, %add3A_338 : i32
      %dma_wait3A_340 = arith.constant 0 : i32
      %dma_wait3A_341 = tpu.memref_slice %arg6[%add3A_339, %dma_wait3A_340] : memref<40x128xi32, #tpu.memory_space<vmem>> -> memref<1x128xi32, #tpu.memory_space<vmem>>
      %dma_wait3A_342 = tpu.memref_squeeze %dma_wait3A_341 : memref<1x128xi32, #tpu.memory_space<vmem>> -> memref<128xi32, #tpu.memory_space<vmem>>
      %dma_wait3A_343 = arith.constant 0 : i32
      %dma_wait3A_344 = arith.constant 0 : i32
      %dma_wait3A_345 = tpu.memref_slice %arg12[%dma_wait3A_343, %dma_wait3A_344] : memref<10240x64xf32, #tpu.memory_space<vmem_shared>> -> memref<10240x64xf32, #tpu.memory_space<vmem_shared>>
      tpu.wait_indirect_dma semaphore(%arg16 : memref<!tpu.dma_semaphore, #tpu.memory_space<semaphore_mem>>) src(%dma_wait3A_345 : memref<10240x64xf32, #tpu.memory_space<vmem_shared>>) dst(%arg10 : memref<128x64xf32, #tpu.memory_space<vmem>>)
      %add3A_346 = arith.constant 2 : i32
      %add3A_347 = arith.addi %add3A_297, %add3A_346 : i32
      "tpu.region"() ({
        %run_scoped3A_378 = tpu.sem_alloc : memref<!tpu.dma_semaphore, #tpu.memory_space<semaphore_mem>>
        %dma_start3A_379 = arith.constant 0 : i32
        %dma_start3A_380 = tpu.memref_slice %arg7[%add3A_347, %dma_start3A_379] : memref<40x128xi32, #tpu.memory_space<vmem>> -> memref<1x128xi32, #tpu.memory_space<vmem>>
        %dma_start3A_381 = tpu.memref_squeeze %dma_start3A_380 : memref<1x128xi32, #tpu.memory_space<vmem>> -> memref<128xi32, #tpu.memory_space<vmem>>
        %dma_start3A_382 = arith.constant 0 : i32
        %dma_start3A_383 = arith.constant 0 : i32
        %dma_start3A_384 = tpu.memref_slice %arg13[%dma_start3A_382, %dma_start3A_383] : memref<10240x64xf32, #tpu.memory_space<vmem_shared>> -> memref<10240x64xf32, #tpu.memory_space<vmem_shared>>
        tpu.enqueue_indirect_dma source(%arg10 : memref<128x64xf32, #tpu.memory_space<vmem>>) target(%dma_start3A_384 : memref<10240x64xf32, #tpu.memory_space<vmem_shared>>) offsets(%dma_start3A_381 : memref<128xi32, #tpu.memory_space<vmem>>) semaphore(%run_scoped3A_378 : memref<!tpu.dma_semaphore, #tpu.memory_space<semaphore_mem>>) {add = true}
        %dma_wait3A_385 = arith.constant 0 : i32
        %dma_wait3A_386 = tpu.memref_slice %arg7[%add3A_347, %dma_wait3A_385] : memref<40x128xi32, #tpu.memory_space<vmem>> -> memref<1x128xi32, #tpu.memory_space<vmem>>
        %dma_wait3A_387 = tpu.memref_squeeze %dma_wait3A_386 : memref<1x128xi32, #tpu.memory_space<vmem>> -> memref<128xi32, #tpu.memory_space<vmem>>
        %dma_wait3A_388 = arith.constant 0 : i32
        %dma_wait3A_389 = arith.constant 0 : i32
        %dma_wait3A_390 = tpu.memref_slice %arg13[%dma_wait3A_388, %dma_wait3A_389] : memref<10240x64xf32, #tpu.memory_space<vmem_shared>> -> memref<10240x64xf32, #tpu.memory_space<vmem_shared>>
        tpu.wait_indirect_dma semaphore(%run_scoped3A_378 : memref<!tpu.dma_semaphore, #tpu.memory_space<semaphore_mem>>) src(%arg10 : memref<128x64xf32, #tpu.memory_space<vmem>>) dst(%dma_wait3A_390 : memref<10240x64xf32, #tpu.memory_space<vmem_shared>>)
        tpu.yield
      }) : () -> ()
      %add3A_348 = arith.constant 4 : i32
      %add3A_349 = arith.addi %add3A_297, %add3A_348 : i32
      %add3A_350 = arith.constant 2 : i32
      %add3A_351 = arith.addi %add3A_349, %add3A_350 : i32
      %dma_start3A_352 = arith.constant 0 : i32
      %dma_start3A_353 = tpu.memref_slice %arg6[%add3A_351, %dma_start3A_352] : memref<40x128xi32, #tpu.memory_space<vmem>> -> memref<1x128xi32, #tpu.memory_space<vmem>>
      %dma_start3A_354 = tpu.memref_squeeze %dma_start3A_353 : memref<1x128xi32, #tpu.memory_space<vmem>> -> memref<128xi32, #tpu.memory_space<vmem>>
      %dma_start3A_355 = arith.constant 0 : i32
      %dma_start3A_356 = arith.constant 0 : i32
      %dma_start3A_357 = tpu.memref_slice %arg12[%dma_start3A_355, %dma_start3A_356] : memref<10240x64xf32, #tpu.memory_space<vmem_shared>> -> memref<10240x64xf32, #tpu.memory_space<vmem_shared>>
      tpu.enqueue_indirect_dma source(%dma_start3A_357 : memref<10240x64xf32, #tpu.memory_space<vmem_shared>>) target(%arg10 : memref<128x64xf32, #tpu.memory_space<vmem>>) offsets(%dma_start3A_354 : memref<128xi32, #tpu.memory_space<vmem>>) semaphore(%arg16 : memref<!tpu.dma_semaphore, #tpu.memory_space<semaphore_mem>>)
      %add3A_358 = arith.constant 3 : i32
      %add3A_359 = arith.addi %add3A_297, %add3A_358 : i32
      %dma_wait3A_360 = arith.constant 0 : i32
      %dma_wait3A_361 = tpu.memref_slice %arg6[%add3A_359, %dma_wait3A_360] : memref<40x128xi32, #tpu.memory_space<vmem>> -> memref<1x128xi32, #tpu.memory_space<vmem>>
      %dma_wait3A_362 = tpu.memref_squeeze %dma_wait3A_361 : memref<1x128xi32, #tpu.memory_space<vmem>> -> memref<128xi32, #tpu.memory_space<vmem>>
      %dma_wait3A_363 = arith.constant 0 : i32
      %dma_wait3A_364 = arith.constant 0 : i32
      %dma_wait3A_365 = tpu.memref_slice %arg12[%dma_wait3A_363, %dma_wait3A_364] : memref<10240x64xf32, #tpu.memory_space<vmem_shared>> -> memref<10240x64xf32, #tpu.memory_space<vmem_shared>>
      tpu.wait_indirect_dma semaphore(%arg17 : memref<!tpu.dma_semaphore, #tpu.memory_space<semaphore_mem>>) src(%dma_wait3A_365 : memref<10240x64xf32, #tpu.memory_space<vmem_shared>>) dst(%arg11 : memref<128x64xf32, #tpu.memory_space<vmem>>)
      %add3A_366 = arith.constant 3 : i32
      %add3A_367 = arith.addi %add3A_297, %add3A_366 : i32
      "tpu.region"() ({
        %run_scoped3A_378 = tpu.sem_alloc : memref<!tpu.dma_semaphore, #tpu.memory_space<semaphore_mem>>
        %dma_start3A_379 = arith.constant 0 : i32
        %dma_start3A_380 = tpu.memref_slice %arg7[%add3A_367, %dma_start3A_379] : memref<40x128xi32, #tpu.memory_space<vmem>> -> memref<1x128xi32, #tpu.memory_space<vmem>>
        %dma_start3A_381 = tpu.memref_squeeze %dma_start3A_380 : memref<1x128xi32, #tpu.memory_space<vmem>> -> memref<128xi32, #tpu.memory_space<vmem>>
        %dma_start3A_382 = arith.constant 0 : i32
        %dma_start3A_383 = arith.constant 0 : i32
        %dma_start3A_384 = tpu.memref_slice %arg13[%dma_start3A_382, %dma_start3A_383] : memref<10240x64xf32, #tpu.memory_space<vmem_shared>> -> memref<10240x64xf32, #tpu.memory_space<vmem_shared>>
        tpu.enqueue_indirect_dma source(%arg11 : memref<128x64xf32, #tpu.memory_space<vmem>>) target(%dma_start3A_384 : memref<10240x64xf32, #tpu.memory_space<vmem_shared>>) offsets(%dma_start3A_381 : memref<128xi32, #tpu.memory_space<vmem>>) semaphore(%run_scoped3A_378 : memref<!tpu.dma_semaphore, #tpu.memory_space<semaphore_mem>>) {add = true}
        %dma_wait3A_385 = arith.constant 0 : i32
        %dma_wait3A_386 = tpu.memref_slice %arg7[%add3A_367, %dma_wait3A_385] : memref<40x128xi32, #tpu.memory_space<vmem>> -> memref<1x128xi32, #tpu.memory_space<vmem>>
        %dma_wait3A_387 = tpu.memref_squeeze %dma_wait3A_386 : memref<1x128xi32, #tpu.memory_space<vmem>> -> memref<128xi32, #tpu.memory_space<vmem>>
        %dma_wait3A_388 = arith.constant 0 : i32
        %dma_wait3A_389 = arith.constant 0 : i32
        %dma_wait3A_390 = tpu.memref_slice %arg13[%dma_wait3A_388, %dma_wait3A_389] : memref<10240x64xf32, #tpu.memory_space<vmem_shared>> -> memref<10240x64xf32, #tpu.memory_space<vmem_shared>>
        tpu.wait_indirect_dma semaphore(%run_scoped3A_378 : memref<!tpu.dma_semaphore, #tpu.memory_space<semaphore_mem>>) src(%arg11 : memref<128x64xf32, #tpu.memory_space<vmem>>) dst(%dma_wait3A_390 : memref<10240x64xf32, #tpu.memory_space<vmem_shared>>)
        tpu.yield
      }) : () -> ()
      %add3A_368 = arith.constant 4 : i32
      %add3A_369 = arith.addi %add3A_297, %add3A_368 : i32
      %add3A_370 = arith.constant 3 : i32
      %add3A_371 = arith.addi %add3A_369, %add3A_370 : i32
      %dma_start3A_372 = arith.constant 0 : i32
      %dma_start3A_373 = tpu.memref_slice %arg6[%add3A_371, %dma_start3A_372] : memref<40x128xi32, #tpu.memory_space<vmem>> -> memref<1x128xi32, #tpu.memory_space<vmem>>
      %dma_start3A_374 = tpu.memref_squeeze %dma_start3A_373 : memref<1x128xi32, #tpu.memory_space<vmem>> -> memref<128xi32, #tpu.memory_space<vmem>>
      %dma_start3A_375 = arith.constant 0 : i32
      %dma_start3A_376 = arith.constant 0 : i32
      %dma_start3A_377 = tpu.memref_slice %arg12[%dma_start3A_375, %dma_start3A_376] : memref<10240x64xf32, #tpu.memory_space<vmem_shared>> -> memref<10240x64xf32, #tpu.memory_space<vmem_shared>>
      tpu.enqueue_indirect_dma source(%dma_start3A_377 : memref<10240x64xf32, #tpu.memory_space<vmem_shared>>) target(%arg11 : memref<128x64xf32, #tpu.memory_space<vmem>>) offsets(%dma_start3A_374 : memref<128xi32, #tpu.memory_space<vmem>>) semaphore(%arg17 : memref<!tpu.dma_semaphore, #tpu.memory_space<semaphore_mem>>)
    }
    %scan3A_254 = arith.constant 9 : i32
    %dma_wait3A_255 = arith.constant 36 : i32
    %dma_wait3A_256 = arith.constant 0 : i32
    %dma_wait3A_257 = tpu.memref_slice %arg6[%dma_wait3A_255, %dma_wait3A_256] : memref<40x128xi32, #tpu.memory_space<vmem>> -> memref<1x128xi32, #tpu.memory_space<vmem>>
    %dma_wait3A_258 = tpu.memref_squeeze %dma_wait3A_257 : memref<1x128xi32, #tpu.memory_space<vmem>> -> memref<128xi32, #tpu.memory_space<vmem>>
    %dma_wait3A_259 = arith.constant 0 : i32
    %dma_wait3A_260 = arith.constant 0 : i32
    %dma_wait3A_261 = tpu.memref_slice %arg12[%dma_wait3A_259, %dma_wait3A_260] : memref<10240x64xf32, #tpu.memory_space<vmem_shared>> -> memref<10240x64xf32, #tpu.memory_space<vmem_shared>>
    tpu.wait_indirect_dma semaphore(%arg14 : memref<!tpu.dma_semaphore, #tpu.memory_space<semaphore_mem>>) src(%dma_wait3A_261 : memref<10240x64xf32, #tpu.memory_space<vmem_shared>>) dst(%arg8 : memref<128x64xf32, #tpu.memory_space<vmem>>)
    %run_scoped3A_262 = arith.constant 36 : i32
    "tpu.region"() ({
      %run_scoped3A_293 = tpu.sem_alloc : memref<!tpu.dma_semaphore, #tpu.memory_space<semaphore_mem>>
      %dma_start3A_294 = arith.constant 0 : i32
      %dma_start3A_295 = tpu.memref_slice %arg7[%run_scoped3A_262, %dma_start3A_294] : memref<40x128xi32, #tpu.memory_space<vmem>> -> memref<1x128xi32, #tpu.memory_space<vmem>>
      %dma_start3A_296 = tpu.memref_squeeze %dma_start3A_295 : memref<1x128xi32, #tpu.memory_space<vmem>> -> memref<128xi32, #tpu.memory_space<vmem>>
      %dma_start3A_297 = arith.constant 0 : i32
      %dma_start3A_298 = arith.constant 0 : i32
      %dma_start3A_299 = tpu.memref_slice %arg13[%dma_start3A_297, %dma_start3A_298] : memref<10240x64xf32, #tpu.memory_space<vmem_shared>> -> memref<10240x64xf32, #tpu.memory_space<vmem_shared>>
      tpu.enqueue_indirect_dma source(%arg8 : memref<128x64xf32, #tpu.memory_space<vmem>>) target(%dma_start3A_299 : memref<10240x64xf32, #tpu.memory_space<vmem_shared>>) offsets(%dma_start3A_296 : memref<128xi32, #tpu.memory_space<vmem>>) semaphore(%run_scoped3A_293 : memref<!tpu.dma_semaphore, #tpu.memory_space<semaphore_mem>>) {add = true}
      %dma_wait3A_300 = arith.constant 0 : i32
      %dma_wait3A_301 = tpu.memref_slice %arg7[%run_scoped3A_262, %dma_wait3A_300] : memref<40x128xi32, #tpu.memory_space<vmem>> -> memref<1x128xi32, #tpu.memory_space<vmem>>
      %dma_wait3A_302 = tpu.memref_squeeze %dma_wait3A_301 : memref<1x128xi32, #tpu.memory_space<vmem>> -> memref<128xi32, #tpu.memory_space<vmem>>
      %dma_wait3A_303 = arith.constant 0 : i32
      %dma_wait3A_304 = arith.constant 0 : i32
      %dma_wait3A_305 = tpu.memref_slice %arg13[%dma_wait3A_303, %dma_wait3A_304] : memref<10240x64xf32, #tpu.memory_space<vmem_shared>> -> memref<10240x64xf32, #tpu.memory_space<vmem_shared>>
      tpu.wait_indirect_dma semaphore(%run_scoped3A_293 : memref<!tpu.dma_semaphore, #tpu.memory_space<semaphore_mem>>) src(%arg8 : memref<128x64xf32, #tpu.memory_space<vmem>>) dst(%dma_wait3A_305 : memref<10240x64xf32, #tpu.memory_space<vmem_shared>>)
      tpu.yield
    }) : () -> ()
    %dma_wait3A_263 = arith.constant 37 : i32
    %dma_wait3A_264 = arith.constant 0 : i32
    %dma_wait3A_265 = tpu.memref_slice %arg6[%dma_wait3A_263, %dma_wait3A_264] : memref<40x128xi32, #tpu.memory_space<vmem>> -> memref<1x128xi32, #tpu.memory_space<vmem>>
    %dma_wait3A_266 = tpu.memref_squeeze %dma_wait3A_265 : memref<1x128xi32, #tpu.memory_space<vmem>> -> memref<128xi32, #tpu.memory_space<vmem>>
    %dma_wait3A_267 = arith.constant 0 : i32
    %dma_wait3A_268 = arith.constant 0 : i32
    %dma_wait3A_269 = tpu.memref_slice %arg12[%dma_wait3A_267, %dma_wait3A_268] : memref<10240x64xf32, #tpu.memory_space<vmem_shared>> -> memref<10240x64xf32, #tpu.memory_space<vmem_shared>>
    tpu.wait_indirect_dma semaphore(%arg15 : memref<!tpu.dma_semaphore, #tpu.memory_space<semaphore_mem>>) src(%dma_wait3A_269 : memref<10240x64xf32, #tpu.memory_space<vmem_shared>>) dst(%arg9 : memref<128x64xf32, #tpu.memory_space<vmem>>)
    %run_scoped3A_270 = arith.constant 37 : i32
    "tpu.region"() ({
      %run_scoped3A_293 = tpu.sem_alloc : memref<!tpu.dma_semaphore, #tpu.memory_space<semaphore_mem>>
      %dma_start3A_294 = arith.constant 0 : i32
      %dma_start3A_295 = tpu.memref_slice %arg7[%run_scoped3A_270, %dma_start3A_294] : memref<40x128xi32, #tpu.memory_space<vmem>> -> memref<1x128xi32, #tpu.memory_space<vmem>>
      %dma_start3A_296 = tpu.memref_squeeze %dma_start3A_295 : memref<1x128xi32, #tpu.memory_space<vmem>> -> memref<128xi32, #tpu.memory_space<vmem>>
      %dma_start3A_297 = arith.constant 0 : i32
      %dma_start3A_298 = arith.constant 0 : i32
      %dma_start3A_299 = tpu.memref_slice %arg13[%dma_start3A_297, %dma_start3A_298] : memref<10240x64xf32, #tpu.memory_space<vmem_shared>> -> memref<10240x64xf32, #tpu.memory_space<vmem_shared>>
      tpu.enqueue_indirect_dma source(%arg9 : memref<128x64xf32, #tpu.memory_space<vmem>>) target(%dma_start3A_299 : memref<10240x64xf32, #tpu.memory_space<vmem_shared>>) offsets(%dma_start3A_296 : memref<128xi32, #tpu.memory_space<vmem>>) semaphore(%run_scoped3A_293 : memref<!tpu.dma_semaphore, #tpu.memory_space<semaphore_mem>>) {add = true}
      %dma_wait3A_300 = arith.constant 0 : i32
      %dma_wait3A_301 = tpu.memref_slice %arg7[%run_scoped3A_270, %dma_wait3A_300] : memref<40x128xi32, #tpu.memory_space<vmem>> -> memref<1x128xi32, #tpu.memory_space<vmem>>
      %dma_wait3A_302 = tpu.memref_squeeze %dma_wait3A_301 : memref<1x128xi32, #tpu.memory_space<vmem>> -> memref<128xi32, #tpu.memory_space<vmem>>
      %dma_wait3A_303 = arith.constant 0 : i32
      %dma_wait3A_304 = arith.constant 0 : i32
      %dma_wait3A_305 = tpu.memref_slice %arg13[%dma_wait3A_303, %dma_wait3A_304] : memref<10240x64xf32, #tpu.memory_space<vmem_shared>> -> memref<10240x64xf32, #tpu.memory_space<vmem_shared>>
      tpu.wait_indirect_dma semaphore(%run_scoped3A_293 : memref<!tpu.dma_semaphore, #tpu.memory_space<semaphore_mem>>) src(%arg9 : memref<128x64xf32, #tpu.memory_space<vmem>>) dst(%dma_wait3A_305 : memref<10240x64xf32, #tpu.memory_space<vmem_shared>>)
      tpu.yield
    }) : () -> ()
    %dma_wait3A_271 = arith.constant 38 : i32
    %dma_wait3A_272 = arith.constant 0 : i32
    %dma_wait3A_273 = tpu.memref_slice %arg6[%dma_wait3A_271, %dma_wait3A_272] : memref<40x128xi32, #tpu.memory_space<vmem>> -> memref<1x128xi32, #tpu.memory_space<vmem>>
    %dma_wait3A_274 = tpu.memref_squeeze %dma_wait3A_273 : memref<1x128xi32, #tpu.memory_space<vmem>> -> memref<128xi32, #tpu.memory_space<vmem>>
    %dma_wait3A_275 = arith.constant 0 : i32
    %dma_wait3A_276 = arith.constant 0 : i32
    %dma_wait3A_277 = tpu.memref_slice %arg12[%dma_wait3A_275, %dma_wait3A_276] : memref<10240x64xf32, #tpu.memory_space<vmem_shared>> -> memref<10240x64xf32, #tpu.memory_space<vmem_shared>>
    tpu.wait_indirect_dma semaphore(%arg16 : memref<!tpu.dma_semaphore, #tpu.memory_space<semaphore_mem>>) src(%dma_wait3A_277 : memref<10240x64xf32, #tpu.memory_space<vmem_shared>>) dst(%arg10 : memref<128x64xf32, #tpu.memory_space<vmem>>)
    %run_scoped3A_278 = arith.constant 38 : i32
    "tpu.region"() ({
      %run_scoped3A_293 = tpu.sem_alloc : memref<!tpu.dma_semaphore, #tpu.memory_space<semaphore_mem>>
      %dma_start3A_294 = arith.constant 0 : i32
      %dma_start3A_295 = tpu.memref_slice %arg7[%run_scoped3A_278, %dma_start3A_294] : memref<40x128xi32, #tpu.memory_space<vmem>> -> memref<1x128xi32, #tpu.memory_space<vmem>>
      %dma_start3A_296 = tpu.memref_squeeze %dma_start3A_295 : memref<1x128xi32, #tpu.memory_space<vmem>> -> memref<128xi32, #tpu.memory_space<vmem>>
      %dma_start3A_297 = arith.constant 0 : i32
      %dma_start3A_298 = arith.constant 0 : i32
      %dma_start3A_299 = tpu.memref_slice %arg13[%dma_start3A_297, %dma_start3A_298] : memref<10240x64xf32, #tpu.memory_space<vmem_shared>> -> memref<10240x64xf32, #tpu.memory_space<vmem_shared>>
      tpu.enqueue_indirect_dma source(%arg10 : memref<128x64xf32, #tpu.memory_space<vmem>>) target(%dma_start3A_299 : memref<10240x64xf32, #tpu.memory_space<vmem_shared>>) offsets(%dma_start3A_296 : memref<128xi32, #tpu.memory_space<vmem>>) semaphore(%run_scoped3A_293 : memref<!tpu.dma_semaphore, #tpu.memory_space<semaphore_mem>>) {add = true}
      %dma_wait3A_300 = arith.constant 0 : i32
      %dma_wait3A_301 = tpu.memref_slice %arg7[%run_scoped3A_278, %dma_wait3A_300] : memref<40x128xi32, #tpu.memory_space<vmem>> -> memref<1x128xi32, #tpu.memory_space<vmem>>
      %dma_wait3A_302 = tpu.memref_squeeze %dma_wait3A_301 : memref<1x128xi32, #tpu.memory_space<vmem>> -> memref<128xi32, #tpu.memory_space<vmem>>
      %dma_wait3A_303 = arith.constant 0 : i32
      %dma_wait3A_304 = arith.constant 0 : i32
      %dma_wait3A_305 = tpu.memref_slice %arg13[%dma_wait3A_303, %dma_wait3A_304] : memref<10240x64xf32, #tpu.memory_space<vmem_shared>> -> memref<10240x64xf32, #tpu.memory_space<vmem_shared>>
      tpu.wait_indirect_dma semaphore(%run_scoped3A_293 : memref<!tpu.dma_semaphore, #tpu.memory_space<semaphore_mem>>) src(%arg10 : memref<128x64xf32, #tpu.memory_space<vmem>>) dst(%dma_wait3A_305 : memref<10240x64xf32, #tpu.memory_space<vmem_shared>>)
      tpu.yield
    }) : () -> ()
    %dma_wait3A_279 = arith.constant 39 : i32
    %dma_wait3A_280 = arith.constant 0 : i32
    %dma_wait3A_281 = tpu.memref_slice %arg6[%dma_wait3A_279, %dma_wait3A_280] : memref<40x128xi32, #tpu.memory_space<vmem>> -> memref<1x128xi32, #tpu.memory_space<vmem>>
    %dma_wait3A_282 = tpu.memref_squeeze %dma_wait3A_281 : memref<1x128xi32, #tpu.memory_space<vmem>> -> memref<128xi32, #tpu.memory_space<vmem>>
    %dma_wait3A_283 = arith.constant 0 : i32
    %dma_wait3A_284 = arith.constant 0 : i32
    %dma_wait3A_285 = tpu.memref_slice %arg12[%dma_wait3A_283, %dma_wait3A_284] : memref<10240x64xf32, #tpu.memory_space<vmem_shared>> -> memref<10240x64xf32, #tpu.memory_space<vmem_shared>>
    tpu.wait_indirect_dma semaphore(%arg17 : memref<!tpu.dma_semaphore, #tpu.memory_space<semaphore_mem>>) src(%dma_wait3A_285 : memref<10240x64xf32, #tpu.memory_space<vmem_shared>>) dst(%arg11 : memref<128x64xf32, #tpu.memory_space<vmem>>)
    %run_scoped3A_286 = arith.constant 39 : i32
    "tpu.region"() ({
      %run_scoped3A_293 = tpu.sem_alloc : memref<!tpu.dma_semaphore, #tpu.memory_space<semaphore_mem>>
      %dma_start3A_294 = arith.constant 0 : i32
      %dma_start3A_295 = tpu.memref_slice %arg7[%run_scoped3A_286, %dma_start3A_294] : memref<40x128xi32, #tpu.memory_space<vmem>> -> memref<1x128xi32, #tpu.memory_space<vmem>>
      %dma_start3A_296 = tpu.memref_squeeze %dma_start3A_295 : memref<1x128xi32, #tpu.memory_space<vmem>> -> memref<128xi32, #tpu.memory_space<vmem>>
      %dma_start3A_297 = arith.constant 0 : i32
      %dma_start3A_298 = arith.constant 0 : i32
      %dma_start3A_299 = tpu.memref_slice %arg13[%dma_start3A_297, %dma_start3A_298] : memref<10240x64xf32, #tpu.memory_space<vmem_shared>> -> memref<10240x64xf32, #tpu.memory_space<vmem_shared>>
      tpu.enqueue_indirect_dma source(%arg11 : memref<128x64xf32, #tpu.memory_space<vmem>>) target(%dma_start3A_299 : memref<10240x64xf32, #tpu.memory_space<vmem_shared>>) offsets(%dma_start3A_296 : memref<128xi32, #tpu.memory_space<vmem>>) semaphore(%run_scoped3A_293 : memref<!tpu.dma_semaphore, #tpu.memory_space<semaphore_mem>>) {add = true}
      %dma_wait3A_300 = arith.constant 0 : i32
      %dma_wait3A_301 = tpu.memref_slice %arg7[%run_scoped3A_286, %dma_wait3A_300] : memref<40x128xi32, #tpu.memory_space<vmem>> -> memref<1x128xi32, #tpu.memory_space<vmem>>
      %dma_wait3A_302 = tpu.memref_squeeze %dma_wait3A_301 : memref<1x128xi32, #tpu.memory_space<vmem>> -> memref<128xi32, #tpu.memory_space<vmem>>
      %dma_wait3A_303 = arith.constant 0 : i32
      %dma_wait3A_304 = arith.constant 0 : i32
      %dma_wait3A_305 = tpu.memref_slice %arg13[%dma_wait3A_303, %dma_wait3A_304] : memref<10240x64xf32, #tpu.memory_space<vmem_shared>> -> memref<10240x64xf32, #tpu.memory_space<vmem_shared>>
      tpu.wait_indirect_dma semaphore(%run_scoped3A_293 : memref<!tpu.dma_semaphore, #tpu.memory_space<semaphore_mem>>) src(%arg11 : memref<128x64xf32, #tpu.memory_space<vmem>>) dst(%dma_wait3A_305 : memref<10240x64xf32, #tpu.memory_space<vmem_shared>>)
      tpu.yield
    }) : () -> ()
    %barrier3A_287 = arith.constant 0 : index
    tpu.barrier barrier_id(%barrier3A_287)
    %scan3A_288 = arith.constant 0 : i32
    %scan3A_289 = arith.constant 5 : i32
    %scan3A_290 = arith.addi %scan3A_288, %scan3A_289 : i32
    %scan3A_291 = arith.constant 1 : i32
    scf.for %scan3A_293 = %scan3A_288 to %scan3A_290 step %scan3A_291  : i32 {
      %mul3A_294 = arith.constant 1 : i32
      %mul3A_295 = arith.muli %scan3A_293, %mul3A_294 : i32
      %add3A_296 = arith.constant 0 : i32
      %add3A_297 = arith.addi %add3A_296, %mul3A_295 : i32
      %mul3A_298 = arith.constant 640 : i32
      %mul3A_299 = arith.muli %arg1, %mul3A_298 : i32
      %mul3A_300 = arith.constant 128 : i32
      %mul3A_301 = arith.muli %add3A_297, %mul3A_300 : i32
      %add3A_302 = arith.addi %mul3A_299, %mul3A_301 : i32
      %mul3A_303 = arith.constant 10240 : i32
      %mul3A_304 = arith.muli %arg0, %mul3A_303 : i32
      %add3A_305 = arith.addi %mul3A_304, %add3A_302 : i32
      "tpu.region"() ({
        %run_scoped3A_306 = tpu.sem_alloc : memref<!tpu.dma_semaphore, #tpu.memory_space<semaphore_mem>>
        %dma_start3A_307 = arith.constant 0 : i32
        %dma_start3A_308 = tpu.memref_slice %arg5[%add3A_305, %dma_start3A_307] : memref<20480x64xf32, #tpu.memory_space<hbm>> -> memref<128x64xf32, #tpu.memory_space<hbm>>
        %dma_start3A_309 = arith.constant 0 : i32
        %dma_start3A_310 = tpu.memref_slice %arg13[%add3A_302, %dma_start3A_309] : memref<10240x64xf32, #tpu.memory_space<vmem_shared>> -> memref<128x64xf32, #tpu.memory_space<vmem_shared>>
        tpu.enqueue_dma source(%dma_start3A_310 : memref<128x64xf32, #tpu.memory_space<vmem_shared>>) target(%dma_start3A_308 : memref<128x64xf32, #tpu.memory_space<hbm>>) target_semaphore(%run_scoped3A_306 : memref<!tpu.dma_semaphore, #tpu.memory_space<semaphore_mem>>)
        %dma_wait3A_311 = arith.constant 0 : i32
        %dma_wait3A_312 = tpu.memref_slice %arg5[%add3A_305, %dma_wait3A_311] : memref<20480x64xf32, #tpu.memory_space<hbm>> -> memref<128x64xf32, #tpu.memory_space<hbm>>
        %dma_wait3A_313 = arith.constant 0 : i32
        %dma_wait3A_314 = tpu.memref_slice %arg13[%add3A_302, %dma_wait3A_313] : memref<10240x64xf32, #tpu.memory_space<vmem_shared>> -> memref<128x64xf32, #tpu.memory_space<vmem_shared>>
        tpu.wait_dma2 semaphore(%run_scoped3A_306 : memref<!tpu.dma_semaphore, #tpu.memory_space<semaphore_mem>>) src(%dma_wait3A_314 : memref<128x64xf32, #tpu.memory_space<vmem_shared>>) dst(%dma_wait3A_312 : memref<128x64xf32, #tpu.memory_space<hbm>>)
        tpu.yield
      }) : () -> ()
    }
    %scan3A_292 = arith.constant 5 : i32
    return
  }
}

#map = affine_map<(d0, d1) -> (0, 0)>
module attributes {stable_mosaic.version = 14 : i64} {
  func.func @_agg_body(%arg0: i32, %arg1: i32, %arg2: memref<20480x32xf32, #tpu.memory_space<hbm>>, %arg3: memref<2560x128xi32, #tpu.memory_space<hbm>>, %arg4: memref<2560x128xi32, #tpu.memory_space<hbm>>, %arg5: memref<20480x32xf32, #tpu.memory_space<hbm>>, %arg6: memref<40x128xi32, #tpu.memory_space<vmem>>, %arg7: memref<40x128xi32, #tpu.memory_space<vmem>>, %arg8: memref<128x32xf32, #tpu.memory_space<vmem>>, %arg9: memref<128x32xf32, #tpu.memory_space<vmem>>, %arg10: memref<128x32xf32, #tpu.memory_space<vmem>>, %arg11: memref<128x32xf32, #tpu.memory_space<vmem>>, %arg12: memref<10240x32xf32, #tpu.memory_space<vmem_shared>>, %arg13: memref<10240x32xf32, #tpu.memory_space<vmem_shared>>, %arg14: memref<!tpu.dma_semaphore, #tpu.memory_space<semaphore_mem>>, %arg15: memref<!tpu.dma_semaphore, #tpu.memory_space<semaphore_mem>>, %arg16: memref<!tpu.dma_semaphore, #tpu.memory_space<semaphore_mem>>, %arg17: memref<!tpu.dma_semaphore, #tpu.memory_space<semaphore_mem>>) attributes {dimension_semantics = [#tpu.dimension_semantics<core_parallel>, #tpu.dimension_semantics<subcore_parallel>], iteration_bounds = array<i64: 2, 16>, scalar_prefetch = 0 : i64, scratch_operands = 12 : i64, tpu.core_type = #tpu.core_type<sc_vector_subcore>, window_params = [{transform_indices = #map}, {transform_indices = #map}, {transform_indices = #map}, {transform_indices = #map}]} {
    %mul3A = arith.constant 10240 : i32
    %mul3A_0 = arith.muli %arg0, %mul3A : i32
    %mul3A_1 = arith.constant 640 : i32
    %mul3A_2 = arith.muli %arg1, %mul3A_1 : i32
    %add3A = arith.addi %mul3A_0, %mul3A_2 : i32
    %mul3A_3 = arith.constant 640 : i32
    %mul3A_4 = arith.muli %arg1, %mul3A_3 : i32
    "tpu.region"() ({
      %run_scoped3A_293 = tpu.sem_alloc : memref<!tpu.dma_semaphore, #tpu.memory_space<semaphore_mem>>
      %dma_start3A_294 = arith.constant 0 : i32
      %dma_start3A_295 = tpu.memref_slice %arg12[%mul3A_4, %dma_start3A_294] : memref<10240x32xf32, #tpu.memory_space<vmem_shared>> -> memref<640x32xf32, #tpu.memory_space<vmem_shared>>
      %dma_start3A_296 = arith.constant 0 : i32
      %dma_start3A_297 = tpu.memref_slice %arg2[%add3A, %dma_start3A_296] : memref<20480x32xf32, #tpu.memory_space<hbm>> -> memref<640x32xf32, #tpu.memory_space<hbm>>
      tpu.enqueue_dma source(%dma_start3A_297 : memref<640x32xf32, #tpu.memory_space<hbm>>) target(%dma_start3A_295 : memref<640x32xf32, #tpu.memory_space<vmem_shared>>) target_semaphore(%run_scoped3A_293 : memref<!tpu.dma_semaphore, #tpu.memory_space<semaphore_mem>>)
      %dma_wait3A_298 = arith.constant 0 : i32
      %dma_wait3A_299 = tpu.memref_slice %arg12[%mul3A_4, %dma_wait3A_298] : memref<10240x32xf32, #tpu.memory_space<vmem_shared>> -> memref<640x32xf32, #tpu.memory_space<vmem_shared>>
      %dma_wait3A_300 = arith.constant 0 : i32
      %dma_wait3A_301 = tpu.memref_slice %arg2[%add3A, %dma_wait3A_300] : memref<20480x32xf32, #tpu.memory_space<hbm>> -> memref<640x32xf32, #tpu.memory_space<hbm>>
      tpu.wait_dma2 semaphore(%run_scoped3A_293 : memref<!tpu.dma_semaphore, #tpu.memory_space<semaphore_mem>>) src(%dma_wait3A_301 : memref<640x32xf32, #tpu.memory_space<hbm>>) dst(%dma_wait3A_299 : memref<640x32xf32, #tpu.memory_space<vmem_shared>>)
      tpu.yield
    }) : () -> ()
    %scan3A = arith.constant 0 : i32
    %scan3A_5 = arith.constant 128 : i32
    %scan3A_6 = arith.addi %scan3A, %scan3A_5 : i32
    %scan3A_7 = arith.constant 1 : i32
    scf.for %scan3A_293 = %scan3A to %scan3A_6 step %scan3A_7  : i32 {
      %mul3A_294 = arith.constant 1 : i32
      %mul3A_295 = arith.muli %scan3A_293, %mul3A_294 : i32
      %add3A_296 = arith.constant 0 : i32
      %add3A_297 = arith.addi %add3A_296, %mul3A_295 : i32
      %scan3A_298 = arith.constant 0 : i32
      %scan3A_299 = arith.constant 2 : i32
      %scan3A_300 = arith.addi %scan3A_298, %scan3A_299 : i32
      %scan3A_301 = arith.constant 1 : i32
      scf.for %scan3A_303 = %scan3A_298 to %scan3A_300 step %scan3A_301  : i32 {
        %mul3A_304 = arith.constant 1 : i32
        %mul3A_305 = arith.muli %scan3A_303, %mul3A_304 : i32
        %add3A_306 = arith.constant 0 : i32
        %add3A_307 = arith.addi %add3A_306, %mul3A_305 : i32
        %broadcast_in_dim3A = arith.constant 0.000000e+00 : f32
        %broadcast_in_dim3A_308 = vector.broadcast %broadcast_in_dim3A : f32 to vector<1x16xf32>
        %mul3A_309 = arith.constant 16 : i32
        %mul3A_310 = arith.muli %add3A_307, %mul3A_309 : i32
        %swap3A = arith.index_cast %add3A_297 : i32 to index
        %swap3A_311 = arith.index_cast %mul3A_310 : i32 to index
        %swap3A_312 = tpu.vector_load %arg8[%swap3A, %swap3A_311] {strides = array<i32>} : memref<128x32xf32, #tpu.memory_space<vmem>>, vector<1x16xf32>,
        %swap3A_313 = vector.shape_cast %swap3A_312 : vector<1x16xf32> to vector<1x16xf32>
        %swap3A_314 = vector.shape_cast %broadcast_in_dim3A_308 : vector<1x16xf32> to vector<1x16xf32>
        tpu.vector_store %arg8[%swap3A, %swap3A_311], %swap3A_314 {strides = array<i32>} : memref<128x32xf32, #tpu.memory_space<vmem>>, vector<1x16xf32>,
      }
      %scan3A_302 = arith.constant 2 : i32
    }
    %scan3A_8 = arith.constant 128 : i32
    %scan3A_9 = arith.constant 0 : i32
    %scan3A_10 = arith.constant 5 : i32
    %scan3A_11 = arith.addi %scan3A_9, %scan3A_10 : i32
    %scan3A_12 = arith.constant 1 : i32
    scf.for %scan3A_293 = %scan3A_9 to %scan3A_11 step %scan3A_12  : i32 {
      %mul3A_294 = arith.constant 1 : i32
      %mul3A_295 = arith.muli %scan3A_293, %mul3A_294 : i32
      %add3A_296 = arith.constant 0 : i32
      %add3A_297 = arith.addi %add3A_296, %mul3A_295 : i32
      %mul3A_298 = arith.constant 640 : i32
      %mul3A_299 = arith.muli %arg1, %mul3A_298 : i32
      %mul3A_300 = arith.constant 128 : i32
      %mul3A_301 = arith.muli %add3A_297, %mul3A_300 : i32
      %add3A_302 = arith.addi %mul3A_299, %mul3A_301 : i32
      "tpu.region"() ({
        %run_scoped3A_303 = tpu.sem_alloc : memref<!tpu.dma_semaphore, #tpu.memory_space<semaphore_mem>>
        %dma_start3A_304 = arith.constant 0 : i32
        %dma_start3A_305 = tpu.memref_slice %arg13[%add3A_302, %dma_start3A_304] : memref<10240x32xf32, #tpu.memory_space<vmem_shared>> -> memref<128x32xf32, #tpu.memory_space<vmem_shared>>
        %dma_start3A_306 = arith.constant 0 : i32
        %dma_start3A_307 = tpu.memref_slice %arg13[%add3A_302, %dma_start3A_306] : memref<10240x32xf32, #tpu.memory_space<vmem_shared>> -> memref<128x32xf32, #tpu.memory_space<vmem_shared>>
        tpu.enqueue_dma source(%arg8 : memref<128x32xf32, #tpu.memory_space<vmem>>) target(%dma_start3A_307 : memref<128x32xf32, #tpu.memory_space<vmem_shared>>) target_semaphore(%run_scoped3A_303 : memref<!tpu.dma_semaphore, #tpu.memory_space<semaphore_mem>>)
        %dma_wait3A_308 = arith.constant 0 : i32
        %dma_wait3A_309 = tpu.memref_slice %arg13[%add3A_302, %dma_wait3A_308] : memref<10240x32xf32, #tpu.memory_space<vmem_shared>> -> memref<128x32xf32, #tpu.memory_space<vmem_shared>>
        %dma_wait3A_310 = arith.constant 0 : i32
        %dma_wait3A_311 = tpu.memref_slice %arg13[%add3A_302, %dma_wait3A_310] : memref<10240x32xf32, #tpu.memory_space<vmem_shared>> -> memref<128x32xf32, #tpu.memory_space<vmem_shared>>
        tpu.wait_dma2 semaphore(%run_scoped3A_303 : memref<!tpu.dma_semaphore, #tpu.memory_space<semaphore_mem>>) src(%arg8 : memref<128x32xf32, #tpu.memory_space<vmem>>) dst(%dma_wait3A_311 : memref<128x32xf32, #tpu.memory_space<vmem_shared>>)
        tpu.yield
      }) : () -> ()
    }
    %scan3A_13 = arith.constant 5 : i32
    %barrier3A = arith.constant 0 : index
    tpu.barrier barrier_id(%barrier3A)
    %mul3A_14 = arith.constant 160 : i32
    %mul3A_15 = arith.muli %arg1, %mul3A_14 : i32
    %add3A_16 = arith.constant 0 : i32
    %add3A_17 = arith.addi %mul3A_15, %add3A_16 : i32
    "tpu.region"() ({
      %run_scoped3A_293 = tpu.sem_alloc : memref<!tpu.dma_semaphore, #tpu.memory_space<semaphore_mem>>
      %dma_start3A_294 = arith.constant 0 : i32
      %dma_start3A_295 = tpu.memref_slice %arg3[%add3A_17, %dma_start3A_294] : memref<2560x128xi32, #tpu.memory_space<hbm>> -> memref<40x128xi32, #tpu.memory_space<hbm>>
      %dma_start3A_296 = arith.constant 0 : i32
      %dma_start3A_297 = tpu.memref_slice %arg3[%add3A_17, %dma_start3A_296] : memref<2560x128xi32, #tpu.memory_space<hbm>> -> memref<40x128xi32, #tpu.memory_space<hbm>>
      tpu.enqueue_dma source(%dma_start3A_297 : memref<40x128xi32, #tpu.memory_space<hbm>>) target(%arg6 : memref<40x128xi32, #tpu.memory_space<vmem>>) target_semaphore(%run_scoped3A_293 : memref<!tpu.dma_semaphore, #tpu.memory_space<semaphore_mem>>)
      %dma_wait3A_298 = arith.constant 0 : i32
      %dma_wait3A_299 = tpu.memref_slice %arg3[%add3A_17, %dma_wait3A_298] : memref<2560x128xi32, #tpu.memory_space<hbm>> -> memref<40x128xi32, #tpu.memory_space<hbm>>
      %dma_wait3A_300 = arith.constant 0 : i32
      %dma_wait3A_301 = tpu.memref_slice %arg3[%add3A_17, %dma_wait3A_300] : memref<2560x128xi32, #tpu.memory_space<hbm>> -> memref<40x128xi32, #tpu.memory_space<hbm>>
      tpu.wait_dma2 semaphore(%run_scoped3A_293 : memref<!tpu.dma_semaphore, #tpu.memory_space<semaphore_mem>>) src(%dma_wait3A_301 : memref<40x128xi32, #tpu.memory_space<hbm>>) dst(%arg6 : memref<40x128xi32, #tpu.memory_space<vmem>>)
      tpu.yield
    }) : () -> ()
    "tpu.region"() ({
      %run_scoped3A_293 = tpu.sem_alloc : memref<!tpu.dma_semaphore, #tpu.memory_space<semaphore_mem>>
      %dma_start3A_294 = arith.constant 0 : i32
      %dma_start3A_295 = tpu.memref_slice %arg4[%add3A_17, %dma_start3A_294] : memref<2560x128xi32, #tpu.memory_space<hbm>> -> memref<40x128xi32, #tpu.memory_space<hbm>>
      %dma_start3A_296 = arith.constant 0 : i32
      %dma_start3A_297 = tpu.memref_slice %arg4[%add3A_17, %dma_start3A_296] : memref<2560x128xi32, #tpu.memory_space<hbm>> -> memref<40x128xi32, #tpu.memory_space<hbm>>
      tpu.enqueue_dma source(%dma_start3A_297 : memref<40x128xi32, #tpu.memory_space<hbm>>) target(%arg7 : memref<40x128xi32, #tpu.memory_space<vmem>>) target_semaphore(%run_scoped3A_293 : memref<!tpu.dma_semaphore, #tpu.memory_space<semaphore_mem>>)
      %dma_wait3A_298 = arith.constant 0 : i32
      %dma_wait3A_299 = tpu.memref_slice %arg4[%add3A_17, %dma_wait3A_298] : memref<2560x128xi32, #tpu.memory_space<hbm>> -> memref<40x128xi32, #tpu.memory_space<hbm>>
      %dma_wait3A_300 = arith.constant 0 : i32
      %dma_wait3A_301 = tpu.memref_slice %arg4[%add3A_17, %dma_wait3A_300] : memref<2560x128xi32, #tpu.memory_space<hbm>> -> memref<40x128xi32, #tpu.memory_space<hbm>>
      tpu.wait_dma2 semaphore(%run_scoped3A_293 : memref<!tpu.dma_semaphore, #tpu.memory_space<semaphore_mem>>) src(%dma_wait3A_301 : memref<40x128xi32, #tpu.memory_space<hbm>>) dst(%arg7 : memref<40x128xi32, #tpu.memory_space<vmem>>)
      tpu.yield
    }) : () -> ()
    %dma_start3A = arith.constant 0 : i32
    %dma_start3A_18 = arith.constant 0 : i32
    %dma_start3A_19 = tpu.memref_slice %arg6[%dma_start3A, %dma_start3A_18] : memref<40x128xi32, #tpu.memory_space<vmem>> -> memref<1x128xi32, #tpu.memory_space<vmem>>
    %dma_start3A_20 = tpu.memref_squeeze %dma_start3A_19 : memref<1x128xi32, #tpu.memory_space<vmem>> -> memref<128xi32, #tpu.memory_space<vmem>>
    %dma_start3A_21 = arith.constant 0 : i32
    %dma_start3A_22 = arith.constant 0 : i32
    %dma_start3A_23 = tpu.memref_slice %arg12[%dma_start3A_21, %dma_start3A_22] : memref<10240x32xf32, #tpu.memory_space<vmem_shared>> -> memref<10240x32xf32, #tpu.memory_space<vmem_shared>>
    tpu.enqueue_indirect_dma source(%dma_start3A_23 : memref<10240x32xf32, #tpu.memory_space<vmem_shared>>) target(%arg8 : memref<128x32xf32, #tpu.memory_space<vmem>>) offsets(%dma_start3A_20 : memref<128xi32, #tpu.memory_space<vmem>>) semaphore(%arg14 : memref<!tpu.dma_semaphore, #tpu.memory_space<semaphore_mem>>)
    %dma_start3A_24 = arith.constant 1 : i32
    %dma_start3A_25 = arith.constant 0 : i32
    %dma_start3A_26 = tpu.memref_slice %arg6[%dma_start3A_24, %dma_start3A_25] : memref<40x128xi32, #tpu.memory_space<vmem>> -> memref<1x128xi32, #tpu.memory_space<vmem>>
    %dma_start3A_27 = tpu.memref_squeeze %dma_start3A_26 : memref<1x128xi32, #tpu.memory_space<vmem>> -> memref<128xi32, #tpu.memory_space<vmem>>
    %dma_start3A_28 = arith.constant 0 : i32
    %dma_start3A_29 = arith.constant 0 : i32
    %dma_start3A_30 = tpu.memref_slice %arg12[%dma_start3A_28, %dma_start3A_29] : memref<10240x32xf32, #tpu.memory_space<vmem_shared>> -> memref<10240x32xf32, #tpu.memory_space<vmem_shared>>
    tpu.enqueue_indirect_dma source(%dma_start3A_30 : memref<10240x32xf32, #tpu.memory_space<vmem_shared>>) target(%arg9 : memref<128x32xf32, #tpu.memory_space<vmem>>) offsets(%dma_start3A_27 : memref<128xi32, #tpu.memory_space<vmem>>) semaphore(%arg15 : memref<!tpu.dma_semaphore, #tpu.memory_space<semaphore_mem>>)
    %dma_start3A_31 = arith.constant 2 : i32
    %dma_start3A_32 = arith.constant 0 : i32
    %dma_start3A_33 = tpu.memref_slice %arg6[%dma_start3A_31, %dma_start3A_32] : memref<40x128xi32, #tpu.memory_space<vmem>> -> memref<1x128xi32, #tpu.memory_space<vmem>>
    %dma_start3A_34 = tpu.memref_squeeze %dma_start3A_33 : memref<1x128xi32, #tpu.memory_space<vmem>> -> memref<128xi32, #tpu.memory_space<vmem>>
    %dma_start3A_35 = arith.constant 0 : i32
    %dma_start3A_36 = arith.constant 0 : i32
    %dma_start3A_37 = tpu.memref_slice %arg12[%dma_start3A_35, %dma_start3A_36] : memref<10240x32xf32, #tpu.memory_space<vmem_shared>> -> memref<10240x32xf32, #tpu.memory_space<vmem_shared>>
    tpu.enqueue_indirect_dma source(%dma_start3A_37 : memref<10240x32xf32, #tpu.memory_space<vmem_shared>>) target(%arg10 : memref<128x32xf32, #tpu.memory_space<vmem>>) offsets(%dma_start3A_34 : memref<128xi32, #tpu.memory_space<vmem>>) semaphore(%arg16 : memref<!tpu.dma_semaphore, #tpu.memory_space<semaphore_mem>>)
    %dma_start3A_38 = arith.constant 3 : i32
    %dma_start3A_39 = arith.constant 0 : i32
    %dma_start3A_40 = tpu.memref_slice %arg6[%dma_start3A_38, %dma_start3A_39] : memref<40x128xi32, #tpu.memory_space<vmem>> -> memref<1x128xi32, #tpu.memory_space<vmem>>
    %dma_start3A_41 = tpu.memref_squeeze %dma_start3A_40 : memref<1x128xi32, #tpu.memory_space<vmem>> -> memref<128xi32, #tpu.memory_space<vmem>>
    %dma_start3A_42 = arith.constant 0 : i32
    %dma_start3A_43 = arith.constant 0 : i32
    %dma_start3A_44 = tpu.memref_slice %arg12[%dma_start3A_42, %dma_start3A_43] : memref<10240x32xf32, #tpu.memory_space<vmem_shared>> -> memref<10240x32xf32, #tpu.memory_space<vmem_shared>>
    tpu.enqueue_indirect_dma source(%dma_start3A_44 : memref<10240x32xf32, #tpu.memory_space<vmem_shared>>) target(%arg11 : memref<128x32xf32, #tpu.memory_space<vmem>>) offsets(%dma_start3A_41 : memref<128xi32, #tpu.memory_space<vmem>>) semaphore(%arg17 : memref<!tpu.dma_semaphore, #tpu.memory_space<semaphore_mem>>)
    %scan3A_45 = arith.constant 0 : i32
    %scan3A_46 = arith.constant 9 : i32
    %scan3A_47 = arith.addi %scan3A_45, %scan3A_46 : i32
    %scan3A_48 = arith.constant 1 : i32
    scf.for %scan3A_293 = %scan3A_45 to %scan3A_47 step %scan3A_48  : i32 {
      %mul3A_294 = arith.constant 4 : i32
      %mul3A_295 = arith.muli %scan3A_293, %mul3A_294 : i32
      %add3A_296 = arith.constant 0 : i32
      %add3A_297 = arith.addi %add3A_296, %mul3A_295 : i32
      %add3A_298 = arith.constant 0 : i32
      %add3A_299 = arith.addi %add3A_297, %add3A_298 : i32
      %dma_wait3A_300 = arith.constant 0 : i32
      %dma_wait3A_301 = tpu.memref_slice %arg6[%add3A_299, %dma_wait3A_300] : memref<40x128xi32, #tpu.memory_space<vmem>> -> memref<1x128xi32, #tpu.memory_space<vmem>>
      %dma_wait3A_302 = tpu.memref_squeeze %dma_wait3A_301 : memref<1x128xi32, #tpu.memory_space<vmem>> -> memref<128xi32, #tpu.memory_space<vmem>>
      %dma_wait3A_303 = arith.constant 0 : i32
      %dma_wait3A_304 = arith.constant 0 : i32
      %dma_wait3A_305 = tpu.memref_slice %arg12[%dma_wait3A_303, %dma_wait3A_304] : memref<10240x32xf32, #tpu.memory_space<vmem_shared>> -> memref<10240x32xf32, #tpu.memory_space<vmem_shared>>
      tpu.wait_indirect_dma semaphore(%arg14 : memref<!tpu.dma_semaphore, #tpu.memory_space<semaphore_mem>>) src(%dma_wait3A_305 : memref<10240x32xf32, #tpu.memory_space<vmem_shared>>) dst(%arg8 : memref<128x32xf32, #tpu.memory_space<vmem>>)
      %add3A_306 = arith.constant 0 : i32
      %add3A_307 = arith.addi %add3A_297, %add3A_306 : i32
      "tpu.region"() ({
        %run_scoped3A_378 = tpu.sem_alloc : memref<!tpu.dma_semaphore, #tpu.memory_space<semaphore_mem>>
        %dma_start3A_379 = arith.constant 0 : i32
        %dma_start3A_380 = tpu.memref_slice %arg7[%add3A_307, %dma_start3A_379] : memref<40x128xi32, #tpu.memory_space<vmem>> -> memref<1x128xi32, #tpu.memory_space<vmem>>
        %dma_start3A_381 = tpu.memref_squeeze %dma_start3A_380 : memref<1x128xi32, #tpu.memory_space<vmem>> -> memref<128xi32, #tpu.memory_space<vmem>>
        %dma_start3A_382 = arith.constant 0 : i32
        %dma_start3A_383 = arith.constant 0 : i32
        %dma_start3A_384 = tpu.memref_slice %arg13[%dma_start3A_382, %dma_start3A_383] : memref<10240x32xf32, #tpu.memory_space<vmem_shared>> -> memref<10240x32xf32, #tpu.memory_space<vmem_shared>>
        tpu.enqueue_indirect_dma source(%arg8 : memref<128x32xf32, #tpu.memory_space<vmem>>) target(%dma_start3A_384 : memref<10240x32xf32, #tpu.memory_space<vmem_shared>>) offsets(%dma_start3A_381 : memref<128xi32, #tpu.memory_space<vmem>>) semaphore(%run_scoped3A_378 : memref<!tpu.dma_semaphore, #tpu.memory_space<semaphore_mem>>) {add = true}
        %dma_wait3A_385 = arith.constant 0 : i32
        %dma_wait3A_386 = tpu.memref_slice %arg7[%add3A_307, %dma_wait3A_385] : memref<40x128xi32, #tpu.memory_space<vmem>> -> memref<1x128xi32, #tpu.memory_space<vmem>>
        %dma_wait3A_387 = tpu.memref_squeeze %dma_wait3A_386 : memref<1x128xi32, #tpu.memory_space<vmem>> -> memref<128xi32, #tpu.memory_space<vmem>>
        %dma_wait3A_388 = arith.constant 0 : i32
        %dma_wait3A_389 = arith.constant 0 : i32
        %dma_wait3A_390 = tpu.memref_slice %arg13[%dma_wait3A_388, %dma_wait3A_389] : memref<10240x32xf32, #tpu.memory_space<vmem_shared>> -> memref<10240x32xf32, #tpu.memory_space<vmem_shared>>
        tpu.wait_indirect_dma semaphore(%run_scoped3A_378 : memref<!tpu.dma_semaphore, #tpu.memory_space<semaphore_mem>>) src(%arg8 : memref<128x32xf32, #tpu.memory_space<vmem>>) dst(%dma_wait3A_390 : memref<10240x32xf32, #tpu.memory_space<vmem_shared>>)
        tpu.yield
      }) : () -> ()
      %add3A_308 = arith.constant 4 : i32
      %add3A_309 = arith.addi %add3A_297, %add3A_308 : i32
      %add3A_310 = arith.constant 0 : i32
      %add3A_311 = arith.addi %add3A_309, %add3A_310 : i32
      %dma_start3A_312 = arith.constant 0 : i32
      %dma_start3A_313 = tpu.memref_slice %arg6[%add3A_311, %dma_start3A_312] : memref<40x128xi32, #tpu.memory_space<vmem>> -> memref<1x128xi32, #tpu.memory_space<vmem>>
      %dma_start3A_314 = tpu.memref_squeeze %dma_start3A_313 : memref<1x128xi32, #tpu.memory_space<vmem>> -> memref<128xi32, #tpu.memory_space<vmem>>
      %dma_start3A_315 = arith.constant 0 : i32
      %dma_start3A_316 = arith.constant 0 : i32
      %dma_start3A_317 = tpu.memref_slice %arg12[%dma_start3A_315, %dma_start3A_316] : memref<10240x32xf32, #tpu.memory_space<vmem_shared>> -> memref<10240x32xf32, #tpu.memory_space<vmem_shared>>
      tpu.enqueue_indirect_dma source(%dma_start3A_317 : memref<10240x32xf32, #tpu.memory_space<vmem_shared>>) target(%arg8 : memref<128x32xf32, #tpu.memory_space<vmem>>) offsets(%dma_start3A_314 : memref<128xi32, #tpu.memory_space<vmem>>) semaphore(%arg14 : memref<!tpu.dma_semaphore, #tpu.memory_space<semaphore_mem>>)
      %add3A_318 = arith.constant 1 : i32
      %add3A_319 = arith.addi %add3A_297, %add3A_318 : i32
      %dma_wait3A_320 = arith.constant 0 : i32
      %dma_wait3A_321 = tpu.memref_slice %arg6[%add3A_319, %dma_wait3A_320] : memref<40x128xi32, #tpu.memory_space<vmem>> -> memref<1x128xi32, #tpu.memory_space<vmem>>
      %dma_wait3A_322 = tpu.memref_squeeze %dma_wait3A_321 : memref<1x128xi32, #tpu.memory_space<vmem>> -> memref<128xi32, #tpu.memory_space<vmem>>
      %dma_wait3A_323 = arith.constant 0 : i32
      %dma_wait3A_324 = arith.constant 0 : i32
      %dma_wait3A_325 = tpu.memref_slice %arg12[%dma_wait3A_323, %dma_wait3A_324] : memref<10240x32xf32, #tpu.memory_space<vmem_shared>> -> memref<10240x32xf32, #tpu.memory_space<vmem_shared>>
      tpu.wait_indirect_dma semaphore(%arg15 : memref<!tpu.dma_semaphore, #tpu.memory_space<semaphore_mem>>) src(%dma_wait3A_325 : memref<10240x32xf32, #tpu.memory_space<vmem_shared>>) dst(%arg9 : memref<128x32xf32, #tpu.memory_space<vmem>>)
      %add3A_326 = arith.constant 1 : i32
      %add3A_327 = arith.addi %add3A_297, %add3A_326 : i32
      "tpu.region"() ({
        %run_scoped3A_378 = tpu.sem_alloc : memref<!tpu.dma_semaphore, #tpu.memory_space<semaphore_mem>>
        %dma_start3A_379 = arith.constant 0 : i32
        %dma_start3A_380 = tpu.memref_slice %arg7[%add3A_327, %dma_start3A_379] : memref<40x128xi32, #tpu.memory_space<vmem>> -> memref<1x128xi32, #tpu.memory_space<vmem>>
        %dma_start3A_381 = tpu.memref_squeeze %dma_start3A_380 : memref<1x128xi32, #tpu.memory_space<vmem>> -> memref<128xi32, #tpu.memory_space<vmem>>
        %dma_start3A_382 = arith.constant 0 : i32
        %dma_start3A_383 = arith.constant 0 : i32
        %dma_start3A_384 = tpu.memref_slice %arg13[%dma_start3A_382, %dma_start3A_383] : memref<10240x32xf32, #tpu.memory_space<vmem_shared>> -> memref<10240x32xf32, #tpu.memory_space<vmem_shared>>
        tpu.enqueue_indirect_dma source(%arg9 : memref<128x32xf32, #tpu.memory_space<vmem>>) target(%dma_start3A_384 : memref<10240x32xf32, #tpu.memory_space<vmem_shared>>) offsets(%dma_start3A_381 : memref<128xi32, #tpu.memory_space<vmem>>) semaphore(%run_scoped3A_378 : memref<!tpu.dma_semaphore, #tpu.memory_space<semaphore_mem>>) {add = true}
        %dma_wait3A_385 = arith.constant 0 : i32
        %dma_wait3A_386 = tpu.memref_slice %arg7[%add3A_327, %dma_wait3A_385] : memref<40x128xi32, #tpu.memory_space<vmem>> -> memref<1x128xi32, #tpu.memory_space<vmem>>
        %dma_wait3A_387 = tpu.memref_squeeze %dma_wait3A_386 : memref<1x128xi32, #tpu.memory_space<vmem>> -> memref<128xi32, #tpu.memory_space<vmem>>
        %dma_wait3A_388 = arith.constant 0 : i32
        %dma_wait3A_389 = arith.constant 0 : i32
        %dma_wait3A_390 = tpu.memref_slice %arg13[%dma_wait3A_388, %dma_wait3A_389] : memref<10240x32xf32, #tpu.memory_space<vmem_shared>> -> memref<10240x32xf32, #tpu.memory_space<vmem_shared>>
        tpu.wait_indirect_dma semaphore(%run_scoped3A_378 : memref<!tpu.dma_semaphore, #tpu.memory_space<semaphore_mem>>) src(%arg9 : memref<128x32xf32, #tpu.memory_space<vmem>>) dst(%dma_wait3A_390 : memref<10240x32xf32, #tpu.memory_space<vmem_shared>>)
        tpu.yield
      }) : () -> ()
      %add3A_328 = arith.constant 4 : i32
      %add3A_329 = arith.addi %add3A_297, %add3A_328 : i32
      %add3A_330 = arith.constant 1 : i32
      %add3A_331 = arith.addi %add3A_329, %add3A_330 : i32
      %dma_start3A_332 = arith.constant 0 : i32
      %dma_start3A_333 = tpu.memref_slice %arg6[%add3A_331, %dma_start3A_332] : memref<40x128xi32, #tpu.memory_space<vmem>> -> memref<1x128xi32, #tpu.memory_space<vmem>>
      %dma_start3A_334 = tpu.memref_squeeze %dma_start3A_333 : memref<1x128xi32, #tpu.memory_space<vmem>> -> memref<128xi32, #tpu.memory_space<vmem>>
      %dma_start3A_335 = arith.constant 0 : i32
      %dma_start3A_336 = arith.constant 0 : i32
      %dma_start3A_337 = tpu.memref_slice %arg12[%dma_start3A_335, %dma_start3A_336] : memref<10240x32xf32, #tpu.memory_space<vmem_shared>> -> memref<10240x32xf32, #tpu.memory_space<vmem_shared>>
      tpu.enqueue_indirect_dma source(%dma_start3A_337 : memref<10240x32xf32, #tpu.memory_space<vmem_shared>>) target(%arg9 : memref<128x32xf32, #tpu.memory_space<vmem>>) offsets(%dma_start3A_334 : memref<128xi32, #tpu.memory_space<vmem>>) semaphore(%arg15 : memref<!tpu.dma_semaphore, #tpu.memory_space<semaphore_mem>>)
      %add3A_338 = arith.constant 2 : i32
      %add3A_339 = arith.addi %add3A_297, %add3A_338 : i32
      %dma_wait3A_340 = arith.constant 0 : i32
      %dma_wait3A_341 = tpu.memref_slice %arg6[%add3A_339, %dma_wait3A_340] : memref<40x128xi32, #tpu.memory_space<vmem>> -> memref<1x128xi32, #tpu.memory_space<vmem>>
      %dma_wait3A_342 = tpu.memref_squeeze %dma_wait3A_341 : memref<1x128xi32, #tpu.memory_space<vmem>> -> memref<128xi32, #tpu.memory_space<vmem>>
      %dma_wait3A_343 = arith.constant 0 : i32
      %dma_wait3A_344 = arith.constant 0 : i32
      %dma_wait3A_345 = tpu.memref_slice %arg12[%dma_wait3A_343, %dma_wait3A_344] : memref<10240x32xf32, #tpu.memory_space<vmem_shared>> -> memref<10240x32xf32, #tpu.memory_space<vmem_shared>>
      tpu.wait_indirect_dma semaphore(%arg16 : memref<!tpu.dma_semaphore, #tpu.memory_space<semaphore_mem>>) src(%dma_wait3A_345 : memref<10240x32xf32, #tpu.memory_space<vmem_shared>>) dst(%arg10 : memref<128x32xf32, #tpu.memory_space<vmem>>)
      %add3A_346 = arith.constant 2 : i32
      %add3A_347 = arith.addi %add3A_297, %add3A_346 : i32
      "tpu.region"() ({
        %run_scoped3A_378 = tpu.sem_alloc : memref<!tpu.dma_semaphore, #tpu.memory_space<semaphore_mem>>
        %dma_start3A_379 = arith.constant 0 : i32
        %dma_start3A_380 = tpu.memref_slice %arg7[%add3A_347, %dma_start3A_379] : memref<40x128xi32, #tpu.memory_space<vmem>> -> memref<1x128xi32, #tpu.memory_space<vmem>>
        %dma_start3A_381 = tpu.memref_squeeze %dma_start3A_380 : memref<1x128xi32, #tpu.memory_space<vmem>> -> memref<128xi32, #tpu.memory_space<vmem>>
        %dma_start3A_382 = arith.constant 0 : i32
        %dma_start3A_383 = arith.constant 0 : i32
        %dma_start3A_384 = tpu.memref_slice %arg13[%dma_start3A_382, %dma_start3A_383] : memref<10240x32xf32, #tpu.memory_space<vmem_shared>> -> memref<10240x32xf32, #tpu.memory_space<vmem_shared>>
        tpu.enqueue_indirect_dma source(%arg10 : memref<128x32xf32, #tpu.memory_space<vmem>>) target(%dma_start3A_384 : memref<10240x32xf32, #tpu.memory_space<vmem_shared>>) offsets(%dma_start3A_381 : memref<128xi32, #tpu.memory_space<vmem>>) semaphore(%run_scoped3A_378 : memref<!tpu.dma_semaphore, #tpu.memory_space<semaphore_mem>>) {add = true}
        %dma_wait3A_385 = arith.constant 0 : i32
        %dma_wait3A_386 = tpu.memref_slice %arg7[%add3A_347, %dma_wait3A_385] : memref<40x128xi32, #tpu.memory_space<vmem>> -> memref<1x128xi32, #tpu.memory_space<vmem>>
        %dma_wait3A_387 = tpu.memref_squeeze %dma_wait3A_386 : memref<1x128xi32, #tpu.memory_space<vmem>> -> memref<128xi32, #tpu.memory_space<vmem>>
        %dma_wait3A_388 = arith.constant 0 : i32
        %dma_wait3A_389 = arith.constant 0 : i32
        %dma_wait3A_390 = tpu.memref_slice %arg13[%dma_wait3A_388, %dma_wait3A_389] : memref<10240x32xf32, #tpu.memory_space<vmem_shared>> -> memref<10240x32xf32, #tpu.memory_space<vmem_shared>>
        tpu.wait_indirect_dma semaphore(%run_scoped3A_378 : memref<!tpu.dma_semaphore, #tpu.memory_space<semaphore_mem>>) src(%arg10 : memref<128x32xf32, #tpu.memory_space<vmem>>) dst(%dma_wait3A_390 : memref<10240x32xf32, #tpu.memory_space<vmem_shared>>)
        tpu.yield
      }) : () -> ()
      %add3A_348 = arith.constant 4 : i32
      %add3A_349 = arith.addi %add3A_297, %add3A_348 : i32
      %add3A_350 = arith.constant 2 : i32
      %add3A_351 = arith.addi %add3A_349, %add3A_350 : i32
      %dma_start3A_352 = arith.constant 0 : i32
      %dma_start3A_353 = tpu.memref_slice %arg6[%add3A_351, %dma_start3A_352] : memref<40x128xi32, #tpu.memory_space<vmem>> -> memref<1x128xi32, #tpu.memory_space<vmem>>
      %dma_start3A_354 = tpu.memref_squeeze %dma_start3A_353 : memref<1x128xi32, #tpu.memory_space<vmem>> -> memref<128xi32, #tpu.memory_space<vmem>>
      %dma_start3A_355 = arith.constant 0 : i32
      %dma_start3A_356 = arith.constant 0 : i32
      %dma_start3A_357 = tpu.memref_slice %arg12[%dma_start3A_355, %dma_start3A_356] : memref<10240x32xf32, #tpu.memory_space<vmem_shared>> -> memref<10240x32xf32, #tpu.memory_space<vmem_shared>>
      tpu.enqueue_indirect_dma source(%dma_start3A_357 : memref<10240x32xf32, #tpu.memory_space<vmem_shared>>) target(%arg10 : memref<128x32xf32, #tpu.memory_space<vmem>>) offsets(%dma_start3A_354 : memref<128xi32, #tpu.memory_space<vmem>>) semaphore(%arg16 : memref<!tpu.dma_semaphore, #tpu.memory_space<semaphore_mem>>)
      %add3A_358 = arith.constant 3 : i32
      %add3A_359 = arith.addi %add3A_297, %add3A_358 : i32
      %dma_wait3A_360 = arith.constant 0 : i32
      %dma_wait3A_361 = tpu.memref_slice %arg6[%add3A_359, %dma_wait3A_360] : memref<40x128xi32, #tpu.memory_space<vmem>> -> memref<1x128xi32, #tpu.memory_space<vmem>>
      %dma_wait3A_362 = tpu.memref_squeeze %dma_wait3A_361 : memref<1x128xi32, #tpu.memory_space<vmem>> -> memref<128xi32, #tpu.memory_space<vmem>>
      %dma_wait3A_363 = arith.constant 0 : i32
      %dma_wait3A_364 = arith.constant 0 : i32
      %dma_wait3A_365 = tpu.memref_slice %arg12[%dma_wait3A_363, %dma_wait3A_364] : memref<10240x32xf32, #tpu.memory_space<vmem_shared>> -> memref<10240x32xf32, #tpu.memory_space<vmem_shared>>
      tpu.wait_indirect_dma semaphore(%arg17 : memref<!tpu.dma_semaphore, #tpu.memory_space<semaphore_mem>>) src(%dma_wait3A_365 : memref<10240x32xf32, #tpu.memory_space<vmem_shared>>) dst(%arg11 : memref<128x32xf32, #tpu.memory_space<vmem>>)
      %add3A_366 = arith.constant 3 : i32
      %add3A_367 = arith.addi %add3A_297, %add3A_366 : i32
      "tpu.region"() ({
        %run_scoped3A_378 = tpu.sem_alloc : memref<!tpu.dma_semaphore, #tpu.memory_space<semaphore_mem>>
        %dma_start3A_379 = arith.constant 0 : i32
        %dma_start3A_380 = tpu.memref_slice %arg7[%add3A_367, %dma_start3A_379] : memref<40x128xi32, #tpu.memory_space<vmem>> -> memref<1x128xi32, #tpu.memory_space<vmem>>
        %dma_start3A_381 = tpu.memref_squeeze %dma_start3A_380 : memref<1x128xi32, #tpu.memory_space<vmem>> -> memref<128xi32, #tpu.memory_space<vmem>>
        %dma_start3A_382 = arith.constant 0 : i32
        %dma_start3A_383 = arith.constant 0 : i32
        %dma_start3A_384 = tpu.memref_slice %arg13[%dma_start3A_382, %dma_start3A_383] : memref<10240x32xf32, #tpu.memory_space<vmem_shared>> -> memref<10240x32xf32, #tpu.memory_space<vmem_shared>>
        tpu.enqueue_indirect_dma source(%arg11 : memref<128x32xf32, #tpu.memory_space<vmem>>) target(%dma_start3A_384 : memref<10240x32xf32, #tpu.memory_space<vmem_shared>>) offsets(%dma_start3A_381 : memref<128xi32, #tpu.memory_space<vmem>>) semaphore(%run_scoped3A_378 : memref<!tpu.dma_semaphore, #tpu.memory_space<semaphore_mem>>) {add = true}
        %dma_wait3A_385 = arith.constant 0 : i32
        %dma_wait3A_386 = tpu.memref_slice %arg7[%add3A_367, %dma_wait3A_385] : memref<40x128xi32, #tpu.memory_space<vmem>> -> memref<1x128xi32, #tpu.memory_space<vmem>>
        %dma_wait3A_387 = tpu.memref_squeeze %dma_wait3A_386 : memref<1x128xi32, #tpu.memory_space<vmem>> -> memref<128xi32, #tpu.memory_space<vmem>>
        %dma_wait3A_388 = arith.constant 0 : i32
        %dma_wait3A_389 = arith.constant 0 : i32
        %dma_wait3A_390 = tpu.memref_slice %arg13[%dma_wait3A_388, %dma_wait3A_389] : memref<10240x32xf32, #tpu.memory_space<vmem_shared>> -> memref<10240x32xf32, #tpu.memory_space<vmem_shared>>
        tpu.wait_indirect_dma semaphore(%run_scoped3A_378 : memref<!tpu.dma_semaphore, #tpu.memory_space<semaphore_mem>>) src(%arg11 : memref<128x32xf32, #tpu.memory_space<vmem>>) dst(%dma_wait3A_390 : memref<10240x32xf32, #tpu.memory_space<vmem_shared>>)
        tpu.yield
      }) : () -> ()
      %add3A_368 = arith.constant 4 : i32
      %add3A_369 = arith.addi %add3A_297, %add3A_368 : i32
      %add3A_370 = arith.constant 3 : i32
      %add3A_371 = arith.addi %add3A_369, %add3A_370 : i32
      %dma_start3A_372 = arith.constant 0 : i32
      %dma_start3A_373 = tpu.memref_slice %arg6[%add3A_371, %dma_start3A_372] : memref<40x128xi32, #tpu.memory_space<vmem>> -> memref<1x128xi32, #tpu.memory_space<vmem>>
      %dma_start3A_374 = tpu.memref_squeeze %dma_start3A_373 : memref<1x128xi32, #tpu.memory_space<vmem>> -> memref<128xi32, #tpu.memory_space<vmem>>
      %dma_start3A_375 = arith.constant 0 : i32
      %dma_start3A_376 = arith.constant 0 : i32
      %dma_start3A_377 = tpu.memref_slice %arg12[%dma_start3A_375, %dma_start3A_376] : memref<10240x32xf32, #tpu.memory_space<vmem_shared>> -> memref<10240x32xf32, #tpu.memory_space<vmem_shared>>
      tpu.enqueue_indirect_dma source(%dma_start3A_377 : memref<10240x32xf32, #tpu.memory_space<vmem_shared>>) target(%arg11 : memref<128x32xf32, #tpu.memory_space<vmem>>) offsets(%dma_start3A_374 : memref<128xi32, #tpu.memory_space<vmem>>) semaphore(%arg17 : memref<!tpu.dma_semaphore, #tpu.memory_space<semaphore_mem>>)
    }
    %scan3A_49 = arith.constant 9 : i32
    %dma_wait3A = arith.constant 36 : i32
    %dma_wait3A_50 = arith.constant 0 : i32
    %dma_wait3A_51 = tpu.memref_slice %arg6[%dma_wait3A, %dma_wait3A_50] : memref<40x128xi32, #tpu.memory_space<vmem>> -> memref<1x128xi32, #tpu.memory_space<vmem>>
    %dma_wait3A_52 = tpu.memref_squeeze %dma_wait3A_51 : memref<1x128xi32, #tpu.memory_space<vmem>> -> memref<128xi32, #tpu.memory_space<vmem>>
    %dma_wait3A_53 = arith.constant 0 : i32
    %dma_wait3A_54 = arith.constant 0 : i32
    %dma_wait3A_55 = tpu.memref_slice %arg12[%dma_wait3A_53, %dma_wait3A_54] : memref<10240x32xf32, #tpu.memory_space<vmem_shared>> -> memref<10240x32xf32, #tpu.memory_space<vmem_shared>>
    tpu.wait_indirect_dma semaphore(%arg14 : memref<!tpu.dma_semaphore, #tpu.memory_space<semaphore_mem>>) src(%dma_wait3A_55 : memref<10240x32xf32, #tpu.memory_space<vmem_shared>>) dst(%arg8 : memref<128x32xf32, #tpu.memory_space<vmem>>)
    %run_scoped3A = arith.constant 36 : i32
    "tpu.region"() ({
      %run_scoped3A_293 = tpu.sem_alloc : memref<!tpu.dma_semaphore, #tpu.memory_space<semaphore_mem>>
      %dma_start3A_294 = arith.constant 0 : i32
      %dma_start3A_295 = tpu.memref_slice %arg7[%run_scoped3A, %dma_start3A_294] : memref<40x128xi32, #tpu.memory_space<vmem>> -> memref<1x128xi32, #tpu.memory_space<vmem>>
      %dma_start3A_296 = tpu.memref_squeeze %dma_start3A_295 : memref<1x128xi32, #tpu.memory_space<vmem>> -> memref<128xi32, #tpu.memory_space<vmem>>
      %dma_start3A_297 = arith.constant 0 : i32
      %dma_start3A_298 = arith.constant 0 : i32
      %dma_start3A_299 = tpu.memref_slice %arg13[%dma_start3A_297, %dma_start3A_298] : memref<10240x32xf32, #tpu.memory_space<vmem_shared>> -> memref<10240x32xf32, #tpu.memory_space<vmem_shared>>
      tpu.enqueue_indirect_dma source(%arg8 : memref<128x32xf32, #tpu.memory_space<vmem>>) target(%dma_start3A_299 : memref<10240x32xf32, #tpu.memory_space<vmem_shared>>) offsets(%dma_start3A_296 : memref<128xi32, #tpu.memory_space<vmem>>) semaphore(%run_scoped3A_293 : memref<!tpu.dma_semaphore, #tpu.memory_space<semaphore_mem>>) {add = true}
      %dma_wait3A_300 = arith.constant 0 : i32
      %dma_wait3A_301 = tpu.memref_slice %arg7[%run_scoped3A, %dma_wait3A_300] : memref<40x128xi32, #tpu.memory_space<vmem>> -> memref<1x128xi32, #tpu.memory_space<vmem>>
      %dma_wait3A_302 = tpu.memref_squeeze %dma_wait3A_301 : memref<1x128xi32, #tpu.memory_space<vmem>> -> memref<128xi32, #tpu.memory_space<vmem>>
      %dma_wait3A_303 = arith.constant 0 : i32
      %dma_wait3A_304 = arith.constant 0 : i32
      %dma_wait3A_305 = tpu.memref_slice %arg13[%dma_wait3A_303, %dma_wait3A_304] : memref<10240x32xf32, #tpu.memory_space<vmem_shared>> -> memref<10240x32xf32, #tpu.memory_space<vmem_shared>>
      tpu.wait_indirect_dma semaphore(%run_scoped3A_293 : memref<!tpu.dma_semaphore, #tpu.memory_space<semaphore_mem>>) src(%arg8 : memref<128x32xf32, #tpu.memory_space<vmem>>) dst(%dma_wait3A_305 : memref<10240x32xf32, #tpu.memory_space<vmem_shared>>)
      tpu.yield
    }) : () -> ()
    %dma_wait3A_56 = arith.constant 37 : i32
    %dma_wait3A_57 = arith.constant 0 : i32
    %dma_wait3A_58 = tpu.memref_slice %arg6[%dma_wait3A_56, %dma_wait3A_57] : memref<40x128xi32, #tpu.memory_space<vmem>> -> memref<1x128xi32, #tpu.memory_space<vmem>>
    %dma_wait3A_59 = tpu.memref_squeeze %dma_wait3A_58 : memref<1x128xi32, #tpu.memory_space<vmem>> -> memref<128xi32, #tpu.memory_space<vmem>>
    %dma_wait3A_60 = arith.constant 0 : i32
    %dma_wait3A_61 = arith.constant 0 : i32
    %dma_wait3A_62 = tpu.memref_slice %arg12[%dma_wait3A_60, %dma_wait3A_61] : memref<10240x32xf32, #tpu.memory_space<vmem_shared>> -> memref<10240x32xf32, #tpu.memory_space<vmem_shared>>
    tpu.wait_indirect_dma semaphore(%arg15 : memref<!tpu.dma_semaphore, #tpu.memory_space<semaphore_mem>>) src(%dma_wait3A_62 : memref<10240x32xf32, #tpu.memory_space<vmem_shared>>) dst(%arg9 : memref<128x32xf32, #tpu.memory_space<vmem>>)
    %run_scoped3A_63 = arith.constant 37 : i32
    "tpu.region"() ({
      %run_scoped3A_293 = tpu.sem_alloc : memref<!tpu.dma_semaphore, #tpu.memory_space<semaphore_mem>>
      %dma_start3A_294 = arith.constant 0 : i32
      %dma_start3A_295 = tpu.memref_slice %arg7[%run_scoped3A_63, %dma_start3A_294] : memref<40x128xi32, #tpu.memory_space<vmem>> -> memref<1x128xi32, #tpu.memory_space<vmem>>
      %dma_start3A_296 = tpu.memref_squeeze %dma_start3A_295 : memref<1x128xi32, #tpu.memory_space<vmem>> -> memref<128xi32, #tpu.memory_space<vmem>>
      %dma_start3A_297 = arith.constant 0 : i32
      %dma_start3A_298 = arith.constant 0 : i32
      %dma_start3A_299 = tpu.memref_slice %arg13[%dma_start3A_297, %dma_start3A_298] : memref<10240x32xf32, #tpu.memory_space<vmem_shared>> -> memref<10240x32xf32, #tpu.memory_space<vmem_shared>>
      tpu.enqueue_indirect_dma source(%arg9 : memref<128x32xf32, #tpu.memory_space<vmem>>) target(%dma_start3A_299 : memref<10240x32xf32, #tpu.memory_space<vmem_shared>>) offsets(%dma_start3A_296 : memref<128xi32, #tpu.memory_space<vmem>>) semaphore(%run_scoped3A_293 : memref<!tpu.dma_semaphore, #tpu.memory_space<semaphore_mem>>) {add = true}
      %dma_wait3A_300 = arith.constant 0 : i32
      %dma_wait3A_301 = tpu.memref_slice %arg7[%run_scoped3A_63, %dma_wait3A_300] : memref<40x128xi32, #tpu.memory_space<vmem>> -> memref<1x128xi32, #tpu.memory_space<vmem>>
      %dma_wait3A_302 = tpu.memref_squeeze %dma_wait3A_301 : memref<1x128xi32, #tpu.memory_space<vmem>> -> memref<128xi32, #tpu.memory_space<vmem>>
      %dma_wait3A_303 = arith.constant 0 : i32
      %dma_wait3A_304 = arith.constant 0 : i32
      %dma_wait3A_305 = tpu.memref_slice %arg13[%dma_wait3A_303, %dma_wait3A_304] : memref<10240x32xf32, #tpu.memory_space<vmem_shared>> -> memref<10240x32xf32, #tpu.memory_space<vmem_shared>>
      tpu.wait_indirect_dma semaphore(%run_scoped3A_293 : memref<!tpu.dma_semaphore, #tpu.memory_space<semaphore_mem>>) src(%arg9 : memref<128x32xf32, #tpu.memory_space<vmem>>) dst(%dma_wait3A_305 : memref<10240x32xf32, #tpu.memory_space<vmem_shared>>)
      tpu.yield
    }) : () -> ()
    %dma_wait3A_64 = arith.constant 38 : i32
    %dma_wait3A_65 = arith.constant 0 : i32
    %dma_wait3A_66 = tpu.memref_slice %arg6[%dma_wait3A_64, %dma_wait3A_65] : memref<40x128xi32, #tpu.memory_space<vmem>> -> memref<1x128xi32, #tpu.memory_space<vmem>>
    %dma_wait3A_67 = tpu.memref_squeeze %dma_wait3A_66 : memref<1x128xi32, #tpu.memory_space<vmem>> -> memref<128xi32, #tpu.memory_space<vmem>>
    %dma_wait3A_68 = arith.constant 0 : i32
    %dma_wait3A_69 = arith.constant 0 : i32
    %dma_wait3A_70 = tpu.memref_slice %arg12[%dma_wait3A_68, %dma_wait3A_69] : memref<10240x32xf32, #tpu.memory_space<vmem_shared>> -> memref<10240x32xf32, #tpu.memory_space<vmem_shared>>
    tpu.wait_indirect_dma semaphore(%arg16 : memref<!tpu.dma_semaphore, #tpu.memory_space<semaphore_mem>>) src(%dma_wait3A_70 : memref<10240x32xf32, #tpu.memory_space<vmem_shared>>) dst(%arg10 : memref<128x32xf32, #tpu.memory_space<vmem>>)
    %run_scoped3A_71 = arith.constant 38 : i32
    "tpu.region"() ({
      %run_scoped3A_293 = tpu.sem_alloc : memref<!tpu.dma_semaphore, #tpu.memory_space<semaphore_mem>>
      %dma_start3A_294 = arith.constant 0 : i32
      %dma_start3A_295 = tpu.memref_slice %arg7[%run_scoped3A_71, %dma_start3A_294] : memref<40x128xi32, #tpu.memory_space<vmem>> -> memref<1x128xi32, #tpu.memory_space<vmem>>
      %dma_start3A_296 = tpu.memref_squeeze %dma_start3A_295 : memref<1x128xi32, #tpu.memory_space<vmem>> -> memref<128xi32, #tpu.memory_space<vmem>>
      %dma_start3A_297 = arith.constant 0 : i32
      %dma_start3A_298 = arith.constant 0 : i32
      %dma_start3A_299 = tpu.memref_slice %arg13[%dma_start3A_297, %dma_start3A_298] : memref<10240x32xf32, #tpu.memory_space<vmem_shared>> -> memref<10240x32xf32, #tpu.memory_space<vmem_shared>>
      tpu.enqueue_indirect_dma source(%arg10 : memref<128x32xf32, #tpu.memory_space<vmem>>) target(%dma_start3A_299 : memref<10240x32xf32, #tpu.memory_space<vmem_shared>>) offsets(%dma_start3A_296 : memref<128xi32, #tpu.memory_space<vmem>>) semaphore(%run_scoped3A_293 : memref<!tpu.dma_semaphore, #tpu.memory_space<semaphore_mem>>) {add = true}
      %dma_wait3A_300 = arith.constant 0 : i32
      %dma_wait3A_301 = tpu.memref_slice %arg7[%run_scoped3A_71, %dma_wait3A_300] : memref<40x128xi32, #tpu.memory_space<vmem>> -> memref<1x128xi32, #tpu.memory_space<vmem>>
      %dma_wait3A_302 = tpu.memref_squeeze %dma_wait3A_301 : memref<1x128xi32, #tpu.memory_space<vmem>> -> memref<128xi32, #tpu.memory_space<vmem>>
      %dma_wait3A_303 = arith.constant 0 : i32
      %dma_wait3A_304 = arith.constant 0 : i32
      %dma_wait3A_305 = tpu.memref_slice %arg13[%dma_wait3A_303, %dma_wait3A_304] : memref<10240x32xf32, #tpu.memory_space<vmem_shared>> -> memref<10240x32xf32, #tpu.memory_space<vmem_shared>>
      tpu.wait_indirect_dma semaphore(%run_scoped3A_293 : memref<!tpu.dma_semaphore, #tpu.memory_space<semaphore_mem>>) src(%arg10 : memref<128x32xf32, #tpu.memory_space<vmem>>) dst(%dma_wait3A_305 : memref<10240x32xf32, #tpu.memory_space<vmem_shared>>)
      tpu.yield
    }) : () -> ()
    %dma_wait3A_72 = arith.constant 39 : i32
    %dma_wait3A_73 = arith.constant 0 : i32
    %dma_wait3A_74 = tpu.memref_slice %arg6[%dma_wait3A_72, %dma_wait3A_73] : memref<40x128xi32, #tpu.memory_space<vmem>> -> memref<1x128xi32, #tpu.memory_space<vmem>>
    %dma_wait3A_75 = tpu.memref_squeeze %dma_wait3A_74 : memref<1x128xi32, #tpu.memory_space<vmem>> -> memref<128xi32, #tpu.memory_space<vmem>>
    %dma_wait3A_76 = arith.constant 0 : i32
    %dma_wait3A_77 = arith.constant 0 : i32
    %dma_wait3A_78 = tpu.memref_slice %arg12[%dma_wait3A_76, %dma_wait3A_77] : memref<10240x32xf32, #tpu.memory_space<vmem_shared>> -> memref<10240x32xf32, #tpu.memory_space<vmem_shared>>
    tpu.wait_indirect_dma semaphore(%arg17 : memref<!tpu.dma_semaphore, #tpu.memory_space<semaphore_mem>>) src(%dma_wait3A_78 : memref<10240x32xf32, #tpu.memory_space<vmem_shared>>) dst(%arg11 : memref<128x32xf32, #tpu.memory_space<vmem>>)
    %run_scoped3A_79 = arith.constant 39 : i32
    "tpu.region"() ({
      %run_scoped3A_293 = tpu.sem_alloc : memref<!tpu.dma_semaphore, #tpu.memory_space<semaphore_mem>>
      %dma_start3A_294 = arith.constant 0 : i32
      %dma_start3A_295 = tpu.memref_slice %arg7[%run_scoped3A_79, %dma_start3A_294] : memref<40x128xi32, #tpu.memory_space<vmem>> -> memref<1x128xi32, #tpu.memory_space<vmem>>
      %dma_start3A_296 = tpu.memref_squeeze %dma_start3A_295 : memref<1x128xi32, #tpu.memory_space<vmem>> -> memref<128xi32, #tpu.memory_space<vmem>>
      %dma_start3A_297 = arith.constant 0 : i32
      %dma_start3A_298 = arith.constant 0 : i32
      %dma_start3A_299 = tpu.memref_slice %arg13[%dma_start3A_297, %dma_start3A_298] : memref<10240x32xf32, #tpu.memory_space<vmem_shared>> -> memref<10240x32xf32, #tpu.memory_space<vmem_shared>>
      tpu.enqueue_indirect_dma source(%arg11 : memref<128x32xf32, #tpu.memory_space<vmem>>) target(%dma_start3A_299 : memref<10240x32xf32, #tpu.memory_space<vmem_shared>>) offsets(%dma_start3A_296 : memref<128xi32, #tpu.memory_space<vmem>>) semaphore(%run_scoped3A_293 : memref<!tpu.dma_semaphore, #tpu.memory_space<semaphore_mem>>) {add = true}
      %dma_wait3A_300 = arith.constant 0 : i32
      %dma_wait3A_301 = tpu.memref_slice %arg7[%run_scoped3A_79, %dma_wait3A_300] : memref<40x128xi32, #tpu.memory_space<vmem>> -> memref<1x128xi32, #tpu.memory_space<vmem>>
      %dma_wait3A_302 = tpu.memref_squeeze %dma_wait3A_301 : memref<1x128xi32, #tpu.memory_space<vmem>> -> memref<128xi32, #tpu.memory_space<vmem>>
      %dma_wait3A_303 = arith.constant 0 : i32
      %dma_wait3A_304 = arith.constant 0 : i32
      %dma_wait3A_305 = tpu.memref_slice %arg13[%dma_wait3A_303, %dma_wait3A_304] : memref<10240x32xf32, #tpu.memory_space<vmem_shared>> -> memref<10240x32xf32, #tpu.memory_space<vmem_shared>>
      tpu.wait_indirect_dma semaphore(%run_scoped3A_293 : memref<!tpu.dma_semaphore, #tpu.memory_space<semaphore_mem>>) src(%arg11 : memref<128x32xf32, #tpu.memory_space<vmem>>) dst(%dma_wait3A_305 : memref<10240x32xf32, #tpu.memory_space<vmem_shared>>)
      tpu.yield
    }) : () -> ()
    %mul3A_80 = arith.constant 160 : i32
    %mul3A_81 = arith.muli %arg1, %mul3A_80 : i32
    %add3A_82 = arith.constant 40 : i32
    %add3A_83 = arith.addi %mul3A_81, %add3A_82 : i32
    "tpu.region"() ({
      %run_scoped3A_293 = tpu.sem_alloc : memref<!tpu.dma_semaphore, #tpu.memory_space<semaphore_mem>>
      %dma_start3A_294 = arith.constant 0 : i32
      %dma_start3A_295 = tpu.memref_slice %arg3[%add3A_83, %dma_start3A_294] : memref<2560x128xi32, #tpu.memory_space<hbm>> -> memref<40x128xi32, #tpu.memory_space<hbm>>
      %dma_start3A_296 = arith.constant 0 : i32
      %dma_start3A_297 = tpu.memref_slice %arg3[%add3A_83, %dma_start3A_296] : memref<2560x128xi32, #tpu.memory_space<hbm>> -> memref<40x128xi32, #tpu.memory_space<hbm>>
      tpu.enqueue_dma source(%dma_start3A_297 : memref<40x128xi32, #tpu.memory_space<hbm>>) target(%arg6 : memref<40x128xi32, #tpu.memory_space<vmem>>) target_semaphore(%run_scoped3A_293 : memref<!tpu.dma_semaphore, #tpu.memory_space<semaphore_mem>>)
      %dma_wait3A_298 = arith.constant 0 : i32
      %dma_wait3A_299 = tpu.memref_slice %arg3[%add3A_83, %dma_wait3A_298] : memref<2560x128xi32, #tpu.memory_space<hbm>> -> memref<40x128xi32, #tpu.memory_space<hbm>>
      %dma_wait3A_300 = arith.constant 0 : i32
      %dma_wait3A_301 = tpu.memref_slice %arg3[%add3A_83, %dma_wait3A_300] : memref<2560x128xi32, #tpu.memory_space<hbm>> -> memref<40x128xi32, #tpu.memory_space<hbm>>
      tpu.wait_dma2 semaphore(%run_scoped3A_293 : memref<!tpu.dma_semaphore, #tpu.memory_space<semaphore_mem>>) src(%dma_wait3A_301 : memref<40x128xi32, #tpu.memory_space<hbm>>) dst(%arg6 : memref<40x128xi32, #tpu.memory_space<vmem>>)
      tpu.yield
    }) : () -> ()
    "tpu.region"() ({
      %run_scoped3A_293 = tpu.sem_alloc : memref<!tpu.dma_semaphore, #tpu.memory_space<semaphore_mem>>
      %dma_start3A_294 = arith.constant 0 : i32
      %dma_start3A_295 = tpu.memref_slice %arg4[%add3A_83, %dma_start3A_294] : memref<2560x128xi32, #tpu.memory_space<hbm>> -> memref<40x128xi32, #tpu.memory_space<hbm>>
      %dma_start3A_296 = arith.constant 0 : i32
      %dma_start3A_297 = tpu.memref_slice %arg4[%add3A_83, %dma_start3A_296] : memref<2560x128xi32, #tpu.memory_space<hbm>> -> memref<40x128xi32, #tpu.memory_space<hbm>>
      tpu.enqueue_dma source(%dma_start3A_297 : memref<40x128xi32, #tpu.memory_space<hbm>>) target(%arg7 : memref<40x128xi32, #tpu.memory_space<vmem>>) target_semaphore(%run_scoped3A_293 : memref<!tpu.dma_semaphore, #tpu.memory_space<semaphore_mem>>)
      %dma_wait3A_298 = arith.constant 0 : i32
      %dma_wait3A_299 = tpu.memref_slice %arg4[%add3A_83, %dma_wait3A_298] : memref<2560x128xi32, #tpu.memory_space<hbm>> -> memref<40x128xi32, #tpu.memory_space<hbm>>
      %dma_wait3A_300 = arith.constant 0 : i32
      %dma_wait3A_301 = tpu.memref_slice %arg4[%add3A_83, %dma_wait3A_300] : memref<2560x128xi32, #tpu.memory_space<hbm>> -> memref<40x128xi32, #tpu.memory_space<hbm>>
      tpu.wait_dma2 semaphore(%run_scoped3A_293 : memref<!tpu.dma_semaphore, #tpu.memory_space<semaphore_mem>>) src(%dma_wait3A_301 : memref<40x128xi32, #tpu.memory_space<hbm>>) dst(%arg7 : memref<40x128xi32, #tpu.memory_space<vmem>>)
      tpu.yield
    }) : () -> ()
    %dma_start3A_84 = arith.constant 0 : i32
    %dma_start3A_85 = arith.constant 0 : i32
    %dma_start3A_86 = tpu.memref_slice %arg6[%dma_start3A_84, %dma_start3A_85] : memref<40x128xi32, #tpu.memory_space<vmem>> -> memref<1x128xi32, #tpu.memory_space<vmem>>
    %dma_start3A_87 = tpu.memref_squeeze %dma_start3A_86 : memref<1x128xi32, #tpu.memory_space<vmem>> -> memref<128xi32, #tpu.memory_space<vmem>>
    %dma_start3A_88 = arith.constant 0 : i32
    %dma_start3A_89 = arith.constant 0 : i32
    %dma_start3A_90 = tpu.memref_slice %arg12[%dma_start3A_88, %dma_start3A_89] : memref<10240x32xf32, #tpu.memory_space<vmem_shared>> -> memref<10240x32xf32, #tpu.memory_space<vmem_shared>>
    tpu.enqueue_indirect_dma source(%dma_start3A_90 : memref<10240x32xf32, #tpu.memory_space<vmem_shared>>) target(%arg8 : memref<128x32xf32, #tpu.memory_space<vmem>>) offsets(%dma_start3A_87 : memref<128xi32, #tpu.memory_space<vmem>>) semaphore(%arg14 : memref<!tpu.dma_semaphore, #tpu.memory_space<semaphore_mem>>)
    %dma_start3A_91 = arith.constant 1 : i32
    %dma_start3A_92 = arith.constant 0 : i32
    %dma_start3A_93 = tpu.memref_slice %arg6[%dma_start3A_91, %dma_start3A_92] : memref<40x128xi32, #tpu.memory_space<vmem>> -> memref<1x128xi32, #tpu.memory_space<vmem>>
    %dma_start3A_94 = tpu.memref_squeeze %dma_start3A_93 : memref<1x128xi32, #tpu.memory_space<vmem>> -> memref<128xi32, #tpu.memory_space<vmem>>
    %dma_start3A_95 = arith.constant 0 : i32
    %dma_start3A_96 = arith.constant 0 : i32
    %dma_start3A_97 = tpu.memref_slice %arg12[%dma_start3A_95, %dma_start3A_96] : memref<10240x32xf32, #tpu.memory_space<vmem_shared>> -> memref<10240x32xf32, #tpu.memory_space<vmem_shared>>
    tpu.enqueue_indirect_dma source(%dma_start3A_97 : memref<10240x32xf32, #tpu.memory_space<vmem_shared>>) target(%arg9 : memref<128x32xf32, #tpu.memory_space<vmem>>) offsets(%dma_start3A_94 : memref<128xi32, #tpu.memory_space<vmem>>) semaphore(%arg15 : memref<!tpu.dma_semaphore, #tpu.memory_space<semaphore_mem>>)
    %dma_start3A_98 = arith.constant 2 : i32
    %dma_start3A_99 = arith.constant 0 : i32
    %dma_start3A_100 = tpu.memref_slice %arg6[%dma_start3A_98, %dma_start3A_99] : memref<40x128xi32, #tpu.memory_space<vmem>> -> memref<1x128xi32, #tpu.memory_space<vmem>>
    %dma_start3A_101 = tpu.memref_squeeze %dma_start3A_100 : memref<1x128xi32, #tpu.memory_space<vmem>> -> memref<128xi32, #tpu.memory_space<vmem>>
    %dma_start3A_102 = arith.constant 0 : i32
    %dma_start3A_103 = arith.constant 0 : i32
    %dma_start3A_104 = tpu.memref_slice %arg12[%dma_start3A_102, %dma_start3A_103] : memref<10240x32xf32, #tpu.memory_space<vmem_shared>> -> memref<10240x32xf32, #tpu.memory_space<vmem_shared>>
    tpu.enqueue_indirect_dma source(%dma_start3A_104 : memref<10240x32xf32, #tpu.memory_space<vmem_shared>>) target(%arg10 : memref<128x32xf32, #tpu.memory_space<vmem>>) offsets(%dma_start3A_101 : memref<128xi32, #tpu.memory_space<vmem>>) semaphore(%arg16 : memref<!tpu.dma_semaphore, #tpu.memory_space<semaphore_mem>>)
    %dma_start3A_105 = arith.constant 3 : i32
    %dma_start3A_106 = arith.constant 0 : i32
    %dma_start3A_107 = tpu.memref_slice %arg6[%dma_start3A_105, %dma_start3A_106] : memref<40x128xi32, #tpu.memory_space<vmem>> -> memref<1x128xi32, #tpu.memory_space<vmem>>
    %dma_start3A_108 = tpu.memref_squeeze %dma_start3A_107 : memref<1x128xi32, #tpu.memory_space<vmem>> -> memref<128xi32, #tpu.memory_space<vmem>>
    %dma_start3A_109 = arith.constant 0 : i32
    %dma_start3A_110 = arith.constant 0 : i32
    %dma_start3A_111 = tpu.memref_slice %arg12[%dma_start3A_109, %dma_start3A_110] : memref<10240x32xf32, #tpu.memory_space<vmem_shared>> -> memref<10240x32xf32, #tpu.memory_space<vmem_shared>>
    tpu.enqueue_indirect_dma source(%dma_start3A_111 : memref<10240x32xf32, #tpu.memory_space<vmem_shared>>) target(%arg11 : memref<128x32xf32, #tpu.memory_space<vmem>>) offsets(%dma_start3A_108 : memref<128xi32, #tpu.memory_space<vmem>>) semaphore(%arg17 : memref<!tpu.dma_semaphore, #tpu.memory_space<semaphore_mem>>)
    %scan3A_112 = arith.constant 0 : i32
    %scan3A_113 = arith.constant 9 : i32
    %scan3A_114 = arith.addi %scan3A_112, %scan3A_113 : i32
    %scan3A_115 = arith.constant 1 : i32
    scf.for %scan3A_293 = %scan3A_112 to %scan3A_114 step %scan3A_115  : i32 {
      %mul3A_294 = arith.constant 4 : i32
      %mul3A_295 = arith.muli %scan3A_293, %mul3A_294 : i32
      %add3A_296 = arith.constant 0 : i32
      %add3A_297 = arith.addi %add3A_296, %mul3A_295 : i32
      %add3A_298 = arith.constant 0 : i32
      %add3A_299 = arith.addi %add3A_297, %add3A_298 : i32
      %dma_wait3A_300 = arith.constant 0 : i32
      %dma_wait3A_301 = tpu.memref_slice %arg6[%add3A_299, %dma_wait3A_300] : memref<40x128xi32, #tpu.memory_space<vmem>> -> memref<1x128xi32, #tpu.memory_space<vmem>>
      %dma_wait3A_302 = tpu.memref_squeeze %dma_wait3A_301 : memref<1x128xi32, #tpu.memory_space<vmem>> -> memref<128xi32, #tpu.memory_space<vmem>>
      %dma_wait3A_303 = arith.constant 0 : i32
      %dma_wait3A_304 = arith.constant 0 : i32
      %dma_wait3A_305 = tpu.memref_slice %arg12[%dma_wait3A_303, %dma_wait3A_304] : memref<10240x32xf32, #tpu.memory_space<vmem_shared>> -> memref<10240x32xf32, #tpu.memory_space<vmem_shared>>
      tpu.wait_indirect_dma semaphore(%arg14 : memref<!tpu.dma_semaphore, #tpu.memory_space<semaphore_mem>>) src(%dma_wait3A_305 : memref<10240x32xf32, #tpu.memory_space<vmem_shared>>) dst(%arg8 : memref<128x32xf32, #tpu.memory_space<vmem>>)
      %add3A_306 = arith.constant 0 : i32
      %add3A_307 = arith.addi %add3A_297, %add3A_306 : i32
      "tpu.region"() ({
        %run_scoped3A_378 = tpu.sem_alloc : memref<!tpu.dma_semaphore, #tpu.memory_space<semaphore_mem>>
        %dma_start3A_379 = arith.constant 0 : i32
        %dma_start3A_380 = tpu.memref_slice %arg7[%add3A_307, %dma_start3A_379] : memref<40x128xi32, #tpu.memory_space<vmem>> -> memref<1x128xi32, #tpu.memory_space<vmem>>
        %dma_start3A_381 = tpu.memref_squeeze %dma_start3A_380 : memref<1x128xi32, #tpu.memory_space<vmem>> -> memref<128xi32, #tpu.memory_space<vmem>>
        %dma_start3A_382 = arith.constant 0 : i32
        %dma_start3A_383 = arith.constant 0 : i32
        %dma_start3A_384 = tpu.memref_slice %arg13[%dma_start3A_382, %dma_start3A_383] : memref<10240x32xf32, #tpu.memory_space<vmem_shared>> -> memref<10240x32xf32, #tpu.memory_space<vmem_shared>>
        tpu.enqueue_indirect_dma source(%arg8 : memref<128x32xf32, #tpu.memory_space<vmem>>) target(%dma_start3A_384 : memref<10240x32xf32, #tpu.memory_space<vmem_shared>>) offsets(%dma_start3A_381 : memref<128xi32, #tpu.memory_space<vmem>>) semaphore(%run_scoped3A_378 : memref<!tpu.dma_semaphore, #tpu.memory_space<semaphore_mem>>) {add = true}
        %dma_wait3A_385 = arith.constant 0 : i32
        %dma_wait3A_386 = tpu.memref_slice %arg7[%add3A_307, %dma_wait3A_385] : memref<40x128xi32, #tpu.memory_space<vmem>> -> memref<1x128xi32, #tpu.memory_space<vmem>>
        %dma_wait3A_387 = tpu.memref_squeeze %dma_wait3A_386 : memref<1x128xi32, #tpu.memory_space<vmem>> -> memref<128xi32, #tpu.memory_space<vmem>>
        %dma_wait3A_388 = arith.constant 0 : i32
        %dma_wait3A_389 = arith.constant 0 : i32
        %dma_wait3A_390 = tpu.memref_slice %arg13[%dma_wait3A_388, %dma_wait3A_389] : memref<10240x32xf32, #tpu.memory_space<vmem_shared>> -> memref<10240x32xf32, #tpu.memory_space<vmem_shared>>
        tpu.wait_indirect_dma semaphore(%run_scoped3A_378 : memref<!tpu.dma_semaphore, #tpu.memory_space<semaphore_mem>>) src(%arg8 : memref<128x32xf32, #tpu.memory_space<vmem>>) dst(%dma_wait3A_390 : memref<10240x32xf32, #tpu.memory_space<vmem_shared>>)
        tpu.yield
      }) : () -> ()
      %add3A_308 = arith.constant 4 : i32
      %add3A_309 = arith.addi %add3A_297, %add3A_308 : i32
      %add3A_310 = arith.constant 0 : i32
      %add3A_311 = arith.addi %add3A_309, %add3A_310 : i32
      %dma_start3A_312 = arith.constant 0 : i32
      %dma_start3A_313 = tpu.memref_slice %arg6[%add3A_311, %dma_start3A_312] : memref<40x128xi32, #tpu.memory_space<vmem>> -> memref<1x128xi32, #tpu.memory_space<vmem>>
      %dma_start3A_314 = tpu.memref_squeeze %dma_start3A_313 : memref<1x128xi32, #tpu.memory_space<vmem>> -> memref<128xi32, #tpu.memory_space<vmem>>
      %dma_start3A_315 = arith.constant 0 : i32
      %dma_start3A_316 = arith.constant 0 : i32
      %dma_start3A_317 = tpu.memref_slice %arg12[%dma_start3A_315, %dma_start3A_316] : memref<10240x32xf32, #tpu.memory_space<vmem_shared>> -> memref<10240x32xf32, #tpu.memory_space<vmem_shared>>
      tpu.enqueue_indirect_dma source(%dma_start3A_317 : memref<10240x32xf32, #tpu.memory_space<vmem_shared>>) target(%arg8 : memref<128x32xf32, #tpu.memory_space<vmem>>) offsets(%dma_start3A_314 : memref<128xi32, #tpu.memory_space<vmem>>) semaphore(%arg14 : memref<!tpu.dma_semaphore, #tpu.memory_space<semaphore_mem>>)
      %add3A_318 = arith.constant 1 : i32
      %add3A_319 = arith.addi %add3A_297, %add3A_318 : i32
      %dma_wait3A_320 = arith.constant 0 : i32
      %dma_wait3A_321 = tpu.memref_slice %arg6[%add3A_319, %dma_wait3A_320] : memref<40x128xi32, #tpu.memory_space<vmem>> -> memref<1x128xi32, #tpu.memory_space<vmem>>
      %dma_wait3A_322 = tpu.memref_squeeze %dma_wait3A_321 : memref<1x128xi32, #tpu.memory_space<vmem>> -> memref<128xi32, #tpu.memory_space<vmem>>
      %dma_wait3A_323 = arith.constant 0 : i32
      %dma_wait3A_324 = arith.constant 0 : i32
      %dma_wait3A_325 = tpu.memref_slice %arg12[%dma_wait3A_323, %dma_wait3A_324] : memref<10240x32xf32, #tpu.memory_space<vmem_shared>> -> memref<10240x32xf32, #tpu.memory_space<vmem_shared>>
      tpu.wait_indirect_dma semaphore(%arg15 : memref<!tpu.dma_semaphore, #tpu.memory_space<semaphore_mem>>) src(%dma_wait3A_325 : memref<10240x32xf32, #tpu.memory_space<vmem_shared>>) dst(%arg9 : memref<128x32xf32, #tpu.memory_space<vmem>>)
      %add3A_326 = arith.constant 1 : i32
      %add3A_327 = arith.addi %add3A_297, %add3A_326 : i32
      "tpu.region"() ({
        %run_scoped3A_378 = tpu.sem_alloc : memref<!tpu.dma_semaphore, #tpu.memory_space<semaphore_mem>>
        %dma_start3A_379 = arith.constant 0 : i32
        %dma_start3A_380 = tpu.memref_slice %arg7[%add3A_327, %dma_start3A_379] : memref<40x128xi32, #tpu.memory_space<vmem>> -> memref<1x128xi32, #tpu.memory_space<vmem>>
        %dma_start3A_381 = tpu.memref_squeeze %dma_start3A_380 : memref<1x128xi32, #tpu.memory_space<vmem>> -> memref<128xi32, #tpu.memory_space<vmem>>
        %dma_start3A_382 = arith.constant 0 : i32
        %dma_start3A_383 = arith.constant 0 : i32
        %dma_start3A_384 = tpu.memref_slice %arg13[%dma_start3A_382, %dma_start3A_383] : memref<10240x32xf32, #tpu.memory_space<vmem_shared>> -> memref<10240x32xf32, #tpu.memory_space<vmem_shared>>
        tpu.enqueue_indirect_dma source(%arg9 : memref<128x32xf32, #tpu.memory_space<vmem>>) target(%dma_start3A_384 : memref<10240x32xf32, #tpu.memory_space<vmem_shared>>) offsets(%dma_start3A_381 : memref<128xi32, #tpu.memory_space<vmem>>) semaphore(%run_scoped3A_378 : memref<!tpu.dma_semaphore, #tpu.memory_space<semaphore_mem>>) {add = true}
        %dma_wait3A_385 = arith.constant 0 : i32
        %dma_wait3A_386 = tpu.memref_slice %arg7[%add3A_327, %dma_wait3A_385] : memref<40x128xi32, #tpu.memory_space<vmem>> -> memref<1x128xi32, #tpu.memory_space<vmem>>
        %dma_wait3A_387 = tpu.memref_squeeze %dma_wait3A_386 : memref<1x128xi32, #tpu.memory_space<vmem>> -> memref<128xi32, #tpu.memory_space<vmem>>
        %dma_wait3A_388 = arith.constant 0 : i32
        %dma_wait3A_389 = arith.constant 0 : i32
        %dma_wait3A_390 = tpu.memref_slice %arg13[%dma_wait3A_388, %dma_wait3A_389] : memref<10240x32xf32, #tpu.memory_space<vmem_shared>> -> memref<10240x32xf32, #tpu.memory_space<vmem_shared>>
        tpu.wait_indirect_dma semaphore(%run_scoped3A_378 : memref<!tpu.dma_semaphore, #tpu.memory_space<semaphore_mem>>) src(%arg9 : memref<128x32xf32, #tpu.memory_space<vmem>>) dst(%dma_wait3A_390 : memref<10240x32xf32, #tpu.memory_space<vmem_shared>>)
        tpu.yield
      }) : () -> ()
      %add3A_328 = arith.constant 4 : i32
      %add3A_329 = arith.addi %add3A_297, %add3A_328 : i32
      %add3A_330 = arith.constant 1 : i32
      %add3A_331 = arith.addi %add3A_329, %add3A_330 : i32
      %dma_start3A_332 = arith.constant 0 : i32
      %dma_start3A_333 = tpu.memref_slice %arg6[%add3A_331, %dma_start3A_332] : memref<40x128xi32, #tpu.memory_space<vmem>> -> memref<1x128xi32, #tpu.memory_space<vmem>>
      %dma_start3A_334 = tpu.memref_squeeze %dma_start3A_333 : memref<1x128xi32, #tpu.memory_space<vmem>> -> memref<128xi32, #tpu.memory_space<vmem>>
      %dma_start3A_335 = arith.constant 0 : i32
      %dma_start3A_336 = arith.constant 0 : i32
      %dma_start3A_337 = tpu.memref_slice %arg12[%dma_start3A_335, %dma_start3A_336] : memref<10240x32xf32, #tpu.memory_space<vmem_shared>> -> memref<10240x32xf32, #tpu.memory_space<vmem_shared>>
      tpu.enqueue_indirect_dma source(%dma_start3A_337 : memref<10240x32xf32, #tpu.memory_space<vmem_shared>>) target(%arg9 : memref<128x32xf32, #tpu.memory_space<vmem>>) offsets(%dma_start3A_334 : memref<128xi32, #tpu.memory_space<vmem>>) semaphore(%arg15 : memref<!tpu.dma_semaphore, #tpu.memory_space<semaphore_mem>>)
      %add3A_338 = arith.constant 2 : i32
      %add3A_339 = arith.addi %add3A_297, %add3A_338 : i32
      %dma_wait3A_340 = arith.constant 0 : i32
      %dma_wait3A_341 = tpu.memref_slice %arg6[%add3A_339, %dma_wait3A_340] : memref<40x128xi32, #tpu.memory_space<vmem>> -> memref<1x128xi32, #tpu.memory_space<vmem>>
      %dma_wait3A_342 = tpu.memref_squeeze %dma_wait3A_341 : memref<1x128xi32, #tpu.memory_space<vmem>> -> memref<128xi32, #tpu.memory_space<vmem>>
      %dma_wait3A_343 = arith.constant 0 : i32
      %dma_wait3A_344 = arith.constant 0 : i32
      %dma_wait3A_345 = tpu.memref_slice %arg12[%dma_wait3A_343, %dma_wait3A_344] : memref<10240x32xf32, #tpu.memory_space<vmem_shared>> -> memref<10240x32xf32, #tpu.memory_space<vmem_shared>>
      tpu.wait_indirect_dma semaphore(%arg16 : memref<!tpu.dma_semaphore, #tpu.memory_space<semaphore_mem>>) src(%dma_wait3A_345 : memref<10240x32xf32, #tpu.memory_space<vmem_shared>>) dst(%arg10 : memref<128x32xf32, #tpu.memory_space<vmem>>)
      %add3A_346 = arith.constant 2 : i32
      %add3A_347 = arith.addi %add3A_297, %add3A_346 : i32
      "tpu.region"() ({
        %run_scoped3A_378 = tpu.sem_alloc : memref<!tpu.dma_semaphore, #tpu.memory_space<semaphore_mem>>
        %dma_start3A_379 = arith.constant 0 : i32
        %dma_start3A_380 = tpu.memref_slice %arg7[%add3A_347, %dma_start3A_379] : memref<40x128xi32, #tpu.memory_space<vmem>> -> memref<1x128xi32, #tpu.memory_space<vmem>>
        %dma_start3A_381 = tpu.memref_squeeze %dma_start3A_380 : memref<1x128xi32, #tpu.memory_space<vmem>> -> memref<128xi32, #tpu.memory_space<vmem>>
        %dma_start3A_382 = arith.constant 0 : i32
        %dma_start3A_383 = arith.constant 0 : i32
        %dma_start3A_384 = tpu.memref_slice %arg13[%dma_start3A_382, %dma_start3A_383] : memref<10240x32xf32, #tpu.memory_space<vmem_shared>> -> memref<10240x32xf32, #tpu.memory_space<vmem_shared>>
        tpu.enqueue_indirect_dma source(%arg10 : memref<128x32xf32, #tpu.memory_space<vmem>>) target(%dma_start3A_384 : memref<10240x32xf32, #tpu.memory_space<vmem_shared>>) offsets(%dma_start3A_381 : memref<128xi32, #tpu.memory_space<vmem>>) semaphore(%run_scoped3A_378 : memref<!tpu.dma_semaphore, #tpu.memory_space<semaphore_mem>>) {add = true}
        %dma_wait3A_385 = arith.constant 0 : i32
        %dma_wait3A_386 = tpu.memref_slice %arg7[%add3A_347, %dma_wait3A_385] : memref<40x128xi32, #tpu.memory_space<vmem>> -> memref<1x128xi32, #tpu.memory_space<vmem>>
        %dma_wait3A_387 = tpu.memref_squeeze %dma_wait3A_386 : memref<1x128xi32, #tpu.memory_space<vmem>> -> memref<128xi32, #tpu.memory_space<vmem>>
        %dma_wait3A_388 = arith.constant 0 : i32
        %dma_wait3A_389 = arith.constant 0 : i32
        %dma_wait3A_390 = tpu.memref_slice %arg13[%dma_wait3A_388, %dma_wait3A_389] : memref<10240x32xf32, #tpu.memory_space<vmem_shared>> -> memref<10240x32xf32, #tpu.memory_space<vmem_shared>>
        tpu.wait_indirect_dma semaphore(%run_scoped3A_378 : memref<!tpu.dma_semaphore, #tpu.memory_space<semaphore_mem>>) src(%arg10 : memref<128x32xf32, #tpu.memory_space<vmem>>) dst(%dma_wait3A_390 : memref<10240x32xf32, #tpu.memory_space<vmem_shared>>)
        tpu.yield
      }) : () -> ()
      %add3A_348 = arith.constant 4 : i32
      %add3A_349 = arith.addi %add3A_297, %add3A_348 : i32
      %add3A_350 = arith.constant 2 : i32
      %add3A_351 = arith.addi %add3A_349, %add3A_350 : i32
      %dma_start3A_352 = arith.constant 0 : i32
      %dma_start3A_353 = tpu.memref_slice %arg6[%add3A_351, %dma_start3A_352] : memref<40x128xi32, #tpu.memory_space<vmem>> -> memref<1x128xi32, #tpu.memory_space<vmem>>
      %dma_start3A_354 = tpu.memref_squeeze %dma_start3A_353 : memref<1x128xi32, #tpu.memory_space<vmem>> -> memref<128xi32, #tpu.memory_space<vmem>>
      %dma_start3A_355 = arith.constant 0 : i32
      %dma_start3A_356 = arith.constant 0 : i32
      %dma_start3A_357 = tpu.memref_slice %arg12[%dma_start3A_355, %dma_start3A_356] : memref<10240x32xf32, #tpu.memory_space<vmem_shared>> -> memref<10240x32xf32, #tpu.memory_space<vmem_shared>>
      tpu.enqueue_indirect_dma source(%dma_start3A_357 : memref<10240x32xf32, #tpu.memory_space<vmem_shared>>) target(%arg10 : memref<128x32xf32, #tpu.memory_space<vmem>>) offsets(%dma_start3A_354 : memref<128xi32, #tpu.memory_space<vmem>>) semaphore(%arg16 : memref<!tpu.dma_semaphore, #tpu.memory_space<semaphore_mem>>)
      %add3A_358 = arith.constant 3 : i32
      %add3A_359 = arith.addi %add3A_297, %add3A_358 : i32
      %dma_wait3A_360 = arith.constant 0 : i32
      %dma_wait3A_361 = tpu.memref_slice %arg6[%add3A_359, %dma_wait3A_360] : memref<40x128xi32, #tpu.memory_space<vmem>> -> memref<1x128xi32, #tpu.memory_space<vmem>>
      %dma_wait3A_362 = tpu.memref_squeeze %dma_wait3A_361 : memref<1x128xi32, #tpu.memory_space<vmem>> -> memref<128xi32, #tpu.memory_space<vmem>>
      %dma_wait3A_363 = arith.constant 0 : i32
      %dma_wait3A_364 = arith.constant 0 : i32
      %dma_wait3A_365 = tpu.memref_slice %arg12[%dma_wait3A_363, %dma_wait3A_364] : memref<10240x32xf32, #tpu.memory_space<vmem_shared>> -> memref<10240x32xf32, #tpu.memory_space<vmem_shared>>
      tpu.wait_indirect_dma semaphore(%arg17 : memref<!tpu.dma_semaphore, #tpu.memory_space<semaphore_mem>>) src(%dma_wait3A_365 : memref<10240x32xf32, #tpu.memory_space<vmem_shared>>) dst(%arg11 : memref<128x32xf32, #tpu.memory_space<vmem>>)
      %add3A_366 = arith.constant 3 : i32
      %add3A_367 = arith.addi %add3A_297, %add3A_366 : i32
      "tpu.region"() ({
        %run_scoped3A_378 = tpu.sem_alloc : memref<!tpu.dma_semaphore, #tpu.memory_space<semaphore_mem>>
        %dma_start3A_379 = arith.constant 0 : i32
        %dma_start3A_380 = tpu.memref_slice %arg7[%add3A_367, %dma_start3A_379] : memref<40x128xi32, #tpu.memory_space<vmem>> -> memref<1x128xi32, #tpu.memory_space<vmem>>
        %dma_start3A_381 = tpu.memref_squeeze %dma_start3A_380 : memref<1x128xi32, #tpu.memory_space<vmem>> -> memref<128xi32, #tpu.memory_space<vmem>>
        %dma_start3A_382 = arith.constant 0 : i32
        %dma_start3A_383 = arith.constant 0 : i32
        %dma_start3A_384 = tpu.memref_slice %arg13[%dma_start3A_382, %dma_start3A_383] : memref<10240x32xf32, #tpu.memory_space<vmem_shared>> -> memref<10240x32xf32, #tpu.memory_space<vmem_shared>>
        tpu.enqueue_indirect_dma source(%arg11 : memref<128x32xf32, #tpu.memory_space<vmem>>) target(%dma_start3A_384 : memref<10240x32xf32, #tpu.memory_space<vmem_shared>>) offsets(%dma_start3A_381 : memref<128xi32, #tpu.memory_space<vmem>>) semaphore(%run_scoped3A_378 : memref<!tpu.dma_semaphore, #tpu.memory_space<semaphore_mem>>) {add = true}
        %dma_wait3A_385 = arith.constant 0 : i32
        %dma_wait3A_386 = tpu.memref_slice %arg7[%add3A_367, %dma_wait3A_385] : memref<40x128xi32, #tpu.memory_space<vmem>> -> memref<1x128xi32, #tpu.memory_space<vmem>>
        %dma_wait3A_387 = tpu.memref_squeeze %dma_wait3A_386 : memref<1x128xi32, #tpu.memory_space<vmem>> -> memref<128xi32, #tpu.memory_space<vmem>>
        %dma_wait3A_388 = arith.constant 0 : i32
        %dma_wait3A_389 = arith.constant 0 : i32
        %dma_wait3A_390 = tpu.memref_slice %arg13[%dma_wait3A_388, %dma_wait3A_389] : memref<10240x32xf32, #tpu.memory_space<vmem_shared>> -> memref<10240x32xf32, #tpu.memory_space<vmem_shared>>
        tpu.wait_indirect_dma semaphore(%run_scoped3A_378 : memref<!tpu.dma_semaphore, #tpu.memory_space<semaphore_mem>>) src(%arg11 : memref<128x32xf32, #tpu.memory_space<vmem>>) dst(%dma_wait3A_390 : memref<10240x32xf32, #tpu.memory_space<vmem_shared>>)
        tpu.yield
      }) : () -> ()
      %add3A_368 = arith.constant 4 : i32
      %add3A_369 = arith.addi %add3A_297, %add3A_368 : i32
      %add3A_370 = arith.constant 3 : i32
      %add3A_371 = arith.addi %add3A_369, %add3A_370 : i32
      %dma_start3A_372 = arith.constant 0 : i32
      %dma_start3A_373 = tpu.memref_slice %arg6[%add3A_371, %dma_start3A_372] : memref<40x128xi32, #tpu.memory_space<vmem>> -> memref<1x128xi32, #tpu.memory_space<vmem>>
      %dma_start3A_374 = tpu.memref_squeeze %dma_start3A_373 : memref<1x128xi32, #tpu.memory_space<vmem>> -> memref<128xi32, #tpu.memory_space<vmem>>
      %dma_start3A_375 = arith.constant 0 : i32
      %dma_start3A_376 = arith.constant 0 : i32
      %dma_start3A_377 = tpu.memref_slice %arg12[%dma_start3A_375, %dma_start3A_376] : memref<10240x32xf32, #tpu.memory_space<vmem_shared>> -> memref<10240x32xf32, #tpu.memory_space<vmem_shared>>
      tpu.enqueue_indirect_dma source(%dma_start3A_377 : memref<10240x32xf32, #tpu.memory_space<vmem_shared>>) target(%arg11 : memref<128x32xf32, #tpu.memory_space<vmem>>) offsets(%dma_start3A_374 : memref<128xi32, #tpu.memory_space<vmem>>) semaphore(%arg17 : memref<!tpu.dma_semaphore, #tpu.memory_space<semaphore_mem>>)
    }
    %scan3A_116 = arith.constant 9 : i32
    %dma_wait3A_117 = arith.constant 36 : i32
    %dma_wait3A_118 = arith.constant 0 : i32
    %dma_wait3A_119 = tpu.memref_slice %arg6[%dma_wait3A_117, %dma_wait3A_118] : memref<40x128xi32, #tpu.memory_space<vmem>> -> memref<1x128xi32, #tpu.memory_space<vmem>>
    %dma_wait3A_120 = tpu.memref_squeeze %dma_wait3A_119 : memref<1x128xi32, #tpu.memory_space<vmem>> -> memref<128xi32, #tpu.memory_space<vmem>>
    %dma_wait3A_121 = arith.constant 0 : i32
    %dma_wait3A_122 = arith.constant 0 : i32
    %dma_wait3A_123 = tpu.memref_slice %arg12[%dma_wait3A_121, %dma_wait3A_122] : memref<10240x32xf32, #tpu.memory_space<vmem_shared>> -> memref<10240x32xf32, #tpu.memory_space<vmem_shared>>
    tpu.wait_indirect_dma semaphore(%arg14 : memref<!tpu.dma_semaphore, #tpu.memory_space<semaphore_mem>>) src(%dma_wait3A_123 : memref<10240x32xf32, #tpu.memory_space<vmem_shared>>) dst(%arg8 : memref<128x32xf32, #tpu.memory_space<vmem>>)
    %run_scoped3A_124 = arith.constant 36 : i32
    "tpu.region"() ({
      %run_scoped3A_293 = tpu.sem_alloc : memref<!tpu.dma_semaphore, #tpu.memory_space<semaphore_mem>>
      %dma_start3A_294 = arith.constant 0 : i32
      %dma_start3A_295 = tpu.memref_slice %arg7[%run_scoped3A_124, %dma_start3A_294] : memref<40x128xi32, #tpu.memory_space<vmem>> -> memref<1x128xi32, #tpu.memory_space<vmem>>
      %dma_start3A_296 = tpu.memref_squeeze %dma_start3A_295 : memref<1x128xi32, #tpu.memory_space<vmem>> -> memref<128xi32, #tpu.memory_space<vmem>>
      %dma_start3A_297 = arith.constant 0 : i32
      %dma_start3A_298 = arith.constant 0 : i32
      %dma_start3A_299 = tpu.memref_slice %arg13[%dma_start3A_297, %dma_start3A_298] : memref<10240x32xf32, #tpu.memory_space<vmem_shared>> -> memref<10240x32xf32, #tpu.memory_space<vmem_shared>>
      tpu.enqueue_indirect_dma source(%arg8 : memref<128x32xf32, #tpu.memory_space<vmem>>) target(%dma_start3A_299 : memref<10240x32xf32, #tpu.memory_space<vmem_shared>>) offsets(%dma_start3A_296 : memref<128xi32, #tpu.memory_space<vmem>>) semaphore(%run_scoped3A_293 : memref<!tpu.dma_semaphore, #tpu.memory_space<semaphore_mem>>) {add = true}
      %dma_wait3A_300 = arith.constant 0 : i32
      %dma_wait3A_301 = tpu.memref_slice %arg7[%run_scoped3A_124, %dma_wait3A_300] : memref<40x128xi32, #tpu.memory_space<vmem>> -> memref<1x128xi32, #tpu.memory_space<vmem>>
      %dma_wait3A_302 = tpu.memref_squeeze %dma_wait3A_301 : memref<1x128xi32, #tpu.memory_space<vmem>> -> memref<128xi32, #tpu.memory_space<vmem>>
      %dma_wait3A_303 = arith.constant 0 : i32
      %dma_wait3A_304 = arith.constant 0 : i32
      %dma_wait3A_305 = tpu.memref_slice %arg13[%dma_wait3A_303, %dma_wait3A_304] : memref<10240x32xf32, #tpu.memory_space<vmem_shared>> -> memref<10240x32xf32, #tpu.memory_space<vmem_shared>>
      tpu.wait_indirect_dma semaphore(%run_scoped3A_293 : memref<!tpu.dma_semaphore, #tpu.memory_space<semaphore_mem>>) src(%arg8 : memref<128x32xf32, #tpu.memory_space<vmem>>) dst(%dma_wait3A_305 : memref<10240x32xf32, #tpu.memory_space<vmem_shared>>)
      tpu.yield
    }) : () -> ()
    %dma_wait3A_125 = arith.constant 37 : i32
    %dma_wait3A_126 = arith.constant 0 : i32
    %dma_wait3A_127 = tpu.memref_slice %arg6[%dma_wait3A_125, %dma_wait3A_126] : memref<40x128xi32, #tpu.memory_space<vmem>> -> memref<1x128xi32, #tpu.memory_space<vmem>>
    %dma_wait3A_128 = tpu.memref_squeeze %dma_wait3A_127 : memref<1x128xi32, #tpu.memory_space<vmem>> -> memref<128xi32, #tpu.memory_space<vmem>>
    %dma_wait3A_129 = arith.constant 0 : i32
    %dma_wait3A_130 = arith.constant 0 : i32
    %dma_wait3A_131 = tpu.memref_slice %arg12[%dma_wait3A_129, %dma_wait3A_130] : memref<10240x32xf32, #tpu.memory_space<vmem_shared>> -> memref<10240x32xf32, #tpu.memory_space<vmem_shared>>
    tpu.wait_indirect_dma semaphore(%arg15 : memref<!tpu.dma_semaphore, #tpu.memory_space<semaphore_mem>>) src(%dma_wait3A_131 : memref<10240x32xf32, #tpu.memory_space<vmem_shared>>) dst(%arg9 : memref<128x32xf32, #tpu.memory_space<vmem>>)
    %run_scoped3A_132 = arith.constant 37 : i32
    "tpu.region"() ({
      %run_scoped3A_293 = tpu.sem_alloc : memref<!tpu.dma_semaphore, #tpu.memory_space<semaphore_mem>>
      %dma_start3A_294 = arith.constant 0 : i32
      %dma_start3A_295 = tpu.memref_slice %arg7[%run_scoped3A_132, %dma_start3A_294] : memref<40x128xi32, #tpu.memory_space<vmem>> -> memref<1x128xi32, #tpu.memory_space<vmem>>
      %dma_start3A_296 = tpu.memref_squeeze %dma_start3A_295 : memref<1x128xi32, #tpu.memory_space<vmem>> -> memref<128xi32, #tpu.memory_space<vmem>>
      %dma_start3A_297 = arith.constant 0 : i32
      %dma_start3A_298 = arith.constant 0 : i32
      %dma_start3A_299 = tpu.memref_slice %arg13[%dma_start3A_297, %dma_start3A_298] : memref<10240x32xf32, #tpu.memory_space<vmem_shared>> -> memref<10240x32xf32, #tpu.memory_space<vmem_shared>>
      tpu.enqueue_indirect_dma source(%arg9 : memref<128x32xf32, #tpu.memory_space<vmem>>) target(%dma_start3A_299 : memref<10240x32xf32, #tpu.memory_space<vmem_shared>>) offsets(%dma_start3A_296 : memref<128xi32, #tpu.memory_space<vmem>>) semaphore(%run_scoped3A_293 : memref<!tpu.dma_semaphore, #tpu.memory_space<semaphore_mem>>) {add = true}
      %dma_wait3A_300 = arith.constant 0 : i32
      %dma_wait3A_301 = tpu.memref_slice %arg7[%run_scoped3A_132, %dma_wait3A_300] : memref<40x128xi32, #tpu.memory_space<vmem>> -> memref<1x128xi32, #tpu.memory_space<vmem>>
      %dma_wait3A_302 = tpu.memref_squeeze %dma_wait3A_301 : memref<1x128xi32, #tpu.memory_space<vmem>> -> memref<128xi32, #tpu.memory_space<vmem>>
      %dma_wait3A_303 = arith.constant 0 : i32
      %dma_wait3A_304 = arith.constant 0 : i32
      %dma_wait3A_305 = tpu.memref_slice %arg13[%dma_wait3A_303, %dma_wait3A_304] : memref<10240x32xf32, #tpu.memory_space<vmem_shared>> -> memref<10240x32xf32, #tpu.memory_space<vmem_shared>>
      tpu.wait_indirect_dma semaphore(%run_scoped3A_293 : memref<!tpu.dma_semaphore, #tpu.memory_space<semaphore_mem>>) src(%arg9 : memref<128x32xf32, #tpu.memory_space<vmem>>) dst(%dma_wait3A_305 : memref<10240x32xf32, #tpu.memory_space<vmem_shared>>)
      tpu.yield
    }) : () -> ()
    %dma_wait3A_133 = arith.constant 38 : i32
    %dma_wait3A_134 = arith.constant 0 : i32
    %dma_wait3A_135 = tpu.memref_slice %arg6[%dma_wait3A_133, %dma_wait3A_134] : memref<40x128xi32, #tpu.memory_space<vmem>> -> memref<1x128xi32, #tpu.memory_space<vmem>>
    %dma_wait3A_136 = tpu.memref_squeeze %dma_wait3A_135 : memref<1x128xi32, #tpu.memory_space<vmem>> -> memref<128xi32, #tpu.memory_space<vmem>>
    %dma_wait3A_137 = arith.constant 0 : i32
    %dma_wait3A_138 = arith.constant 0 : i32
    %dma_wait3A_139 = tpu.memref_slice %arg12[%dma_wait3A_137, %dma_wait3A_138] : memref<10240x32xf32, #tpu.memory_space<vmem_shared>> -> memref<10240x32xf32, #tpu.memory_space<vmem_shared>>
    tpu.wait_indirect_dma semaphore(%arg16 : memref<!tpu.dma_semaphore, #tpu.memory_space<semaphore_mem>>) src(%dma_wait3A_139 : memref<10240x32xf32, #tpu.memory_space<vmem_shared>>) dst(%arg10 : memref<128x32xf32, #tpu.memory_space<vmem>>)
    %run_scoped3A_140 = arith.constant 38 : i32
    "tpu.region"() ({
      %run_scoped3A_293 = tpu.sem_alloc : memref<!tpu.dma_semaphore, #tpu.memory_space<semaphore_mem>>
      %dma_start3A_294 = arith.constant 0 : i32
      %dma_start3A_295 = tpu.memref_slice %arg7[%run_scoped3A_140, %dma_start3A_294] : memref<40x128xi32, #tpu.memory_space<vmem>> -> memref<1x128xi32, #tpu.memory_space<vmem>>
      %dma_start3A_296 = tpu.memref_squeeze %dma_start3A_295 : memref<1x128xi32, #tpu.memory_space<vmem>> -> memref<128xi32, #tpu.memory_space<vmem>>
      %dma_start3A_297 = arith.constant 0 : i32
      %dma_start3A_298 = arith.constant 0 : i32
      %dma_start3A_299 = tpu.memref_slice %arg13[%dma_start3A_297, %dma_start3A_298] : memref<10240x32xf32, #tpu.memory_space<vmem_shared>> -> memref<10240x32xf32, #tpu.memory_space<vmem_shared>>
      tpu.enqueue_indirect_dma source(%arg10 : memref<128x32xf32, #tpu.memory_space<vmem>>) target(%dma_start3A_299 : memref<10240x32xf32, #tpu.memory_space<vmem_shared>>) offsets(%dma_start3A_296 : memref<128xi32, #tpu.memory_space<vmem>>) semaphore(%run_scoped3A_293 : memref<!tpu.dma_semaphore, #tpu.memory_space<semaphore_mem>>) {add = true}
      %dma_wait3A_300 = arith.constant 0 : i32
      %dma_wait3A_301 = tpu.memref_slice %arg7[%run_scoped3A_140, %dma_wait3A_300] : memref<40x128xi32, #tpu.memory_space<vmem>> -> memref<1x128xi32, #tpu.memory_space<vmem>>
      %dma_wait3A_302 = tpu.memref_squeeze %dma_wait3A_301 : memref<1x128xi32, #tpu.memory_space<vmem>> -> memref<128xi32, #tpu.memory_space<vmem>>
      %dma_wait3A_303 = arith.constant 0 : i32
      %dma_wait3A_304 = arith.constant 0 : i32
      %dma_wait3A_305 = tpu.memref_slice %arg13[%dma_wait3A_303, %dma_wait3A_304] : memref<10240x32xf32, #tpu.memory_space<vmem_shared>> -> memref<10240x32xf32, #tpu.memory_space<vmem_shared>>
      tpu.wait_indirect_dma semaphore(%run_scoped3A_293 : memref<!tpu.dma_semaphore, #tpu.memory_space<semaphore_mem>>) src(%arg10 : memref<128x32xf32, #tpu.memory_space<vmem>>) dst(%dma_wait3A_305 : memref<10240x32xf32, #tpu.memory_space<vmem_shared>>)
      tpu.yield
    }) : () -> ()
    %dma_wait3A_141 = arith.constant 39 : i32
    %dma_wait3A_142 = arith.constant 0 : i32
    %dma_wait3A_143 = tpu.memref_slice %arg6[%dma_wait3A_141, %dma_wait3A_142] : memref<40x128xi32, #tpu.memory_space<vmem>> -> memref<1x128xi32, #tpu.memory_space<vmem>>
    %dma_wait3A_144 = tpu.memref_squeeze %dma_wait3A_143 : memref<1x128xi32, #tpu.memory_space<vmem>> -> memref<128xi32, #tpu.memory_space<vmem>>
    %dma_wait3A_145 = arith.constant 0 : i32
    %dma_wait3A_146 = arith.constant 0 : i32
    %dma_wait3A_147 = tpu.memref_slice %arg12[%dma_wait3A_145, %dma_wait3A_146] : memref<10240x32xf32, #tpu.memory_space<vmem_shared>> -> memref<10240x32xf32, #tpu.memory_space<vmem_shared>>
    tpu.wait_indirect_dma semaphore(%arg17 : memref<!tpu.dma_semaphore, #tpu.memory_space<semaphore_mem>>) src(%dma_wait3A_147 : memref<10240x32xf32, #tpu.memory_space<vmem_shared>>) dst(%arg11 : memref<128x32xf32, #tpu.memory_space<vmem>>)
    %run_scoped3A_148 = arith.constant 39 : i32
    "tpu.region"() ({
      %run_scoped3A_293 = tpu.sem_alloc : memref<!tpu.dma_semaphore, #tpu.memory_space<semaphore_mem>>
      %dma_start3A_294 = arith.constant 0 : i32
      %dma_start3A_295 = tpu.memref_slice %arg7[%run_scoped3A_148, %dma_start3A_294] : memref<40x128xi32, #tpu.memory_space<vmem>> -> memref<1x128xi32, #tpu.memory_space<vmem>>
      %dma_start3A_296 = tpu.memref_squeeze %dma_start3A_295 : memref<1x128xi32, #tpu.memory_space<vmem>> -> memref<128xi32, #tpu.memory_space<vmem>>
      %dma_start3A_297 = arith.constant 0 : i32
      %dma_start3A_298 = arith.constant 0 : i32
      %dma_start3A_299 = tpu.memref_slice %arg13[%dma_start3A_297, %dma_start3A_298] : memref<10240x32xf32, #tpu.memory_space<vmem_shared>> -> memref<10240x32xf32, #tpu.memory_space<vmem_shared>>
      tpu.enqueue_indirect_dma source(%arg11 : memref<128x32xf32, #tpu.memory_space<vmem>>) target(%dma_start3A_299 : memref<10240x32xf32, #tpu.memory_space<vmem_shared>>) offsets(%dma_start3A_296 : memref<128xi32, #tpu.memory_space<vmem>>) semaphore(%run_scoped3A_293 : memref<!tpu.dma_semaphore, #tpu.memory_space<semaphore_mem>>) {add = true}
      %dma_wait3A_300 = arith.constant 0 : i32
      %dma_wait3A_301 = tpu.memref_slice %arg7[%run_scoped3A_148, %dma_wait3A_300] : memref<40x128xi32, #tpu.memory_space<vmem>> -> memref<1x128xi32, #tpu.memory_space<vmem>>
      %dma_wait3A_302 = tpu.memref_squeeze %dma_wait3A_301 : memref<1x128xi32, #tpu.memory_space<vmem>> -> memref<128xi32, #tpu.memory_space<vmem>>
      %dma_wait3A_303 = arith.constant 0 : i32
      %dma_wait3A_304 = arith.constant 0 : i32
      %dma_wait3A_305 = tpu.memref_slice %arg13[%dma_wait3A_303, %dma_wait3A_304] : memref<10240x32xf32, #tpu.memory_space<vmem_shared>> -> memref<10240x32xf32, #tpu.memory_space<vmem_shared>>
      tpu.wait_indirect_dma semaphore(%run_scoped3A_293 : memref<!tpu.dma_semaphore, #tpu.memory_space<semaphore_mem>>) src(%arg11 : memref<128x32xf32, #tpu.memory_space<vmem>>) dst(%dma_wait3A_305 : memref<10240x32xf32, #tpu.memory_space<vmem_shared>>)
      tpu.yield
    }) : () -> ()
    %mul3A_149 = arith.constant 160 : i32
    %mul3A_150 = arith.muli %arg1, %mul3A_149 : i32
    %add3A_151 = arith.constant 80 : i32
    %add3A_152 = arith.addi %mul3A_150, %add3A_151 : i32
    "tpu.region"() ({
      %run_scoped3A_293 = tpu.sem_alloc : memref<!tpu.dma_semaphore, #tpu.memory_space<semaphore_mem>>
      %dma_start3A_294 = arith.constant 0 : i32
      %dma_start3A_295 = tpu.memref_slice %arg3[%add3A_152, %dma_start3A_294] : memref<2560x128xi32, #tpu.memory_space<hbm>> -> memref<40x128xi32, #tpu.memory_space<hbm>>
      %dma_start3A_296 = arith.constant 0 : i32
      %dma_start3A_297 = tpu.memref_slice %arg3[%add3A_152, %dma_start3A_296] : memref<2560x128xi32, #tpu.memory_space<hbm>> -> memref<40x128xi32, #tpu.memory_space<hbm>>
      tpu.enqueue_dma source(%dma_start3A_297 : memref<40x128xi32, #tpu.memory_space<hbm>>) target(%arg6 : memref<40x128xi32, #tpu.memory_space<vmem>>) target_semaphore(%run_scoped3A_293 : memref<!tpu.dma_semaphore, #tpu.memory_space<semaphore_mem>>)
      %dma_wait3A_298 = arith.constant 0 : i32
      %dma_wait3A_299 = tpu.memref_slice %arg3[%add3A_152, %dma_wait3A_298] : memref<2560x128xi32, #tpu.memory_space<hbm>> -> memref<40x128xi32, #tpu.memory_space<hbm>>
      %dma_wait3A_300 = arith.constant 0 : i32
      %dma_wait3A_301 = tpu.memref_slice %arg3[%add3A_152, %dma_wait3A_300] : memref<2560x128xi32, #tpu.memory_space<hbm>> -> memref<40x128xi32, #tpu.memory_space<hbm>>
      tpu.wait_dma2 semaphore(%run_scoped3A_293 : memref<!tpu.dma_semaphore, #tpu.memory_space<semaphore_mem>>) src(%dma_wait3A_301 : memref<40x128xi32, #tpu.memory_space<hbm>>) dst(%arg6 : memref<40x128xi32, #tpu.memory_space<vmem>>)
      tpu.yield
    }) : () -> ()
    "tpu.region"() ({
      %run_scoped3A_293 = tpu.sem_alloc : memref<!tpu.dma_semaphore, #tpu.memory_space<semaphore_mem>>
      %dma_start3A_294 = arith.constant 0 : i32
      %dma_start3A_295 = tpu.memref_slice %arg4[%add3A_152, %dma_start3A_294] : memref<2560x128xi32, #tpu.memory_space<hbm>> -> memref<40x128xi32, #tpu.memory_space<hbm>>
      %dma_start3A_296 = arith.constant 0 : i32
      %dma_start3A_297 = tpu.memref_slice %arg4[%add3A_152, %dma_start3A_296] : memref<2560x128xi32, #tpu.memory_space<hbm>> -> memref<40x128xi32, #tpu.memory_space<hbm>>
      tpu.enqueue_dma source(%dma_start3A_297 : memref<40x128xi32, #tpu.memory_space<hbm>>) target(%arg7 : memref<40x128xi32, #tpu.memory_space<vmem>>) target_semaphore(%run_scoped3A_293 : memref<!tpu.dma_semaphore, #tpu.memory_space<semaphore_mem>>)
      %dma_wait3A_298 = arith.constant 0 : i32
      %dma_wait3A_299 = tpu.memref_slice %arg4[%add3A_152, %dma_wait3A_298] : memref<2560x128xi32, #tpu.memory_space<hbm>> -> memref<40x128xi32, #tpu.memory_space<hbm>>
      %dma_wait3A_300 = arith.constant 0 : i32
      %dma_wait3A_301 = tpu.memref_slice %arg4[%add3A_152, %dma_wait3A_300] : memref<2560x128xi32, #tpu.memory_space<hbm>> -> memref<40x128xi32, #tpu.memory_space<hbm>>
      tpu.wait_dma2 semaphore(%run_scoped3A_293 : memref<!tpu.dma_semaphore, #tpu.memory_space<semaphore_mem>>) src(%dma_wait3A_301 : memref<40x128xi32, #tpu.memory_space<hbm>>) dst(%arg7 : memref<40x128xi32, #tpu.memory_space<vmem>>)
      tpu.yield
    }) : () -> ()
    %dma_start3A_153 = arith.constant 0 : i32
    %dma_start3A_154 = arith.constant 0 : i32
    %dma_start3A_155 = tpu.memref_slice %arg6[%dma_start3A_153, %dma_start3A_154] : memref<40x128xi32, #tpu.memory_space<vmem>> -> memref<1x128xi32, #tpu.memory_space<vmem>>
    %dma_start3A_156 = tpu.memref_squeeze %dma_start3A_155 : memref<1x128xi32, #tpu.memory_space<vmem>> -> memref<128xi32, #tpu.memory_space<vmem>>
    %dma_start3A_157 = arith.constant 0 : i32
    %dma_start3A_158 = arith.constant 0 : i32
    %dma_start3A_159 = tpu.memref_slice %arg12[%dma_start3A_157, %dma_start3A_158] : memref<10240x32xf32, #tpu.memory_space<vmem_shared>> -> memref<10240x32xf32, #tpu.memory_space<vmem_shared>>
    tpu.enqueue_indirect_dma source(%dma_start3A_159 : memref<10240x32xf32, #tpu.memory_space<vmem_shared>>) target(%arg8 : memref<128x32xf32, #tpu.memory_space<vmem>>) offsets(%dma_start3A_156 : memref<128xi32, #tpu.memory_space<vmem>>) semaphore(%arg14 : memref<!tpu.dma_semaphore, #tpu.memory_space<semaphore_mem>>)
    %dma_start3A_160 = arith.constant 1 : i32
    %dma_start3A_161 = arith.constant 0 : i32
    %dma_start3A_162 = tpu.memref_slice %arg6[%dma_start3A_160, %dma_start3A_161] : memref<40x128xi32, #tpu.memory_space<vmem>> -> memref<1x128xi32, #tpu.memory_space<vmem>>
    %dma_start3A_163 = tpu.memref_squeeze %dma_start3A_162 : memref<1x128xi32, #tpu.memory_space<vmem>> -> memref<128xi32, #tpu.memory_space<vmem>>
    %dma_start3A_164 = arith.constant 0 : i32
    %dma_start3A_165 = arith.constant 0 : i32
    %dma_start3A_166 = tpu.memref_slice %arg12[%dma_start3A_164, %dma_start3A_165] : memref<10240x32xf32, #tpu.memory_space<vmem_shared>> -> memref<10240x32xf32, #tpu.memory_space<vmem_shared>>
    tpu.enqueue_indirect_dma source(%dma_start3A_166 : memref<10240x32xf32, #tpu.memory_space<vmem_shared>>) target(%arg9 : memref<128x32xf32, #tpu.memory_space<vmem>>) offsets(%dma_start3A_163 : memref<128xi32, #tpu.memory_space<vmem>>) semaphore(%arg15 : memref<!tpu.dma_semaphore, #tpu.memory_space<semaphore_mem>>)
    %dma_start3A_167 = arith.constant 2 : i32
    %dma_start3A_168 = arith.constant 0 : i32
    %dma_start3A_169 = tpu.memref_slice %arg6[%dma_start3A_167, %dma_start3A_168] : memref<40x128xi32, #tpu.memory_space<vmem>> -> memref<1x128xi32, #tpu.memory_space<vmem>>
    %dma_start3A_170 = tpu.memref_squeeze %dma_start3A_169 : memref<1x128xi32, #tpu.memory_space<vmem>> -> memref<128xi32, #tpu.memory_space<vmem>>
    %dma_start3A_171 = arith.constant 0 : i32
    %dma_start3A_172 = arith.constant 0 : i32
    %dma_start3A_173 = tpu.memref_slice %arg12[%dma_start3A_171, %dma_start3A_172] : memref<10240x32xf32, #tpu.memory_space<vmem_shared>> -> memref<10240x32xf32, #tpu.memory_space<vmem_shared>>
    tpu.enqueue_indirect_dma source(%dma_start3A_173 : memref<10240x32xf32, #tpu.memory_space<vmem_shared>>) target(%arg10 : memref<128x32xf32, #tpu.memory_space<vmem>>) offsets(%dma_start3A_170 : memref<128xi32, #tpu.memory_space<vmem>>) semaphore(%arg16 : memref<!tpu.dma_semaphore, #tpu.memory_space<semaphore_mem>>)
    %dma_start3A_174 = arith.constant 3 : i32
    %dma_start3A_175 = arith.constant 0 : i32
    %dma_start3A_176 = tpu.memref_slice %arg6[%dma_start3A_174, %dma_start3A_175] : memref<40x128xi32, #tpu.memory_space<vmem>> -> memref<1x128xi32, #tpu.memory_space<vmem>>
    %dma_start3A_177 = tpu.memref_squeeze %dma_start3A_176 : memref<1x128xi32, #tpu.memory_space<vmem>> -> memref<128xi32, #tpu.memory_space<vmem>>
    %dma_start3A_178 = arith.constant 0 : i32
    %dma_start3A_179 = arith.constant 0 : i32
    %dma_start3A_180 = tpu.memref_slice %arg12[%dma_start3A_178, %dma_start3A_179] : memref<10240x32xf32, #tpu.memory_space<vmem_shared>> -> memref<10240x32xf32, #tpu.memory_space<vmem_shared>>
    tpu.enqueue_indirect_dma source(%dma_start3A_180 : memref<10240x32xf32, #tpu.memory_space<vmem_shared>>) target(%arg11 : memref<128x32xf32, #tpu.memory_space<vmem>>) offsets(%dma_start3A_177 : memref<128xi32, #tpu.memory_space<vmem>>) semaphore(%arg17 : memref<!tpu.dma_semaphore, #tpu.memory_space<semaphore_mem>>)
    %scan3A_181 = arith.constant 0 : i32
    %scan3A_182 = arith.constant 9 : i32
    %scan3A_183 = arith.addi %scan3A_181, %scan3A_182 : i32
    %scan3A_184 = arith.constant 1 : i32
    scf.for %scan3A_293 = %scan3A_181 to %scan3A_183 step %scan3A_184  : i32 {
      %mul3A_294 = arith.constant 4 : i32
      %mul3A_295 = arith.muli %scan3A_293, %mul3A_294 : i32
      %add3A_296 = arith.constant 0 : i32
      %add3A_297 = arith.addi %add3A_296, %mul3A_295 : i32
      %add3A_298 = arith.constant 0 : i32
      %add3A_299 = arith.addi %add3A_297, %add3A_298 : i32
      %dma_wait3A_300 = arith.constant 0 : i32
      %dma_wait3A_301 = tpu.memref_slice %arg6[%add3A_299, %dma_wait3A_300] : memref<40x128xi32, #tpu.memory_space<vmem>> -> memref<1x128xi32, #tpu.memory_space<vmem>>
      %dma_wait3A_302 = tpu.memref_squeeze %dma_wait3A_301 : memref<1x128xi32, #tpu.memory_space<vmem>> -> memref<128xi32, #tpu.memory_space<vmem>>
      %dma_wait3A_303 = arith.constant 0 : i32
      %dma_wait3A_304 = arith.constant 0 : i32
      %dma_wait3A_305 = tpu.memref_slice %arg12[%dma_wait3A_303, %dma_wait3A_304] : memref<10240x32xf32, #tpu.memory_space<vmem_shared>> -> memref<10240x32xf32, #tpu.memory_space<vmem_shared>>
      tpu.wait_indirect_dma semaphore(%arg14 : memref<!tpu.dma_semaphore, #tpu.memory_space<semaphore_mem>>) src(%dma_wait3A_305 : memref<10240x32xf32, #tpu.memory_space<vmem_shared>>) dst(%arg8 : memref<128x32xf32, #tpu.memory_space<vmem>>)
      %add3A_306 = arith.constant 0 : i32
      %add3A_307 = arith.addi %add3A_297, %add3A_306 : i32
      "tpu.region"() ({
        %run_scoped3A_378 = tpu.sem_alloc : memref<!tpu.dma_semaphore, #tpu.memory_space<semaphore_mem>>
        %dma_start3A_379 = arith.constant 0 : i32
        %dma_start3A_380 = tpu.memref_slice %arg7[%add3A_307, %dma_start3A_379] : memref<40x128xi32, #tpu.memory_space<vmem>> -> memref<1x128xi32, #tpu.memory_space<vmem>>
        %dma_start3A_381 = tpu.memref_squeeze %dma_start3A_380 : memref<1x128xi32, #tpu.memory_space<vmem>> -> memref<128xi32, #tpu.memory_space<vmem>>
        %dma_start3A_382 = arith.constant 0 : i32
        %dma_start3A_383 = arith.constant 0 : i32
        %dma_start3A_384 = tpu.memref_slice %arg13[%dma_start3A_382, %dma_start3A_383] : memref<10240x32xf32, #tpu.memory_space<vmem_shared>> -> memref<10240x32xf32, #tpu.memory_space<vmem_shared>>
        tpu.enqueue_indirect_dma source(%arg8 : memref<128x32xf32, #tpu.memory_space<vmem>>) target(%dma_start3A_384 : memref<10240x32xf32, #tpu.memory_space<vmem_shared>>) offsets(%dma_start3A_381 : memref<128xi32, #tpu.memory_space<vmem>>) semaphore(%run_scoped3A_378 : memref<!tpu.dma_semaphore, #tpu.memory_space<semaphore_mem>>) {add = true}
        %dma_wait3A_385 = arith.constant 0 : i32
        %dma_wait3A_386 = tpu.memref_slice %arg7[%add3A_307, %dma_wait3A_385] : memref<40x128xi32, #tpu.memory_space<vmem>> -> memref<1x128xi32, #tpu.memory_space<vmem>>
        %dma_wait3A_387 = tpu.memref_squeeze %dma_wait3A_386 : memref<1x128xi32, #tpu.memory_space<vmem>> -> memref<128xi32, #tpu.memory_space<vmem>>
        %dma_wait3A_388 = arith.constant 0 : i32
        %dma_wait3A_389 = arith.constant 0 : i32
        %dma_wait3A_390 = tpu.memref_slice %arg13[%dma_wait3A_388, %dma_wait3A_389] : memref<10240x32xf32, #tpu.memory_space<vmem_shared>> -> memref<10240x32xf32, #tpu.memory_space<vmem_shared>>
        tpu.wait_indirect_dma semaphore(%run_scoped3A_378 : memref<!tpu.dma_semaphore, #tpu.memory_space<semaphore_mem>>) src(%arg8 : memref<128x32xf32, #tpu.memory_space<vmem>>) dst(%dma_wait3A_390 : memref<10240x32xf32, #tpu.memory_space<vmem_shared>>)
        tpu.yield
      }) : () -> ()
      %add3A_308 = arith.constant 4 : i32
      %add3A_309 = arith.addi %add3A_297, %add3A_308 : i32
      %add3A_310 = arith.constant 0 : i32
      %add3A_311 = arith.addi %add3A_309, %add3A_310 : i32
      %dma_start3A_312 = arith.constant 0 : i32
      %dma_start3A_313 = tpu.memref_slice %arg6[%add3A_311, %dma_start3A_312] : memref<40x128xi32, #tpu.memory_space<vmem>> -> memref<1x128xi32, #tpu.memory_space<vmem>>
      %dma_start3A_314 = tpu.memref_squeeze %dma_start3A_313 : memref<1x128xi32, #tpu.memory_space<vmem>> -> memref<128xi32, #tpu.memory_space<vmem>>
      %dma_start3A_315 = arith.constant 0 : i32
      %dma_start3A_316 = arith.constant 0 : i32
      %dma_start3A_317 = tpu.memref_slice %arg12[%dma_start3A_315, %dma_start3A_316] : memref<10240x32xf32, #tpu.memory_space<vmem_shared>> -> memref<10240x32xf32, #tpu.memory_space<vmem_shared>>
      tpu.enqueue_indirect_dma source(%dma_start3A_317 : memref<10240x32xf32, #tpu.memory_space<vmem_shared>>) target(%arg8 : memref<128x32xf32, #tpu.memory_space<vmem>>) offsets(%dma_start3A_314 : memref<128xi32, #tpu.memory_space<vmem>>) semaphore(%arg14 : memref<!tpu.dma_semaphore, #tpu.memory_space<semaphore_mem>>)
      %add3A_318 = arith.constant 1 : i32
      %add3A_319 = arith.addi %add3A_297, %add3A_318 : i32
      %dma_wait3A_320 = arith.constant 0 : i32
      %dma_wait3A_321 = tpu.memref_slice %arg6[%add3A_319, %dma_wait3A_320] : memref<40x128xi32, #tpu.memory_space<vmem>> -> memref<1x128xi32, #tpu.memory_space<vmem>>
      %dma_wait3A_322 = tpu.memref_squeeze %dma_wait3A_321 : memref<1x128xi32, #tpu.memory_space<vmem>> -> memref<128xi32, #tpu.memory_space<vmem>>
      %dma_wait3A_323 = arith.constant 0 : i32
      %dma_wait3A_324 = arith.constant 0 : i32
      %dma_wait3A_325 = tpu.memref_slice %arg12[%dma_wait3A_323, %dma_wait3A_324] : memref<10240x32xf32, #tpu.memory_space<vmem_shared>> -> memref<10240x32xf32, #tpu.memory_space<vmem_shared>>
      tpu.wait_indirect_dma semaphore(%arg15 : memref<!tpu.dma_semaphore, #tpu.memory_space<semaphore_mem>>) src(%dma_wait3A_325 : memref<10240x32xf32, #tpu.memory_space<vmem_shared>>) dst(%arg9 : memref<128x32xf32, #tpu.memory_space<vmem>>)
      %add3A_326 = arith.constant 1 : i32
      %add3A_327 = arith.addi %add3A_297, %add3A_326 : i32
      "tpu.region"() ({
        %run_scoped3A_378 = tpu.sem_alloc : memref<!tpu.dma_semaphore, #tpu.memory_space<semaphore_mem>>
        %dma_start3A_379 = arith.constant 0 : i32
        %dma_start3A_380 = tpu.memref_slice %arg7[%add3A_327, %dma_start3A_379] : memref<40x128xi32, #tpu.memory_space<vmem>> -> memref<1x128xi32, #tpu.memory_space<vmem>>
        %dma_start3A_381 = tpu.memref_squeeze %dma_start3A_380 : memref<1x128xi32, #tpu.memory_space<vmem>> -> memref<128xi32, #tpu.memory_space<vmem>>
        %dma_start3A_382 = arith.constant 0 : i32
        %dma_start3A_383 = arith.constant 0 : i32
        %dma_start3A_384 = tpu.memref_slice %arg13[%dma_start3A_382, %dma_start3A_383] : memref<10240x32xf32, #tpu.memory_space<vmem_shared>> -> memref<10240x32xf32, #tpu.memory_space<vmem_shared>>
        tpu.enqueue_indirect_dma source(%arg9 : memref<128x32xf32, #tpu.memory_space<vmem>>) target(%dma_start3A_384 : memref<10240x32xf32, #tpu.memory_space<vmem_shared>>) offsets(%dma_start3A_381 : memref<128xi32, #tpu.memory_space<vmem>>) semaphore(%run_scoped3A_378 : memref<!tpu.dma_semaphore, #tpu.memory_space<semaphore_mem>>) {add = true}
        %dma_wait3A_385 = arith.constant 0 : i32
        %dma_wait3A_386 = tpu.memref_slice %arg7[%add3A_327, %dma_wait3A_385] : memref<40x128xi32, #tpu.memory_space<vmem>> -> memref<1x128xi32, #tpu.memory_space<vmem>>
        %dma_wait3A_387 = tpu.memref_squeeze %dma_wait3A_386 : memref<1x128xi32, #tpu.memory_space<vmem>> -> memref<128xi32, #tpu.memory_space<vmem>>
        %dma_wait3A_388 = arith.constant 0 : i32
        %dma_wait3A_389 = arith.constant 0 : i32
        %dma_wait3A_390 = tpu.memref_slice %arg13[%dma_wait3A_388, %dma_wait3A_389] : memref<10240x32xf32, #tpu.memory_space<vmem_shared>> -> memref<10240x32xf32, #tpu.memory_space<vmem_shared>>
        tpu.wait_indirect_dma semaphore(%run_scoped3A_378 : memref<!tpu.dma_semaphore, #tpu.memory_space<semaphore_mem>>) src(%arg9 : memref<128x32xf32, #tpu.memory_space<vmem>>) dst(%dma_wait3A_390 : memref<10240x32xf32, #tpu.memory_space<vmem_shared>>)
        tpu.yield
      }) : () -> ()
      %add3A_328 = arith.constant 4 : i32
      %add3A_329 = arith.addi %add3A_297, %add3A_328 : i32
      %add3A_330 = arith.constant 1 : i32
      %add3A_331 = arith.addi %add3A_329, %add3A_330 : i32
      %dma_start3A_332 = arith.constant 0 : i32
      %dma_start3A_333 = tpu.memref_slice %arg6[%add3A_331, %dma_start3A_332] : memref<40x128xi32, #tpu.memory_space<vmem>> -> memref<1x128xi32, #tpu.memory_space<vmem>>
      %dma_start3A_334 = tpu.memref_squeeze %dma_start3A_333 : memref<1x128xi32, #tpu.memory_space<vmem>> -> memref<128xi32, #tpu.memory_space<vmem>>
      %dma_start3A_335 = arith.constant 0 : i32
      %dma_start3A_336 = arith.constant 0 : i32
      %dma_start3A_337 = tpu.memref_slice %arg12[%dma_start3A_335, %dma_start3A_336] : memref<10240x32xf32, #tpu.memory_space<vmem_shared>> -> memref<10240x32xf32, #tpu.memory_space<vmem_shared>>
      tpu.enqueue_indirect_dma source(%dma_start3A_337 : memref<10240x32xf32, #tpu.memory_space<vmem_shared>>) target(%arg9 : memref<128x32xf32, #tpu.memory_space<vmem>>) offsets(%dma_start3A_334 : memref<128xi32, #tpu.memory_space<vmem>>) semaphore(%arg15 : memref<!tpu.dma_semaphore, #tpu.memory_space<semaphore_mem>>)
      %add3A_338 = arith.constant 2 : i32
      %add3A_339 = arith.addi %add3A_297, %add3A_338 : i32
      %dma_wait3A_340 = arith.constant 0 : i32
      %dma_wait3A_341 = tpu.memref_slice %arg6[%add3A_339, %dma_wait3A_340] : memref<40x128xi32, #tpu.memory_space<vmem>> -> memref<1x128xi32, #tpu.memory_space<vmem>>
      %dma_wait3A_342 = tpu.memref_squeeze %dma_wait3A_341 : memref<1x128xi32, #tpu.memory_space<vmem>> -> memref<128xi32, #tpu.memory_space<vmem>>
      %dma_wait3A_343 = arith.constant 0 : i32
      %dma_wait3A_344 = arith.constant 0 : i32
      %dma_wait3A_345 = tpu.memref_slice %arg12[%dma_wait3A_343, %dma_wait3A_344] : memref<10240x32xf32, #tpu.memory_space<vmem_shared>> -> memref<10240x32xf32, #tpu.memory_space<vmem_shared>>
      tpu.wait_indirect_dma semaphore(%arg16 : memref<!tpu.dma_semaphore, #tpu.memory_space<semaphore_mem>>) src(%dma_wait3A_345 : memref<10240x32xf32, #tpu.memory_space<vmem_shared>>) dst(%arg10 : memref<128x32xf32, #tpu.memory_space<vmem>>)
      %add3A_346 = arith.constant 2 : i32
      %add3A_347 = arith.addi %add3A_297, %add3A_346 : i32
      "tpu.region"() ({
        %run_scoped3A_378 = tpu.sem_alloc : memref<!tpu.dma_semaphore, #tpu.memory_space<semaphore_mem>>
        %dma_start3A_379 = arith.constant 0 : i32
        %dma_start3A_380 = tpu.memref_slice %arg7[%add3A_347, %dma_start3A_379] : memref<40x128xi32, #tpu.memory_space<vmem>> -> memref<1x128xi32, #tpu.memory_space<vmem>>
        %dma_start3A_381 = tpu.memref_squeeze %dma_start3A_380 : memref<1x128xi32, #tpu.memory_space<vmem>> -> memref<128xi32, #tpu.memory_space<vmem>>
        %dma_start3A_382 = arith.constant 0 : i32
        %dma_start3A_383 = arith.constant 0 : i32
        %dma_start3A_384 = tpu.memref_slice %arg13[%dma_start3A_382, %dma_start3A_383] : memref<10240x32xf32, #tpu.memory_space<vmem_shared>> -> memref<10240x32xf32, #tpu.memory_space<vmem_shared>>
        tpu.enqueue_indirect_dma source(%arg10 : memref<128x32xf32, #tpu.memory_space<vmem>>) target(%dma_start3A_384 : memref<10240x32xf32, #tpu.memory_space<vmem_shared>>) offsets(%dma_start3A_381 : memref<128xi32, #tpu.memory_space<vmem>>) semaphore(%run_scoped3A_378 : memref<!tpu.dma_semaphore, #tpu.memory_space<semaphore_mem>>) {add = true}
        %dma_wait3A_385 = arith.constant 0 : i32
        %dma_wait3A_386 = tpu.memref_slice %arg7[%add3A_347, %dma_wait3A_385] : memref<40x128xi32, #tpu.memory_space<vmem>> -> memref<1x128xi32, #tpu.memory_space<vmem>>
        %dma_wait3A_387 = tpu.memref_squeeze %dma_wait3A_386 : memref<1x128xi32, #tpu.memory_space<vmem>> -> memref<128xi32, #tpu.memory_space<vmem>>
        %dma_wait3A_388 = arith.constant 0 : i32
        %dma_wait3A_389 = arith.constant 0 : i32
        %dma_wait3A_390 = tpu.memref_slice %arg13[%dma_wait3A_388, %dma_wait3A_389] : memref<10240x32xf32, #tpu.memory_space<vmem_shared>> -> memref<10240x32xf32, #tpu.memory_space<vmem_shared>>
        tpu.wait_indirect_dma semaphore(%run_scoped3A_378 : memref<!tpu.dma_semaphore, #tpu.memory_space<semaphore_mem>>) src(%arg10 : memref<128x32xf32, #tpu.memory_space<vmem>>) dst(%dma_wait3A_390 : memref<10240x32xf32, #tpu.memory_space<vmem_shared>>)
        tpu.yield
      }) : () -> ()
      %add3A_348 = arith.constant 4 : i32
      %add3A_349 = arith.addi %add3A_297, %add3A_348 : i32
      %add3A_350 = arith.constant 2 : i32
      %add3A_351 = arith.addi %add3A_349, %add3A_350 : i32
      %dma_start3A_352 = arith.constant 0 : i32
      %dma_start3A_353 = tpu.memref_slice %arg6[%add3A_351, %dma_start3A_352] : memref<40x128xi32, #tpu.memory_space<vmem>> -> memref<1x128xi32, #tpu.memory_space<vmem>>
      %dma_start3A_354 = tpu.memref_squeeze %dma_start3A_353 : memref<1x128xi32, #tpu.memory_space<vmem>> -> memref<128xi32, #tpu.memory_space<vmem>>
      %dma_start3A_355 = arith.constant 0 : i32
      %dma_start3A_356 = arith.constant 0 : i32
      %dma_start3A_357 = tpu.memref_slice %arg12[%dma_start3A_355, %dma_start3A_356] : memref<10240x32xf32, #tpu.memory_space<vmem_shared>> -> memref<10240x32xf32, #tpu.memory_space<vmem_shared>>
      tpu.enqueue_indirect_dma source(%dma_start3A_357 : memref<10240x32xf32, #tpu.memory_space<vmem_shared>>) target(%arg10 : memref<128x32xf32, #tpu.memory_space<vmem>>) offsets(%dma_start3A_354 : memref<128xi32, #tpu.memory_space<vmem>>) semaphore(%arg16 : memref<!tpu.dma_semaphore, #tpu.memory_space<semaphore_mem>>)
      %add3A_358 = arith.constant 3 : i32
      %add3A_359 = arith.addi %add3A_297, %add3A_358 : i32
      %dma_wait3A_360 = arith.constant 0 : i32
      %dma_wait3A_361 = tpu.memref_slice %arg6[%add3A_359, %dma_wait3A_360] : memref<40x128xi32, #tpu.memory_space<vmem>> -> memref<1x128xi32, #tpu.memory_space<vmem>>
      %dma_wait3A_362 = tpu.memref_squeeze %dma_wait3A_361 : memref<1x128xi32, #tpu.memory_space<vmem>> -> memref<128xi32, #tpu.memory_space<vmem>>
      %dma_wait3A_363 = arith.constant 0 : i32
      %dma_wait3A_364 = arith.constant 0 : i32
      %dma_wait3A_365 = tpu.memref_slice %arg12[%dma_wait3A_363, %dma_wait3A_364] : memref<10240x32xf32, #tpu.memory_space<vmem_shared>> -> memref<10240x32xf32, #tpu.memory_space<vmem_shared>>
      tpu.wait_indirect_dma semaphore(%arg17 : memref<!tpu.dma_semaphore, #tpu.memory_space<semaphore_mem>>) src(%dma_wait3A_365 : memref<10240x32xf32, #tpu.memory_space<vmem_shared>>) dst(%arg11 : memref<128x32xf32, #tpu.memory_space<vmem>>)
      %add3A_366 = arith.constant 3 : i32
      %add3A_367 = arith.addi %add3A_297, %add3A_366 : i32
      "tpu.region"() ({
        %run_scoped3A_378 = tpu.sem_alloc : memref<!tpu.dma_semaphore, #tpu.memory_space<semaphore_mem>>
        %dma_start3A_379 = arith.constant 0 : i32
        %dma_start3A_380 = tpu.memref_slice %arg7[%add3A_367, %dma_start3A_379] : memref<40x128xi32, #tpu.memory_space<vmem>> -> memref<1x128xi32, #tpu.memory_space<vmem>>
        %dma_start3A_381 = tpu.memref_squeeze %dma_start3A_380 : memref<1x128xi32, #tpu.memory_space<vmem>> -> memref<128xi32, #tpu.memory_space<vmem>>
        %dma_start3A_382 = arith.constant 0 : i32
        %dma_start3A_383 = arith.constant 0 : i32
        %dma_start3A_384 = tpu.memref_slice %arg13[%dma_start3A_382, %dma_start3A_383] : memref<10240x32xf32, #tpu.memory_space<vmem_shared>> -> memref<10240x32xf32, #tpu.memory_space<vmem_shared>>
        tpu.enqueue_indirect_dma source(%arg11 : memref<128x32xf32, #tpu.memory_space<vmem>>) target(%dma_start3A_384 : memref<10240x32xf32, #tpu.memory_space<vmem_shared>>) offsets(%dma_start3A_381 : memref<128xi32, #tpu.memory_space<vmem>>) semaphore(%run_scoped3A_378 : memref<!tpu.dma_semaphore, #tpu.memory_space<semaphore_mem>>) {add = true}
        %dma_wait3A_385 = arith.constant 0 : i32
        %dma_wait3A_386 = tpu.memref_slice %arg7[%add3A_367, %dma_wait3A_385] : memref<40x128xi32, #tpu.memory_space<vmem>> -> memref<1x128xi32, #tpu.memory_space<vmem>>
        %dma_wait3A_387 = tpu.memref_squeeze %dma_wait3A_386 : memref<1x128xi32, #tpu.memory_space<vmem>> -> memref<128xi32, #tpu.memory_space<vmem>>
        %dma_wait3A_388 = arith.constant 0 : i32
        %dma_wait3A_389 = arith.constant 0 : i32
        %dma_wait3A_390 = tpu.memref_slice %arg13[%dma_wait3A_388, %dma_wait3A_389] : memref<10240x32xf32, #tpu.memory_space<vmem_shared>> -> memref<10240x32xf32, #tpu.memory_space<vmem_shared>>
        tpu.wait_indirect_dma semaphore(%run_scoped3A_378 : memref<!tpu.dma_semaphore, #tpu.memory_space<semaphore_mem>>) src(%arg11 : memref<128x32xf32, #tpu.memory_space<vmem>>) dst(%dma_wait3A_390 : memref<10240x32xf32, #tpu.memory_space<vmem_shared>>)
        tpu.yield
      }) : () -> ()
      %add3A_368 = arith.constant 4 : i32
      %add3A_369 = arith.addi %add3A_297, %add3A_368 : i32
      %add3A_370 = arith.constant 3 : i32
      %add3A_371 = arith.addi %add3A_369, %add3A_370 : i32
      %dma_start3A_372 = arith.constant 0 : i32
      %dma_start3A_373 = tpu.memref_slice %arg6[%add3A_371, %dma_start3A_372] : memref<40x128xi32, #tpu.memory_space<vmem>> -> memref<1x128xi32, #tpu.memory_space<vmem>>
      %dma_start3A_374 = tpu.memref_squeeze %dma_start3A_373 : memref<1x128xi32, #tpu.memory_space<vmem>> -> memref<128xi32, #tpu.memory_space<vmem>>
      %dma_start3A_375 = arith.constant 0 : i32
      %dma_start3A_376 = arith.constant 0 : i32
      %dma_start3A_377 = tpu.memref_slice %arg12[%dma_start3A_375, %dma_start3A_376] : memref<10240x32xf32, #tpu.memory_space<vmem_shared>> -> memref<10240x32xf32, #tpu.memory_space<vmem_shared>>
      tpu.enqueue_indirect_dma source(%dma_start3A_377 : memref<10240x32xf32, #tpu.memory_space<vmem_shared>>) target(%arg11 : memref<128x32xf32, #tpu.memory_space<vmem>>) offsets(%dma_start3A_374 : memref<128xi32, #tpu.memory_space<vmem>>) semaphore(%arg17 : memref<!tpu.dma_semaphore, #tpu.memory_space<semaphore_mem>>)
    }
    %scan3A_185 = arith.constant 9 : i32
    %dma_wait3A_186 = arith.constant 36 : i32
    %dma_wait3A_187 = arith.constant 0 : i32
    %dma_wait3A_188 = tpu.memref_slice %arg6[%dma_wait3A_186, %dma_wait3A_187] : memref<40x128xi32, #tpu.memory_space<vmem>> -> memref<1x128xi32, #tpu.memory_space<vmem>>
    %dma_wait3A_189 = tpu.memref_squeeze %dma_wait3A_188 : memref<1x128xi32, #tpu.memory_space<vmem>> -> memref<128xi32, #tpu.memory_space<vmem>>
    %dma_wait3A_190 = arith.constant 0 : i32
    %dma_wait3A_191 = arith.constant 0 : i32
    %dma_wait3A_192 = tpu.memref_slice %arg12[%dma_wait3A_190, %dma_wait3A_191] : memref<10240x32xf32, #tpu.memory_space<vmem_shared>> -> memref<10240x32xf32, #tpu.memory_space<vmem_shared>>
    tpu.wait_indirect_dma semaphore(%arg14 : memref<!tpu.dma_semaphore, #tpu.memory_space<semaphore_mem>>) src(%dma_wait3A_192 : memref<10240x32xf32, #tpu.memory_space<vmem_shared>>) dst(%arg8 : memref<128x32xf32, #tpu.memory_space<vmem>>)
    %run_scoped3A_193 = arith.constant 36 : i32
    "tpu.region"() ({
      %run_scoped3A_293 = tpu.sem_alloc : memref<!tpu.dma_semaphore, #tpu.memory_space<semaphore_mem>>
      %dma_start3A_294 = arith.constant 0 : i32
      %dma_start3A_295 = tpu.memref_slice %arg7[%run_scoped3A_193, %dma_start3A_294] : memref<40x128xi32, #tpu.memory_space<vmem>> -> memref<1x128xi32, #tpu.memory_space<vmem>>
      %dma_start3A_296 = tpu.memref_squeeze %dma_start3A_295 : memref<1x128xi32, #tpu.memory_space<vmem>> -> memref<128xi32, #tpu.memory_space<vmem>>
      %dma_start3A_297 = arith.constant 0 : i32
      %dma_start3A_298 = arith.constant 0 : i32
      %dma_start3A_299 = tpu.memref_slice %arg13[%dma_start3A_297, %dma_start3A_298] : memref<10240x32xf32, #tpu.memory_space<vmem_shared>> -> memref<10240x32xf32, #tpu.memory_space<vmem_shared>>
      tpu.enqueue_indirect_dma source(%arg8 : memref<128x32xf32, #tpu.memory_space<vmem>>) target(%dma_start3A_299 : memref<10240x32xf32, #tpu.memory_space<vmem_shared>>) offsets(%dma_start3A_296 : memref<128xi32, #tpu.memory_space<vmem>>) semaphore(%run_scoped3A_293 : memref<!tpu.dma_semaphore, #tpu.memory_space<semaphore_mem>>) {add = true}
      %dma_wait3A_300 = arith.constant 0 : i32
      %dma_wait3A_301 = tpu.memref_slice %arg7[%run_scoped3A_193, %dma_wait3A_300] : memref<40x128xi32, #tpu.memory_space<vmem>> -> memref<1x128xi32, #tpu.memory_space<vmem>>
      %dma_wait3A_302 = tpu.memref_squeeze %dma_wait3A_301 : memref<1x128xi32, #tpu.memory_space<vmem>> -> memref<128xi32, #tpu.memory_space<vmem>>
      %dma_wait3A_303 = arith.constant 0 : i32
      %dma_wait3A_304 = arith.constant 0 : i32
      %dma_wait3A_305 = tpu.memref_slice %arg13[%dma_wait3A_303, %dma_wait3A_304] : memref<10240x32xf32, #tpu.memory_space<vmem_shared>> -> memref<10240x32xf32, #tpu.memory_space<vmem_shared>>
      tpu.wait_indirect_dma semaphore(%run_scoped3A_293 : memref<!tpu.dma_semaphore, #tpu.memory_space<semaphore_mem>>) src(%arg8 : memref<128x32xf32, #tpu.memory_space<vmem>>) dst(%dma_wait3A_305 : memref<10240x32xf32, #tpu.memory_space<vmem_shared>>)
      tpu.yield
    }) : () -> ()
    %dma_wait3A_194 = arith.constant 37 : i32
    %dma_wait3A_195 = arith.constant 0 : i32
    %dma_wait3A_196 = tpu.memref_slice %arg6[%dma_wait3A_194, %dma_wait3A_195] : memref<40x128xi32, #tpu.memory_space<vmem>> -> memref<1x128xi32, #tpu.memory_space<vmem>>
    %dma_wait3A_197 = tpu.memref_squeeze %dma_wait3A_196 : memref<1x128xi32, #tpu.memory_space<vmem>> -> memref<128xi32, #tpu.memory_space<vmem>>
    %dma_wait3A_198 = arith.constant 0 : i32
    %dma_wait3A_199 = arith.constant 0 : i32
    %dma_wait3A_200 = tpu.memref_slice %arg12[%dma_wait3A_198, %dma_wait3A_199] : memref<10240x32xf32, #tpu.memory_space<vmem_shared>> -> memref<10240x32xf32, #tpu.memory_space<vmem_shared>>
    tpu.wait_indirect_dma semaphore(%arg15 : memref<!tpu.dma_semaphore, #tpu.memory_space<semaphore_mem>>) src(%dma_wait3A_200 : memref<10240x32xf32, #tpu.memory_space<vmem_shared>>) dst(%arg9 : memref<128x32xf32, #tpu.memory_space<vmem>>)
    %run_scoped3A_201 = arith.constant 37 : i32
    "tpu.region"() ({
      %run_scoped3A_293 = tpu.sem_alloc : memref<!tpu.dma_semaphore, #tpu.memory_space<semaphore_mem>>
      %dma_start3A_294 = arith.constant 0 : i32
      %dma_start3A_295 = tpu.memref_slice %arg7[%run_scoped3A_201, %dma_start3A_294] : memref<40x128xi32, #tpu.memory_space<vmem>> -> memref<1x128xi32, #tpu.memory_space<vmem>>
      %dma_start3A_296 = tpu.memref_squeeze %dma_start3A_295 : memref<1x128xi32, #tpu.memory_space<vmem>> -> memref<128xi32, #tpu.memory_space<vmem>>
      %dma_start3A_297 = arith.constant 0 : i32
      %dma_start3A_298 = arith.constant 0 : i32
      %dma_start3A_299 = tpu.memref_slice %arg13[%dma_start3A_297, %dma_start3A_298] : memref<10240x32xf32, #tpu.memory_space<vmem_shared>> -> memref<10240x32xf32, #tpu.memory_space<vmem_shared>>
      tpu.enqueue_indirect_dma source(%arg9 : memref<128x32xf32, #tpu.memory_space<vmem>>) target(%dma_start3A_299 : memref<10240x32xf32, #tpu.memory_space<vmem_shared>>) offsets(%dma_start3A_296 : memref<128xi32, #tpu.memory_space<vmem>>) semaphore(%run_scoped3A_293 : memref<!tpu.dma_semaphore, #tpu.memory_space<semaphore_mem>>) {add = true}
      %dma_wait3A_300 = arith.constant 0 : i32
      %dma_wait3A_301 = tpu.memref_slice %arg7[%run_scoped3A_201, %dma_wait3A_300] : memref<40x128xi32, #tpu.memory_space<vmem>> -> memref<1x128xi32, #tpu.memory_space<vmem>>
      %dma_wait3A_302 = tpu.memref_squeeze %dma_wait3A_301 : memref<1x128xi32, #tpu.memory_space<vmem>> -> memref<128xi32, #tpu.memory_space<vmem>>
      %dma_wait3A_303 = arith.constant 0 : i32
      %dma_wait3A_304 = arith.constant 0 : i32
      %dma_wait3A_305 = tpu.memref_slice %arg13[%dma_wait3A_303, %dma_wait3A_304] : memref<10240x32xf32, #tpu.memory_space<vmem_shared>> -> memref<10240x32xf32, #tpu.memory_space<vmem_shared>>
      tpu.wait_indirect_dma semaphore(%run_scoped3A_293 : memref<!tpu.dma_semaphore, #tpu.memory_space<semaphore_mem>>) src(%arg9 : memref<128x32xf32, #tpu.memory_space<vmem>>) dst(%dma_wait3A_305 : memref<10240x32xf32, #tpu.memory_space<vmem_shared>>)
      tpu.yield
    }) : () -> ()
    %dma_wait3A_202 = arith.constant 38 : i32
    %dma_wait3A_203 = arith.constant 0 : i32
    %dma_wait3A_204 = tpu.memref_slice %arg6[%dma_wait3A_202, %dma_wait3A_203] : memref<40x128xi32, #tpu.memory_space<vmem>> -> memref<1x128xi32, #tpu.memory_space<vmem>>
    %dma_wait3A_205 = tpu.memref_squeeze %dma_wait3A_204 : memref<1x128xi32, #tpu.memory_space<vmem>> -> memref<128xi32, #tpu.memory_space<vmem>>
    %dma_wait3A_206 = arith.constant 0 : i32
    %dma_wait3A_207 = arith.constant 0 : i32
    %dma_wait3A_208 = tpu.memref_slice %arg12[%dma_wait3A_206, %dma_wait3A_207] : memref<10240x32xf32, #tpu.memory_space<vmem_shared>> -> memref<10240x32xf32, #tpu.memory_space<vmem_shared>>
    tpu.wait_indirect_dma semaphore(%arg16 : memref<!tpu.dma_semaphore, #tpu.memory_space<semaphore_mem>>) src(%dma_wait3A_208 : memref<10240x32xf32, #tpu.memory_space<vmem_shared>>) dst(%arg10 : memref<128x32xf32, #tpu.memory_space<vmem>>)
    %run_scoped3A_209 = arith.constant 38 : i32
    "tpu.region"() ({
      %run_scoped3A_293 = tpu.sem_alloc : memref<!tpu.dma_semaphore, #tpu.memory_space<semaphore_mem>>
      %dma_start3A_294 = arith.constant 0 : i32
      %dma_start3A_295 = tpu.memref_slice %arg7[%run_scoped3A_209, %dma_start3A_294] : memref<40x128xi32, #tpu.memory_space<vmem>> -> memref<1x128xi32, #tpu.memory_space<vmem>>
      %dma_start3A_296 = tpu.memref_squeeze %dma_start3A_295 : memref<1x128xi32, #tpu.memory_space<vmem>> -> memref<128xi32, #tpu.memory_space<vmem>>
      %dma_start3A_297 = arith.constant 0 : i32
      %dma_start3A_298 = arith.constant 0 : i32
      %dma_start3A_299 = tpu.memref_slice %arg13[%dma_start3A_297, %dma_start3A_298] : memref<10240x32xf32, #tpu.memory_space<vmem_shared>> -> memref<10240x32xf32, #tpu.memory_space<vmem_shared>>
      tpu.enqueue_indirect_dma source(%arg10 : memref<128x32xf32, #tpu.memory_space<vmem>>) target(%dma_start3A_299 : memref<10240x32xf32, #tpu.memory_space<vmem_shared>>) offsets(%dma_start3A_296 : memref<128xi32, #tpu.memory_space<vmem>>) semaphore(%run_scoped3A_293 : memref<!tpu.dma_semaphore, #tpu.memory_space<semaphore_mem>>) {add = true}
      %dma_wait3A_300 = arith.constant 0 : i32
      %dma_wait3A_301 = tpu.memref_slice %arg7[%run_scoped3A_209, %dma_wait3A_300] : memref<40x128xi32, #tpu.memory_space<vmem>> -> memref<1x128xi32, #tpu.memory_space<vmem>>
      %dma_wait3A_302 = tpu.memref_squeeze %dma_wait3A_301 : memref<1x128xi32, #tpu.memory_space<vmem>> -> memref<128xi32, #tpu.memory_space<vmem>>
      %dma_wait3A_303 = arith.constant 0 : i32
      %dma_wait3A_304 = arith.constant 0 : i32
      %dma_wait3A_305 = tpu.memref_slice %arg13[%dma_wait3A_303, %dma_wait3A_304] : memref<10240x32xf32, #tpu.memory_space<vmem_shared>> -> memref<10240x32xf32, #tpu.memory_space<vmem_shared>>
      tpu.wait_indirect_dma semaphore(%run_scoped3A_293 : memref<!tpu.dma_semaphore, #tpu.memory_space<semaphore_mem>>) src(%arg10 : memref<128x32xf32, #tpu.memory_space<vmem>>) dst(%dma_wait3A_305 : memref<10240x32xf32, #tpu.memory_space<vmem_shared>>)
      tpu.yield
    }) : () -> ()
    %dma_wait3A_210 = arith.constant 39 : i32
    %dma_wait3A_211 = arith.constant 0 : i32
    %dma_wait3A_212 = tpu.memref_slice %arg6[%dma_wait3A_210, %dma_wait3A_211] : memref<40x128xi32, #tpu.memory_space<vmem>> -> memref<1x128xi32, #tpu.memory_space<vmem>>
    %dma_wait3A_213 = tpu.memref_squeeze %dma_wait3A_212 : memref<1x128xi32, #tpu.memory_space<vmem>> -> memref<128xi32, #tpu.memory_space<vmem>>
    %dma_wait3A_214 = arith.constant 0 : i32
    %dma_wait3A_215 = arith.constant 0 : i32
    %dma_wait3A_216 = tpu.memref_slice %arg12[%dma_wait3A_214, %dma_wait3A_215] : memref<10240x32xf32, #tpu.memory_space<vmem_shared>> -> memref<10240x32xf32, #tpu.memory_space<vmem_shared>>
    tpu.wait_indirect_dma semaphore(%arg17 : memref<!tpu.dma_semaphore, #tpu.memory_space<semaphore_mem>>) src(%dma_wait3A_216 : memref<10240x32xf32, #tpu.memory_space<vmem_shared>>) dst(%arg11 : memref<128x32xf32, #tpu.memory_space<vmem>>)
    %run_scoped3A_217 = arith.constant 39 : i32
    "tpu.region"() ({
      %run_scoped3A_293 = tpu.sem_alloc : memref<!tpu.dma_semaphore, #tpu.memory_space<semaphore_mem>>
      %dma_start3A_294 = arith.constant 0 : i32
      %dma_start3A_295 = tpu.memref_slice %arg7[%run_scoped3A_217, %dma_start3A_294] : memref<40x128xi32, #tpu.memory_space<vmem>> -> memref<1x128xi32, #tpu.memory_space<vmem>>
      %dma_start3A_296 = tpu.memref_squeeze %dma_start3A_295 : memref<1x128xi32, #tpu.memory_space<vmem>> -> memref<128xi32, #tpu.memory_space<vmem>>
      %dma_start3A_297 = arith.constant 0 : i32
      %dma_start3A_298 = arith.constant 0 : i32
      %dma_start3A_299 = tpu.memref_slice %arg13[%dma_start3A_297, %dma_start3A_298] : memref<10240x32xf32, #tpu.memory_space<vmem_shared>> -> memref<10240x32xf32, #tpu.memory_space<vmem_shared>>
      tpu.enqueue_indirect_dma source(%arg11 : memref<128x32xf32, #tpu.memory_space<vmem>>) target(%dma_start3A_299 : memref<10240x32xf32, #tpu.memory_space<vmem_shared>>) offsets(%dma_start3A_296 : memref<128xi32, #tpu.memory_space<vmem>>) semaphore(%run_scoped3A_293 : memref<!tpu.dma_semaphore, #tpu.memory_space<semaphore_mem>>) {add = true}
      %dma_wait3A_300 = arith.constant 0 : i32
      %dma_wait3A_301 = tpu.memref_slice %arg7[%run_scoped3A_217, %dma_wait3A_300] : memref<40x128xi32, #tpu.memory_space<vmem>> -> memref<1x128xi32, #tpu.memory_space<vmem>>
      %dma_wait3A_302 = tpu.memref_squeeze %dma_wait3A_301 : memref<1x128xi32, #tpu.memory_space<vmem>> -> memref<128xi32, #tpu.memory_space<vmem>>
      %dma_wait3A_303 = arith.constant 0 : i32
      %dma_wait3A_304 = arith.constant 0 : i32
      %dma_wait3A_305 = tpu.memref_slice %arg13[%dma_wait3A_303, %dma_wait3A_304] : memref<10240x32xf32, #tpu.memory_space<vmem_shared>> -> memref<10240x32xf32, #tpu.memory_space<vmem_shared>>
      tpu.wait_indirect_dma semaphore(%run_scoped3A_293 : memref<!tpu.dma_semaphore, #tpu.memory_space<semaphore_mem>>) src(%arg11 : memref<128x32xf32, #tpu.memory_space<vmem>>) dst(%dma_wait3A_305 : memref<10240x32xf32, #tpu.memory_space<vmem_shared>>)
      tpu.yield
    }) : () -> ()
    %mul3A_218 = arith.constant 160 : i32
    %mul3A_219 = arith.muli %arg1, %mul3A_218 : i32
    %add3A_220 = arith.constant 120 : i32
    %add3A_221 = arith.addi %mul3A_219, %add3A_220 : i32
    "tpu.region"() ({
      %run_scoped3A_293 = tpu.sem_alloc : memref<!tpu.dma_semaphore, #tpu.memory_space<semaphore_mem>>
      %dma_start3A_294 = arith.constant 0 : i32
      %dma_start3A_295 = tpu.memref_slice %arg3[%add3A_221, %dma_start3A_294] : memref<2560x128xi32, #tpu.memory_space<hbm>> -> memref<40x128xi32, #tpu.memory_space<hbm>>
      %dma_start3A_296 = arith.constant 0 : i32
      %dma_start3A_297 = tpu.memref_slice %arg3[%add3A_221, %dma_start3A_296] : memref<2560x128xi32, #tpu.memory_space<hbm>> -> memref<40x128xi32, #tpu.memory_space<hbm>>
      tpu.enqueue_dma source(%dma_start3A_297 : memref<40x128xi32, #tpu.memory_space<hbm>>) target(%arg6 : memref<40x128xi32, #tpu.memory_space<vmem>>) target_semaphore(%run_scoped3A_293 : memref<!tpu.dma_semaphore, #tpu.memory_space<semaphore_mem>>)
      %dma_wait3A_298 = arith.constant 0 : i32
      %dma_wait3A_299 = tpu.memref_slice %arg3[%add3A_221, %dma_wait3A_298] : memref<2560x128xi32, #tpu.memory_space<hbm>> -> memref<40x128xi32, #tpu.memory_space<hbm>>
      %dma_wait3A_300 = arith.constant 0 : i32
      %dma_wait3A_301 = tpu.memref_slice %arg3[%add3A_221, %dma_wait3A_300] : memref<2560x128xi32, #tpu.memory_space<hbm>> -> memref<40x128xi32, #tpu.memory_space<hbm>>
      tpu.wait_dma2 semaphore(%run_scoped3A_293 : memref<!tpu.dma_semaphore, #tpu.memory_space<semaphore_mem>>) src(%dma_wait3A_301 : memref<40x128xi32, #tpu.memory_space<hbm>>) dst(%arg6 : memref<40x128xi32, #tpu.memory_space<vmem>>)
      tpu.yield
    }) : () -> ()
    "tpu.region"() ({
      %run_scoped3A_293 = tpu.sem_alloc : memref<!tpu.dma_semaphore, #tpu.memory_space<semaphore_mem>>
      %dma_start3A_294 = arith.constant 0 : i32
      %dma_start3A_295 = tpu.memref_slice %arg4[%add3A_221, %dma_start3A_294] : memref<2560x128xi32, #tpu.memory_space<hbm>> -> memref<40x128xi32, #tpu.memory_space<hbm>>
      %dma_start3A_296 = arith.constant 0 : i32
      %dma_start3A_297 = tpu.memref_slice %arg4[%add3A_221, %dma_start3A_296] : memref<2560x128xi32, #tpu.memory_space<hbm>> -> memref<40x128xi32, #tpu.memory_space<hbm>>
      tpu.enqueue_dma source(%dma_start3A_297 : memref<40x128xi32, #tpu.memory_space<hbm>>) target(%arg7 : memref<40x128xi32, #tpu.memory_space<vmem>>) target_semaphore(%run_scoped3A_293 : memref<!tpu.dma_semaphore, #tpu.memory_space<semaphore_mem>>)
      %dma_wait3A_298 = arith.constant 0 : i32
      %dma_wait3A_299 = tpu.memref_slice %arg4[%add3A_221, %dma_wait3A_298] : memref<2560x128xi32, #tpu.memory_space<hbm>> -> memref<40x128xi32, #tpu.memory_space<hbm>>
      %dma_wait3A_300 = arith.constant 0 : i32
      %dma_wait3A_301 = tpu.memref_slice %arg4[%add3A_221, %dma_wait3A_300] : memref<2560x128xi32, #tpu.memory_space<hbm>> -> memref<40x128xi32, #tpu.memory_space<hbm>>
      tpu.wait_dma2 semaphore(%run_scoped3A_293 : memref<!tpu.dma_semaphore, #tpu.memory_space<semaphore_mem>>) src(%dma_wait3A_301 : memref<40x128xi32, #tpu.memory_space<hbm>>) dst(%arg7 : memref<40x128xi32, #tpu.memory_space<vmem>>)
      tpu.yield
    }) : () -> ()
    %dma_start3A_222 = arith.constant 0 : i32
    %dma_start3A_223 = arith.constant 0 : i32
    %dma_start3A_224 = tpu.memref_slice %arg6[%dma_start3A_222, %dma_start3A_223] : memref<40x128xi32, #tpu.memory_space<vmem>> -> memref<1x128xi32, #tpu.memory_space<vmem>>
    %dma_start3A_225 = tpu.memref_squeeze %dma_start3A_224 : memref<1x128xi32, #tpu.memory_space<vmem>> -> memref<128xi32, #tpu.memory_space<vmem>>
    %dma_start3A_226 = arith.constant 0 : i32
    %dma_start3A_227 = arith.constant 0 : i32
    %dma_start3A_228 = tpu.memref_slice %arg12[%dma_start3A_226, %dma_start3A_227] : memref<10240x32xf32, #tpu.memory_space<vmem_shared>> -> memref<10240x32xf32, #tpu.memory_space<vmem_shared>>
    tpu.enqueue_indirect_dma source(%dma_start3A_228 : memref<10240x32xf32, #tpu.memory_space<vmem_shared>>) target(%arg8 : memref<128x32xf32, #tpu.memory_space<vmem>>) offsets(%dma_start3A_225 : memref<128xi32, #tpu.memory_space<vmem>>) semaphore(%arg14 : memref<!tpu.dma_semaphore, #tpu.memory_space<semaphore_mem>>)
    %dma_start3A_229 = arith.constant 1 : i32
    %dma_start3A_230 = arith.constant 0 : i32
    %dma_start3A_231 = tpu.memref_slice %arg6[%dma_start3A_229, %dma_start3A_230] : memref<40x128xi32, #tpu.memory_space<vmem>> -> memref<1x128xi32, #tpu.memory_space<vmem>>
    %dma_start3A_232 = tpu.memref_squeeze %dma_start3A_231 : memref<1x128xi32, #tpu.memory_space<vmem>> -> memref<128xi32, #tpu.memory_space<vmem>>
    %dma_start3A_233 = arith.constant 0 : i32
    %dma_start3A_234 = arith.constant 0 : i32
    %dma_start3A_235 = tpu.memref_slice %arg12[%dma_start3A_233, %dma_start3A_234] : memref<10240x32xf32, #tpu.memory_space<vmem_shared>> -> memref<10240x32xf32, #tpu.memory_space<vmem_shared>>
    tpu.enqueue_indirect_dma source(%dma_start3A_235 : memref<10240x32xf32, #tpu.memory_space<vmem_shared>>) target(%arg9 : memref<128x32xf32, #tpu.memory_space<vmem>>) offsets(%dma_start3A_232 : memref<128xi32, #tpu.memory_space<vmem>>) semaphore(%arg15 : memref<!tpu.dma_semaphore, #tpu.memory_space<semaphore_mem>>)
    %dma_start3A_236 = arith.constant 2 : i32
    %dma_start3A_237 = arith.constant 0 : i32
    %dma_start3A_238 = tpu.memref_slice %arg6[%dma_start3A_236, %dma_start3A_237] : memref<40x128xi32, #tpu.memory_space<vmem>> -> memref<1x128xi32, #tpu.memory_space<vmem>>
    %dma_start3A_239 = tpu.memref_squeeze %dma_start3A_238 : memref<1x128xi32, #tpu.memory_space<vmem>> -> memref<128xi32, #tpu.memory_space<vmem>>
    %dma_start3A_240 = arith.constant 0 : i32
    %dma_start3A_241 = arith.constant 0 : i32
    %dma_start3A_242 = tpu.memref_slice %arg12[%dma_start3A_240, %dma_start3A_241] : memref<10240x32xf32, #tpu.memory_space<vmem_shared>> -> memref<10240x32xf32, #tpu.memory_space<vmem_shared>>
    tpu.enqueue_indirect_dma source(%dma_start3A_242 : memref<10240x32xf32, #tpu.memory_space<vmem_shared>>) target(%arg10 : memref<128x32xf32, #tpu.memory_space<vmem>>) offsets(%dma_start3A_239 : memref<128xi32, #tpu.memory_space<vmem>>) semaphore(%arg16 : memref<!tpu.dma_semaphore, #tpu.memory_space<semaphore_mem>>)
    %dma_start3A_243 = arith.constant 3 : i32
    %dma_start3A_244 = arith.constant 0 : i32
    %dma_start3A_245 = tpu.memref_slice %arg6[%dma_start3A_243, %dma_start3A_244] : memref<40x128xi32, #tpu.memory_space<vmem>> -> memref<1x128xi32, #tpu.memory_space<vmem>>
    %dma_start3A_246 = tpu.memref_squeeze %dma_start3A_245 : memref<1x128xi32, #tpu.memory_space<vmem>> -> memref<128xi32, #tpu.memory_space<vmem>>
    %dma_start3A_247 = arith.constant 0 : i32
    %dma_start3A_248 = arith.constant 0 : i32
    %dma_start3A_249 = tpu.memref_slice %arg12[%dma_start3A_247, %dma_start3A_248] : memref<10240x32xf32, #tpu.memory_space<vmem_shared>> -> memref<10240x32xf32, #tpu.memory_space<vmem_shared>>
    tpu.enqueue_indirect_dma source(%dma_start3A_249 : memref<10240x32xf32, #tpu.memory_space<vmem_shared>>) target(%arg11 : memref<128x32xf32, #tpu.memory_space<vmem>>) offsets(%dma_start3A_246 : memref<128xi32, #tpu.memory_space<vmem>>) semaphore(%arg17 : memref<!tpu.dma_semaphore, #tpu.memory_space<semaphore_mem>>)
    %scan3A_250 = arith.constant 0 : i32
    %scan3A_251 = arith.constant 9 : i32
    %scan3A_252 = arith.addi %scan3A_250, %scan3A_251 : i32
    %scan3A_253 = arith.constant 1 : i32
    scf.for %scan3A_293 = %scan3A_250 to %scan3A_252 step %scan3A_253  : i32 {
      %mul3A_294 = arith.constant 4 : i32
      %mul3A_295 = arith.muli %scan3A_293, %mul3A_294 : i32
      %add3A_296 = arith.constant 0 : i32
      %add3A_297 = arith.addi %add3A_296, %mul3A_295 : i32
      %add3A_298 = arith.constant 0 : i32
      %add3A_299 = arith.addi %add3A_297, %add3A_298 : i32
      %dma_wait3A_300 = arith.constant 0 : i32
      %dma_wait3A_301 = tpu.memref_slice %arg6[%add3A_299, %dma_wait3A_300] : memref<40x128xi32, #tpu.memory_space<vmem>> -> memref<1x128xi32, #tpu.memory_space<vmem>>
      %dma_wait3A_302 = tpu.memref_squeeze %dma_wait3A_301 : memref<1x128xi32, #tpu.memory_space<vmem>> -> memref<128xi32, #tpu.memory_space<vmem>>
      %dma_wait3A_303 = arith.constant 0 : i32
      %dma_wait3A_304 = arith.constant 0 : i32
      %dma_wait3A_305 = tpu.memref_slice %arg12[%dma_wait3A_303, %dma_wait3A_304] : memref<10240x32xf32, #tpu.memory_space<vmem_shared>> -> memref<10240x32xf32, #tpu.memory_space<vmem_shared>>
      tpu.wait_indirect_dma semaphore(%arg14 : memref<!tpu.dma_semaphore, #tpu.memory_space<semaphore_mem>>) src(%dma_wait3A_305 : memref<10240x32xf32, #tpu.memory_space<vmem_shared>>) dst(%arg8 : memref<128x32xf32, #tpu.memory_space<vmem>>)
      %add3A_306 = arith.constant 0 : i32
      %add3A_307 = arith.addi %add3A_297, %add3A_306 : i32
      "tpu.region"() ({
        %run_scoped3A_378 = tpu.sem_alloc : memref<!tpu.dma_semaphore, #tpu.memory_space<semaphore_mem>>
        %dma_start3A_379 = arith.constant 0 : i32
        %dma_start3A_380 = tpu.memref_slice %arg7[%add3A_307, %dma_start3A_379] : memref<40x128xi32, #tpu.memory_space<vmem>> -> memref<1x128xi32, #tpu.memory_space<vmem>>
        %dma_start3A_381 = tpu.memref_squeeze %dma_start3A_380 : memref<1x128xi32, #tpu.memory_space<vmem>> -> memref<128xi32, #tpu.memory_space<vmem>>
        %dma_start3A_382 = arith.constant 0 : i32
        %dma_start3A_383 = arith.constant 0 : i32
        %dma_start3A_384 = tpu.memref_slice %arg13[%dma_start3A_382, %dma_start3A_383] : memref<10240x32xf32, #tpu.memory_space<vmem_shared>> -> memref<10240x32xf32, #tpu.memory_space<vmem_shared>>
        tpu.enqueue_indirect_dma source(%arg8 : memref<128x32xf32, #tpu.memory_space<vmem>>) target(%dma_start3A_384 : memref<10240x32xf32, #tpu.memory_space<vmem_shared>>) offsets(%dma_start3A_381 : memref<128xi32, #tpu.memory_space<vmem>>) semaphore(%run_scoped3A_378 : memref<!tpu.dma_semaphore, #tpu.memory_space<semaphore_mem>>) {add = true}
        %dma_wait3A_385 = arith.constant 0 : i32
        %dma_wait3A_386 = tpu.memref_slice %arg7[%add3A_307, %dma_wait3A_385] : memref<40x128xi32, #tpu.memory_space<vmem>> -> memref<1x128xi32, #tpu.memory_space<vmem>>
        %dma_wait3A_387 = tpu.memref_squeeze %dma_wait3A_386 : memref<1x128xi32, #tpu.memory_space<vmem>> -> memref<128xi32, #tpu.memory_space<vmem>>
        %dma_wait3A_388 = arith.constant 0 : i32
        %dma_wait3A_389 = arith.constant 0 : i32
        %dma_wait3A_390 = tpu.memref_slice %arg13[%dma_wait3A_388, %dma_wait3A_389] : memref<10240x32xf32, #tpu.memory_space<vmem_shared>> -> memref<10240x32xf32, #tpu.memory_space<vmem_shared>>
        tpu.wait_indirect_dma semaphore(%run_scoped3A_378 : memref<!tpu.dma_semaphore, #tpu.memory_space<semaphore_mem>>) src(%arg8 : memref<128x32xf32, #tpu.memory_space<vmem>>) dst(%dma_wait3A_390 : memref<10240x32xf32, #tpu.memory_space<vmem_shared>>)
        tpu.yield
      }) : () -> ()
      %add3A_308 = arith.constant 4 : i32
      %add3A_309 = arith.addi %add3A_297, %add3A_308 : i32
      %add3A_310 = arith.constant 0 : i32
      %add3A_311 = arith.addi %add3A_309, %add3A_310 : i32
      %dma_start3A_312 = arith.constant 0 : i32
      %dma_start3A_313 = tpu.memref_slice %arg6[%add3A_311, %dma_start3A_312] : memref<40x128xi32, #tpu.memory_space<vmem>> -> memref<1x128xi32, #tpu.memory_space<vmem>>
      %dma_start3A_314 = tpu.memref_squeeze %dma_start3A_313 : memref<1x128xi32, #tpu.memory_space<vmem>> -> memref<128xi32, #tpu.memory_space<vmem>>
      %dma_start3A_315 = arith.constant 0 : i32
      %dma_start3A_316 = arith.constant 0 : i32
      %dma_start3A_317 = tpu.memref_slice %arg12[%dma_start3A_315, %dma_start3A_316] : memref<10240x32xf32, #tpu.memory_space<vmem_shared>> -> memref<10240x32xf32, #tpu.memory_space<vmem_shared>>
      tpu.enqueue_indirect_dma source(%dma_start3A_317 : memref<10240x32xf32, #tpu.memory_space<vmem_shared>>) target(%arg8 : memref<128x32xf32, #tpu.memory_space<vmem>>) offsets(%dma_start3A_314 : memref<128xi32, #tpu.memory_space<vmem>>) semaphore(%arg14 : memref<!tpu.dma_semaphore, #tpu.memory_space<semaphore_mem>>)
      %add3A_318 = arith.constant 1 : i32
      %add3A_319 = arith.addi %add3A_297, %add3A_318 : i32
      %dma_wait3A_320 = arith.constant 0 : i32
      %dma_wait3A_321 = tpu.memref_slice %arg6[%add3A_319, %dma_wait3A_320] : memref<40x128xi32, #tpu.memory_space<vmem>> -> memref<1x128xi32, #tpu.memory_space<vmem>>
      %dma_wait3A_322 = tpu.memref_squeeze %dma_wait3A_321 : memref<1x128xi32, #tpu.memory_space<vmem>> -> memref<128xi32, #tpu.memory_space<vmem>>
      %dma_wait3A_323 = arith.constant 0 : i32
      %dma_wait3A_324 = arith.constant 0 : i32
      %dma_wait3A_325 = tpu.memref_slice %arg12[%dma_wait3A_323, %dma_wait3A_324] : memref<10240x32xf32, #tpu.memory_space<vmem_shared>> -> memref<10240x32xf32, #tpu.memory_space<vmem_shared>>
      tpu.wait_indirect_dma semaphore(%arg15 : memref<!tpu.dma_semaphore, #tpu.memory_space<semaphore_mem>>) src(%dma_wait3A_325 : memref<10240x32xf32, #tpu.memory_space<vmem_shared>>) dst(%arg9 : memref<128x32xf32, #tpu.memory_space<vmem>>)
      %add3A_326 = arith.constant 1 : i32
      %add3A_327 = arith.addi %add3A_297, %add3A_326 : i32
      "tpu.region"() ({
        %run_scoped3A_378 = tpu.sem_alloc : memref<!tpu.dma_semaphore, #tpu.memory_space<semaphore_mem>>
        %dma_start3A_379 = arith.constant 0 : i32
        %dma_start3A_380 = tpu.memref_slice %arg7[%add3A_327, %dma_start3A_379] : memref<40x128xi32, #tpu.memory_space<vmem>> -> memref<1x128xi32, #tpu.memory_space<vmem>>
        %dma_start3A_381 = tpu.memref_squeeze %dma_start3A_380 : memref<1x128xi32, #tpu.memory_space<vmem>> -> memref<128xi32, #tpu.memory_space<vmem>>
        %dma_start3A_382 = arith.constant 0 : i32
        %dma_start3A_383 = arith.constant 0 : i32
        %dma_start3A_384 = tpu.memref_slice %arg13[%dma_start3A_382, %dma_start3A_383] : memref<10240x32xf32, #tpu.memory_space<vmem_shared>> -> memref<10240x32xf32, #tpu.memory_space<vmem_shared>>
        tpu.enqueue_indirect_dma source(%arg9 : memref<128x32xf32, #tpu.memory_space<vmem>>) target(%dma_start3A_384 : memref<10240x32xf32, #tpu.memory_space<vmem_shared>>) offsets(%dma_start3A_381 : memref<128xi32, #tpu.memory_space<vmem>>) semaphore(%run_scoped3A_378 : memref<!tpu.dma_semaphore, #tpu.memory_space<semaphore_mem>>) {add = true}
        %dma_wait3A_385 = arith.constant 0 : i32
        %dma_wait3A_386 = tpu.memref_slice %arg7[%add3A_327, %dma_wait3A_385] : memref<40x128xi32, #tpu.memory_space<vmem>> -> memref<1x128xi32, #tpu.memory_space<vmem>>
        %dma_wait3A_387 = tpu.memref_squeeze %dma_wait3A_386 : memref<1x128xi32, #tpu.memory_space<vmem>> -> memref<128xi32, #tpu.memory_space<vmem>>
        %dma_wait3A_388 = arith.constant 0 : i32
        %dma_wait3A_389 = arith.constant 0 : i32
        %dma_wait3A_390 = tpu.memref_slice %arg13[%dma_wait3A_388, %dma_wait3A_389] : memref<10240x32xf32, #tpu.memory_space<vmem_shared>> -> memref<10240x32xf32, #tpu.memory_space<vmem_shared>>
        tpu.wait_indirect_dma semaphore(%run_scoped3A_378 : memref<!tpu.dma_semaphore, #tpu.memory_space<semaphore_mem>>) src(%arg9 : memref<128x32xf32, #tpu.memory_space<vmem>>) dst(%dma_wait3A_390 : memref<10240x32xf32, #tpu.memory_space<vmem_shared>>)
        tpu.yield
      }) : () -> ()
      %add3A_328 = arith.constant 4 : i32
      %add3A_329 = arith.addi %add3A_297, %add3A_328 : i32
      %add3A_330 = arith.constant 1 : i32
      %add3A_331 = arith.addi %add3A_329, %add3A_330 : i32
      %dma_start3A_332 = arith.constant 0 : i32
      %dma_start3A_333 = tpu.memref_slice %arg6[%add3A_331, %dma_start3A_332] : memref<40x128xi32, #tpu.memory_space<vmem>> -> memref<1x128xi32, #tpu.memory_space<vmem>>
      %dma_start3A_334 = tpu.memref_squeeze %dma_start3A_333 : memref<1x128xi32, #tpu.memory_space<vmem>> -> memref<128xi32, #tpu.memory_space<vmem>>
      %dma_start3A_335 = arith.constant 0 : i32
      %dma_start3A_336 = arith.constant 0 : i32
      %dma_start3A_337 = tpu.memref_slice %arg12[%dma_start3A_335, %dma_start3A_336] : memref<10240x32xf32, #tpu.memory_space<vmem_shared>> -> memref<10240x32xf32, #tpu.memory_space<vmem_shared>>
      tpu.enqueue_indirect_dma source(%dma_start3A_337 : memref<10240x32xf32, #tpu.memory_space<vmem_shared>>) target(%arg9 : memref<128x32xf32, #tpu.memory_space<vmem>>) offsets(%dma_start3A_334 : memref<128xi32, #tpu.memory_space<vmem>>) semaphore(%arg15 : memref<!tpu.dma_semaphore, #tpu.memory_space<semaphore_mem>>)
      %add3A_338 = arith.constant 2 : i32
      %add3A_339 = arith.addi %add3A_297, %add3A_338 : i32
      %dma_wait3A_340 = arith.constant 0 : i32
      %dma_wait3A_341 = tpu.memref_slice %arg6[%add3A_339, %dma_wait3A_340] : memref<40x128xi32, #tpu.memory_space<vmem>> -> memref<1x128xi32, #tpu.memory_space<vmem>>
      %dma_wait3A_342 = tpu.memref_squeeze %dma_wait3A_341 : memref<1x128xi32, #tpu.memory_space<vmem>> -> memref<128xi32, #tpu.memory_space<vmem>>
      %dma_wait3A_343 = arith.constant 0 : i32
      %dma_wait3A_344 = arith.constant 0 : i32
      %dma_wait3A_345 = tpu.memref_slice %arg12[%dma_wait3A_343, %dma_wait3A_344] : memref<10240x32xf32, #tpu.memory_space<vmem_shared>> -> memref<10240x32xf32, #tpu.memory_space<vmem_shared>>
      tpu.wait_indirect_dma semaphore(%arg16 : memref<!tpu.dma_semaphore, #tpu.memory_space<semaphore_mem>>) src(%dma_wait3A_345 : memref<10240x32xf32, #tpu.memory_space<vmem_shared>>) dst(%arg10 : memref<128x32xf32, #tpu.memory_space<vmem>>)
      %add3A_346 = arith.constant 2 : i32
      %add3A_347 = arith.addi %add3A_297, %add3A_346 : i32
      "tpu.region"() ({
        %run_scoped3A_378 = tpu.sem_alloc : memref<!tpu.dma_semaphore, #tpu.memory_space<semaphore_mem>>
        %dma_start3A_379 = arith.constant 0 : i32
        %dma_start3A_380 = tpu.memref_slice %arg7[%add3A_347, %dma_start3A_379] : memref<40x128xi32, #tpu.memory_space<vmem>> -> memref<1x128xi32, #tpu.memory_space<vmem>>
        %dma_start3A_381 = tpu.memref_squeeze %dma_start3A_380 : memref<1x128xi32, #tpu.memory_space<vmem>> -> memref<128xi32, #tpu.memory_space<vmem>>
        %dma_start3A_382 = arith.constant 0 : i32
        %dma_start3A_383 = arith.constant 0 : i32
        %dma_start3A_384 = tpu.memref_slice %arg13[%dma_start3A_382, %dma_start3A_383] : memref<10240x32xf32, #tpu.memory_space<vmem_shared>> -> memref<10240x32xf32, #tpu.memory_space<vmem_shared>>
        tpu.enqueue_indirect_dma source(%arg10 : memref<128x32xf32, #tpu.memory_space<vmem>>) target(%dma_start3A_384 : memref<10240x32xf32, #tpu.memory_space<vmem_shared>>) offsets(%dma_start3A_381 : memref<128xi32, #tpu.memory_space<vmem>>) semaphore(%run_scoped3A_378 : memref<!tpu.dma_semaphore, #tpu.memory_space<semaphore_mem>>) {add = true}
        %dma_wait3A_385 = arith.constant 0 : i32
        %dma_wait3A_386 = tpu.memref_slice %arg7[%add3A_347, %dma_wait3A_385] : memref<40x128xi32, #tpu.memory_space<vmem>> -> memref<1x128xi32, #tpu.memory_space<vmem>>
        %dma_wait3A_387 = tpu.memref_squeeze %dma_wait3A_386 : memref<1x128xi32, #tpu.memory_space<vmem>> -> memref<128xi32, #tpu.memory_space<vmem>>
        %dma_wait3A_388 = arith.constant 0 : i32
        %dma_wait3A_389 = arith.constant 0 : i32
        %dma_wait3A_390 = tpu.memref_slice %arg13[%dma_wait3A_388, %dma_wait3A_389] : memref<10240x32xf32, #tpu.memory_space<vmem_shared>> -> memref<10240x32xf32, #tpu.memory_space<vmem_shared>>
        tpu.wait_indirect_dma semaphore(%run_scoped3A_378 : memref<!tpu.dma_semaphore, #tpu.memory_space<semaphore_mem>>) src(%arg10 : memref<128x32xf32, #tpu.memory_space<vmem>>) dst(%dma_wait3A_390 : memref<10240x32xf32, #tpu.memory_space<vmem_shared>>)
        tpu.yield
      }) : () -> ()
      %add3A_348 = arith.constant 4 : i32
      %add3A_349 = arith.addi %add3A_297, %add3A_348 : i32
      %add3A_350 = arith.constant 2 : i32
      %add3A_351 = arith.addi %add3A_349, %add3A_350 : i32
      %dma_start3A_352 = arith.constant 0 : i32
      %dma_start3A_353 = tpu.memref_slice %arg6[%add3A_351, %dma_start3A_352] : memref<40x128xi32, #tpu.memory_space<vmem>> -> memref<1x128xi32, #tpu.memory_space<vmem>>
      %dma_start3A_354 = tpu.memref_squeeze %dma_start3A_353 : memref<1x128xi32, #tpu.memory_space<vmem>> -> memref<128xi32, #tpu.memory_space<vmem>>
      %dma_start3A_355 = arith.constant 0 : i32
      %dma_start3A_356 = arith.constant 0 : i32
      %dma_start3A_357 = tpu.memref_slice %arg12[%dma_start3A_355, %dma_start3A_356] : memref<10240x32xf32, #tpu.memory_space<vmem_shared>> -> memref<10240x32xf32, #tpu.memory_space<vmem_shared>>
      tpu.enqueue_indirect_dma source(%dma_start3A_357 : memref<10240x32xf32, #tpu.memory_space<vmem_shared>>) target(%arg10 : memref<128x32xf32, #tpu.memory_space<vmem>>) offsets(%dma_start3A_354 : memref<128xi32, #tpu.memory_space<vmem>>) semaphore(%arg16 : memref<!tpu.dma_semaphore, #tpu.memory_space<semaphore_mem>>)
      %add3A_358 = arith.constant 3 : i32
      %add3A_359 = arith.addi %add3A_297, %add3A_358 : i32
      %dma_wait3A_360 = arith.constant 0 : i32
      %dma_wait3A_361 = tpu.memref_slice %arg6[%add3A_359, %dma_wait3A_360] : memref<40x128xi32, #tpu.memory_space<vmem>> -> memref<1x128xi32, #tpu.memory_space<vmem>>
      %dma_wait3A_362 = tpu.memref_squeeze %dma_wait3A_361 : memref<1x128xi32, #tpu.memory_space<vmem>> -> memref<128xi32, #tpu.memory_space<vmem>>
      %dma_wait3A_363 = arith.constant 0 : i32
      %dma_wait3A_364 = arith.constant 0 : i32
      %dma_wait3A_365 = tpu.memref_slice %arg12[%dma_wait3A_363, %dma_wait3A_364] : memref<10240x32xf32, #tpu.memory_space<vmem_shared>> -> memref<10240x32xf32, #tpu.memory_space<vmem_shared>>
      tpu.wait_indirect_dma semaphore(%arg17 : memref<!tpu.dma_semaphore, #tpu.memory_space<semaphore_mem>>) src(%dma_wait3A_365 : memref<10240x32xf32, #tpu.memory_space<vmem_shared>>) dst(%arg11 : memref<128x32xf32, #tpu.memory_space<vmem>>)
      %add3A_366 = arith.constant 3 : i32
      %add3A_367 = arith.addi %add3A_297, %add3A_366 : i32
      "tpu.region"() ({
        %run_scoped3A_378 = tpu.sem_alloc : memref<!tpu.dma_semaphore, #tpu.memory_space<semaphore_mem>>
        %dma_start3A_379 = arith.constant 0 : i32
        %dma_start3A_380 = tpu.memref_slice %arg7[%add3A_367, %dma_start3A_379] : memref<40x128xi32, #tpu.memory_space<vmem>> -> memref<1x128xi32, #tpu.memory_space<vmem>>
        %dma_start3A_381 = tpu.memref_squeeze %dma_start3A_380 : memref<1x128xi32, #tpu.memory_space<vmem>> -> memref<128xi32, #tpu.memory_space<vmem>>
        %dma_start3A_382 = arith.constant 0 : i32
        %dma_start3A_383 = arith.constant 0 : i32
        %dma_start3A_384 = tpu.memref_slice %arg13[%dma_start3A_382, %dma_start3A_383] : memref<10240x32xf32, #tpu.memory_space<vmem_shared>> -> memref<10240x32xf32, #tpu.memory_space<vmem_shared>>
        tpu.enqueue_indirect_dma source(%arg11 : memref<128x32xf32, #tpu.memory_space<vmem>>) target(%dma_start3A_384 : memref<10240x32xf32, #tpu.memory_space<vmem_shared>>) offsets(%dma_start3A_381 : memref<128xi32, #tpu.memory_space<vmem>>) semaphore(%run_scoped3A_378 : memref<!tpu.dma_semaphore, #tpu.memory_space<semaphore_mem>>) {add = true}
        %dma_wait3A_385 = arith.constant 0 : i32
        %dma_wait3A_386 = tpu.memref_slice %arg7[%add3A_367, %dma_wait3A_385] : memref<40x128xi32, #tpu.memory_space<vmem>> -> memref<1x128xi32, #tpu.memory_space<vmem>>
        %dma_wait3A_387 = tpu.memref_squeeze %dma_wait3A_386 : memref<1x128xi32, #tpu.memory_space<vmem>> -> memref<128xi32, #tpu.memory_space<vmem>>
        %dma_wait3A_388 = arith.constant 0 : i32
        %dma_wait3A_389 = arith.constant 0 : i32
        %dma_wait3A_390 = tpu.memref_slice %arg13[%dma_wait3A_388, %dma_wait3A_389] : memref<10240x32xf32, #tpu.memory_space<vmem_shared>> -> memref<10240x32xf32, #tpu.memory_space<vmem_shared>>
        tpu.wait_indirect_dma semaphore(%run_scoped3A_378 : memref<!tpu.dma_semaphore, #tpu.memory_space<semaphore_mem>>) src(%arg11 : memref<128x32xf32, #tpu.memory_space<vmem>>) dst(%dma_wait3A_390 : memref<10240x32xf32, #tpu.memory_space<vmem_shared>>)
        tpu.yield
      }) : () -> ()
      %add3A_368 = arith.constant 4 : i32
      %add3A_369 = arith.addi %add3A_297, %add3A_368 : i32
      %add3A_370 = arith.constant 3 : i32
      %add3A_371 = arith.addi %add3A_369, %add3A_370 : i32
      %dma_start3A_372 = arith.constant 0 : i32
      %dma_start3A_373 = tpu.memref_slice %arg6[%add3A_371, %dma_start3A_372] : memref<40x128xi32, #tpu.memory_space<vmem>> -> memref<1x128xi32, #tpu.memory_space<vmem>>
      %dma_start3A_374 = tpu.memref_squeeze %dma_start3A_373 : memref<1x128xi32, #tpu.memory_space<vmem>> -> memref<128xi32, #tpu.memory_space<vmem>>
      %dma_start3A_375 = arith.constant 0 : i32
      %dma_start3A_376 = arith.constant 0 : i32
      %dma_start3A_377 = tpu.memref_slice %arg12[%dma_start3A_375, %dma_start3A_376] : memref<10240x32xf32, #tpu.memory_space<vmem_shared>> -> memref<10240x32xf32, #tpu.memory_space<vmem_shared>>
      tpu.enqueue_indirect_dma source(%dma_start3A_377 : memref<10240x32xf32, #tpu.memory_space<vmem_shared>>) target(%arg11 : memref<128x32xf32, #tpu.memory_space<vmem>>) offsets(%dma_start3A_374 : memref<128xi32, #tpu.memory_space<vmem>>) semaphore(%arg17 : memref<!tpu.dma_semaphore, #tpu.memory_space<semaphore_mem>>)
    }
    %scan3A_254 = arith.constant 9 : i32
    %dma_wait3A_255 = arith.constant 36 : i32
    %dma_wait3A_256 = arith.constant 0 : i32
    %dma_wait3A_257 = tpu.memref_slice %arg6[%dma_wait3A_255, %dma_wait3A_256] : memref<40x128xi32, #tpu.memory_space<vmem>> -> memref<1x128xi32, #tpu.memory_space<vmem>>
    %dma_wait3A_258 = tpu.memref_squeeze %dma_wait3A_257 : memref<1x128xi32, #tpu.memory_space<vmem>> -> memref<128xi32, #tpu.memory_space<vmem>>
    %dma_wait3A_259 = arith.constant 0 : i32
    %dma_wait3A_260 = arith.constant 0 : i32
    %dma_wait3A_261 = tpu.memref_slice %arg12[%dma_wait3A_259, %dma_wait3A_260] : memref<10240x32xf32, #tpu.memory_space<vmem_shared>> -> memref<10240x32xf32, #tpu.memory_space<vmem_shared>>
    tpu.wait_indirect_dma semaphore(%arg14 : memref<!tpu.dma_semaphore, #tpu.memory_space<semaphore_mem>>) src(%dma_wait3A_261 : memref<10240x32xf32, #tpu.memory_space<vmem_shared>>) dst(%arg8 : memref<128x32xf32, #tpu.memory_space<vmem>>)
    %run_scoped3A_262 = arith.constant 36 : i32
    "tpu.region"() ({
      %run_scoped3A_293 = tpu.sem_alloc : memref<!tpu.dma_semaphore, #tpu.memory_space<semaphore_mem>>
      %dma_start3A_294 = arith.constant 0 : i32
      %dma_start3A_295 = tpu.memref_slice %arg7[%run_scoped3A_262, %dma_start3A_294] : memref<40x128xi32, #tpu.memory_space<vmem>> -> memref<1x128xi32, #tpu.memory_space<vmem>>
      %dma_start3A_296 = tpu.memref_squeeze %dma_start3A_295 : memref<1x128xi32, #tpu.memory_space<vmem>> -> memref<128xi32, #tpu.memory_space<vmem>>
      %dma_start3A_297 = arith.constant 0 : i32
      %dma_start3A_298 = arith.constant 0 : i32
      %dma_start3A_299 = tpu.memref_slice %arg13[%dma_start3A_297, %dma_start3A_298] : memref<10240x32xf32, #tpu.memory_space<vmem_shared>> -> memref<10240x32xf32, #tpu.memory_space<vmem_shared>>
      tpu.enqueue_indirect_dma source(%arg8 : memref<128x32xf32, #tpu.memory_space<vmem>>) target(%dma_start3A_299 : memref<10240x32xf32, #tpu.memory_space<vmem_shared>>) offsets(%dma_start3A_296 : memref<128xi32, #tpu.memory_space<vmem>>) semaphore(%run_scoped3A_293 : memref<!tpu.dma_semaphore, #tpu.memory_space<semaphore_mem>>) {add = true}
      %dma_wait3A_300 = arith.constant 0 : i32
      %dma_wait3A_301 = tpu.memref_slice %arg7[%run_scoped3A_262, %dma_wait3A_300] : memref<40x128xi32, #tpu.memory_space<vmem>> -> memref<1x128xi32, #tpu.memory_space<vmem>>
      %dma_wait3A_302 = tpu.memref_squeeze %dma_wait3A_301 : memref<1x128xi32, #tpu.memory_space<vmem>> -> memref<128xi32, #tpu.memory_space<vmem>>
      %dma_wait3A_303 = arith.constant 0 : i32
      %dma_wait3A_304 = arith.constant 0 : i32
      %dma_wait3A_305 = tpu.memref_slice %arg13[%dma_wait3A_303, %dma_wait3A_304] : memref<10240x32xf32, #tpu.memory_space<vmem_shared>> -> memref<10240x32xf32, #tpu.memory_space<vmem_shared>>
      tpu.wait_indirect_dma semaphore(%run_scoped3A_293 : memref<!tpu.dma_semaphore, #tpu.memory_space<semaphore_mem>>) src(%arg8 : memref<128x32xf32, #tpu.memory_space<vmem>>) dst(%dma_wait3A_305 : memref<10240x32xf32, #tpu.memory_space<vmem_shared>>)
      tpu.yield
    }) : () -> ()
    %dma_wait3A_263 = arith.constant 37 : i32
    %dma_wait3A_264 = arith.constant 0 : i32
    %dma_wait3A_265 = tpu.memref_slice %arg6[%dma_wait3A_263, %dma_wait3A_264] : memref<40x128xi32, #tpu.memory_space<vmem>> -> memref<1x128xi32, #tpu.memory_space<vmem>>
    %dma_wait3A_266 = tpu.memref_squeeze %dma_wait3A_265 : memref<1x128xi32, #tpu.memory_space<vmem>> -> memref<128xi32, #tpu.memory_space<vmem>>
    %dma_wait3A_267 = arith.constant 0 : i32
    %dma_wait3A_268 = arith.constant 0 : i32
    %dma_wait3A_269 = tpu.memref_slice %arg12[%dma_wait3A_267, %dma_wait3A_268] : memref<10240x32xf32, #tpu.memory_space<vmem_shared>> -> memref<10240x32xf32, #tpu.memory_space<vmem_shared>>
    tpu.wait_indirect_dma semaphore(%arg15 : memref<!tpu.dma_semaphore, #tpu.memory_space<semaphore_mem>>) src(%dma_wait3A_269 : memref<10240x32xf32, #tpu.memory_space<vmem_shared>>) dst(%arg9 : memref<128x32xf32, #tpu.memory_space<vmem>>)
    %run_scoped3A_270 = arith.constant 37 : i32
    "tpu.region"() ({
      %run_scoped3A_293 = tpu.sem_alloc : memref<!tpu.dma_semaphore, #tpu.memory_space<semaphore_mem>>
      %dma_start3A_294 = arith.constant 0 : i32
      %dma_start3A_295 = tpu.memref_slice %arg7[%run_scoped3A_270, %dma_start3A_294] : memref<40x128xi32, #tpu.memory_space<vmem>> -> memref<1x128xi32, #tpu.memory_space<vmem>>
      %dma_start3A_296 = tpu.memref_squeeze %dma_start3A_295 : memref<1x128xi32, #tpu.memory_space<vmem>> -> memref<128xi32, #tpu.memory_space<vmem>>
      %dma_start3A_297 = arith.constant 0 : i32
      %dma_start3A_298 = arith.constant 0 : i32
      %dma_start3A_299 = tpu.memref_slice %arg13[%dma_start3A_297, %dma_start3A_298] : memref<10240x32xf32, #tpu.memory_space<vmem_shared>> -> memref<10240x32xf32, #tpu.memory_space<vmem_shared>>
      tpu.enqueue_indirect_dma source(%arg9 : memref<128x32xf32, #tpu.memory_space<vmem>>) target(%dma_start3A_299 : memref<10240x32xf32, #tpu.memory_space<vmem_shared>>) offsets(%dma_start3A_296 : memref<128xi32, #tpu.memory_space<vmem>>) semaphore(%run_scoped3A_293 : memref<!tpu.dma_semaphore, #tpu.memory_space<semaphore_mem>>) {add = true}
      %dma_wait3A_300 = arith.constant 0 : i32
      %dma_wait3A_301 = tpu.memref_slice %arg7[%run_scoped3A_270, %dma_wait3A_300] : memref<40x128xi32, #tpu.memory_space<vmem>> -> memref<1x128xi32, #tpu.memory_space<vmem>>
      %dma_wait3A_302 = tpu.memref_squeeze %dma_wait3A_301 : memref<1x128xi32, #tpu.memory_space<vmem>> -> memref<128xi32, #tpu.memory_space<vmem>>
      %dma_wait3A_303 = arith.constant 0 : i32
      %dma_wait3A_304 = arith.constant 0 : i32
      %dma_wait3A_305 = tpu.memref_slice %arg13[%dma_wait3A_303, %dma_wait3A_304] : memref<10240x32xf32, #tpu.memory_space<vmem_shared>> -> memref<10240x32xf32, #tpu.memory_space<vmem_shared>>
      tpu.wait_indirect_dma semaphore(%run_scoped3A_293 : memref<!tpu.dma_semaphore, #tpu.memory_space<semaphore_mem>>) src(%arg9 : memref<128x32xf32, #tpu.memory_space<vmem>>) dst(%dma_wait3A_305 : memref<10240x32xf32, #tpu.memory_space<vmem_shared>>)
      tpu.yield
    }) : () -> ()
    %dma_wait3A_271 = arith.constant 38 : i32
    %dma_wait3A_272 = arith.constant 0 : i32
    %dma_wait3A_273 = tpu.memref_slice %arg6[%dma_wait3A_271, %dma_wait3A_272] : memref<40x128xi32, #tpu.memory_space<vmem>> -> memref<1x128xi32, #tpu.memory_space<vmem>>
    %dma_wait3A_274 = tpu.memref_squeeze %dma_wait3A_273 : memref<1x128xi32, #tpu.memory_space<vmem>> -> memref<128xi32, #tpu.memory_space<vmem>>
    %dma_wait3A_275 = arith.constant 0 : i32
    %dma_wait3A_276 = arith.constant 0 : i32
    %dma_wait3A_277 = tpu.memref_slice %arg12[%dma_wait3A_275, %dma_wait3A_276] : memref<10240x32xf32, #tpu.memory_space<vmem_shared>> -> memref<10240x32xf32, #tpu.memory_space<vmem_shared>>
    tpu.wait_indirect_dma semaphore(%arg16 : memref<!tpu.dma_semaphore, #tpu.memory_space<semaphore_mem>>) src(%dma_wait3A_277 : memref<10240x32xf32, #tpu.memory_space<vmem_shared>>) dst(%arg10 : memref<128x32xf32, #tpu.memory_space<vmem>>)
    %run_scoped3A_278 = arith.constant 38 : i32
    "tpu.region"() ({
      %run_scoped3A_293 = tpu.sem_alloc : memref<!tpu.dma_semaphore, #tpu.memory_space<semaphore_mem>>
      %dma_start3A_294 = arith.constant 0 : i32
      %dma_start3A_295 = tpu.memref_slice %arg7[%run_scoped3A_278, %dma_start3A_294] : memref<40x128xi32, #tpu.memory_space<vmem>> -> memref<1x128xi32, #tpu.memory_space<vmem>>
      %dma_start3A_296 = tpu.memref_squeeze %dma_start3A_295 : memref<1x128xi32, #tpu.memory_space<vmem>> -> memref<128xi32, #tpu.memory_space<vmem>>
      %dma_start3A_297 = arith.constant 0 : i32
      %dma_start3A_298 = arith.constant 0 : i32
      %dma_start3A_299 = tpu.memref_slice %arg13[%dma_start3A_297, %dma_start3A_298] : memref<10240x32xf32, #tpu.memory_space<vmem_shared>> -> memref<10240x32xf32, #tpu.memory_space<vmem_shared>>
      tpu.enqueue_indirect_dma source(%arg10 : memref<128x32xf32, #tpu.memory_space<vmem>>) target(%dma_start3A_299 : memref<10240x32xf32, #tpu.memory_space<vmem_shared>>) offsets(%dma_start3A_296 : memref<128xi32, #tpu.memory_space<vmem>>) semaphore(%run_scoped3A_293 : memref<!tpu.dma_semaphore, #tpu.memory_space<semaphore_mem>>) {add = true}
      %dma_wait3A_300 = arith.constant 0 : i32
      %dma_wait3A_301 = tpu.memref_slice %arg7[%run_scoped3A_278, %dma_wait3A_300] : memref<40x128xi32, #tpu.memory_space<vmem>> -> memref<1x128xi32, #tpu.memory_space<vmem>>
      %dma_wait3A_302 = tpu.memref_squeeze %dma_wait3A_301 : memref<1x128xi32, #tpu.memory_space<vmem>> -> memref<128xi32, #tpu.memory_space<vmem>>
      %dma_wait3A_303 = arith.constant 0 : i32
      %dma_wait3A_304 = arith.constant 0 : i32
      %dma_wait3A_305 = tpu.memref_slice %arg13[%dma_wait3A_303, %dma_wait3A_304] : memref<10240x32xf32, #tpu.memory_space<vmem_shared>> -> memref<10240x32xf32, #tpu.memory_space<vmem_shared>>
      tpu.wait_indirect_dma semaphore(%run_scoped3A_293 : memref<!tpu.dma_semaphore, #tpu.memory_space<semaphore_mem>>) src(%arg10 : memref<128x32xf32, #tpu.memory_space<vmem>>) dst(%dma_wait3A_305 : memref<10240x32xf32, #tpu.memory_space<vmem_shared>>)
      tpu.yield
    }) : () -> ()
    %dma_wait3A_279 = arith.constant 39 : i32
    %dma_wait3A_280 = arith.constant 0 : i32
    %dma_wait3A_281 = tpu.memref_slice %arg6[%dma_wait3A_279, %dma_wait3A_280] : memref<40x128xi32, #tpu.memory_space<vmem>> -> memref<1x128xi32, #tpu.memory_space<vmem>>
    %dma_wait3A_282 = tpu.memref_squeeze %dma_wait3A_281 : memref<1x128xi32, #tpu.memory_space<vmem>> -> memref<128xi32, #tpu.memory_space<vmem>>
    %dma_wait3A_283 = arith.constant 0 : i32
    %dma_wait3A_284 = arith.constant 0 : i32
    %dma_wait3A_285 = tpu.memref_slice %arg12[%dma_wait3A_283, %dma_wait3A_284] : memref<10240x32xf32, #tpu.memory_space<vmem_shared>> -> memref<10240x32xf32, #tpu.memory_space<vmem_shared>>
    tpu.wait_indirect_dma semaphore(%arg17 : memref<!tpu.dma_semaphore, #tpu.memory_space<semaphore_mem>>) src(%dma_wait3A_285 : memref<10240x32xf32, #tpu.memory_space<vmem_shared>>) dst(%arg11 : memref<128x32xf32, #tpu.memory_space<vmem>>)
    %run_scoped3A_286 = arith.constant 39 : i32
    "tpu.region"() ({
      %run_scoped3A_293 = tpu.sem_alloc : memref<!tpu.dma_semaphore, #tpu.memory_space<semaphore_mem>>
      %dma_start3A_294 = arith.constant 0 : i32
      %dma_start3A_295 = tpu.memref_slice %arg7[%run_scoped3A_286, %dma_start3A_294] : memref<40x128xi32, #tpu.memory_space<vmem>> -> memref<1x128xi32, #tpu.memory_space<vmem>>
      %dma_start3A_296 = tpu.memref_squeeze %dma_start3A_295 : memref<1x128xi32, #tpu.memory_space<vmem>> -> memref<128xi32, #tpu.memory_space<vmem>>
      %dma_start3A_297 = arith.constant 0 : i32
      %dma_start3A_298 = arith.constant 0 : i32
      %dma_start3A_299 = tpu.memref_slice %arg13[%dma_start3A_297, %dma_start3A_298] : memref<10240x32xf32, #tpu.memory_space<vmem_shared>> -> memref<10240x32xf32, #tpu.memory_space<vmem_shared>>
      tpu.enqueue_indirect_dma source(%arg11 : memref<128x32xf32, #tpu.memory_space<vmem>>) target(%dma_start3A_299 : memref<10240x32xf32, #tpu.memory_space<vmem_shared>>) offsets(%dma_start3A_296 : memref<128xi32, #tpu.memory_space<vmem>>) semaphore(%run_scoped3A_293 : memref<!tpu.dma_semaphore, #tpu.memory_space<semaphore_mem>>) {add = true}
      %dma_wait3A_300 = arith.constant 0 : i32
      %dma_wait3A_301 = tpu.memref_slice %arg7[%run_scoped3A_286, %dma_wait3A_300] : memref<40x128xi32, #tpu.memory_space<vmem>> -> memref<1x128xi32, #tpu.memory_space<vmem>>
      %dma_wait3A_302 = tpu.memref_squeeze %dma_wait3A_301 : memref<1x128xi32, #tpu.memory_space<vmem>> -> memref<128xi32, #tpu.memory_space<vmem>>
      %dma_wait3A_303 = arith.constant 0 : i32
      %dma_wait3A_304 = arith.constant 0 : i32
      %dma_wait3A_305 = tpu.memref_slice %arg13[%dma_wait3A_303, %dma_wait3A_304] : memref<10240x32xf32, #tpu.memory_space<vmem_shared>> -> memref<10240x32xf32, #tpu.memory_space<vmem_shared>>
      tpu.wait_indirect_dma semaphore(%run_scoped3A_293 : memref<!tpu.dma_semaphore, #tpu.memory_space<semaphore_mem>>) src(%arg11 : memref<128x32xf32, #tpu.memory_space<vmem>>) dst(%dma_wait3A_305 : memref<10240x32xf32, #tpu.memory_space<vmem_shared>>)
      tpu.yield
    }) : () -> ()
    %barrier3A_287 = arith.constant 0 : index
    tpu.barrier barrier_id(%barrier3A_287)
    %scan3A_288 = arith.constant 0 : i32
    %scan3A_289 = arith.constant 5 : i32
    %scan3A_290 = arith.addi %scan3A_288, %scan3A_289 : i32
    %scan3A_291 = arith.constant 1 : i32
    scf.for %scan3A_293 = %scan3A_288 to %scan3A_290 step %scan3A_291  : i32 {
      %mul3A_294 = arith.constant 1 : i32
      %mul3A_295 = arith.muli %scan3A_293, %mul3A_294 : i32
      %add3A_296 = arith.constant 0 : i32
      %add3A_297 = arith.addi %add3A_296, %mul3A_295 : i32
      %mul3A_298 = arith.constant 640 : i32
      %mul3A_299 = arith.muli %arg1, %mul3A_298 : i32
      %mul3A_300 = arith.constant 128 : i32
      %mul3A_301 = arith.muli %add3A_297, %mul3A_300 : i32
      %add3A_302 = arith.addi %mul3A_299, %mul3A_301 : i32
      %mul3A_303 = arith.constant 10240 : i32
      %mul3A_304 = arith.muli %arg0, %mul3A_303 : i32
      %add3A_305 = arith.addi %mul3A_304, %add3A_302 : i32
      "tpu.region"() ({
        %run_scoped3A_306 = tpu.sem_alloc : memref<!tpu.dma_semaphore, #tpu.memory_space<semaphore_mem>>
        %dma_start3A_307 = arith.constant 0 : i32
        %dma_start3A_308 = tpu.memref_slice %arg5[%add3A_305, %dma_start3A_307] : memref<20480x32xf32, #tpu.memory_space<hbm>> -> memref<128x32xf32, #tpu.memory_space<hbm>>
        %dma_start3A_309 = arith.constant 0 : i32
        %dma_start3A_310 = tpu.memref_slice %arg13[%add3A_302, %dma_start3A_309] : memref<10240x32xf32, #tpu.memory_space<vmem_shared>> -> memref<128x32xf32, #tpu.memory_space<vmem_shared>>
        tpu.enqueue_dma source(%dma_start3A_310 : memref<128x32xf32, #tpu.memory_space<vmem_shared>>) target(%dma_start3A_308 : memref<128x32xf32, #tpu.memory_space<hbm>>) target_semaphore(%run_scoped3A_306 : memref<!tpu.dma_semaphore, #tpu.memory_space<semaphore_mem>>)
        %dma_wait3A_311 = arith.constant 0 : i32
        %dma_wait3A_312 = tpu.memref_slice %arg5[%add3A_305, %dma_wait3A_311] : memref<20480x32xf32, #tpu.memory_space<hbm>> -> memref<128x32xf32, #tpu.memory_space<hbm>>
        %dma_wait3A_313 = arith.constant 0 : i32
        %dma_wait3A_314 = tpu.memref_slice %arg13[%add3A_302, %dma_wait3A_313] : memref<10240x32xf32, #tpu.memory_space<vmem_shared>> -> memref<128x32xf32, #tpu.memory_space<vmem_shared>>
        tpu.wait_dma2 semaphore(%run_scoped3A_306 : memref<!tpu.dma_semaphore, #tpu.memory_space<semaphore_mem>>) src(%dma_wait3A_314 : memref<128x32xf32, #tpu.memory_space<vmem_shared>>) dst(%dma_wait3A_312 : memref<128x32xf32, #tpu.memory_space<hbm>>)
        tpu.yield
      }) : () -> ()
    }
    %scan3A_292 = arith.constant 5 : i32
    return
  }
}

#map = affine_map<(d0, d1) -> (0, 0)>
module attributes {stable_mosaic.version = 14 : i64} {
  func.func @_deg_body(%arg0: i32, %arg1: i32, %arg2: memref<2560x128xi32, #tpu.memory_space<hbm>>, %arg3: memref<20480x16xf32, #tpu.memory_space<hbm>>, %arg4: memref<16x128xi32, #tpu.memory_space<vmem>>, %arg5: memref<128x16xf32, #tpu.memory_space<vmem>>, %arg6: memref<128x16xf32, #tpu.memory_space<vmem>>, %arg7: memref<10240x16xf32, #tpu.memory_space<vmem_shared>>, %arg8: memref<!tpu.dma_semaphore, #tpu.memory_space<semaphore_mem>>) attributes {dimension_semantics = [#tpu.dimension_semantics<core_parallel>, #tpu.dimension_semantics<subcore_parallel>], iteration_bounds = array<i64: 2, 16>, scalar_prefetch = 0 : i64, scratch_operands = 5 : i64, tpu.core_type = #tpu.core_type<sc_vector_subcore>, window_params = [{transform_indices = #map}, {transform_indices = #map}]} {
    %mul3A = arith.constant 2 : i32
    %mul3A_0 = arith.muli %arg1, %mul3A : i32
    %add3A = arith.addi %mul3A_0, %arg0 : i32
    %scan3A = arith.constant 0 : i32
    %scan3A_1 = arith.constant 128 : i32
    %scan3A_2 = arith.addi %scan3A, %scan3A_1 : i32
    %scan3A_3 = arith.constant 1 : i32
    scf.for %scan3A_26 = %scan3A to %scan3A_2 step %scan3A_3  : i32 {
      %mul3A_27 = arith.constant 1 : i32
      %mul3A_28 = arith.muli %scan3A_26, %mul3A_27 : i32
      %add3A_29 = arith.constant 0 : i32
      %add3A_30 = arith.addi %add3A_29, %mul3A_28 : i32
      %scan3A_31 = arith.constant 0 : i32
      %mul3A_32 = arith.constant 1 : i32
      %mul3A_33 = arith.muli %scan3A_31, %mul3A_32 : i32
      %add3A_34 = arith.constant 0 : i32
      %add3A_35 = arith.addi %add3A_34, %mul3A_33 : i32
      %broadcast_in_dim3A = arith.constant 1.000000e+00 : f32
      %broadcast_in_dim3A_36 = vector.broadcast %broadcast_in_dim3A : f32 to vector<1x16xf32>
      %mul3A_37 = arith.constant 16 : i32
      %mul3A_38 = arith.muli %add3A_35, %mul3A_37 : i32
      %swap3A = arith.index_cast %add3A_30 : i32 to index
      %swap3A_39 = arith.index_cast %mul3A_38 : i32 to index
      %swap3A_40 = tpu.vector_load %arg5[%swap3A, %swap3A_39] {strides = array<i32>} : memref<128x16xf32, #tpu.memory_space<vmem>>, vector<1x16xf32>,
      %swap3A_41 = vector.shape_cast %swap3A_40 : vector<1x16xf32> to vector<1x16xf32>
      %swap3A_42 = vector.shape_cast %broadcast_in_dim3A_36 : vector<1x16xf32> to vector<1x16xf32>
      tpu.vector_store %arg5[%swap3A, %swap3A_39], %swap3A_42 {strides = array<i32>} : memref<128x16xf32, #tpu.memory_space<vmem>>, vector<1x16xf32>,
      %scan3A_43 = arith.constant 1 : i32
    }
    %scan3A_4 = arith.constant 128 : i32
    %scan3A_5 = arith.constant 0 : i32
    %scan3A_6 = arith.constant 128 : i32
    %scan3A_7 = arith.addi %scan3A_5, %scan3A_6 : i32
    %scan3A_8 = arith.constant 1 : i32
    scf.for %scan3A_26 = %scan3A_5 to %scan3A_7 step %scan3A_8  : i32 {
      %mul3A_27 = arith.constant 1 : i32
      %mul3A_28 = arith.muli %scan3A_26, %mul3A_27 : i32
      %add3A_29 = arith.constant 0 : i32
      %add3A_30 = arith.addi %add3A_29, %mul3A_28 : i32
      %scan3A_31 = arith.constant 0 : i32
      %mul3A_32 = arith.constant 1 : i32
      %mul3A_33 = arith.muli %scan3A_31, %mul3A_32 : i32
      %add3A_34 = arith.constant 0 : i32
      %add3A_35 = arith.addi %add3A_34, %mul3A_33 : i32
      %broadcast_in_dim3A = arith.constant 0.000000e+00 : f32
      %broadcast_in_dim3A_36 = vector.broadcast %broadcast_in_dim3A : f32 to vector<1x16xf32>
      %mul3A_37 = arith.constant 16 : i32
      %mul3A_38 = arith.muli %add3A_35, %mul3A_37 : i32
      %swap3A = arith.index_cast %add3A_30 : i32 to index
      %swap3A_39 = arith.index_cast %mul3A_38 : i32 to index
      %swap3A_40 = tpu.vector_load %arg6[%swap3A, %swap3A_39] {strides = array<i32>} : memref<128x16xf32, #tpu.memory_space<vmem>>, vector<1x16xf32>,
      %swap3A_41 = vector.shape_cast %swap3A_40 : vector<1x16xf32> to vector<1x16xf32>
      %swap3A_42 = vector.shape_cast %broadcast_in_dim3A_36 : vector<1x16xf32> to vector<1x16xf32>
      tpu.vector_store %arg6[%swap3A, %swap3A_39], %swap3A_42 {strides = array<i32>} : memref<128x16xf32, #tpu.memory_space<vmem>>, vector<1x16xf32>,
      %scan3A_43 = arith.constant 1 : i32
    }
    %scan3A_9 = arith.constant 128 : i32
    %scan3A_10 = arith.constant 0 : i32
    %scan3A_11 = arith.constant 5 : i32
    %scan3A_12 = arith.addi %scan3A_10, %scan3A_11 : i32
    %scan3A_13 = arith.constant 1 : i32
    scf.for %scan3A_26 = %scan3A_10 to %scan3A_12 step %scan3A_13  : i32 {
      %mul3A_27 = arith.constant 1 : i32
      %mul3A_28 = arith.muli %scan3A_26, %mul3A_27 : i32
      %add3A_29 = arith.constant 0 : i32
      %add3A_30 = arith.addi %add3A_29, %mul3A_28 : i32
      %mul3A_31 = arith.constant 640 : i32
      %mul3A_32 = arith.muli %arg1, %mul3A_31 : i32
      %mul3A_33 = arith.constant 128 : i32
      %mul3A_34 = arith.muli %add3A_30, %mul3A_33 : i32
      %add3A_35 = arith.addi %mul3A_32, %mul3A_34 : i32
      "tpu.region"() ({
        %run_scoped3A = tpu.sem_alloc : memref<!tpu.dma_semaphore, #tpu.memory_space<semaphore_mem>>
        %dma_start3A = arith.constant 0 : i32
        %dma_start3A_36 = tpu.memref_slice %arg7[%add3A_35, %dma_start3A] : memref<10240x16xf32, #tpu.memory_space<vmem_shared>> -> memref<128x16xf32, #tpu.memory_space<vmem_shared>>
        %dma_start3A_37 = arith.constant 0 : i32
        %dma_start3A_38 = tpu.memref_slice %arg7[%add3A_35, %dma_start3A_37] : memref<10240x16xf32, #tpu.memory_space<vmem_shared>> -> memref<128x16xf32, #tpu.memory_space<vmem_shared>>
        tpu.enqueue_dma source(%arg6 : memref<128x16xf32, #tpu.memory_space<vmem>>) target(%dma_start3A_38 : memref<128x16xf32, #tpu.memory_space<vmem_shared>>) target_semaphore(%run_scoped3A : memref<!tpu.dma_semaphore, #tpu.memory_space<semaphore_mem>>)
        %dma_wait3A = arith.constant 0 : i32
        %dma_wait3A_39 = tpu.memref_slice %arg7[%add3A_35, %dma_wait3A] : memref<10240x16xf32, #tpu.memory_space<vmem_shared>> -> memref<128x16xf32, #tpu.memory_space<vmem_shared>>
        %dma_wait3A_40 = arith.constant 0 : i32
        %dma_wait3A_41 = tpu.memref_slice %arg7[%add3A_35, %dma_wait3A_40] : memref<10240x16xf32, #tpu.memory_space<vmem_shared>> -> memref<128x16xf32, #tpu.memory_space<vmem_shared>>
        tpu.wait_dma2 semaphore(%run_scoped3A : memref<!tpu.dma_semaphore, #tpu.memory_space<semaphore_mem>>) src(%arg6 : memref<128x16xf32, #tpu.memory_space<vmem>>) dst(%dma_wait3A_41 : memref<128x16xf32, #tpu.memory_space<vmem_shared>>)
        tpu.yield
      }) : () -> ()
    }
    %scan3A_14 = arith.constant 5 : i32
    %barrier3A = arith.constant 0 : index
    tpu.barrier barrier_id(%barrier3A)
    %scan3A_15 = arith.constant 0 : i32
    %scan3A_16 = arith.constant 5 : i32
    %scan3A_17 = arith.addi %scan3A_15, %scan3A_16 : i32
    %scan3A_18 = arith.constant 1 : i32
    scf.for %scan3A_26 = %scan3A_15 to %scan3A_17 step %scan3A_18  : i32 {
      %mul3A_27 = arith.constant 16 : i32
      %mul3A_28 = arith.muli %scan3A_26, %mul3A_27 : i32
      %add3A_29 = arith.constant 0 : i32
      %add3A_30 = arith.addi %add3A_29, %mul3A_28 : i32
      %mul3A_31 = arith.constant 80 : i32
      %mul3A_32 = arith.muli %add3A, %mul3A_31 : i32
      %add3A_33 = arith.addi %mul3A_32, %add3A_30 : i32
      "tpu.region"() ({
        %run_scoped3A = tpu.sem_alloc : memref<!tpu.dma_semaphore, #tpu.memory_space<semaphore_mem>>
        %dma_start3A = arith.constant 0 : i32
        %dma_start3A_39 = tpu.memref_slice %arg2[%add3A_33, %dma_start3A] : memref<2560x128xi32, #tpu.memory_space<hbm>> -> memref<16x128xi32, #tpu.memory_space<hbm>>
        %dma_start3A_40 = arith.constant 0 : i32
        %dma_start3A_41 = tpu.memref_slice %arg2[%add3A_33, %dma_start3A_40] : memref<2560x128xi32, #tpu.memory_space<hbm>> -> memref<16x128xi32, #tpu.memory_space<hbm>>
        tpu.enqueue_dma source(%dma_start3A_41 : memref<16x128xi32, #tpu.memory_space<hbm>>) target(%arg4 : memref<16x128xi32, #tpu.memory_space<vmem>>) target_semaphore(%run_scoped3A : memref<!tpu.dma_semaphore, #tpu.memory_space<semaphore_mem>>)
        %dma_wait3A = arith.constant 0 : i32
        %dma_wait3A_42 = tpu.memref_slice %arg2[%add3A_33, %dma_wait3A] : memref<2560x128xi32, #tpu.memory_space<hbm>> -> memref<16x128xi32, #tpu.memory_space<hbm>>
        %dma_wait3A_43 = arith.constant 0 : i32
        %dma_wait3A_44 = tpu.memref_slice %arg2[%add3A_33, %dma_wait3A_43] : memref<2560x128xi32, #tpu.memory_space<hbm>> -> memref<16x128xi32, #tpu.memory_space<hbm>>
        tpu.wait_dma2 semaphore(%run_scoped3A : memref<!tpu.dma_semaphore, #tpu.memory_space<semaphore_mem>>) src(%dma_wait3A_44 : memref<16x128xi32, #tpu.memory_space<hbm>>) dst(%arg4 : memref<16x128xi32, #tpu.memory_space<vmem>>)
        tpu.yield
      }) : () -> ()
      %scan3A_34 = arith.constant 0 : i32
      %scan3A_35 = arith.constant 16 : i32
      %scan3A_36 = arith.addi %scan3A_34, %scan3A_35 : i32
      %scan3A_37 = arith.constant 1 : i32
      scf.for %scan3A_39 = %scan3A_34 to %scan3A_36 step %scan3A_37  : i32 {
        %mul3A_40 = arith.constant 1 : i32
        %mul3A_41 = arith.muli %scan3A_39, %mul3A_40 : i32
        %add3A_42 = arith.constant 0 : i32
        %add3A_43 = arith.addi %add3A_42, %mul3A_41 : i32
        "tpu.region"() ({
          %run_scoped3A = tpu.sem_alloc : memref<!tpu.dma_semaphore, #tpu.memory_space<semaphore_mem>>
          %dma_start3A = arith.constant 0 : i32
          %dma_start3A_44 = tpu.memref_slice %arg4[%add3A_43, %dma_start3A] : memref<16x128xi32, #tpu.memory_space<vmem>> -> memref<1x128xi32, #tpu.memory_space<vmem>>
          %dma_start3A_45 = tpu.memref_squeeze %dma_start3A_44 : memref<1x128xi32, #tpu.memory_space<vmem>> -> memref<128xi32, #tpu.memory_space<vmem>>
          %dma_start3A_46 = arith.constant 0 : i32
          %dma_start3A_47 = arith.constant 0 : i32
          %dma_start3A_48 = tpu.memref_slice %arg7[%dma_start3A_46, %dma_start3A_47] : memref<10240x16xf32, #tpu.memory_space<vmem_shared>> -> memref<10240x16xf32, #tpu.memory_space<vmem_shared>>
          tpu.enqueue_indirect_dma source(%arg5 : memref<128x16xf32, #tpu.memory_space<vmem>>) target(%dma_start3A_48 : memref<10240x16xf32, #tpu.memory_space<vmem_shared>>) offsets(%dma_start3A_45 : memref<128xi32, #tpu.memory_space<vmem>>) semaphore(%run_scoped3A : memref<!tpu.dma_semaphore, #tpu.memory_space<semaphore_mem>>) {add = true}
          %dma_wait3A = arith.constant 0 : i32
          %dma_wait3A_49 = tpu.memref_slice %arg4[%add3A_43, %dma_wait3A] : memref<16x128xi32, #tpu.memory_space<vmem>> -> memref<1x128xi32, #tpu.memory_space<vmem>>
          %dma_wait3A_50 = tpu.memref_squeeze %dma_wait3A_49 : memref<1x128xi32, #tpu.memory_space<vmem>> -> memref<128xi32, #tpu.memory_space<vmem>>
          %dma_wait3A_51 = arith.constant 0 : i32
          %dma_wait3A_52 = arith.constant 0 : i32
          %dma_wait3A_53 = tpu.memref_slice %arg7[%dma_wait3A_51, %dma_wait3A_52] : memref<10240x16xf32, #tpu.memory_space<vmem_shared>> -> memref<10240x16xf32, #tpu.memory_space<vmem_shared>>
          tpu.wait_indirect_dma semaphore(%run_scoped3A : memref<!tpu.dma_semaphore, #tpu.memory_space<semaphore_mem>>) src(%arg5 : memref<128x16xf32, #tpu.memory_space<vmem>>) dst(%dma_wait3A_53 : memref<10240x16xf32, #tpu.memory_space<vmem_shared>>)
          tpu.yield
        }) : () -> ()
      }
      %scan3A_38 = arith.constant 16 : i32
    }
    %scan3A_19 = arith.constant 5 : i32
    %barrier3A_20 = arith.constant 0 : index
    tpu.barrier barrier_id(%barrier3A_20)
    %scan3A_21 = arith.constant 0 : i32
    %scan3A_22 = arith.constant 5 : i32
    %scan3A_23 = arith.addi %scan3A_21, %scan3A_22 : i32
    %scan3A_24 = arith.constant 1 : i32
    scf.for %scan3A_26 = %scan3A_21 to %scan3A_23 step %scan3A_24  : i32 {
      %mul3A_27 = arith.constant 1 : i32
      %mul3A_28 = arith.muli %scan3A_26, %mul3A_27 : i32
      %add3A_29 = arith.constant 0 : i32
      %add3A_30 = arith.addi %add3A_29, %mul3A_28 : i32
      %mul3A_31 = arith.constant 640 : i32
      %mul3A_32 = arith.muli %arg1, %mul3A_31 : i32
      %mul3A_33 = arith.constant 128 : i32
      %mul3A_34 = arith.muli %add3A_30, %mul3A_33 : i32
      %add3A_35 = arith.addi %mul3A_32, %mul3A_34 : i32
      %mul3A_36 = arith.constant 10240 : i32
      %mul3A_37 = arith.muli %arg0, %mul3A_36 : i32
      %add3A_38 = arith.addi %mul3A_37, %add3A_35 : i32
      "tpu.region"() ({
        %run_scoped3A = tpu.sem_alloc : memref<!tpu.dma_semaphore, #tpu.memory_space<semaphore_mem>>
        %dma_start3A = arith.constant 0 : i32
        %dma_start3A_39 = tpu.memref_slice %arg3[%add3A_38, %dma_start3A] : memref<20480x16xf32, #tpu.memory_space<hbm>> -> memref<128x16xf32, #tpu.memory_space<hbm>>
        %dma_start3A_40 = arith.constant 0 : i32
        %dma_start3A_41 = tpu.memref_slice %arg7[%add3A_35, %dma_start3A_40] : memref<10240x16xf32, #tpu.memory_space<vmem_shared>> -> memref<128x16xf32, #tpu.memory_space<vmem_shared>>
        tpu.enqueue_dma source(%dma_start3A_41 : memref<128x16xf32, #tpu.memory_space<vmem_shared>>) target(%dma_start3A_39 : memref<128x16xf32, #tpu.memory_space<hbm>>) target_semaphore(%run_scoped3A : memref<!tpu.dma_semaphore, #tpu.memory_space<semaphore_mem>>)
        %dma_wait3A = arith.constant 0 : i32
        %dma_wait3A_42 = tpu.memref_slice %arg3[%add3A_38, %dma_wait3A] : memref<20480x16xf32, #tpu.memory_space<hbm>> -> memref<128x16xf32, #tpu.memory_space<hbm>>
        %dma_wait3A_43 = arith.constant 0 : i32
        %dma_wait3A_44 = tpu.memref_slice %arg7[%add3A_35, %dma_wait3A_43] : memref<10240x16xf32, #tpu.memory_space<vmem_shared>> -> memref<128x16xf32, #tpu.memory_space<vmem_shared>>
        tpu.wait_dma2 semaphore(%run_scoped3A : memref<!tpu.dma_semaphore, #tpu.memory_space<semaphore_mem>>) src(%dma_wait3A_44 : memref<128x16xf32, #tpu.memory_space<vmem_shared>>) dst(%dma_wait3A_42 : memref<128x16xf32, #tpu.memory_space<hbm>>)
        tpu.yield
      }) : () -> ()
    }
    %scan3A_25 = arith.constant 5 : i32
    return
  }
}

module attributes {stable_mosaic.version = 14 : i64} {
  func.func @_tc1_body(%arg0: memref<20480x16xf32, #tpu.memory_space<vmem>>, %arg1: memref<10000x128xf32, #tpu.memory_space<vmem>>, %arg2: memref<128x128xf32, #tpu.memory_space<vmem>>, %arg3: memref<20480x64xf32, #tpu.memory_space<vmem>>, %arg4: memref<10240x1xf32, #tpu.memory_space<vmem>>) attributes {dimension_semantics = [], scalar_prefetch = 0 : i64, scratch_operands = 0 : i64, tpu.core_type = #tpu.core_type<tc>} {
    %get3A = arith.constant 0 : index
    %get3A_0 = arith.constant 0 : index
    %get3A_1 = vector.load %arg0[%get3A, %get3A_0] : memref<20480x16xf32, #tpu.memory_space<vmem>>, vector<20480x16xf32>
    %slice3A = vector.extract_strided_slice %get3A_1 {offsets = [0, 0], sizes = [10240, 16], strides = [1, 1]} : vector<20480x16xf32> to vector<10240x16xf32>
    %slice3A_2 = vector.extract_strided_slice %get3A_1 {offsets = [10240, 0], sizes = [10240, 16], strides = [1, 1]} : vector<20480x16xf32> to vector<10240x16xf32>
    %add3A = arith.addf %slice3A, %slice3A_2 : vector<10240x16xf32>
    %reduce_sum3A = arith.constant dense<0.000000e+00> : vector<10240xf32>
    %reduce_sum3A_3 = vector.multi_reduction <add>, %add3A, %reduce_sum3A [1] : vector<10240x16xf32> to vector<10240xf32>
    %broadcast_in_dim3A = vector.shape_cast %reduce_sum3A_3 : vector<10240xf32> to vector<10240x1xf32>
    %mul3A = arith.constant 6.250000e-02 : f32
    %mul3A_4 = vector.broadcast %mul3A : f32 to vector<10240x1xf32>
    %mul3A_5 = arith.mulf %broadcast_in_dim3A, %mul3A_4 : vector<10240x1xf32>
    %add3A_6 = arith.constant 1.000000e+00 : f32
    %add3A_7 = vector.broadcast %add3A_6 : f32 to vector<10240x1xf32>
    %add3A_8 = arith.addf %mul3A_5, %add3A_7 : vector<10240x1xf32>
    %rsqrt3A = math.rsqrt %add3A_8 : vector<10240x1xf32>
    %get3A_9 = arith.constant 0 : index
    %get3A_10 = arith.constant 0 : index
    %get3A_11 = vector.load %arg1[%get3A_9, %get3A_10] : memref<10000x128xf32, #tpu.memory_space<vmem>>, vector<10000x128xf32>
    %get3A_12 = arith.constant 0 : index
    %get3A_13 = arith.constant 0 : index
    %get3A_14 = vector.load %arg2[%get3A_12, %get3A_13] : memref<128x128xf32, #tpu.memory_space<vmem>>, vector<128x128xf32>
    %dot_general3A = arith.constant dense<0.000000e+00> : vector<10000x128xf32>
    %dot_general3A_15 = tpu.matmul %get3A_11, %get3A_14, %dot_general3A {dimension_numbers = #tpu.dot_dimension_numbers<[1], [0], [0], [1], [0, 0, 1, 1], [], []>, transpose_lhs_hint = false} : vector<10000x128xf32>, vector<128x128xf32>, vector<10000x128xf32> -> vector<10000x128xf32>
    %slice3A_16 = vector.extract_strided_slice %rsqrt3A {offsets = [0, 0], sizes = [10000, 1], strides = [1, 1]} : vector<10240x1xf32> to vector<10000x1xf32>
    %mul3A_17 = vector.broadcast %slice3A_16 : vector<10000x1xf32> to vector<10000x128xf32>
    %mul3A_18 = arith.mulf %dot_general3A_15, %mul3A_17 : vector<10000x128xf32>
    %broadcast_in_dim3A_19 = arith.constant 0.000000e+00 : f32
    %broadcast_in_dim3A_20 = vector.broadcast %broadcast_in_dim3A_19 : f32 to vector<240x64xf32>
    %slice3A_21 = vector.extract_strided_slice %mul3A_18 {offsets = [0, 0], sizes = [10000, 64], strides = [1, 1]} : vector<10000x128xf32> to vector<10000x64xf32>
    %swap3A = arith.constant 0 : index
    %swap3A_22 = arith.constant 0 : index
    %swap3A_23 = vector.load %arg3[%swap3A, %swap3A_22] : memref<20480x64xf32, #tpu.memory_space<vmem>>, vector<10000x64xf32>
    tpu.vector_store %arg3[%swap3A, %swap3A_22], %slice3A_21 {strides = array<i32>} : memref<20480x64xf32, #tpu.memory_space<vmem>>, vector<10000x64xf32>,
    %swap3A_24 = arith.constant 10000 : index
    %swap3A_25 = arith.constant 0 : index
    %swap3A_26 = vector.load %arg3[%swap3A_24, %swap3A_25] : memref<20480x64xf32, #tpu.memory_space<vmem>>, vector<240x64xf32>
    tpu.vector_store %arg3[%swap3A_24, %swap3A_25], %broadcast_in_dim3A_20 {strides = array<i32>} : memref<20480x64xf32, #tpu.memory_space<vmem>>, vector<240x64xf32>,
    %slice3A_27 = vector.extract_strided_slice %mul3A_18 {offsets = [0, 64], sizes = [10000, 64], strides = [1, 1]} : vector<10000x128xf32> to vector<10000x64xf32>
    %swap3A_28 = arith.constant 10240 : index
    %swap3A_29 = arith.constant 0 : index
    %swap3A_30 = vector.load %arg3[%swap3A_28, %swap3A_29] : memref<20480x64xf32, #tpu.memory_space<vmem>>, vector<10000x64xf32>
    tpu.vector_store %arg3[%swap3A_28, %swap3A_29], %slice3A_27 {strides = array<i32>} : memref<20480x64xf32, #tpu.memory_space<vmem>>, vector<10000x64xf32>,
    %swap3A_31 = arith.constant 20240 : index
    %swap3A_32 = arith.constant 0 : index
    %swap3A_33 = vector.load %arg3[%swap3A_31, %swap3A_32] : memref<20480x64xf32, #tpu.memory_space<vmem>>, vector<240x64xf32>
    tpu.vector_store %arg3[%swap3A_31, %swap3A_32], %broadcast_in_dim3A_20 {strides = array<i32>} : memref<20480x64xf32, #tpu.memory_space<vmem>>, vector<240x64xf32>,
    %swap3A_34 = arith.constant 0 : index
    %swap3A_35 = arith.constant 0 : index
    %swap3A_36 = vector.load %arg4[%swap3A_34, %swap3A_35] : memref<10240x1xf32, #tpu.memory_space<vmem>>, vector<10240x1xf32>
    tpu.vector_store %arg4[%swap3A_34, %swap3A_35], %rsqrt3A {strides = array<i32>} : memref<10240x1xf32, #tpu.memory_space<vmem>>, vector<10240x1xf32>,
    return
  }
}

module attributes {stable_mosaic.version = 14 : i64} {
  func.func @_tc2_body(%arg0: memref<20480x64xf32, #tpu.memory_space<vmem>>, %arg1: memref<20480x64xf32, #tpu.memory_space<vmem>>, %arg2: memref<10240x1xf32, #tpu.memory_space<vmem>>, %arg3: memref<128xf32, #tpu.memory_space<vmem>>, %arg4: memref<128x64xf32, #tpu.memory_space<vmem>>, %arg5: memref<20480x32xf32, #tpu.memory_space<vmem>>) attributes {dimension_semantics = [], scalar_prefetch = 0 : i64, scratch_operands = 0 : i64, tpu.core_type = #tpu.core_type<tc>} {
    %get3A = arith.constant 0 : index
    %get3A_0 = arith.constant 0 : index
    %get3A_1 = vector.load %arg2[%get3A, %get3A_0] : memref<10240x1xf32, #tpu.memory_space<vmem>>, vector<10240x1xf32>
    %get3A_2 = arith.constant 0 : index
    %get3A_3 = vector.load %arg3[%get3A_2] : memref<128xf32, #tpu.memory_space<vmem>>, vector<128xf32>
    %get3A_4 = arith.constant 0 : index
    %get3A_5 = arith.constant 0 : index
    %get3A_6 = vector.load %arg0[%get3A_4, %get3A_5] : memref<20480x64xf32, #tpu.memory_space<vmem>>, vector<10240x64xf32>
    %get3A_7 = arith.constant 0 : index
    %get3A_8 = arith.constant 0 : index
    %get3A_9 = vector.load %arg1[%get3A_7, %get3A_8] : memref<20480x64xf32, #tpu.memory_space<vmem>>, vector<10240x64xf32>
    %add3A = arith.addf %get3A_6, %get3A_9 : vector<10240x64xf32>
    %mul3A = vector.broadcast %get3A_1 : vector<10240x1xf32> to vector<10240x64xf32>
    %mul3A_10 = arith.mulf %add3A, %mul3A : vector<10240x64xf32>
    %slice3A = vector.extract_strided_slice %get3A_3 {offsets = [0], sizes = [64], strides = [1]} : vector<128xf32> to vector<64xf32>
    %broadcast_in_dim3A = vector.shape_cast %slice3A : vector<64xf32> to vector<1x64xf32>
    %add3A_11 = vector.broadcast %broadcast_in_dim3A : vector<1x64xf32> to vector<10240x64xf32>
    %add3A_12 = arith.addf %mul3A_10, %add3A_11 : vector<10240x64xf32>
    %max3A = arith.constant 0.000000e+00 : f32
    %max3A_13 = vector.broadcast %max3A : f32 to vector<10240x64xf32>
    %max3A_14 = arith.maximumf %add3A_12, %max3A_13 : vector<10240x64xf32>
    %get3A_15 = arith.constant 10240 : index
    %get3A_16 = arith.constant 0 : index
    %get3A_17 = vector.load %arg0[%get3A_15, %get3A_16] : memref<20480x64xf32, #tpu.memory_space<vmem>>, vector<10240x64xf32>
    %get3A_18 = arith.constant 10240 : index
    %get3A_19 = arith.constant 0 : index
    %get3A_20 = vector.load %arg1[%get3A_18, %get3A_19] : memref<20480x64xf32, #tpu.memory_space<vmem>>, vector<10240x64xf32>
    %add3A_21 = arith.addf %get3A_17, %get3A_20 : vector<10240x64xf32>
    %mul3A_22 = vector.broadcast %get3A_1 : vector<10240x1xf32> to vector<10240x64xf32>
    %mul3A_23 = arith.mulf %add3A_21, %mul3A_22 : vector<10240x64xf32>
    %slice3A_24 = vector.extract_strided_slice %get3A_3 {offsets = [64], sizes = [64], strides = [1]} : vector<128xf32> to vector<64xf32>
    %broadcast_in_dim3A_25 = vector.shape_cast %slice3A_24 : vector<64xf32> to vector<1x64xf32>
    %add3A_26 = vector.broadcast %broadcast_in_dim3A_25 : vector<1x64xf32> to vector<10240x64xf32>
    %add3A_27 = arith.addf %mul3A_23, %add3A_26 : vector<10240x64xf32>
    %max3A_28 = arith.constant 0.000000e+00 : f32
    %max3A_29 = vector.broadcast %max3A_28 : f32 to vector<10240x64xf32>
    %max3A_30 = arith.maximumf %add3A_27, %max3A_29 : vector<10240x64xf32>
    %get3A_31 = arith.constant 0 : index
    %get3A_32 = arith.constant 0 : index
    %get3A_33 = vector.load %arg4[%get3A_31, %get3A_32] : memref<128x64xf32, #tpu.memory_space<vmem>>, vector<64x64xf32>
    %dot_general3A = arith.constant dense<0.000000e+00> : vector<10240x64xf32>
    %dot_general3A_34 = tpu.matmul %max3A_14, %get3A_33, %dot_general3A {dimension_numbers = #tpu.dot_dimension_numbers<[1], [0], [0], [1], [0, 0, 1, 1], [], []>, transpose_lhs_hint = false} : vector<10240x64xf32>, vector<64x64xf32>, vector<10240x64xf32> -> vector<10240x64xf32>
    %get3A_35 = arith.constant 64 : index
    %get3A_36 = arith.constant 0 : index
    %get3A_37 = vector.load %arg4[%get3A_35, %get3A_36] : memref<128x64xf32, #tpu.memory_space<vmem>>, vector<64x64xf32>
    %dot_general3A_38 = arith.constant dense<0.000000e+00> : vector<10240x64xf32>
    %dot_general3A_39 = tpu.matmul %max3A_30, %get3A_37, %dot_general3A_38 {dimension_numbers = #tpu.dot_dimension_numbers<[1], [0], [0], [1], [0, 0, 1, 1], [], []>, transpose_lhs_hint = false} : vector<10240x64xf32>, vector<64x64xf32>, vector<10240x64xf32> -> vector<10240x64xf32>
    %add3A_40 = arith.addf %dot_general3A_34, %dot_general3A_39 : vector<10240x64xf32>
    %mul3A_41 = vector.broadcast %get3A_1 : vector<10240x1xf32> to vector<10240x64xf32>
    %mul3A_42 = arith.mulf %add3A_40, %mul3A_41 : vector<10240x64xf32>
    %slice3A_43 = vector.extract_strided_slice %mul3A_42 {offsets = [0, 0], sizes = [10240, 32], strides = [1, 1]} : vector<10240x64xf32> to vector<10240x32xf32>
    %swap3A = arith.constant 0 : index
    %swap3A_44 = arith.constant 0 : index
    %swap3A_45 = vector.load %arg5[%swap3A, %swap3A_44] : memref<20480x32xf32, #tpu.memory_space<vmem>>, vector<10240x32xf32>
    tpu.vector_store %arg5[%swap3A, %swap3A_44], %slice3A_43 {strides = array<i32>} : memref<20480x32xf32, #tpu.memory_space<vmem>>, vector<10240x32xf32>,
    %slice3A_46 = vector.extract_strided_slice %mul3A_42 {offsets = [0, 32], sizes = [10240, 32], strides = [1, 1]} : vector<10240x64xf32> to vector<10240x32xf32>
    %swap3A_47 = arith.constant 10240 : index
    %swap3A_48 = arith.constant 0 : index
    %swap3A_49 = vector.load %arg5[%swap3A_47, %swap3A_48] : memref<20480x32xf32, #tpu.memory_space<vmem>>, vector<10240x32xf32>
    tpu.vector_store %arg5[%swap3A_47, %swap3A_48], %slice3A_46 {strides = array<i32>} : memref<20480x32xf32, #tpu.memory_space<vmem>>, vector<10240x32xf32>,
    return
  }
}

module attributes {stable_mosaic.version = 14 : i64} {
  func.func @_tc3_body(%arg0: memref<20480x32xf32, #tpu.memory_space<vmem>>, %arg1: memref<20480x32xf32, #tpu.memory_space<vmem>>, %arg2: memref<10240x1xf32, #tpu.memory_space<vmem>>, %arg3: memref<64xf32, #tpu.memory_space<vmem>>, %arg4: memref<10000x40xf32, #tpu.memory_space<vmem>>, %arg5: memref<10000x40xf32, #tpu.memory_space<vmem>>) attributes {dimension_semantics = [], scalar_prefetch = 0 : i64, scratch_operands = 0 : i64, tpu.core_type = #tpu.core_type<tc>} {
    %get3A = arith.constant 0 : index
    %get3A_0 = arith.constant 0 : index
    %get3A_1 = vector.load %arg0[%get3A, %get3A_0] : memref<20480x32xf32, #tpu.memory_space<vmem>>, vector<10000x32xf32>
    %get3A_2 = arith.constant 0 : index
    %get3A_3 = arith.constant 0 : index
    %get3A_4 = vector.load %arg1[%get3A_2, %get3A_3] : memref<20480x32xf32, #tpu.memory_space<vmem>>, vector<10000x32xf32>
    %add3A = arith.addf %get3A_1, %get3A_4 : vector<10000x32xf32>
    %get3A_5 = arith.constant 10240 : index
    %get3A_6 = arith.constant 0 : index
    %get3A_7 = vector.load %arg0[%get3A_5, %get3A_6] : memref<20480x32xf32, #tpu.memory_space<vmem>>, vector<10000x32xf32>
    %get3A_8 = arith.constant 10240 : index
    %get3A_9 = arith.constant 0 : index
    %get3A_10 = vector.load %arg1[%get3A_8, %get3A_9] : memref<20480x32xf32, #tpu.memory_space<vmem>>, vector<10000x32xf32>
    %add3A_11 = arith.addf %get3A_7, %get3A_10 : vector<10000x32xf32>
    %concatenate3A = tpu.concatenate %add3A, %add3A_11 in 1 : vector<10000x32xf32>, vector<10000x32xf32> -> vector<10000x64xf32>
    %get3A_12 = arith.constant 0 : index
    %get3A_13 = arith.constant 0 : index
    %get3A_14 = vector.load %arg2[%get3A_12, %get3A_13] : memref<10240x1xf32, #tpu.memory_space<vmem>>, vector<10000x1xf32>
    %mul3A = vector.broadcast %get3A_14 : vector<10000x1xf32> to vector<10000x64xf32>
    %mul3A_15 = arith.mulf %concatenate3A, %mul3A : vector<10000x64xf32>
    %get3A_16 = arith.constant 0 : index
    %get3A_17 = vector.load %arg3[%get3A_16] : memref<64xf32, #tpu.memory_space<vmem>>, vector<64xf32>
    %broadcast_in_dim3A = vector.shape_cast %get3A_17 : vector<64xf32> to vector<1x64xf32>
    %add3A_18 = vector.broadcast %broadcast_in_dim3A : vector<1x64xf32> to vector<10000x64xf32>
    %add3A_19 = arith.addf %mul3A_15, %add3A_18 : vector<10000x64xf32>
    %iota3A = tpu.iota {dimensions = array<i32: 1>} : vector<10000x64xi32>
    %lt3A = arith.constant 40 : i32
    %lt3A_20 = vector.broadcast %lt3A : i32 to vector<10000x64xi32>
    %lt3A_21 = arith.cmpi slt, %iota3A, %lt3A_20 : vector<10000x64xi32>
    %jit3A = arith.constant 0xFF800000 : f32
    %broadcast_in_dim3A_22 = vector.broadcast %jit3A : f32 to vector<10000x64xf32>
    %select_n3A = arith.select %lt3A_21, %add3A_19, %broadcast_in_dim3A_22 : vector<10000x64xi1>, vector<10000x64xf32>
    %reduce_max3A = arith.constant dense<0xFF800000> : vector<10000xf32>
    %reduce_max3A_23 = vector.multi_reduction <maximumf>, %select_n3A, %reduce_max3A [1] : vector<10000x64xf32> to vector<10000xf32>
    %broadcast_in_dim3A_24 = vector.shape_cast %reduce_max3A_23 : vector<10000xf32> to vector<10000x1xf32>
    %sub3A = vector.broadcast %broadcast_in_dim3A_24 : vector<10000x1xf32> to vector<10000x64xf32>
    %sub3A_25 = arith.subf %add3A_19, %sub3A : vector<10000x64xf32>
    %exp3A = math.exp %sub3A_25 : vector<10000x64xf32>
    %jit3A_26 = arith.constant 0.000000e+00 : f32
    %broadcast_in_dim3A_27 = vector.broadcast %jit3A_26 : f32 to vector<10000x64xf32>
    %select_n3A_28 = arith.select %lt3A_21, %exp3A, %broadcast_in_dim3A_27 : vector<10000x64xi1>, vector<10000x64xf32>
    %reduce_sum3A = arith.constant dense<0.000000e+00> : vector<10000xf32>
    %reduce_sum3A_29 = vector.multi_reduction <add>, %select_n3A_28, %reduce_sum3A [1] : vector<10000x64xf32> to vector<10000xf32>
    %broadcast_in_dim3A_30 = vector.shape_cast %reduce_sum3A_29 : vector<10000xf32> to vector<10000x1xf32>
    %log3A = math.log %broadcast_in_dim3A_30 : vector<10000x1xf32>
    %add3A_31 = arith.addf %broadcast_in_dim3A_24, %log3A : vector<10000x1xf32>
    %slice3A = vector.extract_strided_slice %add3A_19 {offsets = [0, 0], sizes = [10000, 40], strides = [1, 1]} : vector<10000x64xf32> to vector<10000x40xf32>
    %swap3A = arith.constant 0 : index
    %swap3A_32 = arith.constant 0 : index
    %swap3A_33 = vector.load %arg4[%swap3A, %swap3A_32] : memref<10000x40xf32, #tpu.memory_space<vmem>>, vector<10000x40xf32>
    tpu.vector_store %arg4[%swap3A, %swap3A_32], %slice3A {strides = array<i32>} : memref<10000x40xf32, #tpu.memory_space<vmem>>, vector<10000x40xf32>,
    %sub3A_34 = vector.broadcast %add3A_31 : vector<10000x1xf32> to vector<10000x64xf32>
    %sub3A_35 = arith.subf %add3A_19, %sub3A_34 : vector<10000x64xf32>
    %slice3A_36 = vector.extract_strided_slice %sub3A_35 {offsets = [0, 0], sizes = [10000, 40], strides = [1, 1]} : vector<10000x64xf32> to vector<10000x40xf32>
    %swap3A_37 = arith.constant 0 : index
    %swap3A_38 = arith.constant 0 : index
    %swap3A_39 = vector.load %arg5[%swap3A_37, %swap3A_38] : memref<10000x40xf32, #tpu.memory_space<vmem>>, vector<10000x40xf32>
    tpu.vector_store %arg5[%swap3A_37, %swap3A_38], %slice3A_36 {strides = array<i32>} : memref<10000x40xf32, #tpu.memory_space<vmem>>, vector<10000x40xf32>,
    return
  }
}

</mosaic_0001>

<sc_bundles>
// kernel: kernel.11.cloned.1.call-start
scs
__scs_entry_jumppad:
0x0: {  	(pc) =	sbr.rel $0x88, $3  }
0x1: {  	(tag) =	ssettag $0x0;
	lr =	simm.s32 $0x1  }
0x2: {  	[smem:$0x3F9B] =	sst lr;
	_ =	strace $0xD0000000  }
0x3: {  	_ = 	snop  }
0x4: {  	_ = 	snop  }
0x5: {  	_ = 	snop  }
0x6: {  	_ = 	snop  }
0x7: {  	_ = 	snop  }
__scs_overlays_trampoline_lowered:
0x8: {  	[smem:$0x3FAA] =	sst s0  }
0x9: {  	[smem:$0x3FAB] =	sst s1  }
0xa: {  	[smem:$0x3FAC] =	sst s2  }
0xb: {  	[smem:$0x3FAD] =	sst s3  }
0xc: {  	[smem:$0x3FAE] =	sst s4  }
0xd: {  	[smem:$0x3FAF] =	sst s5  }
0xe: {  	[smem:$0x3FB0] =	sst s6  }
0xf: {  	[smem:$0x3FB1] =	sst s7  }
0x10: {  	[smem:$0x3FB2] =	sst s8  }
0x11: {  	[smem:$0x3FB3] =	sst s9;
	s0 =	simm.s32 @!p0 $0x0  }
0x12: {  	s1 =	sld [smem:$0x3F99];
	s0 =	simm.s32 @p0 $0x1  }
0x13: {  	[smem:$0x3FB4] =	sst s0;
	s0 =	simm.s32 @!p1 $0x0  }
0x14: {  	s2 =	sld [smem:$0x3F98];
	s0 =	simm.s32 @p1 $0x1  }
0x15: {  	[smem:$0x3FB5] =	sst s0;
	s0 =	simm.s32 @!p2 $0x0  }
0x16: {  	s3 =	sld [smem:$0x3FDB];
	s0 =	simm.s32 @p2 $0x1  }
0x17: {  	s4 =	simm.s32 $0x1BF5;
	[smem:$0x3FB7] =	sst s0  }
0x18: {  	s0 =	sld [smem:$0x3F9A];
	_ =	swait.ge [sflag:s4], $0x0  }
0x19: {  	s7 =	sld [smem:$0x3F9B]  }
0x1a: {  	s8 =	sadd.s32 $0xFFFFE003, lr  }
0x1b: {  	s9 =	sadd.s32 $0xFFFFFEF7, lr;
	s5 =	simm.s32 $0xFFFFFFFF;
	p2 =	slt.u32 s8, $0xFFFFF086  }
0x1c: {  	p1 =	slt.u32 s9, $0xF7A;
	s5 =	simm.s32 @!p2 $0x0  }
0x1d: {  	s5 =	simm.s32 @p1 $0x1;
	p0 =	seq.s32 s7, s2  }
0x1e: {  	s7 =	smul.u32 @!p0 $0xF7A, s2;
	p2 =	seq.s32 @!p0 s5, $0x0  }
0x1f: {  	s9 =	smul.u32 $0xF7A, s1;
	s8 =	simm.s32 @!p0 $0x1BF5;
	p2 =	por !p2, p0  }
0x20: {  	[sflag:s8] =	ssyncset.s32 @!p0 $0xFFFFF086;
	s6 =	sadd.s32 @!p0 s3, s7;
	s7 =	simm.s32 @!p0 $0x108  }
0x21: {  	s3 =	sadd.s32 s3, s9;
	s6 =	sadd.s32 @!p0 $0x88, s6;
	s7 =	simm.s32 @p2 $0x1082  }
0x22: {  	[simem:s7], [sflag:s8] =	dma.local @!p0 [hbm:s6], $0xF7A  }
0x23: {  	s9 =	sor.u32 $0xD0000000, s2;
	s6 =	simm.s32 $0x108;
	_ =	swait.ge @!p0 [sflag:s8], $0x0  }
0x24: {  	s3 =	sadd.s32 $0x88, s3;
	s6 =	simm.s32 @!p1 $0x1082;
	[sflag:s4] =	ssyncset.s32 $0xFFFFF086  }
0x25: {  	[simem:s6], [sflag:s4] =	dma.local [hbm:s3], $0xF7A  }
0x26: {  	[smem:$0x3F9B] =	sst s1;
	(tag) =	ssettag s2;
	_ =	strace s9  }
0x27: {  	s1 =	sld [smem:$0x3FAB]  }
0x28: {  	s2 =	sld [smem:$0x3FAC]  }
0x29: {  	s4 =	sld [smem:$0x3FAE]  }
0x2a: {  	p0 =	seq.s32 s5, $0x0;
	s5 =	sld [smem:$0x3FAF]  }
0x2b: {  	s6 =	sld [smem:$0x3FB0]  }
0x2c: {  	s7 =	sld [smem:$0x3FB1]  }
0x2d: {  	s3 =	simm.s32 $0x108;
	s8 =	sld [smem:$0x3FB2]  }
0x2e: {  	s3 =	simm.s32 @!p0 $0x1082;
	s9 =	sld [smem:$0x3FB3]  }
0x2f: {  	lr =	sadd.s32 s0, s3;
	s0 =	sld [smem:$0x3FAA]  }
0x30: {  	s3 =	sld [smem:$0x3FAD]  }
0x31: {  	[smem:$0x3FB6] =	sst s10  }
0x32: {  	s10 =	sld [smem:$0x3FB4];
	_ =	sdelay $0x3  }
0x33: {  	p0 =	seq.s32 s10, $0x1;
	s10 =	sld [smem:$0x3FB6];
	_ =	sdelay $0x3  }
0x34: {  	[smem:$0x3FB6] =	sst s10  }
0x35: {  	s10 =	sld [smem:$0x3FB5];
	_ =	sdelay $0x3  }
0x36: {  	p1 =	seq.s32 s10, $0x1;
	s10 =	sld [smem:$0x3FB6];
	_ =	sdelay $0x3  }
0x37: {  	[smem:$0x3FB6] =	sst s10  }
0x38: {  	s10 =	sld [smem:$0x3FB7]  }
0x39: {  	_ = 	snop;
	(pc) =	sbr.ind lr, $3  }
0x3a: {  	_ = 	snop  }
0x3b: {  	_ = 	snop  }
0x3c: {  	p2 =	seq.s32 s10, $0x1;
	s10 =	sld [smem:$0x3FB6]  }
0x3d: {  	_ =	shalt  }
0x3e: {  	_ =	shalt  }
0x3f: {  	_ =	shalt  }
0x40: {  	_ =	shalt  }
0x41: {  	_ =	shalt  }
0x42: {  	_ =	shalt  }
0x43: {  	_ =	shalt  }
0x44: {  	_ =	shalt  }
0x45: {  	_ =	shalt  }
0x46: {  	_ =	shalt  }
0x47: {  	_ =	shalt  }
0x48: {  	_ =	shalt  }
0x49: {  	_ =	shalt  }
0x4a: {  	_ =	shalt  }
0x4b: {  	_ =	shalt  }
0x4c: {  	_ =	shalt  }
0x4d: {  	_ =	shalt  }
0x4e: {  	_ =	shalt  }
0x4f: {  	_ =	shalt  }
0x50: {  	_ =	shalt  }
0x51: {  	_ =	shalt  }
0x52: {  	_ =	shalt  }
0x53: {  	_ =	shalt  }
0x54: {  	_ =	shalt  }
0x55: {  	_ =	shalt  }
0x56: {  	_ =	shalt  }
0x57: {  	_ =	shalt  }
0x58: {  	_ =	shalt  }
0x59: {  	_ =	shalt  }
0x5a: {  	_ =	shalt  }
0x5b: {  	_ =	shalt  }
0x5c: {  	_ =	shalt  }
0x5d: {  	_ =	shalt  }
0x5e: {  	_ =	shalt  }
0x5f: {  	_ =	shalt  }
0x60: {  	_ =	shalt  }
0x61: {  	_ =	shalt  }
0x62: {  	_ =	shalt  }
0x63: {  	_ =	shalt  }
0x64: {  	_ =	shalt  }
0x65: {  	_ =	shalt  }
0x66: {  	_ =	shalt  }
0x67: {  	_ =	shalt  }
0x68: {  	_ =	shalt  }
0x69: {  	_ =	shalt  }
0x6a: {  	_ =	shalt  }
0x6b: {  	_ =	shalt  }
0x6c: {  	_ =	shalt  }
0x6d: {  	_ =	shalt  }
0x6e: {  	_ =	shalt  }
0x6f: {  	_ =	shalt  }
0x70: {  	_ =	shalt  }
0x71: {  	_ =	shalt  }
0x72: {  	_ =	shalt  }
0x73: {  	_ =	shalt  }
0x74: {  	_ =	shalt  }
0x75: {  	_ =	shalt  }
0x76: {  	_ =	shalt  }
0x77: {  	_ =	shalt  }
0x78: {  	_ =	shalt  }
0x79: {  	_ =	shalt  }
0x7a: {  	_ =	shalt  }
0x7b: {  	_ =	shalt  }
0x7c: {  	_ =	shalt  }
0x7d: {  	_ =	shalt  }
0x7e: {  	_ =	shalt  }
0x7f: {  	_ =	shalt  }
0x80: {  	_ =	shalt  }
0x81: {  	_ =	shalt  }
0x82: {  	_ =	shalt  }
0x83: {  	_ =	shalt  }
0x84: {  	_ =	shalt  }
0x85: {  	_ =	shalt  }
0x86: {  	_ =	shalt  }
0x87: {  	_ =	shalt  }
.Lfunc_end0:
.L_simem_size_0:
called_computation.1_lowered:
.L_overlay_start_0:
0x88: {  	s2 =	sld [smem:$0x3FD9]  }
0x89: {  	s3 =	sld [smem:$0x3FFE];
	_ =	sdelay $0x1  }
0x8a: {  	s1 =	srdreg.scid  }
0x8b: {  	s0 =	sand.u32 $0x1, s1  }
0x8c: {  	s14 =	sshll.u32 s0, $0xA;
	s2 =	sadd.s32 s3, s2  }
0x8d: {  	s2 =	sadd.s32 s2, s14  }
0x8e: {  	[smem:$0x3FC2] =	sst s2  }
0x8f: {  	_ = 	snop  }
0x90: {  	s2 =	sld [smem:$0x3FD0];
	_ =	sdelay $0x2  }
0x91: {  	s15 =	simm.s32 $0xA;
	s4 =	simm.s32 $0x10  }
0x92: {  	[smem:s4], [sflag:s15] =	dma.local [hbm:s2], $0x1  }
0x93: {  	_ =	swait.eq [sflag:s15], $0x1  }
0x94: {  	[sflag:s15] =	ssyncset.done $0x0  }
0x95: {  	s16 =	sld [smem:$0x10];
	[sflag:s15] =	ssyncadd.s32 $0xFFFFFFFF  }
0x96: {  	s17 =	sld [smem:$0x11];
	(tm) =	ssettm $0x1  }
0x97: {  	s18 =	sld [smem:$0x3FFB];
	_ =	sdelay $0x3  }
0x98: {  	_ =	strace s18  }
0x99: {  	s4 =	sld [smem:$0x3FFC];
	_ =	sdelay $0x3  }
0x9a: {  	_ =	strace s4  }
0x9b: {  	s4 =	sld [smem:$0x3FFD];
	_ =	sdelay $0x3  }
0x9c: {  	_ =	strace s4  }
0x9d: {  	_ =	strace $0x8FFFFFFF  }
0x9e: {  	s19 =	sld [smem:$0x3FDB];
	_ =	sdelay $0x1  }
0x9f: {  	s5 =	simm.s32 $_scs_section_size  }
0xa0: {  	s6 =	simm.s32 $_size__tile_overlayer_lowered;
	s7 =	simm.s32 $_tile_overlayer_lowered  }
0xa1: {  	s22 =	simm.s32 $0x1BFF;
	s21 =	sshll.u32 s7, $0x1;
	s4 =	sadd.s32 s5, s19  }
0xa2: {  	s8 =	simm.s32 $0x0;
	s20 =	sshll.u32 s6, $0x1;
	s6 =	sadd.s32 s21, s4  }
0xa3: {  	[timem:s8], [sflag:s22] =	dma.local [hbm:s6], s20  }
0xa4: {  	_ =	swait.ge [sflag:s22], s20  }
0xa5: {  	s5 =	ssub.s32 $0x0, s20;
	[sflag:s22] =	ssyncset.done $0x0  }
0xa6: {  	[sflag:s22] =	ssyncadd.s32 s5;
	_ =	sdelay $0x1  }
0xa7: {  	s23 =	simm.s32 $0x1B8B  }
0xa8: {  	_ =	swait.ge [sflag:s23], $0x1  }
0xa9: {  	[sflag:s23] =	ssyncset.done $0x0  }
0xaa: {  	s25 =	simm.s32 $0x1B8E;
	s24 =	sld [smem:$0x3FFE];
	[sflag:s23] =	ssyncadd.s32 $0xFFFFFFFF  }
0xab: {  	s26 =	simm.s32 $execute0_lowered;
	[smem:$0x3FD2] =	sst s25  }
0xac: {  	s6 =	sshll.u32 s26, $0x1;
	_ =	strace $0x80000049;
	[dreg:$0x1] =	wrdreg $0xFFFFFFFF  }
0xad: {  	s28 =	simm.s32 $_size_execute0_lowered;
	s4 =	sadd.s32 s4, s6;
	[dreg:$0x0] =	wrdreg $0x0  }
0xae: {  	s6 =	sshll.u32 s28, $0x1;
	[dreg:$0x2] =	wrdreg s4  }
0xaf: {  	[dreg:$0x3] =	wrdreg s6  }
0xb0: {  	[dreg:$0x4] =	wrdreg $0xC0  }
0xb1: {  	_ =	task [dreg:s8], $0x5FFFF  }
0xb2: {  	[dreg:$0x1] =	wrdreg $0xFFFFFFFF  }
0xb3: {  	[dreg:$0x0] =	wrdreg $0x60  }
0xb4: {  	[dreg:$0x2] =	wrdreg s24  }
0xb5: {  	[dreg:$0x3] =	wrdreg s16  }
0xb6: {  	[dreg:$0x4] =	wrdreg s17  }
0xb7: {  	[dreg:$0x5] =	wrdreg $0xA8000  }
0xb8: {  	[dreg:$0x6] =	wrdreg $0x148000  }
0xb9: {  	[dreg:$0x7] =	wrdreg $0x9  }
0xba: {  	_ =	task.clear_ibuf [dreg:s8], $0x8FFFF;
	_ =	strace $0x90000049  }
0xbb: {  	s29 =	simm.s32 $0x9;
	_ =	strace $0x8000004B  }
0xbc: {  	_ =	swait.ge [sflag:s29], $0x1  }
0xbd: {  	[sflag:s29] =	ssyncadd.s32 $0xFFFFFFFF  }
0xbe: {  	_ =	strace $0x9000004B  }
0xbf: {  	_ =	sfence  }
0xc0: {  	s30 =	sld [smem:$0x0];
	_ =	sdelay $0x2  }
0xc1: {  	s31 =	sshll.u32 s1, $0xD;
	s1 =	sshrl.u32 s1, $0x2  }
0xc2: {  	s3 =	sand.u32 $0x4000, s31;
	s1 =	sadd.s32 s1, s30  }
0xc3: {  	s0 =	sor.u32 s3, s0;
	s1 =	sshll.u32 s1, $0x11  }
0xc4: {  	s0 =	sor.u32 s1, s0  }
0xc5: {  	s0 =	sadd.s32 $0x8F2B, s0  }
0xc6: {  	[sflag:s0] =	ssyncadd.remote.s32 $0x1  }
0xc7: {  	_ =	sfence.sel $0xFFFF  }
0xc8: {  	[dreg:$0x0] =	wrdreg $0xFFFFFFFF;
	(pc) =	sbr.abs _section_cstart, $3  }
0xc9: {  	[dreg:$0x1] =	wrdreg $0xFFFFFFFF  }
0xca: {  	_ =	task.clear_ibuf [dreg:s8], $0x2FFFF;
	_ =	strace $0x9FFFFFFF  }
0xcb: {  	(tm) =	ssettm $0x7FFFFFFF  }
tec
execute0_lowered:
.L_overlay_start_1:
0x0: {  	(tag) =	ssettag $0x1  }
0x1: {  	s0 =	rddreg [dreg:$0x0]  }
0x2: {  	s1 =	rddreg [dreg:$0x1]  }
0x3: {  	s5 =	rddreg [dreg:$0x2]  }
0x4: {  	s2 =	rddreg [dreg:$0x3];
	s15 =	stileid.u32  }
0x5: {  	s4 =	srdreg.scid;
	s10 =	smul.u32 $0x28000, s15  }
0x6: {  	s3 =	rddreg [dreg:$0x4];
	s11 =	smul.u32 $0x5000, s15  }
0x7: {  	s6 =	sand.u32 $0x1, s4;
	s4 =	simm.s32 $0x0;
	s14 =	smul.u32 $0xA00, s15  }
0x8: {  	s7 =	smul.u32 $0x2800, s6;
	[smem:$0x7FF] =	sst s4;
	s6 =	ssub.s32 $0x2, s6  }
0x9: {  	s8 =	smul.u32 $0x280, s15;
	_ =	strace $0x8000004A;
	s13 =	sshrl.u32 s6, $0x1  }
0xa: {  	s11 =	sshrl.u32 s11, $0x3;
	s10 =	sshrl.u32 s10, $0x2;
	s25 =	sadd.s32 s1, s14  }
0xb: {  	s14 =	sadd.s32 s5, s14;
	s23 =	sadd.s32 $0x100, s8;
	s9 =	sadd.s32 s8, s7  }
0xc: {  	s6 =	ssub.s32 s6, s13;
	[dreg:$0x6] =	wrdreg s25;
	s26 =	sadd.s32 $0x280, s11  }
0xd: {  	[dreg:$0x7] =	wrdreg s14;
	s17 =	sadd.s32 $0x500, s11;
	s11 =	sadd.s32 $0x780, s11  }
0xe: {  	s24 =	sadd.s32 s7, s23;
	s25 =	sadd.s32 $0x180, s8;
	s16 =	sadd.s32 s1, s26  }
0xf: {  	s9 =	sshll.u32 s9, $0x3;
	s13 =	sadd.s32 s5, s26;
	[dreg:$0x8] =	wrdreg s16  }
0x10: {  	s18 =	sadd.s32 s1, s17;
	s14 =	sadd.s32 s5, s17;
	[dreg:$0x9] =	wrdreg s13  }
0x11: {  	s1 =	sadd.s32 s1, s11;
	s20 =	sadd.s32 s5, s11;
	[dreg:$0xa] =	wrdreg s18  }
0x12: {  	s5 =	sshll.u32 s24, $0x3;
	s26 =	sadd.s32 s7, s25;
	[dreg:$0xb] =	wrdreg s14  }
0x13: {  	s11 =	simm.s32 $0x8800;
	s12 =	sadd.s32 s9, s0;
	[dreg:$0xc] =	wrdreg s1  }
0x14: {  	s0 =	sadd.s32 $0x79C00, s0;
	s13 =	sadd.s32 $0x80, s8;
	[dreg:$0xd] =	wrdreg s20  }
0x15: {  	s8 =	sadd.s32 $0x200, s8;
	s14 =	sshll.u32 s26, $0x3;
	s16 =	sshll.u32 s15, $0x6  }
0x16: {  	s18 =	sadd.s32 s10, s2;
	s20 =	sadd.s32 s10, s3;
	s10 =	simm.s32 $0x180  }
0x17: {  	s15 =	simm.s32 $0x4;
	s19 =	sadd.s32 s7, s13;
	s22 =	sadd.s32 s0, s9  }
0x18: {  	s7 =	sadd.s32 s7, s8;
	s5 =	sadd.s32 s0, s5;
	s17 =	sadd.s32 $0x51C00, s12  }
0x19: {  	s24 =	sshll.u32 s8, $0x6;
	s28 =	sadd.s32 $0x2000, s20;
	s29 =	sadd.s32 $0x4000, s20  }
0x1a: {  	s30 =	sadd.s32 $0x6000, s20;
	s31 =	sadd.s32 $0x8000, s20;
	s8 =	simm.s32 $0x100  }
0x1b: {  	s9 =	simm.s32 $0x6800;
	s12 =	simm.s32 $0x1;
	[dreg:$0xe] =	wrdreg s22  }
0x1c: {  	s21 =	sshll.u32 s19, $0x3;
	[dreg:$0x10] =	wrdreg s5;
	s7 =	sshll.u32 s7, $0x3  }
0x1d: {  	s5 =	sadd.s32 s0, s14;
	[dreg:$0x13] =	wrdreg s17;
	s19 =	sor.u32 $0x1C05, s16  }
0x1e: {  	s22 =	sshll.u32 s13, $0x6;
	s13 =	simm.s32 $0x2;
	s14 =	simm.s32 $0x3  }
0x1f: {  	s16 =	simm.s32 $0x2600;
	s1 =	sadd.s32 s0, s21;
	[dreg:$0x11] =	wrdreg s5  }
0x20: {  	s17 =	simm.s32 $0x2680;
	s0 =	sadd.s32 s0, s7;
	[dreg:$0xf] =	wrdreg s1  }
0x21: {  	s21 =	smax.u32 s6, $0x1;
	s5 =	sadd.s32 s22, s3;
	[dreg:$0x12] =	wrdreg s0  }
0x22: {  	s7 =	sadd.s32 s24, s3;
	[dreg:$0x14] =	wrdreg s21;
	s1 =	sshll.u32 s23, $0x6  }
0x23: {  	s23 =	sshll.u32 s25, $0x6;
	s0 =	sshrl.u32 s18, $0x3;
	s25 =	sshrl.u32 s5, $0x3  }
0x24: {  	s5 =	simm.s32 $0x1400;
	s18 =	simm.s32 $0x2700;
	s21 =	simm.s32 $0x2780  }
0x25: {  	s1 =	sadd.s32 s1, s3;
	s6 =	sadd.s32 s23, s3;
	[dreg:$0x15] =	wrdreg s0  }
0x26: {  	[dreg:$0x16] =	wrdreg s25;
	s0 =	simm.s32 $0x5;
	s26 =	sshrl.u32 s1, $0x3  }
0x27: {  	s25 =	sshrl.u32 s6, $0x3;
	s1 =	simm.s32 $0x2800;
	s6 =	simm.s32 $0x80  }
0x28: {  	v0 =	vimm.f32 $0.0e+00;
	[dreg:$0x17] =	wrdreg s26;
	s26 =	sshrl.u32 s7, $0x3;
	s7 =	simm.s32 $0x4800  }
.LBB2_1:
0x29: {  	s22 =	rddreg [dreg:$0x13]  }
0x2a: {  	s23 =	rddreg [dreg:$0x15]  }
0x2b: {  	[spmem:s23], [sflag:s19] =	dma.local [hbm:s22], $0x1400  }
0x2c: {  	_ =	swait.ge [sflag:s0], $0x1400  }
0x2d: {  	[sflag:s0] =	ssyncset.done $0x0  }
0x2e: {  	s23 =	simm.s32 $0x100;
	s22 =	simm.s32 $0x0;
	[sflag:s0] =	ssyncadd.s32 $0xFFFFEC00  }
.LBB2_2:
0x2f: {  	p0 =	sne.s32 s23, $0x7F00;
	[tilespmem:s22+$0x2830] =	vst v0;
	s24 =	smov.u32 s23;
	s23 =	sadd.s32 $0x100, s23  }
.Ltmp0:
0x30: {  	[tilespmem:s22+$0x2820] =	vst v0;
	(pc) =	sbr.rel @p0 .LBB2_2-.Ltmp0, $3  }
0x31: {  	[tilespmem:s22+$0x2800] =	vst v0  }
0x32: {  	[tilespmem:s22+$0x2810] =	vst v0;
	_ =	sdelay $0x1  }
0x33: {  	s22 =	sshra.s32 s24, $0x2  }
0x34: {  	[tilespmem:s22+$0x2830] =	vst v0  }
0x35: {  	[tilespmem:s22+$0x2820] =	vst v0  }
0x36: {  	[tilespmem:s22+$0x2800] =	vst v0  }
0x37: {  	[tilespmem:s22+$0x2810] =	vst v0  }
0x38: {  	[spmem:s20] =	stream.linear.scatter [tilespmem:s1], [sflag:$0x5], $0x2000, $0x38;
	[tilespmem:$0x1E800] =	vst v63  }
0x39: {  	_ =	swait.ge [sflag:s0], $0x2000  }
0x3a: {  	[sflag:s0] =	ssyncset.done $0x0  }
0x3b: {  	[sflag:s0] =	ssyncadd.s32 $0xFFFFE000  }
0x3c: {  	[spmem:s28] =	stream.linear.scatter [tilespmem:s1], [sflag:$0x5], $0x2000, $0x38;
	[tilespmem:$0x1E800] =	vst v63  }
0x3d: {  	_ =	swait.ge [sflag:s0], $0x2000  }
0x3e: {  	[sflag:s0] =	ssyncset.done $0x0  }
0x3f: {  	[sflag:s0] =	ssyncadd.s32 $0xFFFFE000  }
0x40: {  	[spmem:s29] =	stream.linear.scatter [tilespmem:s1], [sflag:$0x5], $0x2000, $0x38;
	[tilespmem:$0x1E800] =	vst v63  }
0x41: {  	_ =	swait.ge [sflag:s0], $0x2000  }
0x42: {  	[sflag:s0] =	ssyncset.done $0x0  }
0x43: {  	[sflag:s0] =	ssyncadd.s32 $0xFFFFE000  }
0x44: {  	[spmem:s30] =	stream.linear.scatter [tilespmem:s1], [sflag:$0x5], $0x2000, $0x38;
	[tilespmem:$0x1E800] =	vst v63  }
0x45: {  	_ =	swait.ge [sflag:s0], $0x2000  }
0x46: {  	[sflag:s0] =	ssyncset.done $0x0  }
0x47: {  	[sflag:s0] =	ssyncadd.s32 $0xFFFFE000  }
0x48: {  	[spmem:s31] =	stream.linear.scatter [tilespmem:s1], [sflag:$0x5], $0x2000, $0x38;
	[tilespmem:$0x1E800] =	vst v63  }
0x49: {  	_ =	swait.ge [sflag:s0], $0x2000  }
0x4a: {  	[sflag:s0] =	ssyncset.done $0x0  }
0x4b: {  	[sflag:s0] =	ssyncadd.s32 $0xFFFFE000  }
0x4c: {  	[bflag:$0x0] =	sbarrier.arrive $0xFFFF  }
0x4d: {  	s22 =	simm.s32 $0x0;
	s23 =	rddreg [dreg:$0x6]  }
0x4e: {  	[tilespmem:s22], [sflag:$0x5] =	stream.linear.gather [hbm4b:s23+s22], $0x1400, $0x38;
	[tilespmem:$0x1E800] =	vst v63  }
0x4f: {  	_ =	swait.ge [sflag:s0], $0x1400  }
0x50: {  	[sflag:s0] =	ssyncset.done $0x0  }
0x51: {  	s24 =	rddreg [dreg:$0x7];
	[sflag:s0] =	ssyncadd.s32 $0xFFFFEC00  }
0x52: {  	[tilespmem:s5], [sflag:$0x5] =	stream.linear.gather [hbm4b:s24+s22], $0x1400, $0x38;
	[tilespmem:$0x1E800] =	vst v63  }
0x53: {  	_ =	swait.ge [sflag:s0], $0x1400  }
0x54: {  	[sflag:s0] =	ssyncset.done $0x0  }
0x55: {  	[sflag:s0] =	ssyncadd.s32 $0xFFFFEC00  }
0x56: {  	[tilespmem:s1], [sflag:$0x1] =	stream.indirect.gather [spmem:s2], $0x40, s22, s6, $0xb8;
	[tilespmem:$0x1E800] =	vst v63  }
0x57: {  	_ = 	snop  }
0x58: {  	[tilespmem:s7], [sflag:$0x2] =	stream.indirect.gather [spmem:s2], $0x40, s6, s6, $0xb8;
	[tilespmem:$0x1E800] =	vst v63  }
0x59: {  	_ = 	snop  }
0x5a: {  	[tilespmem:s9], [sflag:$0x3] =	stream.indirect.gather [spmem:s2], $0x40, s8, s6, $0xb8;
	[tilespmem:$0x1E800] =	vst v63  }
0x5b: {  	_ = 	snop  }
0x5c: {  	[tilespmem:s11], [sflag:$0x4] =	stream.indirect.gather [spmem:s2], $0x40, s10, s6, $0xb8;
	[tilespmem:$0x1E800] =	vst v63  }
0x5d: {  	_ =	swait.ge [sflag:s12], $0x2000  }
0x5e: {  	[sflag:s12] =	ssyncset.done $0x0  }
0x5f: {  	s24 =	simm.s32 $0x1400;
	[sflag:s12] =	ssyncadd.s32 $0xFFFFE000  }
0x60: {  	[spmem:s3] =	stream.indirect.scatter.add.f32 [tilespmem:s1], [sflag:$0x5], $0x40, s24, s6, $0xb8;
	[tilespmem:$0x1E800] =	vst v63  }
0x61: {  	_ =	swait.ge [sflag:s0], $0x2000  }
0x62: {  	[sflag:s0] =	ssyncset.done $0x0  }
0x63: {  	s23 =	simm.s32 $0x200;
	[sflag:s0] =	ssyncadd.s32 $0xFFFFE000  }
0x64: {  	[tilespmem:s1], [sflag:$0x1] =	stream.indirect.gather [spmem:s2], $0x40, s23, s6, $0xb8;
	[tilespmem:$0x1E800] =	vst v63  }
0x65: {  	_ =	swait.ge [sflag:s13], $0x2000  }
0x66: {  	[sflag:s13] =	ssyncset.done $0x0  }
0x67: {  	s24 =	simm.s32 $0x1480;
	[sflag:s13] =	ssyncadd.s32 $0xFFFFE000  }
0x68: {  	[spmem:s3] =	stream.indirect.scatter.add.f32 [tilespmem:s7], [sflag:$0x5], $0x40, s24, s6, $0xb8;
	[tilespmem:$0x1E800] =	vst v63  }
0x69: {  	_ =	swait.ge [sflag:s0], $0x2000  }
0x6a: {  	[sflag:s0] =	ssyncset.done $0x0  }
0x6b: {  	s23 =	simm.s32 $0x280;
	[sflag:s0] =	ssyncadd.s32 $0xFFFFE000  }
0x6c: {  	[tilespmem:s7], [sflag:$0x2] =	stream.indirect.gather [spmem:s2], $0x40, s23, s6, $0xb8;
	[tilespmem:$0x1E800] =	vst v63  }
0x6d: {  	_ =	swait.ge [sflag:s14], $0x2000  }
0x6e: {  	[sflag:s14] =	ssyncset.done $0x0  }
0x6f: {  	s24 =	simm.s32 $0x1500;
	[sflag:s14] =	ssyncadd.s32 $0xFFFFE000  }
0x70: {  	[spmem:s3] =	stream.indirect.scatter.add.f32 [tilespmem:s9], [sflag:$0x5], $0x40, s24, s6, $0xb8;
	[tilespmem:$0x1E800] =	vst v63  }
0x71: {  	_ =	swait.ge [sflag:s0], $0x2000  }
0x72: {  	[sflag:s0] =	ssyncset.done $0x0  }
0x73: {  	s23 =	simm.s32 $0x300;
	[sflag:s0] =	ssyncadd.s32 $0xFFFFE000  }
0x74: {  	[tilespmem:s9], [sflag:$0x3] =	stream.indirect.gather [spmem:s2], $0x40, s23, s6, $0xb8;
	[tilespmem:$0x1E800] =	vst v63  }
0x75: {  	_ =	swait.ge [sflag:s15], $0x2000  }
0x76: {  	[sflag:s15] =	ssyncset.done $0x0  }
0x77: {  	s24 =	simm.s32 $0x1580;
	[sflag:s15] =	ssyncadd.s32 $0xFFFFE000  }
0x78: {  	[spmem:s3] =	stream.indirect.scatter.add.f32 [tilespmem:s11], [sflag:$0x5], $0x40, s24, s6, $0xb8;
	[tilespmem:$0x1E800] =	vst v63  }
0x79: {  	_ =	swait.ge [sflag:s0], $0x2000  }
0x7a: {  	[sflag:s0] =	ssyncset.done $0x0  }
0x7b: {  	s22 =	simm.s32 $0x800;
	s23 =	simm.s32 $0x380;
	[sflag:s0] =	ssyncadd.s32 $0xFFFFE000  }
.LBB2_4:
0x7c: {  	[tilespmem:s11], [sflag:$0x4] =	stream.indirect.gather [spmem:s2], $0x40, s23, s6, $0xb8;
	[tilespmem:$0x1E800] =	vst v63  }
0x7d: {  	s23 =	smov.u32 s22  }
0x7e: {  	p0 =	sne.s32 s22, $0x4000;
	s22 =	sadd.s32 $0x800, s22;
	_ =	swait.ge [sflag:s12], $0x2000  }
0x7f: {  	s23 =	sshra.s32 s23, $0x2;
	[sflag:s12] =	ssyncset.done $0x0  }
0x80: {  	s24 =	sadd.s32 $0x1400, s23;
	[sflag:s12] =	ssyncadd.s32 $0xFFFFE000  }
0x81: {  	[spmem:s3] =	stream.indirect.scatter.add.f32 [tilespmem:s1], [sflag:$0x5], $0x40, s24, s6, $0xb8;
	[tilespmem:$0x1E800] =	vst v63  }
0x82: {  	_ =	swait.ge [sflag:s0], $0x2000  }
0x83: {  	[sflag:s0] =	ssyncset.done $0x0  }
0x84: {  	s24 =	sadd.s32 $0x200, s23;
	[sflag:s0] =	ssyncadd.s32 $0xFFFFE000  }
0x85: {  	[tilespmem:s1], [sflag:$0x1] =	stream.indirect.gather [spmem:s2], $0x40, s24, s6, $0xb8;
	[tilespmem:$0x1E800] =	vst v63  }
0x86: {  	_ =	swait.ge [sflag:s13], $0x2000  }
0x87: {  	[sflag:s13] =	ssyncset.done $0x0  }
0x88: {  	s24 =	sadd.s32 $0x1480, s23;
	[sflag:s13] =	ssyncadd.s32 $0xFFFFE000  }
0x89: {  	[spmem:s3] =	stream.indirect.scatter.add.f32 [tilespmem:s7], [sflag:$0x5], $0x40, s24, s6, $0xb8;
	[tilespmem:$0x1E800] =	vst v63  }
0x8a: {  	_ =	swait.ge [sflag:s0], $0x2000  }
0x8b: {  	[sflag:s0] =	ssyncset.done $0x0  }
0x8c: {  	s24 =	sadd.s32 $0x280, s23;
	[sflag:s0] =	ssyncadd.s32 $0xFFFFE000  }
0x8d: {  	[tilespmem:s7], [sflag:$0x2] =	stream.indirect.gather [spmem:s2], $0x40, s24, s6, $0xb8;
	[tilespmem:$0x1E800] =	vst v63  }
0x8e: {  	_ =	swait.ge [sflag:s14], $0x2000  }
0x8f: {  	[sflag:s14] =	ssyncset.done $0x0  }
0x90: {  	s24 =	sadd.s32 $0x1500, s23;
	[sflag:s14] =	ssyncadd.s32 $0xFFFFE000  }
0x91: {  	[spmem:s3] =	stream.indirect.scatter.add.f32 [tilespmem:s9], [sflag:$0x5], $0x40, s24, s6, $0xb8;
	[tilespmem:$0x1E800] =	vst v63  }
0x92: {  	_ =	swait.ge [sflag:s0], $0x2000  }
0x93: {  	[sflag:s0] =	ssyncset.done $0x0  }
0x94: {  	s24 =	sadd.s32 $0x300, s23;
	[sflag:s0] =	ssyncadd.s32 $0xFFFFE000  }
0x95: {  	[tilespmem:s9], [sflag:$0x3] =	stream.indirect.gather [spmem:s2], $0x40, s24, s6, $0xb8;
	[tilespmem:$0x1E800] =	vst v63  }
0x96: {  	_ =	swait.ge [sflag:s15], $0x2000  }
0x97: {  	[sflag:s15] =	ssyncset.done $0x0  }
.Ltmp1:
0x98: {  	s24 =	sadd.s32 $0x1580, s23;
	[sflag:s15] =	ssyncadd.s32 $0xFFFFE000;
	(pc) =	sbr.rel @p0 .LBB2_4-.Ltmp1, $4  }
0x99: {  	[spmem:s3] =	stream.indirect.scatter.add.f32 [tilespmem:s11], [sflag:$0x5], $0x40, s24, s6, $0xb8;
	[tilespmem:$0x1E800] =	vst v63  }
0x9a: {  	_ =	swait.ge [sflag:s0], $0x2000  }
0x9b: {  	[sflag:s0] =	ssyncset.done $0x0  }
0x9c: {  	s23 =	sadd.s32 $0x380, s23;
	[sflag:s0] =	ssyncadd.s32 $0xFFFFE000  }
0x9d: {  	[tilespmem:s11], [sflag:$0x4] =	stream.indirect.gather [spmem:s2], $0x40, s23, s6, $0xb8;
	[tilespmem:$0x1E800] =	vst v63  }
0x9e: {  	_ =	swait.ge [sflag:s12], $0x2000  }
0x9f: {  	[sflag:s12] =	ssyncset.done $0x0  }
0xa0: {  	[sflag:s12] =	ssyncadd.s32 $0xFFFFE000  }
0xa1: {  	[spmem:s3] =	stream.indirect.scatter.add.f32 [tilespmem:s1], [sflag:$0x5], $0x40, s16, s6, $0xb8;
	[tilespmem:$0x1E800] =	vst v63  }
0xa2: {  	_ =	swait.ge [sflag:s0], $0x2000  }
0xa3: {  	[sflag:s0] =	ssyncset.done $0x0  }
0xa4: {  	[sflag:s0] =	ssyncadd.s32 $0xFFFFE000  }
0xa5: {  	_ =	swait.ge [sflag:s13], $0x2000  }
0xa6: {  	[sflag:s13] =	ssyncset.done $0x0  }
0xa7: {  	[sflag:s13] =	ssyncadd.s32 $0xFFFFE000  }
0xa8: {  	[spmem:s3] =	stream.indirect.scatter.add.f32 [tilespmem:s7], [sflag:$0x5], $0x40, s17, s6, $0xb8;
	[tilespmem:$0x1E800] =	vst v63  }
0xa9: {  	_ =	swait.ge [sflag:s0], $0x2000  }
0xaa: {  	[sflag:s0] =	ssyncset.done $0x0  }
0xab: {  	[sflag:s0] =	ssyncadd.s32 $0xFFFFE000  }
0xac: {  	_ =	swait.ge [sflag:s14], $0x2000  }
0xad: {  	[sflag:s14] =	ssyncset.done $0x0  }
0xae: {  	[sflag:s14] =	ssyncadd.s32 $0xFFFFE000  }
0xaf: {  	[spmem:s3] =	stream.indirect.scatter.add.f32 [tilespmem:s9], [sflag:$0x5], $0x40, s18, s6, $0xb8;
	[tilespmem:$0x1E800] =	vst v63  }
0xb0: {  	_ =	swait.ge [sflag:s0], $0x2000  }
0xb1: {  	[sflag:s0] =	ssyncset.done $0x0  }
0xb2: {  	[sflag:s0] =	ssyncadd.s32 $0xFFFFE000  }
0xb3: {  	_ =	swait.ge [sflag:s15], $0x2000  }
0xb4: {  	[sflag:s15] =	ssyncset.done $0x0  }
0xb5: {  	[sflag:s15] =	ssyncadd.s32 $0xFFFFE000  }
0xb6: {  	[spmem:s3] =	stream.indirect.scatter.add.f32 [tilespmem:s11], [sflag:$0x5], $0x40, s21, s6, $0xb8;
	[tilespmem:$0x1E800] =	vst v63  }
0xb7: {  	_ =	swait.ge [sflag:s0], $0x2000  }
0xb8: {  	[sflag:s0] =	ssyncset.done $0x0  }
0xb9: {  	s22 =	simm.s32 $0x0;
	s24 =	rddreg [dreg:$0x8];
	[sflag:s0] =	ssyncadd.s32 $0xFFFFE000  }
0xba: {  	[tilespmem:s22], [sflag:$0x5] =	stream.linear.gather [hbm4b:s24+s22], $0x1400, $0x38;
	[tilespmem:$0x1E800] =	vst v63  }
0xbb: {  	_ =	swait.ge [sflag:s0], $0x1400  }
0xbc: {  	[sflag:s0] =	ssyncset.done $0x0  }
0xbd: {  	s24 =	rddreg [dreg:$0x9];
	[sflag:s0] =	ssyncadd.s32 $0xFFFFEC00  }
0xbe: {  	[tilespmem:s5], [sflag:$0x5] =	stream.linear.gather [hbm4b:s24+s22], $0x1400, $0x38;
	[tilespmem:$0x1E800] =	vst v63  }
0xbf: {  	_ =	swait.ge [sflag:s0], $0x1400  }
0xc0: {  	[sflag:s0] =	ssyncset.done $0x0  }
0xc1: {  	[sflag:s0] =	ssyncadd.s32 $0xFFFFEC00  }
0xc2: {  	[tilespmem:s1], [sflag:$0x1] =	stream.indirect.gather [spmem:s2], $0x40, s22, s6, $0xb8;
	[tilespmem:$0x1E800] =	vst v63  }
0xc3: {  	_ = 	snop  }
0xc4: {  	[tilespmem:s7], [sflag:$0x2] =	stream.indirect.gather [spmem:s2], $0x40, s6, s6, $0xb8;
	[tilespmem:$0x1E800] =	vst v63  }
0xc5: {  	_ = 	snop  }
0xc6: {  	[tilespmem:s9], [sflag:$0x3] =	stream.indirect.gather [spmem:s2], $0x40, s8, s6, $0xb8;
	[tilespmem:$0x1E800] =	vst v63  }
0xc7: {  	_ = 	snop  }
0xc8: {  	[tilespmem:s11], [sflag:$0x4] =	stream.indirect.gather [spmem:s2], $0x40, s10, s6, $0xb8;
	[tilespmem:$0x1E800] =	vst v63  }
0xc9: {  	_ =	swait.ge [sflag:s12], $0x2000  }
0xca: {  	[sflag:s12] =	ssyncset.done $0x0  }
0xcb: {  	s24 =	simm.s32 $0x1400;
	[sflag:s12] =	ssyncadd.s32 $0xFFFFE000  }
0xcc: {  	[spmem:s3] =	stream.indirect.scatter.add.f32 [tilespmem:s1], [sflag:$0x5], $0x40, s24, s6, $0xb8;
	[tilespmem:$0x1E800] =	vst v63  }
0xcd: {  	_ =	swait.ge [sflag:s0], $0x2000  }
0xce: {  	[sflag:s0] =	ssyncset.done $0x0  }
0xcf: {  	s23 =	simm.s32 $0x200;
	[sflag:s0] =	ssyncadd.s32 $0xFFFFE000  }
0xd0: {  	[tilespmem:s1], [sflag:$0x1] =	stream.indirect.gather [spmem:s2], $0x40, s23, s6, $0xb8;
	[tilespmem:$0x1E800] =	vst v63  }
0xd1: {  	_ =	swait.ge [sflag:s13], $0x2000  }
0xd2: {  	[sflag:s13] =	ssyncset.done $0x0  }
0xd3: {  	s24 =	simm.s32 $0x1480;
	[sflag:s13] =	ssyncadd.s32 $0xFFFFE000  }
0xd4: {  	[spmem:s3] =	stream.indirect.scatter.add.f32 [tilespmem:s7], [sflag:$0x5], $0x40, s24, s6, $0xb8;
	[tilespmem:$0x1E800] =	vst v63  }
0xd5: {  	_ =	swait.ge [sflag:s0], $0x2000  }
0xd6: {  	[sflag:s0] =	ssyncset.done $0x0  }
0xd7: {  	s23 =	simm.s32 $0x280;
	[sflag:s0] =	ssyncadd.s32 $0xFFFFE000  }
0xd8: {  	[tilespmem:s7], [sflag:$0x2] =	stream.indirect.gather [spmem:s2], $0x40, s23, s6, $0xb8;
	[tilespmem:$0x1E800] =	vst v63  }
0xd9: {  	_ =	swait.ge [sflag:s14], $0x2000  }
0xda: {  	[sflag:s14] =	ssyncset.done $0x0  }
0xdb: {  	s24 =	simm.s32 $0x1500;
	[sflag:s14] =	ssyncadd.s32 $0xFFFFE000  }
0xdc: {  	[spmem:s3] =	stream.indirect.scatter.add.f32 [tilespmem:s9], [sflag:$0x5], $0x40, s24, s6, $0xb8;
	[tilespmem:$0x1E800] =	vst v63  }
0xdd: {  	_ =	swait.ge [sflag:s0], $0x2000  }
0xde: {  	[sflag:s0] =	ssyncset.done $0x0  }
0xdf: {  	s23 =	simm.s32 $0x300;
	[sflag:s0] =	ssyncadd.s32 $0xFFFFE000  }
0xe0: {  	[tilespmem:s9], [sflag:$0x3] =	stream.indirect.gather [spmem:s2], $0x40, s23, s6, $0xb8;
	[tilespmem:$0x1E800] =	vst v63  }
0xe1: {  	_ =	swait.ge [sflag:s15], $0x2000  }
0xe2: {  	[sflag:s15] =	ssyncset.done $0x0  }
0xe3: {  	s24 =	simm.s32 $0x1580;
	[sflag:s15] =	ssyncadd.s32 $0xFFFFE000  }
0xe4: {  	[spmem:s3] =	stream.indirect.scatter.add.f32 [tilespmem:s11], [sflag:$0x5], $0x40, s24, s6, $0xb8;
	[tilespmem:$0x1E800] =	vst v63  }
0xe5: {  	_ =	swait.ge [sflag:s0], $0x2000  }
0xe6: {  	[sflag:s0] =	ssyncset.done $0x0  }
0xe7: {  	s22 =	simm.s32 $0x800;
	s23 =	simm.s32 $0x380;
	[sflag:s0] =	ssyncadd.s32 $0xFFFFE000  }
.LBB2_6:
0xe8: {  	[tilespmem:s11], [sflag:$0x4] =	stream.indirect.gather [spmem:s2], $0x40, s23, s6, $0xb8;
	[tilespmem:$0x1E800] =	vst v63  }
0xe9: {  	s23 =	smov.u32 s22  }
0xea: {  	p0 =	sne.s32 s22, $0x4000;
	s22 =	sadd.s32 $0x800, s22;
	_ =	swait.ge [sflag:s12], $0x2000  }
0xeb: {  	s23 =	sshra.s32 s23, $0x2;
	[sflag:s12] =	ssyncset.done $0x0  }
0xec: {  	s24 =	sadd.s32 $0x1400, s23;
	[sflag:s12] =	ssyncadd.s32 $0xFFFFE000  }
0xed: {  	[spmem:s3] =	stream.indirect.scatter.add.f32 [tilespmem:s1], [sflag:$0x5], $0x40, s24, s6, $0xb8;
	[tilespmem:$0x1E800] =	vst v63  }
0xee: {  	_ =	swait.ge [sflag:s0], $0x2000  }
0xef: {  	[sflag:s0] =	ssyncset.done $0x0  }
0xf0: {  	s24 =	sadd.s32 $0x200, s23;
	[sflag:s0] =	ssyncadd.s32 $0xFFFFE000  }
0xf1: {  	[tilespmem:s1], [sflag:$0x1] =	stream.indirect.gather [spmem:s2], $0x40, s24, s6, $0xb8;
	[tilespmem:$0x1E800] =	vst v63  }
0xf2: {  	_ =	swait.ge [sflag:s13], $0x2000  }
0xf3: {  	[sflag:s13] =	ssyncset.done $0x0  }
0xf4: {  	s24 =	sadd.s32 $0x1480, s23;
	[sflag:s13] =	ssyncadd.s32 $0xFFFFE000  }
0xf5: {  	[spmem:s3] =	stream.indirect.scatter.add.f32 [tilespmem:s7], [sflag:$0x5], $0x40, s24, s6, $0xb8;
	[tilespmem:$0x1E800] =	vst v63  }
0xf6: {  	_ =	swait.ge [sflag:s0], $0x2000  }
0xf7: {  	[sflag:s0] =	ssyncset.done $0x0  }
0xf8: {  	s24 =	sadd.s32 $0x280, s23;
	[sflag:s0] =	ssyncadd.s32 $0xFFFFE000  }
0xf9: {  	[tilespmem:s7], [sflag:$0x2] =	stream.indirect.gather [spmem:s2], $0x40, s24, s6, $0xb8;
	[tilespmem:$0x1E800] =	vst v63  }
0xfa: {  	_ =	swait.ge [sflag:s14], $0x2000  }
0xfb: {  	[sflag:s14] =	ssyncset.done $0x0  }
0xfc: {  	s24 =	sadd.s32 $0x1500, s23;
	[sflag:s14] =	ssyncadd.s32 $0xFFFFE000  }
0xfd: {  	[spmem:s3] =	stream.indirect.scatter.add.f32 [tilespmem:s9], [sflag:$0x5], $0x40, s24, s6, $0xb8;
	[tilespmem:$0x1E800] =	vst v63  }
0xfe: {  	_ =	swait.ge [sflag:s0], $0x2000  }
0xff: {  	[sflag:s0] =	ssyncset.done $0x0  }
0x100: {  	s24 =	sadd.s32 $0x300, s23;
	[sflag:s0] =	ssyncadd.s32 $0xFFFFE000  }
0x101: {  	[tilespmem:s9], [sflag:$0x3] =	stream.indirect.gather [spmem:s2], $0x40, s24, s6, $0xb8;
	[tilespmem:$0x1E800] =	vst v63  }
0x102: {  	_ =	swait.ge [sflag:s15], $0x2000  }
0x103: {  	[sflag:s15] =	ssyncset.done $0x0  }
.Ltmp2:
0x104: {  	s24 =	sadd.s32 $0x1580, s23;
	[sflag:s15] =	ssyncadd.s32 $0xFFFFE000;
	(pc) =	sbr.rel @p0 .LBB2_6-.Ltmp2, $4  }
0x105: {  	[spmem:s3] =	stream.indirect.scatter.add.f32 [tilespmem:s11], [sflag:$0x5], $0x40, s24, s6, $0xb8;
	[tilespmem:$0x1E800] =	vst v63  }
0x106: {  	_ =	swait.ge [sflag:s0], $0x2000  }
0x107: {  	[sflag:s0] =	ssyncset.done $0x0  }
0x108: {  	s23 =	sadd.s32 $0x380, s23;
	[sflag:s0] =	ssyncadd.s32 $0xFFFFE000  }
0x109: {  	[tilespmem:s11], [sflag:$0x4] =	stream.indirect.gather [spmem:s2], $0x40, s23, s6, $0xb8;
	[tilespmem:$0x1E800] =	vst v63  }
0x10a: {  	_ =	swait.ge [sflag:s12], $0x2000  }
0x10b: {  	[sflag:s12] =	ssyncset.done $0x0  }
0x10c: {  	[sflag:s12] =	ssyncadd.s32 $0xFFFFE000  }
0x10d: {  	[spmem:s3] =	stream.indirect.scatter.add.f32 [tilespmem:s1], [sflag:$0x5], $0x40, s16, s6, $0xb8;
	[tilespmem:$0x1E800] =	vst v63  }
0x10e: {  	_ =	swait.ge [sflag:s0], $0x2000  }
0x10f: {  	[sflag:s0] =	ssyncset.done $0x0  }
0x110: {  	[sflag:s0] =	ssyncadd.s32 $0xFFFFE000  }
0x111: {  	_ =	swait.ge [sflag:s13], $0x2000  }
0x112: {  	[sflag:s13] =	ssyncset.done $0x0  }
0x113: {  	[sflag:s13] =	ssyncadd.s32 $0xFFFFE000  }
0x114: {  	[spmem:s3] =	stream.indirect.scatter.add.f32 [tilespmem:s7], [sflag:$0x5], $0x40, s17, s6, $0xb8;
	[tilespmem:$0x1E800] =	vst v63  }
0x115: {  	_ =	swait.ge [sflag:s0], $0x2000  }
0x116: {  	[sflag:s0] =	ssyncset.done $0x0  }
0x117: {  	[sflag:s0] =	ssyncadd.s32 $0xFFFFE000  }
0x118: {  	_ =	swait.ge [sflag:s14], $0x2000  }
0x119: {  	[sflag:s14] =	ssyncset.done $0x0  }
0x11a: {  	[sflag:s14] =	ssyncadd.s32 $0xFFFFE000  }
0x11b: {  	[spmem:s3] =	stream.indirect.scatter.add.f32 [tilespmem:s9], [sflag:$0x5], $0x40, s18, s6, $0xb8;
	[tilespmem:$0x1E800] =	vst v63  }
0x11c: {  	_ =	swait.ge [sflag:s0], $0x2000  }
0x11d: {  	[sflag:s0] =	ssyncset.done $0x0  }
0x11e: {  	[sflag:s0] =	ssyncadd.s32 $0xFFFFE000  }
0x11f: {  	_ =	swait.ge [sflag:s15], $0x2000  }
0x120: {  	[sflag:s15] =	ssyncset.done $0x0  }
0x121: {  	[sflag:s15] =	ssyncadd.s32 $0xFFFFE000  }
0x122: {  	[spmem:s3] =	stream.indirect.scatter.add.f32 [tilespmem:s11], [sflag:$0x5], $0x40, s21, s6, $0xb8;
	[tilespmem:$0x1E800] =	vst v63  }
0x123: {  	_ =	swait.ge [sflag:s0], $0x2000  }
0x124: {  	[sflag:s0] =	ssyncset.done $0x0  }
0x125: {  	s22 =	simm.s32 $0x0;
	s24 =	rddreg [dreg:$0xa];
	[sflag:s0] =	ssyncadd.s32 $0xFFFFE000  }
0x126: {  	[tilespmem:s22], [sflag:$0x5] =	stream.linear.gather [hbm4b:s24+s22], $0x1400, $0x38;
	[tilespmem:$0x1E800] =	vst v63  }
0x127: {  	_ =	swait.ge [sflag:s0], $0x1400  }
0x128: {  	[sflag:s0] =	ssyncset.done $0x0  }
0x129: {  	s24 =	rddreg [dreg:$0xb];
	[sflag:s0] =	ssyncadd.s32 $0xFFFFEC00  }
0x12a: {  	[tilespmem:s5], [sflag:$0x5] =	stream.linear.gather [hbm4b:s24+s22], $0x1400, $0x38;
	[tilespmem:$0x1E800] =	vst v63  }
0x12b: {  	_ =	swait.ge [sflag:s0], $0x1400  }
0x12c: {  	[sflag:s0] =	ssyncset.done $0x0  }
0x12d: {  	[sflag:s0] =	ssyncadd.s32 $0xFFFFEC00  }
0x12e: {  	[tilespmem:s1], [sflag:$0x1] =	stream.indirect.gather [spmem:s2], $0x40, s22, s6, $0xb8;
	[tilespmem:$0x1E800] =	vst v63  }
0x12f: {  	_ = 	snop  }
0x130: {  	[tilespmem:s7], [sflag:$0x2] =	stream.indirect.gather [spmem:s2], $0x40, s6, s6, $0xb8;
	[tilespmem:$0x1E800] =	vst v63  }
0x131: {  	_ = 	snop  }
0x132: {  	[tilespmem:s9], [sflag:$0x3] =	stream.indirect.gather [spmem:s2], $0x40, s8, s6, $0xb8;
	[tilespmem:$0x1E800] =	vst v63  }
0x133: {  	_ = 	snop  }
0x134: {  	[tilespmem:s11], [sflag:$0x4] =	stream.indirect.gather [spmem:s2], $0x40, s10, s6, $0xb8;
	[tilespmem:$0x1E800] =	vst v63  }
0x135: {  	_ =	swait.ge [sflag:s12], $0x2000  }
0x136: {  	[sflag:s12] =	ssyncset.done $0x0  }
0x137: {  	s24 =	simm.s32 $0x1400;
	[sflag:s12] =	ssyncadd.s32 $0xFFFFE000  }
0x138: {  	[spmem:s3] =	stream.indirect.scatter.add.f32 [tilespmem:s1], [sflag:$0x5], $0x40, s24, s6, $0xb8;
	[tilespmem:$0x1E800] =	vst v63  }
0x139: {  	_ =	swait.ge [sflag:s0], $0x2000  }
0x13a: {  	[sflag:s0] =	ssyncset.done $0x0  }
0x13b: {  	s23 =	simm.s32 $0x200;
	[sflag:s0] =	ssyncadd.s32 $0xFFFFE000  }
0x13c: {  	[tilespmem:s1], [sflag:$0x1] =	stream.indirect.gather [spmem:s2], $0x40, s23, s6, $0xb8;
	[tilespmem:$0x1E800] =	vst v63  }
0x13d: {  	_ =	swait.ge [sflag:s13], $0x2000  }
0x13e: {  	[sflag:s13] =	ssyncset.done $0x0  }
0x13f: {  	s24 =	simm.s32 $0x1480;
	[sflag:s13] =	ssyncadd.s32 $0xFFFFE000  }
0x140: {  	[spmem:s3] =	stream.indirect.scatter.add.f32 [tilespmem:s7], [sflag:$0x5], $0x40, s24, s6, $0xb8;
	[tilespmem:$0x1E800] =	vst v63  }
0x141: {  	_ =	swait.ge [sflag:s0], $0x2000  }
0x142: {  	[sflag:s0] =	ssyncset.done $0x0  }
0x143: {  	s23 =	simm.s32 $0x280;
	[sflag:s0] =	ssyncadd.s32 $0xFFFFE000  }
0x144: {  	[tilespmem:s7], [sflag:$0x2] =	stream.indirect.gather [spmem:s2], $0x40, s23, s6, $0xb8;
	[tilespmem:$0x1E800] =	vst v63  }
0x145: {  	_ =	swait.ge [sflag:s14], $0x2000  }
0x146: {  	[sflag:s14] =	ssyncset.done $0x0  }
0x147: {  	s24 =	simm.s32 $0x1500;
	[sflag:s14] =	ssyncadd.s32 $0xFFFFE000  }
0x148: {  	[spmem:s3] =	stream.indirect.scatter.add.f32 [tilespmem:s9], [sflag:$0x5], $0x40, s24, s6, $0xb8;
	[tilespmem:$0x1E800] =	vst v63  }
0x149: {  	_ =	swait.ge [sflag:s0], $0x2000  }
0x14a: {  	[sflag:s0] =	ssyncset.done $0x0  }
0x14b: {  	s23 =	simm.s32 $0x300;
	[sflag:s0] =	ssyncadd.s32 $0xFFFFE000  }
0x14c: {  	[tilespmem:s9], [sflag:$0x3] =	stream.indirect.gather [spmem:s2], $0x40, s23, s6, $0xb8;
	[tilespmem:$0x1E800] =	vst v63  }
0x14d: {  	_ =	swait.ge [sflag:s15], $0x2000  }
0x14e: {  	[sflag:s15] =	ssyncset.done $0x0  }
0x14f: {  	s24 =	simm.s32 $0x1580;
	[sflag:s15] =	ssyncadd.s32 $0xFFFFE000  }
0x150: {  	[spmem:s3] =	stream.indirect.scatter.add.f32 [tilespmem:s11], [sflag:$0x5], $0x40, s24, s6, $0xb8;
	[tilespmem:$0x1E800] =	vst v63  }
0x151: {  	_ =	swait.ge [sflag:s0], $0x2000  }
0x152: {  	[sflag:s0] =	ssyncset.done $0x0  }
0x153: {  	s22 =	simm.s32 $0x800;
	s23 =	simm.s32 $0x380;
	[sflag:s0] =	ssyncadd.s32 $0xFFFFE000  }
.LBB2_8:
0x154: {  	[tilespmem:s11], [sflag:$0x4] =	stream.indirect.gather [spmem:s2], $0x40, s23, s6, $0xb8;
	[tilespmem:$0x1E800] =	vst v63  }
0x155: {  	s23 =	smov.u32 s22  }
0x156: {  	p0 =	sne.s32 s22, $0x4000;
	s22 =	sadd.s32 $0x800, s22;
	_ =	swait.ge [sflag:s12], $0x2000  }
0x157: {  	s23 =	sshra.s32 s23, $0x2;
	[sflag:s12] =	ssyncset.done $0x0  }
0x158: {  	s24 =	sadd.s32 $0x1400, s23;
	[sflag:s12] =	ssyncadd.s32 $0xFFFFE000  }
0x159: {  	[spmem:s3] =	stream.indirect.scatter.add.f32 [tilespmem:s1], [sflag:$0x5], $0x40, s24, s6, $0xb8;
	[tilespmem:$0x1E800] =	vst v63  }
0x15a: {  	_ =	swait.ge [sflag:s0], $0x2000  }
0x15b: {  	[sflag:s0] =	ssyncset.done $0x0  }
0x15c: {  	s24 =	sadd.s32 $0x200, s23;
	[sflag:s0] =	ssyncadd.s32 $0xFFFFE000  }
0x15d: {  	[tilespmem:s1], [sflag:$0x1] =	stream.indirect.gather [spmem:s2], $0x40, s24, s6, $0xb8;
	[tilespmem:$0x1E800] =	vst v63  }
0x15e: {  	_ =	swait.ge [sflag:s13], $0x2000  }
0x15f: {  	[sflag:s13] =	ssyncset.done $0x0  }
0x160: {  	s24 =	sadd.s32 $0x1480, s23;
	[sflag:s13] =	ssyncadd.s32 $0xFFFFE000  }
0x161: {  	[spmem:s3] =	stream.indirect.scatter.add.f32 [tilespmem:s7], [sflag:$0x5], $0x40, s24, s6, $0xb8;
	[tilespmem:$0x1E800] =	vst v63  }
0x162: {  	_ =	swait.ge [sflag:s0], $0x2000  }
0x163: {  	[sflag:s0] =	ssyncset.done $0x0  }
0x164: {  	s24 =	sadd.s32 $0x280, s23;
	[sflag:s0] =	ssyncadd.s32 $0xFFFFE000  }
0x165: {  	[tilespmem:s7], [sflag:$0x2] =	stream.indirect.gather [spmem:s2], $0x40, s24, s6, $0xb8;
	[tilespmem:$0x1E800] =	vst v63  }
0x166: {  	_ =	swait.ge [sflag:s14], $0x2000  }
0x167: {  	[sflag:s14] =	ssyncset.done $0x0  }
0x168: {  	s24 =	sadd.s32 $0x1500, s23;
	[sflag:s14] =	ssyncadd.s32 $0xFFFFE000  }
0x169: {  	[spmem:s3] =	stream.indirect.scatter.add.f32 [tilespmem:s9], [sflag:$0x5], $0x40, s24, s6, $0xb8;
	[tilespmem:$0x1E800] =	vst v63  }
0x16a: {  	_ =	swait.ge [sflag:s0], $0x2000  }
0x16b: {  	[sflag:s0] =	ssyncset.done $0x0  }
0x16c: {  	s24 =	sadd.s32 $0x300, s23;
	[sflag:s0] =	ssyncadd.s32 $0xFFFFE000  }
0x16d: {  	[tilespmem:s9], [sflag:$0x3] =	stream.indirect.gather [spmem:s2], $0x40, s24, s6, $0xb8;
	[tilespmem:$0x1E800] =	vst v63  }
0x16e: {  	_ =	swait.ge [sflag:s15], $0x2000  }
0x16f: {  	[sflag:s15] =	ssyncset.done $0x0  }
.Ltmp3:
0x170: {  	s24 =	sadd.s32 $0x1580, s23;
	[sflag:s15] =	ssyncadd.s32 $0xFFFFE000;
	(pc) =	sbr.rel @p0 .LBB2_8-.Ltmp3, $4  }
0x171: {  	[spmem:s3] =	stream.indirect.scatter.add.f32 [tilespmem:s11], [sflag:$0x5], $0x40, s24, s6, $0xb8;
	[tilespmem:$0x1E800] =	vst v63  }
0x172: {  	_ =	swait.ge [sflag:s0], $0x2000  }
0x173: {  	[sflag:s0] =	ssyncset.done $0x0  }
0x174: {  	s23 =	sadd.s32 $0x380, s23;
	[sflag:s0] =	ssyncadd.s32 $0xFFFFE000  }
0x175: {  	[tilespmem:s11], [sflag:$0x4] =	stream.indirect.gather [spmem:s2], $0x40, s23, s6, $0xb8;
	[tilespmem:$0x1E800] =	vst v63  }
0x176: {  	_ =	swait.ge [sflag:s12], $0x2000  }
0x177: {  	[sflag:s12] =	ssyncset.done $0x0  }
0x178: {  	[sflag:s12] =	ssyncadd.s32 $0xFFFFE000  }
0x179: {  	[spmem:s3] =	stream.indirect.scatter.add.f32 [tilespmem:s1], [sflag:$0x5], $0x40, s16, s6, $0xb8;
	[tilespmem:$0x1E800] =	vst v63  }
0x17a: {  	_ =	swait.ge [sflag:s0], $0x2000  }
0x17b: {  	[sflag:s0] =	ssyncset.done $0x0  }
0x17c: {  	[sflag:s0] =	ssyncadd.s32 $0xFFFFE000  }
0x17d: {  	_ =	swait.ge [sflag:s13], $0x2000  }
0x17e: {  	[sflag:s13] =	ssyncset.done $0x0  }
0x17f: {  	[sflag:s13] =	ssyncadd.s32 $0xFFFFE000  }
0x180: {  	[spmem:s3] =	stream.indirect.scatter.add.f32 [tilespmem:s7], [sflag:$0x5], $0x40, s17, s6, $0xb8;
	[tilespmem:$0x1E800] =	vst v63  }
0x181: {  	_ =	swait.ge [sflag:s0], $0x2000  }
0x182: {  	[sflag:s0] =	ssyncset.done $0x0  }
0x183: {  	[sflag:s0] =	ssyncadd.s32 $0xFFFFE000  }
0x184: {  	_ =	swait.ge [sflag:s14], $0x2000  }
0x185: {  	[sflag:s14] =	ssyncset.done $0x0  }
0x186: {  	[sflag:s14] =	ssyncadd.s32 $0xFFFFE000  }
0x187: {  	[spmem:s3] =	stream.indirect.scatter.add.f32 [tilespmem:s9], [sflag:$0x5], $0x40, s18, s6, $0xb8;
	[tilespmem:$0x1E800] =	vst v63  }
0x188: {  	_ =	swait.ge [sflag:s0], $0x2000  }
0x189: {  	[sflag:s0] =	ssyncset.done $0x0  }
0x18a: {  	[sflag:s0] =	ssyncadd.s32 $0xFFFFE000  }
0x18b: {  	_ =	swait.ge [sflag:s15], $0x2000  }
0x18c: {  	[sflag:s15] =	ssyncset.done $0x0  }
0x18d: {  	[sflag:s15] =	ssyncadd.s32 $0xFFFFE000  }
0x18e: {  	[spmem:s3] =	stream.indirect.scatter.add.f32 [tilespmem:s11], [sflag:$0x5], $0x40, s21, s6, $0xb8;
	[tilespmem:$0x1E800] =	vst v63  }
0x18f: {  	_ =	swait.ge [sflag:s0], $0x2000  }
0x190: {  	[sflag:s0] =	ssyncset.done $0x0  }
0x191: {  	s22 =	simm.s32 $0x0;
	s24 =	rddreg [dreg:$0xc];
	[sflag:s0] =	ssyncadd.s32 $0xFFFFE000  }
0x192: {  	[tilespmem:s22], [sflag:$0x5] =	stream.linear.gather [hbm4b:s24+s22], $0x1400, $0x38;
	[tilespmem:$0x1E800] =	vst v63  }
0x193: {  	_ =	swait.ge [sflag:s0], $0x1400  }
0x194: {  	[sflag:s0] =	ssyncset.done $0x0  }
0x195: {  	s24 =	rddreg [dreg:$0xd];
	[sflag:s0] =	ssyncadd.s32 $0xFFFFEC00  }
0x196: {  	[tilespmem:s5], [sflag:$0x5] =	stream.linear.gather [hbm4b:s24+s22], $0x1400, $0x38;
	[tilespmem:$0x1E800] =	vst v63  }
0x197: {  	_ =	swait.ge [sflag:s0], $0x1400  }
0x198: {  	[sflag:s0] =	ssyncset.done $0x0  }
0x199: {  	[sflag:s0] =	ssyncadd.s32 $0xFFFFEC00  }
0x19a: {  	[tilespmem:s1], [sflag:$0x1] =	stream.indirect.gather [spmem:s2], $0x40, s22, s6, $0xb8;
	[tilespmem:$0x1E800] =	vst v63  }
0x19b: {  	_ = 	snop  }
0x19c: {  	[tilespmem:s7], [sflag:$0x2] =	stream.indirect.gather [spmem:s2], $0x40, s6, s6, $0xb8;
	[tilespmem:$0x1E800] =	vst v63  }
0x19d: {  	_ = 	snop  }
0x19e: {  	[tilespmem:s9], [sflag:$0x3] =	stream.indirect.gather [spmem:s2], $0x40, s8, s6, $0xb8;
	[tilespmem:$0x1E800] =	vst v63  }
0x19f: {  	_ = 	snop  }
0x1a0: {  	[tilespmem:s11], [sflag:$0x4] =	stream.indirect.gather [spmem:s2], $0x40, s10, s6, $0xb8;
	[tilespmem:$0x1E800] =	vst v63  }
0x1a1: {  	_ =	swait.ge [sflag:s12], $0x2000  }
0x1a2: {  	[sflag:s12] =	ssyncset.done $0x0  }
0x1a3: {  	s24 =	simm.s32 $0x1400;
	[sflag:s12] =	ssyncadd.s32 $0xFFFFE000  }
0x1a4: {  	[spmem:s3] =	stream.indirect.scatter.add.f32 [tilespmem:s1], [sflag:$0x5], $0x40, s24, s6, $0xb8;
	[tilespmem:$0x1E800] =	vst v63  }
0x1a5: {  	_ =	swait.ge [sflag:s0], $0x2000  }
0x1a6: {  	[sflag:s0] =	ssyncset.done $0x0  }
0x1a7: {  	s23 =	simm.s32 $0x200;
	[sflag:s0] =	ssyncadd.s32 $0xFFFFE000  }
0x1a8: {  	[tilespmem:s1], [sflag:$0x1] =	stream.indirect.gather [spmem:s2], $0x40, s23, s6, $0xb8;
	[tilespmem:$0x1E800] =	vst v63  }
0x1a9: {  	_ =	swait.ge [sflag:s13], $0x2000  }
0x1aa: {  	[sflag:s13] =	ssyncset.done $0x0  }
0x1ab: {  	s24 =	simm.s32 $0x1480;
	[sflag:s13] =	ssyncadd.s32 $0xFFFFE000  }
0x1ac: {  	[spmem:s3] =	stream.indirect.scatter.add.f32 [tilespmem:s7], [sflag:$0x5], $0x40, s24, s6, $0xb8;
	[tilespmem:$0x1E800] =	vst v63  }
0x1ad: {  	_ =	swait.ge [sflag:s0], $0x2000  }
0x1ae: {  	[sflag:s0] =	ssyncset.done $0x0  }
0x1af: {  	s23 =	simm.s32 $0x280;
	[sflag:s0] =	ssyncadd.s32 $0xFFFFE000  }
0x1b0: {  	[tilespmem:s7], [sflag:$0x2] =	stream.indirect.gather [spmem:s2], $0x40, s23, s6, $0xb8;
	[tilespmem:$0x1E800] =	vst v63  }
0x1b1: {  	_ =	swait.ge [sflag:s14], $0x2000  }
0x1b2: {  	[sflag:s14] =	ssyncset.done $0x0  }
0x1b3: {  	s24 =	simm.s32 $0x1500;
	[sflag:s14] =	ssyncadd.s32 $0xFFFFE000  }
0x1b4: {  	[spmem:s3] =	stream.indirect.scatter.add.f32 [tilespmem:s9], [sflag:$0x5], $0x40, s24, s6, $0xb8;
	[tilespmem:$0x1E800] =	vst v63  }
0x1b5: {  	_ =	swait.ge [sflag:s0], $0x2000  }
0x1b6: {  	[sflag:s0] =	ssyncset.done $0x0  }
0x1b7: {  	s23 =	simm.s32 $0x300;
	[sflag:s0] =	ssyncadd.s32 $0xFFFFE000  }
0x1b8: {  	[tilespmem:s9], [sflag:$0x3] =	stream.indirect.gather [spmem:s2], $0x40, s23, s6, $0xb8;
	[tilespmem:$0x1E800] =	vst v63  }
0x1b9: {  	_ =	swait.ge [sflag:s15], $0x2000  }
0x1ba: {  	[sflag:s15] =	ssyncset.done $0x0  }
0x1bb: {  	s24 =	simm.s32 $0x1580;
	[sflag:s15] =	ssyncadd.s32 $0xFFFFE000  }
0x1bc: {  	[spmem:s3] =	stream.indirect.scatter.add.f32 [tilespmem:s11], [sflag:$0x5], $0x40, s24, s6, $0xb8;
	[tilespmem:$0x1E800] =	vst v63  }
0x1bd: {  	_ =	swait.ge [sflag:s0], $0x2000  }
0x1be: {  	[sflag:s0] =	ssyncset.done $0x0  }
0x1bf: {  	s22 =	simm.s32 $0x800;
	s23 =	simm.s32 $0x380;
	[sflag:s0] =	ssyncadd.s32 $0xFFFFE000  }
.LBB2_10:
0x1c0: {  	[tilespmem:s11], [sflag:$0x4] =	stream.indirect.gather [spmem:s2], $0x40, s23, s6, $0xb8;
	[tilespmem:$0x1E800] =	vst v63  }
0x1c1: {  	s23 =	smov.u32 s22  }
0x1c2: {  	p0 =	sne.s32 s22, $0x4000;
	s22 =	sadd.s32 $0x800, s22;
	_ =	swait.ge [sflag:s12], $0x2000  }
0x1c3: {  	s23 =	sshra.s32 s23, $0x2;
	[sflag:s12] =	ssyncset.done $0x0  }
0x1c4: {  	s24 =	sadd.s32 $0x1400, s23;
	[sflag:s12] =	ssyncadd.s32 $0xFFFFE000  }
0x1c5: {  	[spmem:s3] =	stream.indirect.scatter.add.f32 [tilespmem:s1], [sflag:$0x5], $0x40, s24, s6, $0xb8;
	[tilespmem:$0x1E800] =	vst v63  }
0x1c6: {  	_ =	swait.ge [sflag:s0], $0x2000  }
0x1c7: {  	[sflag:s0] =	ssyncset.done $0x0  }
0x1c8: {  	s24 =	sadd.s32 $0x200, s23;
	[sflag:s0] =	ssyncadd.s32 $0xFFFFE000  }
0x1c9: {  	[tilespmem:s1], [sflag:$0x1] =	stream.indirect.gather [spmem:s2], $0x40, s24, s6, $0xb8;
	[tilespmem:$0x1E800] =	vst v63  }
0x1ca: {  	_ =	swait.ge [sflag:s13], $0x2000  }
0x1cb: {  	[sflag:s13] =	ssyncset.done $0x0  }
0x1cc: {  	s24 =	sadd.s32 $0x1480, s23;
	[sflag:s13] =	ssyncadd.s32 $0xFFFFE000  }
0x1cd: {  	[spmem:s3] =	stream.indirect.scatter.add.f32 [tilespmem:s7], [sflag:$0x5], $0x40, s24, s6, $0xb8;
	[tilespmem:$0x1E800] =	vst v63  }
0x1ce: {  	_ =	swait.ge [sflag:s0], $0x2000  }
0x1cf: {  	[sflag:s0] =	ssyncset.done $0x0  }
0x1d0: {  	s24 =	sadd.s32 $0x280, s23;
	[sflag:s0] =	ssyncadd.s32 $0xFFFFE000  }
0x1d1: {  	[tilespmem:s7], [sflag:$0x2] =	stream.indirect.gather [spmem:s2], $0x40, s24, s6, $0xb8;
	[tilespmem:$0x1E800] =	vst v63  }
0x1d2: {  	_ =	swait.ge [sflag:s14], $0x2000  }
0x1d3: {  	[sflag:s14] =	ssyncset.done $0x0  }
0x1d4: {  	s24 =	sadd.s32 $0x1500, s23;
	[sflag:s14] =	ssyncadd.s32 $0xFFFFE000  }
0x1d5: {  	[spmem:s3] =	stream.indirect.scatter.add.f32 [tilespmem:s9], [sflag:$0x5], $0x40, s24, s6, $0xb8;
	[tilespmem:$0x1E800] =	vst v63  }
0x1d6: {  	_ =	swait.ge [sflag:s0], $0x2000  }
0x1d7: {  	[sflag:s0] =	ssyncset.done $0x0  }
0x1d8: {  	s24 =	sadd.s32 $0x300, s23;
	[sflag:s0] =	ssyncadd.s32 $0xFFFFE000  }
0x1d9: {  	[tilespmem:s9], [sflag:$0x3] =	stream.indirect.gather [spmem:s2], $0x40, s24, s6, $0xb8;
	[tilespmem:$0x1E800] =	vst v63  }
0x1da: {  	_ =	swait.ge [sflag:s15], $0x2000  }
0x1db: {  	[sflag:s15] =	ssyncset.done $0x0  }
.Ltmp4:
0x1dc: {  	s24 =	sadd.s32 $0x1580, s23;
	[sflag:s15] =	ssyncadd.s32 $0xFFFFE000;
	(pc) =	sbr.rel @p0 .LBB2_10-.Ltmp4, $4  }
0x1dd: {  	[spmem:s3] =	stream.indirect.scatter.add.f32 [tilespmem:s11], [sflag:$0x5], $0x40, s24, s6, $0xb8;
	[tilespmem:$0x1E800] =	vst v63  }
0x1de: {  	_ =	swait.ge [sflag:s0], $0x2000  }
0x1df: {  	[sflag:s0] =	ssyncset.done $0x0  }
0x1e0: {  	s23 =	sadd.s32 $0x380, s23;
	[sflag:s0] =	ssyncadd.s32 $0xFFFFE000  }
0x1e1: {  	[tilespmem:s11], [sflag:$0x4] =	stream.indirect.gather [spmem:s2], $0x40, s23, s6, $0xb8;
	[tilespmem:$0x1E800] =	vst v63  }
0x1e2: {  	_ =	swait.ge [sflag:s12], $0x2000  }
0x1e3: {  	[sflag:s12] =	ssyncset.done $0x0  }
0x1e4: {  	[sflag:s12] =	ssyncadd.s32 $0xFFFFE000  }
0x1e5: {  	[spmem:s3] =	stream.indirect.scatter.add.f32 [tilespmem:s1], [sflag:$0x5], $0x40, s16, s6, $0xb8;
	[tilespmem:$0x1E800] =	vst v63  }
0x1e6: {  	_ =	swait.ge [sflag:s0], $0x2000  }
0x1e7: {  	[sflag:s0] =	ssyncset.done $0x0  }
0x1e8: {  	[sflag:s0] =	ssyncadd.s32 $0xFFFFE000  }
0x1e9: {  	_ =	swait.ge [sflag:s13], $0x2000  }
0x1ea: {  	[sflag:s13] =	ssyncset.done $0x0  }
0x1eb: {  	[sflag:s13] =	ssyncadd.s32 $0xFFFFE000  }
0x1ec: {  	[spmem:s3] =	stream.indirect.scatter.add.f32 [tilespmem:s7], [sflag:$0x5], $0x40, s17, s6, $0xb8;
	[tilespmem:$0x1E800] =	vst v63  }
0x1ed: {  	_ =	swait.ge [sflag:s0], $0x2000  }
0x1ee: {  	[sflag:s0] =	ssyncset.done $0x0  }
0x1ef: {  	[sflag:s0] =	ssyncadd.s32 $0xFFFFE000  }
0x1f0: {  	_ =	swait.ge [sflag:s14], $0x2000  }
0x1f1: {  	[sflag:s14] =	ssyncset.done $0x0  }
0x1f2: {  	[sflag:s14] =	ssyncadd.s32 $0xFFFFE000  }
0x1f3: {  	[spmem:s3] =	stream.indirect.scatter.add.f32 [tilespmem:s9], [sflag:$0x5], $0x40, s18, s6, $0xb8;
	[tilespmem:$0x1E800] =	vst v63  }
0x1f4: {  	_ =	swait.ge [sflag:s0], $0x2000  }
0x1f5: {  	[sflag:s0] =	ssyncset.done $0x0  }
0x1f6: {  	[sflag:s0] =	ssyncadd.s32 $0xFFFFE000  }
0x1f7: {  	_ =	swait.ge [sflag:s15], $0x2000  }
0x1f8: {  	[sflag:s15] =	ssyncset.done $0x0  }
0x1f9: {  	[sflag:s15] =	ssyncadd.s32 $0xFFFFE000  }
0x1fa: {  	[spmem:s3] =	stream.indirect.scatter.add.f32 [tilespmem:s11], [sflag:$0x5], $0x40, s21, s6, $0xb8;
	[tilespmem:$0x1E800] =	vst v63  }
0x1fb: {  	_ =	swait.ge [sflag:s0], $0x2000  }
0x1fc: {  	[sflag:s0] =	ssyncset.done $0x0  }
0x1fd: {  	[sflag:s0] =	ssyncadd.s32 $0xFFFFE000  }
0x1fe: {  	[bflag:$0x0] =	sbarrier.arrive $0xFFFF  }
0x1ff: {  	s22 =	sshrl.u32 s20, $0x3;
	s24 =	rddreg [dreg:$0xe]  }
0x200: {  	[hbm:s24], [sflag:s19] =	dma.local [spmem:s22], $0x400  }
0x201: {  	_ =	swait.ge [sflag:s0], $0x400  }
0x202: {  	[sflag:s0] =	ssyncset.done $0x0;
	s23 =	rddreg [dreg:$0xf]  }
0x203: {  	s24 =	rddreg [dreg:$0x16];
	[sflag:s0] =	ssyncadd.s32 $0xFFFFFC00  }
0x204: {  	[hbm:s23], [sflag:s19] =	dma.local [spmem:s24], $0x400  }
0x205: {  	_ =	swait.ge [sflag:s0], $0x400  }
0x206: {  	[sflag:s0] =	ssyncset.done $0x0;
	s23 =	rddreg [dreg:$0x10]  }
0x207: {  	s24 =	rddreg [dreg:$0x17];
	[sflag:s0] =	ssyncadd.s32 $0xFFFFFC00  }
0x208: {  	[hbm:s23], [sflag:s19] =	dma.local [spmem:s24], $0x400  }
0x209: {  	_ =	swait.ge [sflag:s0], $0x400  }
0x20a: {  	[sflag:s0] =	ssyncset.done $0x0  }
0x20b: {  	s24 =	rddreg [dreg:$0x11];
	[sflag:s0] =	ssyncadd.s32 $0xFFFFFC00  }
0x20c: {  	[hbm:s24], [sflag:s19] =	dma.local [spmem:s25], $0x400  }
0x20d: {  	_ =	swait.ge [sflag:s0], $0x400  }
0x20e: {  	[sflag:s0] =	ssyncset.done $0x0  }
0x20f: {  	s23 =	rddreg [dreg:$0x12];
	[sflag:s0] =	ssyncadd.s32 $0xFFFFFC00  }
0x210: {  	[hbm:s23], [sflag:s19] =	dma.local [spmem:s26], $0x400  }
0x211: {  	_ =	swait.ge [sflag:s0], $0x400  }
0x212: {  	s4 =	sadd.s32 $0x1, s4;
	s24 =	rddreg [dreg:$0x14]  }
0x213: {  	p0 =	sne.s32 s4, s24  }
.Ltmp5:
0x214: {  	_ = 	snop;
	(pc) =	sbr.rel @p0 .LBB2_1-.Ltmp5, $3  }
0x215: {  	_ =	sdelay $0x1  }
0x216: {  	[sflag:s0] =	ssyncset.done $0x0  }
0x217: {  	[sflag:s0] =	ssyncadd.s32 $0xFFFFFC00  }
0x218: {  	_ =	sfence.sel $0x180000  }
0x219: {  	[bflag:$0x0] =	sbarrier.arrive $0xFFFF  }
0x21a: {  	_ =	strace $0x9000004A  }
0x21b: {  	s0 =	stileid.u32;
	[bflag:$0x2] =	sbarrier.arrive $0xFFFF  }
0x21c: {  	p0 =	sne.s32 s0, $0x0;
	s0 =	rddreg [dreg:$0x5]  }
0x21d: {  	s0 =	sadd.s32 @!p0 $0x100000, s0  }
0x21e: {  	[sflag:s0] =	ssyncadd.tile.s32 @!p0 $0x1;
	_ =	shalt  }
.Lfunc_end2:
_tile_overlayer_lowered:
.L_overlay_start_2:
0x21f: {  	(tag) =	ssettag $0x2  }
0x220: {  	s0 =	rddreg [dreg:$0x0];
	s2 =	stileid.u32  }
0x221: {  	s1 =	rddreg [dreg:$0x1];
	p0 =	sne.s32 s2, $0x0  }
0x222: {  	s3 =	rddreg [dreg:$0x2];
	[bflag:$0x3] =	sbarrier.arrive $0xFFFF;
	s2 =	simm.s32 @!p0 $0x1C05  }
0x223: {  	[timem:s3], [sflag:s2] =	dma.local @!p0 [hbm:s0], s1  }
0x224: {  	s0 =	simm.s32 @!p0 $0x5  }
0x225: {  	_ =	swait.ge @!p0 [sflag:s0], s1  }
0x226: {  	s1 =	ssub.s32 @!p0 $0x0, s1;
	[sflag:s0] =	ssyncset.done @!p0 $0x0  }
0x227: {  	[sflag:s0] =	ssyncadd.s32 @!p0 s1  }
0x228: {  	[bflag:$0x3] =	sbarrier.arrive $0xFFFF  }
0x229: {  	_ =	shalt  }

// kernel: kernel.14.cloned.1.call-start
scs
__scs_entry_jumppad:
0x0: {  	(pc) =	sbr.rel $0x88, $3  }
0x1: {  	(tag) =	ssettag $0x0;
	lr =	simm.s32 $0x1  }
0x2: {  	[smem:$0x3F9B] =	sst lr;
	_ =	strace $0xD0000000  }
0x3: {  	_ = 	snop  }
0x4: {  	_ = 	snop  }
0x5: {  	_ = 	snop  }
0x6: {  	_ = 	snop  }
0x7: {  	_ = 	snop  }
__scs_overlays_trampoline_lowered:
0x8: {  	[smem:$0x3FAA] =	sst s0  }
0x9: {  	[smem:$0x3FAB] =	sst s1  }
0xa: {  	[smem:$0x3FAC] =	sst s2  }
0xb: {  	[smem:$0x3FAD] =	sst s3  }
0xc: {  	[smem:$0x3FAE] =	sst s4  }
0xd: {  	[smem:$0x3FAF] =	sst s5  }
0xe: {  	[smem:$0x3FB0] =	sst s6  }
0xf: {  	[smem:$0x3FB1] =	sst s7  }
0x10: {  	[smem:$0x3FB2] =	sst s8  }
0x11: {  	[smem:$0x3FB3] =	sst s9;
	s0 =	simm.s32 @!p0 $0x0  }
0x12: {  	s1 =	sld [smem:$0x3F99];
	s0 =	simm.s32 @p0 $0x1  }
0x13: {  	[smem:$0x3FB4] =	sst s0;
	s0 =	simm.s32 @!p1 $0x0  }
0x14: {  	s2 =	sld [smem:$0x3F98];
	s0 =	simm.s32 @p1 $0x1  }
0x15: {  	[smem:$0x3FB5] =	sst s0;
	s0 =	simm.s32 @!p2 $0x0  }
0x16: {  	s3 =	sld [smem:$0x3FDB];
	s0 =	simm.s32 @p2 $0x1  }
0x17: {  	s4 =	simm.s32 $0x1BF5;
	[smem:$0x3FB7] =	sst s0  }
0x18: {  	s0 =	sld [smem:$0x3F9A];
	_ =	swait.ge [sflag:s4], $0x0  }
0x19: {  	s7 =	sld [smem:$0x3F9B]  }
0x1a: {  	s8 =	sadd.s32 $0xFFFFE003, lr  }
0x1b: {  	s9 =	sadd.s32 $0xFFFFFEF7, lr;
	s5 =	simm.s32 $0xFFFFFFFF;
	p2 =	slt.u32 s8, $0xFFFFF086  }
0x1c: {  	p1 =	slt.u32 s9, $0xF7A;
	s5 =	simm.s32 @!p2 $0x0  }
0x1d: {  	s5 =	simm.s32 @p1 $0x1;
	p0 =	seq.s32 s7, s2  }
0x1e: {  	s7 =	smul.u32 @!p0 $0xF7A, s2;
	p2 =	seq.s32 @!p0 s5, $0x0  }
0x1f: {  	s9 =	smul.u32 $0xF7A, s1;
	s8 =	simm.s32 @!p0 $0x1BF5;
	p2 =	por !p2, p0  }
0x20: {  	[sflag:s8] =	ssyncset.s32 @!p0 $0xFFFFF086;
	s6 =	sadd.s32 @!p0 s3, s7;
	s7 =	simm.s32 @!p0 $0x108  }
0x21: {  	s3 =	sadd.s32 s3, s9;
	s6 =	sadd.s32 @!p0 $0x88, s6;
	s7 =	simm.s32 @p2 $0x1082  }
0x22: {  	[simem:s7], [sflag:s8] =	dma.local @!p0 [hbm:s6], $0xF7A  }
0x23: {  	s9 =	sor.u32 $0xD0000000, s2;
	s6 =	simm.s32 $0x108;
	_ =	swait.ge @!p0 [sflag:s8], $0x0  }
0x24: {  	s3 =	sadd.s32 $0x88, s3;
	s6 =	simm.s32 @!p1 $0x1082;
	[sflag:s4] =	ssyncset.s32 $0xFFFFF086  }
0x25: {  	[simem:s6], [sflag:s4] =	dma.local [hbm:s3], $0xF7A  }
0x26: {  	[smem:$0x3F9B] =	sst s1;
	(tag) =	ssettag s2;
	_ =	strace s9  }
0x27: {  	s1 =	sld [smem:$0x3FAB]  }
0x28: {  	s2 =	sld [smem:$0x3FAC]  }
0x29: {  	s4 =	sld [smem:$0x3FAE]  }
0x2a: {  	p0 =	seq.s32 s5, $0x0;
	s5 =	sld [smem:$0x3FAF]  }
0x2b: {  	s6 =	sld [smem:$0x3FB0]  }
0x2c: {  	s7 =	sld [smem:$0x3FB1]  }
0x2d: {  	s3 =	simm.s32 $0x108;
	s8 =	sld [smem:$0x3FB2]  }
0x2e: {  	s3 =	simm.s32 @!p0 $0x1082;
	s9 =	sld [smem:$0x3FB3]  }
0x2f: {  	lr =	sadd.s32 s0, s3;
	s0 =	sld [smem:$0x3FAA]  }
0x30: {  	s3 =	sld [smem:$0x3FAD]  }
0x31: {  	[smem:$0x3FB6] =	sst s10  }
0x32: {  	s10 =	sld [smem:$0x3FB4];
	_ =	sdelay $0x3  }
0x33: {  	p0 =	seq.s32 s10, $0x1;
	s10 =	sld [smem:$0x3FB6];
	_ =	sdelay $0x3  }
0x34: {  	[smem:$0x3FB6] =	sst s10  }
0x35: {  	s10 =	sld [smem:$0x3FB5];
	_ =	sdelay $0x3  }
0x36: {  	p1 =	seq.s32 s10, $0x1;
	s10 =	sld [smem:$0x3FB6];
	_ =	sdelay $0x3  }
0x37: {  	[smem:$0x3FB6] =	sst s10  }
0x38: {  	s10 =	sld [smem:$0x3FB7]  }
0x39: {  	_ = 	snop;
	(pc) =	sbr.ind lr, $3  }
0x3a: {  	_ = 	snop  }
0x3b: {  	_ = 	snop  }
0x3c: {  	p2 =	seq.s32 s10, $0x1;
	s10 =	sld [smem:$0x3FB6]  }
0x3d: {  	_ =	shalt  }
0x3e: {  	_ =	shalt  }
0x3f: {  	_ =	shalt  }
0x40: {  	_ =	shalt  }
0x41: {  	_ =	shalt  }
0x42: {  	_ =	shalt  }
0x43: {  	_ =	shalt  }
0x44: {  	_ =	shalt  }
0x45: {  	_ =	shalt  }
0x46: {  	_ =	shalt  }
0x47: {  	_ =	shalt  }
0x48: {  	_ =	shalt  }
0x49: {  	_ =	shalt  }
0x4a: {  	_ =	shalt  }
0x4b: {  	_ =	shalt  }
0x4c: {  	_ =	shalt  }
0x4d: {  	_ =	shalt  }
0x4e: {  	_ =	shalt  }
0x4f: {  	_ =	shalt  }
0x50: {  	_ =	shalt  }
0x51: {  	_ =	shalt  }
0x52: {  	_ =	shalt  }
0x53: {  	_ =	shalt  }
0x54: {  	_ =	shalt  }
0x55: {  	_ =	shalt  }
0x56: {  	_ =	shalt  }
0x57: {  	_ =	shalt  }
0x58: {  	_ =	shalt  }
0x59: {  	_ =	shalt  }
0x5a: {  	_ =	shalt  }
0x5b: {  	_ =	shalt  }
0x5c: {  	_ =	shalt  }
0x5d: {  	_ =	shalt  }
0x5e: {  	_ =	shalt  }
0x5f: {  	_ =	shalt  }
0x60: {  	_ =	shalt  }
0x61: {  	_ =	shalt  }
0x62: {  	_ =	shalt  }
0x63: {  	_ =	shalt  }
0x64: {  	_ =	shalt  }
0x65: {  	_ =	shalt  }
0x66: {  	_ =	shalt  }
0x67: {  	_ =	shalt  }
0x68: {  	_ =	shalt  }
0x69: {  	_ =	shalt  }
0x6a: {  	_ =	shalt  }
0x6b: {  	_ =	shalt  }
0x6c: {  	_ =	shalt  }
0x6d: {  	_ =	shalt  }
0x6e: {  	_ =	shalt  }
0x6f: {  	_ =	shalt  }
0x70: {  	_ =	shalt  }
0x71: {  	_ =	shalt  }
0x72: {  	_ =	shalt  }
0x73: {  	_ =	shalt  }
0x74: {  	_ =	shalt  }
0x75: {  	_ =	shalt  }
0x76: {  	_ =	shalt  }
0x77: {  	_ =	shalt  }
0x78: {  	_ =	shalt  }
0x79: {  	_ =	shalt  }
0x7a: {  	_ =	shalt  }
0x7b: {  	_ =	shalt  }
0x7c: {  	_ =	shalt  }
0x7d: {  	_ =	shalt  }
0x7e: {  	_ =	shalt  }
0x7f: {  	_ =	shalt  }
0x80: {  	_ =	shalt  }
0x81: {  	_ =	shalt  }
0x82: {  	_ =	shalt  }
0x83: {  	_ =	shalt  }
0x84: {  	_ =	shalt  }
0x85: {  	_ =	shalt  }
0x86: {  	_ =	shalt  }
0x87: {  	_ =	shalt  }
.Lfunc_end0:
.L_simem_size_0:
called_computation.2_lowered:
.L_overlay_start_0:
0x88: {  	s2 =	sld [smem:$0x3FD9]  }
0x89: {  	s3 =	sld [smem:$0x3FFE];
	_ =	sdelay $0x1  }
0x8a: {  	s1 =	srdreg.scid  }
0x8b: {  	s0 =	sand.u32 $0x1, s1  }
0x8c: {  	s14 =	sshll.u32 s0, $0xA;
	s2 =	sadd.s32 s3, s2  }
0x8d: {  	s2 =	sadd.s32 s2, s14  }
0x8e: {  	[smem:$0x3FC2] =	sst s2  }
0x8f: {  	_ = 	snop  }
0x90: {  	s2 =	sld [smem:$0x3FD0];
	_ =	sdelay $0x2  }
0x91: {  	s15 =	simm.s32 $0xA;
	s4 =	simm.s32 $0x10  }
0x92: {  	[smem:s4], [sflag:s15] =	dma.local [hbm:s2], $0x1  }
0x93: {  	_ =	swait.eq [sflag:s15], $0x1  }
0x94: {  	[sflag:s15] =	ssyncset.done $0x0  }
0x95: {  	s16 =	sld [smem:$0x10];
	[sflag:s15] =	ssyncadd.s32 $0xFFFFFFFF  }
0x96: {  	s17 =	sld [smem:$0x11];
	(tm) =	ssettm $0x1  }
0x97: {  	s18 =	sld [smem:$0x3FFB];
	_ =	sdelay $0x3  }
0x98: {  	_ =	strace s18  }
0x99: {  	s4 =	sld [smem:$0x3FFC];
	_ =	sdelay $0x3  }
0x9a: {  	_ =	strace s4  }
0x9b: {  	s4 =	sld [smem:$0x3FFD];
	_ =	sdelay $0x3  }
0x9c: {  	_ =	strace s4  }
0x9d: {  	_ =	strace $0x8FFFFFFF  }
0x9e: {  	s19 =	sld [smem:$0x3FDB];
	_ =	sdelay $0x1  }
0x9f: {  	s5 =	simm.s32 $_scs_section_size  }
0xa0: {  	s6 =	simm.s32 $_size__tile_overlayer_lowered;
	s7 =	simm.s32 $_tile_overlayer_lowered  }
0xa1: {  	s22 =	simm.s32 $0x1BFF;
	s21 =	sshll.u32 s7, $0x1;
	s4 =	sadd.s32 s5, s19  }
0xa2: {  	s8 =	simm.s32 $0x0;
	s20 =	sshll.u32 s6, $0x1;
	s6 =	sadd.s32 s21, s4  }
0xa3: {  	[timem:s8], [sflag:s22] =	dma.local [hbm:s6], s20  }
0xa4: {  	_ =	swait.ge [sflag:s22], s20  }
0xa5: {  	s5 =	ssub.s32 $0x0, s20;
	[sflag:s22] =	ssyncset.done $0x0  }
0xa6: {  	[sflag:s22] =	ssyncadd.s32 s5;
	_ =	sdelay $0x1  }
0xa7: {  	s23 =	simm.s32 $0x1B8B  }
0xa8: {  	_ =	swait.ge [sflag:s23], $0x1  }
0xa9: {  	[sflag:s23] =	ssyncset.done $0x0  }
0xaa: {  	s25 =	simm.s32 $0x1B8E;
	s24 =	sld [smem:$0x3FFE];
	[sflag:s23] =	ssyncadd.s32 $0xFFFFFFFF  }
0xab: {  	s26 =	simm.s32 $execute0_lowered;
	[smem:$0x3FD2] =	sst s25  }
0xac: {  	s6 =	sshll.u32 s26, $0x1;
	_ =	strace $0x8000004C;
	[dreg:$0x1] =	wrdreg $0xFFFFFFFF  }
0xad: {  	s28 =	simm.s32 $_size_execute0_lowered;
	s4 =	sadd.s32 s4, s6;
	[dreg:$0x0] =	wrdreg $0x0  }
0xae: {  	s6 =	sshll.u32 s28, $0x1;
	[dreg:$0x2] =	wrdreg s4  }
0xaf: {  	[dreg:$0x3] =	wrdreg s6  }
0xb0: {  	[dreg:$0x4] =	wrdreg $0xC0  }
0xb1: {  	_ =	task [dreg:s8], $0x5FFFF  }
0xb2: {  	[dreg:$0x1] =	wrdreg $0xFFFFFFFF  }
0xb3: {  	[dreg:$0x0] =	wrdreg $0x60  }
0xb4: {  	[dreg:$0x2] =	wrdreg s24  }
0xb5: {  	[dreg:$0x3] =	wrdreg s16  }
0xb6: {  	[dreg:$0x4] =	wrdreg s17  }
0xb7: {  	[dreg:$0x5] =	wrdreg $0x68000  }
0xb8: {  	[dreg:$0x6] =	wrdreg $0xB8000  }
0xb9: {  	[dreg:$0x7] =	wrdreg $0x9  }
0xba: {  	_ =	task.clear_ibuf [dreg:s8], $0x8FFFF;
	_ =	strace $0x9000004C  }
0xbb: {  	s29 =	simm.s32 $0x9;
	_ =	strace $0x8000004E  }
0xbc: {  	_ =	swait.ge [sflag:s29], $0x1  }
0xbd: {  	[sflag:s29] =	ssyncadd.s32 $0xFFFFFFFF  }
0xbe: {  	_ =	strace $0x9000004E  }
0xbf: {  	_ =	sfence  }
0xc0: {  	s30 =	sld [smem:$0x0];
	_ =	sdelay $0x2  }
0xc1: {  	s31 =	sshll.u32 s1, $0xD;
	s1 =	sshrl.u32 s1, $0x2  }
0xc2: {  	s3 =	sand.u32 $0x4000, s31;
	s1 =	sadd.s32 s1, s30  }
0xc3: {  	s0 =	sor.u32 s3, s0;
	s1 =	sshll.u32 s1, $0x11  }
0xc4: {  	s0 =	sor.u32 s1, s0  }
0xc5: {  	s0 =	sadd.s32 $0x8F2B, s0  }
0xc6: {  	[sflag:s0] =	ssyncadd.remote.s32 $0x1  }
0xc7: {  	_ =	sfence.sel $0xFFFF  }
0xc8: {  	[dreg:$0x0] =	wrdreg $0xFFFFFFFF;
	(pc) =	sbr.abs _section_cstart, $3  }
0xc9: {  	[dreg:$0x1] =	wrdreg $0xFFFFFFFF  }
0xca: {  	_ =	task.clear_ibuf [dreg:s8], $0x2FFFF;
	_ =	strace $0x9FFFFFFF  }
0xcb: {  	(tm) =	ssettm $0x7FFFFFFF  }
tec
execute0_lowered:
.L_overlay_start_1:
0x0: {  	(tag) =	ssettag $0x1  }
0x1: {  	s0 =	rddreg [dreg:$0x0]  }
0x2: {  	s1 =	rddreg [dreg:$0x1]  }
0x3: {  	s5 =	rddreg [dreg:$0x2]  }
0x4: {  	s2 =	rddreg [dreg:$0x3];
	s15 =	stileid.u32  }
0x5: {  	s4 =	srdreg.scid;
	s10 =	smul.u32 $0x14000, s15  }
0x6: {  	s3 =	rddreg [dreg:$0x4];
	s11 =	smul.u32 $0x5000, s15  }
0x7: {  	s6 =	sand.u32 $0x1, s4;
	s4 =	simm.s32 $0x0;
	s14 =	smul.u32 $0xA00, s15  }
0x8: {  	s7 =	smul.u32 $0x2800, s6;
	[smem:$0x7FF] =	sst s4;
	s6 =	ssub.s32 $0x2, s6  }
0x9: {  	s8 =	smul.u32 $0x280, s15;
	_ =	strace $0x8000004D;
	s13 =	sshrl.u32 s6, $0x1  }
0xa: {  	s11 =	sshrl.u32 s11, $0x3;
	s10 =	sshrl.u32 s10, $0x2;
	s25 =	sadd.s32 s1, s14  }
0xb: {  	s14 =	sadd.s32 s5, s14;
	s23 =	sadd.s32 $0x100, s8;
	s9 =	sadd.s32 s8, s7  }
0xc: {  	s6 =	ssub.s32 s6, s13;
	[dreg:$0x6] =	wrdreg s25;
	s26 =	sadd.s32 $0x280, s11  }
0xd: {  	[dreg:$0x7] =	wrdreg s14;
	s17 =	sadd.s32 $0x500, s11;
	s11 =	sadd.s32 $0x780, s11  }
0xe: {  	s24 =	sadd.s32 s7, s23;
	s25 =	sadd.s32 $0x180, s8;
	s16 =	sadd.s32 s1, s26  }
0xf: {  	s9 =	sshll.u32 s9, $0x2;
	s13 =	sadd.s32 s5, s26;
	[dreg:$0x8] =	wrdreg s16  }
0x10: {  	s18 =	sadd.s32 s1, s17;
	s14 =	sadd.s32 s5, s17;
	[dreg:$0x9] =	wrdreg s13  }
0x11: {  	s1 =	sadd.s32 s1, s11;
	s20 =	sadd.s32 s5, s11;
	[dreg:$0xa] =	wrdreg s18  }
0x12: {  	s5 =	sshll.u32 s24, $0x2;
	s26 =	sadd.s32 s7, s25;
	[dreg:$0xb] =	wrdreg s14  }
0x13: {  	s11 =	simm.s32 $0x5800;
	s12 =	sadd.s32 s9, s0;
	[dreg:$0xc] =	wrdreg s1  }
0x14: {  	s0 =	sadd.s32 $0x65C00, s0;
	s13 =	sadd.s32 $0x80, s8;
	[dreg:$0xd] =	wrdreg s20  }
0x15: {  	s8 =	sadd.s32 $0x200, s8;
	s14 =	sshll.u32 s26, $0x2;
	s16 =	sshll.u32 s15, $0x6  }
0x16: {  	s18 =	sadd.s32 s10, s2;
	s20 =	sadd.s32 s10, s3;
	s10 =	simm.s32 $0x180  }
0x17: {  	s15 =	simm.s32 $0x4;
	s19 =	sadd.s32 s7, s13;
	s22 =	sadd.s32 s0, s9  }
0x18: {  	s7 =	sadd.s32 s7, s8;
	s5 =	sadd.s32 s0, s5;
	s17 =	sadd.s32 $0x51C00, s12  }
0x19: {  	s24 =	sshll.u32 s8, $0x5;
	s28 =	sadd.s32 $0x1000, s20;
	s29 =	sadd.s32 $0x2000, s20  }
0x1a: {  	s30 =	sadd.s32 $0x3000, s20;
	s31 =	sadd.s32 $0x4000, s20;
	s8 =	simm.s32 $0x100  }
0x1b: {  	s9 =	simm.s32 $0x4800;
	s12 =	simm.s32 $0x1;
	[dreg:$0xe] =	wrdreg s22  }
0x1c: {  	s21 =	sshll.u32 s19, $0x2;
	[dreg:$0x10] =	wrdreg s5;
	s7 =	sshll.u32 s7, $0x2  }
0x1d: {  	s5 =	sadd.s32 s0, s14;
	[dreg:$0x13] =	wrdreg s17;
	s19 =	sor.u32 $0x1C05, s16  }
0x1e: {  	s22 =	sshll.u32 s13, $0x5;
	s13 =	simm.s32 $0x2;
	s14 =	simm.s32 $0x3  }
0x1f: {  	s16 =	simm.s32 $0x2600;
	s1 =	sadd.s32 s0, s21;
	[dreg:$0x11] =	wrdreg s5  }
0x20: {  	s17 =	simm.s32 $0x2680;
	s0 =	sadd.s32 s0, s7;
	[dreg:$0xf] =	wrdreg s1  }
0x21: {  	s21 =	smax.u32 s6, $0x1;
	s5 =	sadd.s32 s22, s3;
	[dreg:$0x12] =	wrdreg s0  }
0x22: {  	s7 =	sadd.s32 s24, s3;
	[dreg:$0x14] =	wrdreg s21;
	s1 =	sshll.u32 s23, $0x5  }
0x23: {  	s23 =	sshll.u32 s25, $0x5;
	s0 =	sshrl.u32 s18, $0x3;
	s25 =	sshrl.u32 s5, $0x3  }
0x24: {  	s5 =	simm.s32 $0x1400;
	s18 =	simm.s32 $0x2700;
	s21 =	simm.s32 $0x2780  }
0x25: {  	s1 =	sadd.s32 s1, s3;
	s6 =	sadd.s32 s23, s3;
	[dreg:$0x15] =	wrdreg s0  }
0x26: {  	[dreg:$0x16] =	wrdreg s25;
	s0 =	simm.s32 $0x5;
	s26 =	sshrl.u32 s1, $0x3  }
0x27: {  	s25 =	sshrl.u32 s6, $0x3;
	s1 =	simm.s32 $0x2800;
	s6 =	simm.s32 $0x80  }
0x28: {  	v0 =	vimm.f32 $0.0e+00;
	[dreg:$0x17] =	wrdreg s26;
	s26 =	sshrl.u32 s7, $0x3;
	s7 =	simm.s32 $0x3800  }
.LBB2_1:
0x29: {  	s22 =	rddreg [dreg:$0x13]  }
0x2a: {  	s23 =	rddreg [dreg:$0x15]  }
0x2b: {  	[spmem:s23], [sflag:s19] =	dma.local [hbm:s22], $0xA00  }
0x2c: {  	_ =	swait.ge [sflag:s0], $0xA00  }
0x2d: {  	[sflag:s0] =	ssyncset.done $0x0  }
0x2e: {  	s22 =	simm.s32 $0x80;
	s23 =	simm.s32 $0x0;
	[sflag:s0] =	ssyncadd.s32 $0xFFFFF600  }
.LBB2_2:
0x2f: {  	p0 =	sne.s32 s22, $0x3F80;
	[tilespmem:s23+$0x2800] =	vst v0;
	s24 =	smov.u32 s22;
	s22 =	sadd.s32 $0x80, s22  }
.Ltmp0:
0x30: {  	[tilespmem:s23+$0x2810] =	vst v0;
	(pc) =	sbr.rel @p0 .LBB2_2-.Ltmp0, $2  }
0x31: {  	_ =	sdelay $0x2  }
0x32: {  	s23 =	sshra.s32 s24, $0x2  }
0x33: {  	[tilespmem:s23+$0x2800] =	vst v0  }
0x34: {  	[tilespmem:s23+$0x2810] =	vst v0  }
0x35: {  	[spmem:s20] =	stream.linear.scatter [tilespmem:s1], [sflag:$0x5], $0x1000, $0x38;
	[tilespmem:$0x10800] =	vst v63  }
0x36: {  	_ =	swait.ge [sflag:s0], $0x1000  }
0x37: {  	[sflag:s0] =	ssyncset.done $0x0  }
0x38: {  	[sflag:s0] =	ssyncadd.s32 $0xFFFFF000  }
0x39: {  	[spmem:s28] =	stream.linear.scatter [tilespmem:s1], [sflag:$0x5], $0x1000, $0x38;
	[tilespmem:$0x10800] =	vst v63  }
0x3a: {  	_ =	swait.ge [sflag:s0], $0x1000  }
0x3b: {  	[sflag:s0] =	ssyncset.done $0x0  }
0x3c: {  	[sflag:s0] =	ssyncadd.s32 $0xFFFFF000  }
0x3d: {  	[spmem:s29] =	stream.linear.scatter [tilespmem:s1], [sflag:$0x5], $0x1000, $0x38;
	[tilespmem:$0x10800] =	vst v63  }
0x3e: {  	_ =	swait.ge [sflag:s0], $0x1000  }
0x3f: {  	[sflag:s0] =	ssyncset.done $0x0  }
0x40: {  	[sflag:s0] =	ssyncadd.s32 $0xFFFFF000  }
0x41: {  	[spmem:s30] =	stream.linear.scatter [tilespmem:s1], [sflag:$0x5], $0x1000, $0x38;
	[tilespmem:$0x10800] =	vst v63  }
0x42: {  	_ =	swait.ge [sflag:s0], $0x1000  }
0x43: {  	[sflag:s0] =	ssyncset.done $0x0  }
0x44: {  	[sflag:s0] =	ssyncadd.s32 $0xFFFFF000  }
0x45: {  	[spmem:s31] =	stream.linear.scatter [tilespmem:s1], [sflag:$0x5], $0x1000, $0x38;
	[tilespmem:$0x10800] =	vst v63  }
0x46: {  	_ =	swait.ge [sflag:s0], $0x1000  }
0x47: {  	[sflag:s0] =	ssyncset.done $0x0  }
0x48: {  	[sflag:s0] =	ssyncadd.s32 $0xFFFFF000  }
0x49: {  	[bflag:$0x0] =	sbarrier.arrive $0xFFFF  }
0x4a: {  	s22 =	simm.s32 $0x0;
	s24 =	rddreg [dreg:$0x6]  }
0x4b: {  	[tilespmem:s22], [sflag:$0x5] =	stream.linear.gather [hbm4b:s24+s22], $0x1400, $0x38;
	[tilespmem:$0x10800] =	vst v63  }
0x4c: {  	_ =	swait.ge [sflag:s0], $0x1400  }
0x4d: {  	[sflag:s0] =	ssyncset.done $0x0  }
0x4e: {  	s24 =	rddreg [dreg:$0x7];
	[sflag:s0] =	ssyncadd.s32 $0xFFFFEC00  }
0x4f: {  	[tilespmem:s5], [sflag:$0x5] =	stream.linear.gather [hbm4b:s24+s22], $0x1400, $0x38;
	[tilespmem:$0x10800] =	vst v63  }
0x50: {  	_ =	swait.ge [sflag:s0], $0x1400  }
0x51: {  	[sflag:s0] =	ssyncset.done $0x0  }
0x52: {  	[sflag:s0] =	ssyncadd.s32 $0xFFFFEC00  }
0x53: {  	[tilespmem:s1], [sflag:$0x1] =	stream.indirect.gather [spmem:s2], $0x20, s22, s6, $0xb8;
	[tilespmem:$0x10800] =	vst v63  }
0x54: {  	_ = 	snop  }
0x55: {  	[tilespmem:s7], [sflag:$0x2] =	stream.indirect.gather [spmem:s2], $0x20, s6, s6, $0xb8;
	[tilespmem:$0x10800] =	vst v63  }
0x56: {  	_ = 	snop  }
0x57: {  	[tilespmem:s9], [sflag:$0x3] =	stream.indirect.gather [spmem:s2], $0x20, s8, s6, $0xb8;
	[tilespmem:$0x10800] =	vst v63  }
0x58: {  	_ = 	snop  }
0x59: {  	[tilespmem:s11], [sflag:$0x4] =	stream.indirect.gather [spmem:s2], $0x20, s10, s6, $0xb8;
	[tilespmem:$0x10800] =	vst v63  }
0x5a: {  	_ =	swait.ge [sflag:s12], $0x1000  }
0x5b: {  	[sflag:s12] =	ssyncset.done $0x0  }
0x5c: {  	s24 =	simm.s32 $0x1400;
	[sflag:s12] =	ssyncadd.s32 $0xFFFFF000  }
0x5d: {  	[spmem:s3] =	stream.indirect.scatter.add.f32 [tilespmem:s1], [sflag:$0x5], $0x20, s24, s6, $0xb8;
	[tilespmem:$0x10800] =	vst v63  }
0x5e: {  	_ =	swait.ge [sflag:s0], $0x1000  }
0x5f: {  	[sflag:s0] =	ssyncset.done $0x0  }
0x60: {  	s23 =	simm.s32 $0x200;
	[sflag:s0] =	ssyncadd.s32 $0xFFFFF000  }
0x61: {  	[tilespmem:s1], [sflag:$0x1] =	stream.indirect.gather [spmem:s2], $0x20, s23, s6, $0xb8;
	[tilespmem:$0x10800] =	vst v63  }
0x62: {  	_ =	swait.ge [sflag:s13], $0x1000  }
0x63: {  	[sflag:s13] =	ssyncset.done $0x0  }
0x64: {  	s24 =	simm.s32 $0x1480;
	[sflag:s13] =	ssyncadd.s32 $0xFFFFF000  }
0x65: {  	[spmem:s3] =	stream.indirect.scatter.add.f32 [tilespmem:s7], [sflag:$0x5], $0x20, s24, s6, $0xb8;
	[tilespmem:$0x10800] =	vst v63  }
0x66: {  	_ =	swait.ge [sflag:s0], $0x1000  }
0x67: {  	[sflag:s0] =	ssyncset.done $0x0  }
0x68: {  	s23 =	simm.s32 $0x280;
	[sflag:s0] =	ssyncadd.s32 $0xFFFFF000  }
0x69: {  	[tilespmem:s7], [sflag:$0x2] =	stream.indirect.gather [spmem:s2], $0x20, s23, s6, $0xb8;
	[tilespmem:$0x10800] =	vst v63  }
0x6a: {  	_ =	swait.ge [sflag:s14], $0x1000  }
0x6b: {  	[sflag:s14] =	ssyncset.done $0x0  }
0x6c: {  	s24 =	simm.s32 $0x1500;
	[sflag:s14] =	ssyncadd.s32 $0xFFFFF000  }
0x6d: {  	[spmem:s3] =	stream.indirect.scatter.add.f32 [tilespmem:s9], [sflag:$0x5], $0x20, s24, s6, $0xb8;
	[tilespmem:$0x10800] =	vst v63  }
0x6e: {  	_ =	swait.ge [sflag:s0], $0x1000  }
0x6f: {  	[sflag:s0] =	ssyncset.done $0x0  }
0x70: {  	s23 =	simm.s32 $0x300;
	[sflag:s0] =	ssyncadd.s32 $0xFFFFF000  }
0x71: {  	[tilespmem:s9], [sflag:$0x3] =	stream.indirect.gather [spmem:s2], $0x20, s23, s6, $0xb8;
	[tilespmem:$0x10800] =	vst v63  }
0x72: {  	_ =	swait.ge [sflag:s15], $0x1000  }
0x73: {  	[sflag:s15] =	ssyncset.done $0x0  }
0x74: {  	s24 =	simm.s32 $0x1580;
	[sflag:s15] =	ssyncadd.s32 $0xFFFFF000  }
0x75: {  	[spmem:s3] =	stream.indirect.scatter.add.f32 [tilespmem:s11], [sflag:$0x5], $0x20, s24, s6, $0xb8;
	[tilespmem:$0x10800] =	vst v63  }
0x76: {  	_ =	swait.ge [sflag:s0], $0x1000  }
0x77: {  	[sflag:s0] =	ssyncset.done $0x0  }
0x78: {  	s22 =	simm.s32 $0x800;
	s23 =	simm.s32 $0x380;
	[sflag:s0] =	ssyncadd.s32 $0xFFFFF000  }
.LBB2_4:
0x79: {  	[tilespmem:s11], [sflag:$0x4] =	stream.indirect.gather [spmem:s2], $0x20, s23, s6, $0xb8;
	[tilespmem:$0x10800] =	vst v63  }
0x7a: {  	s23 =	smov.u32 s22  }
0x7b: {  	p0 =	sne.s32 s22, $0x4000;
	s22 =	sadd.s32 $0x800, s22;
	_ =	swait.ge [sflag:s12], $0x1000  }
0x7c: {  	s23 =	sshra.s32 s23, $0x2;
	[sflag:s12] =	ssyncset.done $0x0  }
0x7d: {  	s24 =	sadd.s32 $0x1400, s23;
	[sflag:s12] =	ssyncadd.s32 $0xFFFFF000  }
0x7e: {  	[spmem:s3] =	stream.indirect.scatter.add.f32 [tilespmem:s1], [sflag:$0x5], $0x20, s24, s6, $0xb8;
	[tilespmem:$0x10800] =	vst v63  }
0x7f: {  	_ =	swait.ge [sflag:s0], $0x1000  }
0x80: {  	[sflag:s0] =	ssyncset.done $0x0  }
0x81: {  	s24 =	sadd.s32 $0x200, s23;
	[sflag:s0] =	ssyncadd.s32 $0xFFFFF000  }
0x82: {  	[tilespmem:s1], [sflag:$0x1] =	stream.indirect.gather [spmem:s2], $0x20, s24, s6, $0xb8;
	[tilespmem:$0x10800] =	vst v63  }
0x83: {  	_ =	swait.ge [sflag:s13], $0x1000  }
0x84: {  	[sflag:s13] =	ssyncset.done $0x0  }
0x85: {  	s24 =	sadd.s32 $0x1480, s23;
	[sflag:s13] =	ssyncadd.s32 $0xFFFFF000  }
0x86: {  	[spmem:s3] =	stream.indirect.scatter.add.f32 [tilespmem:s7], [sflag:$0x5], $0x20, s24, s6, $0xb8;
	[tilespmem:$0x10800] =	vst v63  }
0x87: {  	_ =	swait.ge [sflag:s0], $0x1000  }
0x88: {  	[sflag:s0] =	ssyncset.done $0x0  }
0x89: {  	s24 =	sadd.s32 $0x280, s23;
	[sflag:s0] =	ssyncadd.s32 $0xFFFFF000  }
0x8a: {  	[tilespmem:s7], [sflag:$0x2] =	stream.indirect.gather [spmem:s2], $0x20, s24, s6, $0xb8;
	[tilespmem:$0x10800] =	vst v63  }
0x8b: {  	_ =	swait.ge [sflag:s14], $0x1000  }
0x8c: {  	[sflag:s14] =	ssyncset.done $0x0  }
0x8d: {  	s24 =	sadd.s32 $0x1500, s23;
	[sflag:s14] =	ssyncadd.s32 $0xFFFFF000  }
0x8e: {  	[spmem:s3] =	stream.indirect.scatter.add.f32 [tilespmem:s9], [sflag:$0x5], $0x20, s24, s6, $0xb8;
	[tilespmem:$0x10800] =	vst v63  }
0x8f: {  	_ =	swait.ge [sflag:s0], $0x1000  }
0x90: {  	[sflag:s0] =	ssyncset.done $0x0  }
0x91: {  	s24 =	sadd.s32 $0x300, s23;
	[sflag:s0] =	ssyncadd.s32 $0xFFFFF000  }
0x92: {  	[tilespmem:s9], [sflag:$0x3] =	stream.indirect.gather [spmem:s2], $0x20, s24, s6, $0xb8;
	[tilespmem:$0x10800] =	vst v63  }
0x93: {  	_ =	swait.ge [sflag:s15], $0x1000  }
0x94: {  	[sflag:s15] =	ssyncset.done $0x0  }
.Ltmp1:
0x95: {  	s24 =	sadd.s32 $0x1580, s23;
	[sflag:s15] =	ssyncadd.s32 $0xFFFFF000;
	(pc) =	sbr.rel @p0 .LBB2_4-.Ltmp1, $4  }
0x96: {  	[spmem:s3] =	stream.indirect.scatter.add.f32 [tilespmem:s11], [sflag:$0x5], $0x20, s24, s6, $0xb8;
	[tilespmem:$0x10800] =	vst v63  }
0x97: {  	_ =	swait.ge [sflag:s0], $0x1000  }
0x98: {  	[sflag:s0] =	ssyncset.done $0x0  }
0x99: {  	s23 =	sadd.s32 $0x380, s23;
	[sflag:s0] =	ssyncadd.s32 $0xFFFFF000  }
0x9a: {  	[tilespmem:s11], [sflag:$0x4] =	stream.indirect.gather [spmem:s2], $0x20, s23, s6, $0xb8;
	[tilespmem:$0x10800] =	vst v63  }
0x9b: {  	_ =	swait.ge [sflag:s12], $0x1000  }
0x9c: {  	[sflag:s12] =	ssyncset.done $0x0  }
0x9d: {  	[sflag:s12] =	ssyncadd.s32 $0xFFFFF000  }
0x9e: {  	[spmem:s3] =	stream.indirect.scatter.add.f32 [tilespmem:s1], [sflag:$0x5], $0x20, s16, s6, $0xb8;
	[tilespmem:$0x10800] =	vst v63  }
0x9f: {  	_ =	swait.ge [sflag:s0], $0x1000  }
0xa0: {  	[sflag:s0] =	ssyncset.done $0x0  }
0xa1: {  	[sflag:s0] =	ssyncadd.s32 $0xFFFFF000  }
0xa2: {  	_ =	swait.ge [sflag:s13], $0x1000  }
0xa3: {  	[sflag:s13] =	ssyncset.done $0x0  }
0xa4: {  	[sflag:s13] =	ssyncadd.s32 $0xFFFFF000  }
0xa5: {  	[spmem:s3] =	stream.indirect.scatter.add.f32 [tilespmem:s7], [sflag:$0x5], $0x20, s17, s6, $0xb8;
	[tilespmem:$0x10800] =	vst v63  }
0xa6: {  	_ =	swait.ge [sflag:s0], $0x1000  }
0xa7: {  	[sflag:s0] =	ssyncset.done $0x0  }
0xa8: {  	[sflag:s0] =	ssyncadd.s32 $0xFFFFF000  }
0xa9: {  	_ =	swait.ge [sflag:s14], $0x1000  }
0xaa: {  	[sflag:s14] =	ssyncset.done $0x0  }
0xab: {  	[sflag:s14] =	ssyncadd.s32 $0xFFFFF000  }
0xac: {  	[spmem:s3] =	stream.indirect.scatter.add.f32 [tilespmem:s9], [sflag:$0x5], $0x20, s18, s6, $0xb8;
	[tilespmem:$0x10800] =	vst v63  }
0xad: {  	_ =	swait.ge [sflag:s0], $0x1000  }
0xae: {  	[sflag:s0] =	ssyncset.done $0x0  }
0xaf: {  	[sflag:s0] =	ssyncadd.s32 $0xFFFFF000  }
0xb0: {  	_ =	swait.ge [sflag:s15], $0x1000  }
0xb1: {  	[sflag:s15] =	ssyncset.done $0x0  }
0xb2: {  	[sflag:s15] =	ssyncadd.s32 $0xFFFFF000  }
0xb3: {  	[spmem:s3] =	stream.indirect.scatter.add.f32 [tilespmem:s11], [sflag:$0x5], $0x20, s21, s6, $0xb8;
	[tilespmem:$0x10800] =	vst v63  }
0xb4: {  	_ =	swait.ge [sflag:s0], $0x1000  }
0xb5: {  	[sflag:s0] =	ssyncset.done $0x0  }
0xb6: {  	s22 =	simm.s32 $0x0;
	s24 =	rddreg [dreg:$0x8];
	[sflag:s0] =	ssyncadd.s32 $0xFFFFF000  }
0xb7: {  	[tilespmem:s22], [sflag:$0x5] =	stream.linear.gather [hbm4b:s24+s22], $0x1400, $0x38;
	[tilespmem:$0x10800] =	vst v63  }
0xb8: {  	_ =	swait.ge [sflag:s0], $0x1400  }
0xb9: {  	[sflag:s0] =	ssyncset.done $0x0  }
0xba: {  	s24 =	rddreg [dreg:$0x9];
	[sflag:s0] =	ssyncadd.s32 $0xFFFFEC00  }
0xbb: {  	[tilespmem:s5], [sflag:$0x5] =	stream.linear.gather [hbm4b:s24+s22], $0x1400, $0x38;
	[tilespmem:$0x10800] =	vst v63  }
0xbc: {  	_ =	swait.ge [sflag:s0], $0x1400  }
0xbd: {  	[sflag:s0] =	ssyncset.done $0x0  }
0xbe: {  	[sflag:s0] =	ssyncadd.s32 $0xFFFFEC00  }
0xbf: {  	[tilespmem:s1], [sflag:$0x1] =	stream.indirect.gather [spmem:s2], $0x20, s22, s6, $0xb8;
	[tilespmem:$0x10800] =	vst v63  }
0xc0: {  	_ = 	snop  }
0xc1: {  	[tilespmem:s7], [sflag:$0x2] =	stream.indirect.gather [spmem:s2], $0x20, s6, s6, $0xb8;
	[tilespmem:$0x10800] =	vst v63  }
0xc2: {  	_ = 	snop  }
0xc3: {  	[tilespmem:s9], [sflag:$0x3] =	stream.indirect.gather [spmem:s2], $0x20, s8, s6, $0xb8;
	[tilespmem:$0x10800] =	vst v63  }
0xc4: {  	_ = 	snop  }
0xc5: {  	[tilespmem:s11], [sflag:$0x4] =	stream.indirect.gather [spmem:s2], $0x20, s10, s6, $0xb8;
	[tilespmem:$0x10800] =	vst v63  }
0xc6: {  	_ =	swait.ge [sflag:s12], $0x1000  }
0xc7: {  	[sflag:s12] =	ssyncset.done $0x0  }
0xc8: {  	s24 =	simm.s32 $0x1400;
	[sflag:s12] =	ssyncadd.s32 $0xFFFFF000  }
0xc9: {  	[spmem:s3] =	stream.indirect.scatter.add.f32 [tilespmem:s1], [sflag:$0x5], $0x20, s24, s6, $0xb8;
	[tilespmem:$0x10800] =	vst v63  }
0xca: {  	_ =	swait.ge [sflag:s0], $0x1000  }
0xcb: {  	[sflag:s0] =	ssyncset.done $0x0  }
0xcc: {  	s23 =	simm.s32 $0x200;
	[sflag:s0] =	ssyncadd.s32 $0xFFFFF000  }
0xcd: {  	[tilespmem:s1], [sflag:$0x1] =	stream.indirect.gather [spmem:s2], $0x20, s23, s6, $0xb8;
	[tilespmem:$0x10800] =	vst v63  }
0xce: {  	_ =	swait.ge [sflag:s13], $0x1000  }
0xcf: {  	[sflag:s13] =	ssyncset.done $0x0  }
0xd0: {  	s24 =	simm.s32 $0x1480;
	[sflag:s13] =	ssyncadd.s32 $0xFFFFF000  }
0xd1: {  	[spmem:s3] =	stream.indirect.scatter.add.f32 [tilespmem:s7], [sflag:$0x5], $0x20, s24, s6, $0xb8;
	[tilespmem:$0x10800] =	vst v63  }
0xd2: {  	_ =	swait.ge [sflag:s0], $0x1000  }
0xd3: {  	[sflag:s0] =	ssyncset.done $0x0  }
0xd4: {  	s23 =	simm.s32 $0x280;
	[sflag:s0] =	ssyncadd.s32 $0xFFFFF000  }
0xd5: {  	[tilespmem:s7], [sflag:$0x2] =	stream.indirect.gather [spmem:s2], $0x20, s23, s6, $0xb8;
	[tilespmem:$0x10800] =	vst v63  }
0xd6: {  	_ =	swait.ge [sflag:s14], $0x1000  }
0xd7: {  	[sflag:s14] =	ssyncset.done $0x0  }
0xd8: {  	s24 =	simm.s32 $0x1500;
	[sflag:s14] =	ssyncadd.s32 $0xFFFFF000  }
0xd9: {  	[spmem:s3] =	stream.indirect.scatter.add.f32 [tilespmem:s9], [sflag:$0x5], $0x20, s24, s6, $0xb8;
	[tilespmem:$0x10800] =	vst v63  }
0xda: {  	_ =	swait.ge [sflag:s0], $0x1000  }
0xdb: {  	[sflag:s0] =	ssyncset.done $0x0  }
0xdc: {  	s23 =	simm.s32 $0x300;
	[sflag:s0] =	ssyncadd.s32 $0xFFFFF000  }
0xdd: {  	[tilespmem:s9], [sflag:$0x3] =	stream.indirect.gather [spmem:s2], $0x20, s23, s6, $0xb8;
	[tilespmem:$0x10800] =	vst v63  }
0xde: {  	_ =	swait.ge [sflag:s15], $0x1000  }
0xdf: {  	[sflag:s15] =	ssyncset.done $0x0  }
0xe0: {  	s24 =	simm.s32 $0x1580;
	[sflag:s15] =	ssyncadd.s32 $0xFFFFF000  }
0xe1: {  	[spmem:s3] =	stream.indirect.scatter.add.f32 [tilespmem:s11], [sflag:$0x5], $0x20, s24, s6, $0xb8;
	[tilespmem:$0x10800] =	vst v63  }
0xe2: {  	_ =	swait.ge [sflag:s0], $0x1000  }
0xe3: {  	[sflag:s0] =	ssyncset.done $0x0  }
0xe4: {  	s22 =	simm.s32 $0x800;
	s23 =	simm.s32 $0x380;
	[sflag:s0] =	ssyncadd.s32 $0xFFFFF000  }
.LBB2_6:
0xe5: {  	[tilespmem:s11], [sflag:$0x4] =	stream.indirect.gather [spmem:s2], $0x20, s23, s6, $0xb8;
	[tilespmem:$0x10800] =	vst v63  }
0xe6: {  	s23 =	smov.u32 s22  }
0xe7: {  	p0 =	sne.s32 s22, $0x4000;
	s22 =	sadd.s32 $0x800, s22;
	_ =	swait.ge [sflag:s12], $0x1000  }
0xe8: {  	s23 =	sshra.s32 s23, $0x2;
	[sflag:s12] =	ssyncset.done $0x0  }
0xe9: {  	s24 =	sadd.s32 $0x1400, s23;
	[sflag:s12] =	ssyncadd.s32 $0xFFFFF000  }
0xea: {  	[spmem:s3] =	stream.indirect.scatter.add.f32 [tilespmem:s1], [sflag:$0x5], $0x20, s24, s6, $0xb8;
	[tilespmem:$0x10800] =	vst v63  }
0xeb: {  	_ =	swait.ge [sflag:s0], $0x1000  }
0xec: {  	[sflag:s0] =	ssyncset.done $0x0  }
0xed: {  	s24 =	sadd.s32 $0x200, s23;
	[sflag:s0] =	ssyncadd.s32 $0xFFFFF000  }
0xee: {  	[tilespmem:s1], [sflag:$0x1] =	stream.indirect.gather [spmem:s2], $0x20, s24, s6, $0xb8;
	[tilespmem:$0x10800] =	vst v63  }
0xef: {  	_ =	swait.ge [sflag:s13], $0x1000  }
0xf0: {  	[sflag:s13] =	ssyncset.done $0x0  }
0xf1: {  	s24 =	sadd.s32 $0x1480, s23;
	[sflag:s13] =	ssyncadd.s32 $0xFFFFF000  }
0xf2: {  	[spmem:s3] =	stream.indirect.scatter.add.f32 [tilespmem:s7], [sflag:$0x5], $0x20, s24, s6, $0xb8;
	[tilespmem:$0x10800] =	vst v63  }
0xf3: {  	_ =	swait.ge [sflag:s0], $0x1000  }
0xf4: {  	[sflag:s0] =	ssyncset.done $0x0  }
0xf5: {  	s24 =	sadd.s32 $0x280, s23;
	[sflag:s0] =	ssyncadd.s32 $0xFFFFF000  }
0xf6: {  	[tilespmem:s7], [sflag:$0x2] =	stream.indirect.gather [spmem:s2], $0x20, s24, s6, $0xb8;
	[tilespmem:$0x10800] =	vst v63  }
0xf7: {  	_ =	swait.ge [sflag:s14], $0x1000  }
0xf8: {  	[sflag:s14] =	ssyncset.done $0x0  }
0xf9: {  	s24 =	sadd.s32 $0x1500, s23;
	[sflag:s14] =	ssyncadd.s32 $0xFFFFF000  }
0xfa: {  	[spmem:s3] =	stream.indirect.scatter.add.f32 [tilespmem:s9], [sflag:$0x5], $0x20, s24, s6, $0xb8;
	[tilespmem:$0x10800] =	vst v63  }
0xfb: {  	_ =	swait.ge [sflag:s0], $0x1000  }
0xfc: {  	[sflag:s0] =	ssyncset.done $0x0  }
0xfd: {  	s24 =	sadd.s32 $0x300, s23;
	[sflag:s0] =	ssyncadd.s32 $0xFFFFF000  }
0xfe: {  	[tilespmem:s9], [sflag:$0x3] =	stream.indirect.gather [spmem:s2], $0x20, s24, s6, $0xb8;
	[tilespmem:$0x10800] =	vst v63  }
0xff: {  	_ =	swait.ge [sflag:s15], $0x1000  }
0x100: {  	[sflag:s15] =	ssyncset.done $0x0  }
.Ltmp2:
0x101: {  	s24 =	sadd.s32 $0x1580, s23;
	[sflag:s15] =	ssyncadd.s32 $0xFFFFF000;
	(pc) =	sbr.rel @p0 .LBB2_6-.Ltmp2, $4  }
0x102: {  	[spmem:s3] =	stream.indirect.scatter.add.f32 [tilespmem:s11], [sflag:$0x5], $0x20, s24, s6, $0xb8;
	[tilespmem:$0x10800] =	vst v63  }
0x103: {  	_ =	swait.ge [sflag:s0], $0x1000  }
0x104: {  	[sflag:s0] =	ssyncset.done $0x0  }
0x105: {  	s23 =	sadd.s32 $0x380, s23;
	[sflag:s0] =	ssyncadd.s32 $0xFFFFF000  }
0x106: {  	[tilespmem:s11], [sflag:$0x4] =	stream.indirect.gather [spmem:s2], $0x20, s23, s6, $0xb8;
	[tilespmem:$0x10800] =	vst v63  }
0x107: {  	_ =	swait.ge [sflag:s12], $0x1000  }
0x108: {  	[sflag:s12] =	ssyncset.done $0x0  }
0x109: {  	[sflag:s12] =	ssyncadd.s32 $0xFFFFF000  }
0x10a: {  	[spmem:s3] =	stream.indirect.scatter.add.f32 [tilespmem:s1], [sflag:$0x5], $0x20, s16, s6, $0xb8;
	[tilespmem:$0x10800] =	vst v63  }
0x10b: {  	_ =	swait.ge [sflag:s0], $0x1000  }
0x10c: {  	[sflag:s0] =	ssyncset.done $0x0  }
0x10d: {  	[sflag:s0] =	ssyncadd.s32 $0xFFFFF000  }
0x10e: {  	_ =	swait.ge [sflag:s13], $0x1000  }
0x10f: {  	[sflag:s13] =	ssyncset.done $0x0  }
0x110: {  	[sflag:s13] =	ssyncadd.s32 $0xFFFFF000  }
0x111: {  	[spmem:s3] =	stream.indirect.scatter.add.f32 [tilespmem:s7], [sflag:$0x5], $0x20, s17, s6, $0xb8;
	[tilespmem:$0x10800] =	vst v63  }
0x112: {  	_ =	swait.ge [sflag:s0], $0x1000  }
0x113: {  	[sflag:s0] =	ssyncset.done $0x0  }
0x114: {  	[sflag:s0] =	ssyncadd.s32 $0xFFFFF000  }
0x115: {  	_ =	swait.ge [sflag:s14], $0x1000  }
0x116: {  	[sflag:s14] =	ssyncset.done $0x0  }
0x117: {  	[sflag:s14] =	ssyncadd.s32 $0xFFFFF000  }
0x118: {  	[spmem:s3] =	stream.indirect.scatter.add.f32 [tilespmem:s9], [sflag:$0x5], $0x20, s18, s6, $0xb8;
	[tilespmem:$0x10800] =	vst v63  }
0x119: {  	_ =	swait.ge [sflag:s0], $0x1000  }
0x11a: {  	[sflag:s0] =	ssyncset.done $0x0  }
0x11b: {  	[sflag:s0] =	ssyncadd.s32 $0xFFFFF000  }
0x11c: {  	_ =	swait.ge [sflag:s15], $0x1000  }
0x11d: {  	[sflag:s15] =	ssyncset.done $0x0  }
0x11e: {  	[sflag:s15] =	ssyncadd.s32 $0xFFFFF000  }
0x11f: {  	[spmem:s3] =	stream.indirect.scatter.add.f32 [tilespmem:s11], [sflag:$0x5], $0x20, s21, s6, $0xb8;
	[tilespmem:$0x10800] =	vst v63  }
0x120: {  	_ =	swait.ge [sflag:s0], $0x1000  }
0x121: {  	[sflag:s0] =	ssyncset.done $0x0  }
0x122: {  	s22 =	simm.s32 $0x0;
	s24 =	rddreg [dreg:$0xa];
	[sflag:s0] =	ssyncadd.s32 $0xFFFFF000  }
0x123: {  	[tilespmem:s22], [sflag:$0x5] =	stream.linear.gather [hbm4b:s24+s22], $0x1400, $0x38;
	[tilespmem:$0x10800] =	vst v63  }
0x124: {  	_ =	swait.ge [sflag:s0], $0x1400  }
0x125: {  	[sflag:s0] =	ssyncset.done $0x0  }
0x126: {  	s24 =	rddreg [dreg:$0xb];
	[sflag:s0] =	ssyncadd.s32 $0xFFFFEC00  }
0x127: {  	[tilespmem:s5], [sflag:$0x5] =	stream.linear.gather [hbm4b:s24+s22], $0x1400, $0x38;
	[tilespmem:$0x10800] =	vst v63  }
0x128: {  	_ =	swait.ge [sflag:s0], $0x1400  }
0x129: {  	[sflag:s0] =	ssyncset.done $0x0  }
0x12a: {  	[sflag:s0] =	ssyncadd.s32 $0xFFFFEC00  }
0x12b: {  	[tilespmem:s1], [sflag:$0x1] =	stream.indirect.gather [spmem:s2], $0x20, s22, s6, $0xb8;
	[tilespmem:$0x10800] =	vst v63  }
0x12c: {  	_ = 	snop  }
0x12d: {  	[tilespmem:s7], [sflag:$0x2] =	stream.indirect.gather [spmem:s2], $0x20, s6, s6, $0xb8;
	[tilespmem:$0x10800] =	vst v63  }
0x12e: {  	_ = 	snop  }
0x12f: {  	[tilespmem:s9], [sflag:$0x3] =	stream.indirect.gather [spmem:s2], $0x20, s8, s6, $0xb8;
	[tilespmem:$0x10800] =	vst v63  }
0x130: {  	_ = 	snop  }
0x131: {  	[tilespmem:s11], [sflag:$0x4] =	stream.indirect.gather [spmem:s2], $0x20, s10, s6, $0xb8;
	[tilespmem:$0x10800] =	vst v63  }
0x132: {  	_ =	swait.ge [sflag:s12], $0x1000  }
0x133: {  	[sflag:s12] =	ssyncset.done $0x0  }
0x134: {  	s24 =	simm.s32 $0x1400;
	[sflag:s12] =	ssyncadd.s32 $0xFFFFF000  }
0x135: {  	[spmem:s3] =	stream.indirect.scatter.add.f32 [tilespmem:s1], [sflag:$0x5], $0x20, s24, s6, $0xb8;
	[tilespmem:$0x10800] =	vst v63  }
0x136: {  	_ =	swait.ge [sflag:s0], $0x1000  }
0x137: {  	[sflag:s0] =	ssyncset.done $0x0  }
0x138: {  	s23 =	simm.s32 $0x200;
	[sflag:s0] =	ssyncadd.s32 $0xFFFFF000  }
0x139: {  	[tilespmem:s1], [sflag:$0x1] =	stream.indirect.gather [spmem:s2], $0x20, s23, s6, $0xb8;
	[tilespmem:$0x10800] =	vst v63  }
0x13a: {  	_ =	swait.ge [sflag:s13], $0x1000  }
0x13b: {  	[sflag:s13] =	ssyncset.done $0x0  }
0x13c: {  	s24 =	simm.s32 $0x1480;
	[sflag:s13] =	ssyncadd.s32 $0xFFFFF000  }
0x13d: {  	[spmem:s3] =	stream.indirect.scatter.add.f32 [tilespmem:s7], [sflag:$0x5], $0x20, s24, s6, $0xb8;
	[tilespmem:$0x10800] =	vst v63  }
0x13e: {  	_ =	swait.ge [sflag:s0], $0x1000  }
0x13f: {  	[sflag:s0] =	ssyncset.done $0x0  }
0x140: {  	s23 =	simm.s32 $0x280;
	[sflag:s0] =	ssyncadd.s32 $0xFFFFF000  }
0x141: {  	[tilespmem:s7], [sflag:$0x2] =	stream.indirect.gather [spmem:s2], $0x20, s23, s6, $0xb8;
	[tilespmem:$0x10800] =	vst v63  }
0x142: {  	_ =	swait.ge [sflag:s14], $0x1000  }
0x143: {  	[sflag:s14] =	ssyncset.done $0x0  }
0x144: {  	s24 =	simm.s32 $0x1500;
	[sflag:s14] =	ssyncadd.s32 $0xFFFFF000  }
0x145: {  	[spmem:s3] =	stream.indirect.scatter.add.f32 [tilespmem:s9], [sflag:$0x5], $0x20, s24, s6, $0xb8;
	[tilespmem:$0x10800] =	vst v63  }
0x146: {  	_ =	swait.ge [sflag:s0], $0x1000  }
0x147: {  	[sflag:s0] =	ssyncset.done $0x0  }
0x148: {  	s23 =	simm.s32 $0x300;
	[sflag:s0] =	ssyncadd.s32 $0xFFFFF000  }
0x149: {  	[tilespmem:s9], [sflag:$0x3] =	stream.indirect.gather [spmem:s2], $0x20, s23, s6, $0xb8;
	[tilespmem:$0x10800] =	vst v63  }
0x14a: {  	_ =	swait.ge [sflag:s15], $0x1000  }
0x14b: {  	[sflag:s15] =	ssyncset.done $0x0  }
0x14c: {  	s24 =	simm.s32 $0x1580;
	[sflag:s15] =	ssyncadd.s32 $0xFFFFF000  }
0x14d: {  	[spmem:s3] =	stream.indirect.scatter.add.f32 [tilespmem:s11], [sflag:$0x5], $0x20, s24, s6, $0xb8;
	[tilespmem:$0x10800] =	vst v63  }
0x14e: {  	_ =	swait.ge [sflag:s0], $0x1000  }
0x14f: {  	[sflag:s0] =	ssyncset.done $0x0  }
0x150: {  	s22 =	simm.s32 $0x800;
	s23 =	simm.s32 $0x380;
	[sflag:s0] =	ssyncadd.s32 $0xFFFFF000  }
.LBB2_8:
0x151: {  	[tilespmem:s11], [sflag:$0x4] =	stream.indirect.gather [spmem:s2], $0x20, s23, s6, $0xb8;
	[tilespmem:$0x10800] =	vst v63  }
0x152: {  	s23 =	smov.u32 s22  }
0x153: {  	p0 =	sne.s32 s22, $0x4000;
	s22 =	sadd.s32 $0x800, s22;
	_ =	swait.ge [sflag:s12], $0x1000  }
0x154: {  	s23 =	sshra.s32 s23, $0x2;
	[sflag:s12] =	ssyncset.done $0x0  }
0x155: {  	s24 =	sadd.s32 $0x1400, s23;
	[sflag:s12] =	ssyncadd.s32 $0xFFFFF000  }
0x156: {  	[spmem:s3] =	stream.indirect.scatter.add.f32 [tilespmem:s1], [sflag:$0x5], $0x20, s24, s6, $0xb8;
	[tilespmem:$0x10800] =	vst v63  }
0x157: {  	_ =	swait.ge [sflag:s0], $0x1000  }
0x158: {  	[sflag:s0] =	ssyncset.done $0x0  }
0x159: {  	s24 =	sadd.s32 $0x200, s23;
	[sflag:s0] =	ssyncadd.s32 $0xFFFFF000  }
0x15a: {  	[tilespmem:s1], [sflag:$0x1] =	stream.indirect.gather [spmem:s2], $0x20, s24, s6, $0xb8;
	[tilespmem:$0x10800] =	vst v63  }
0x15b: {  	_ =	swait.ge [sflag:s13], $0x1000  }
0x15c: {  	[sflag:s13] =	ssyncset.done $0x0  }
0x15d: {  	s24 =	sadd.s32 $0x1480, s23;
	[sflag:s13] =	ssyncadd.s32 $0xFFFFF000  }
0x15e: {  	[spmem:s3] =	stream.indirect.scatter.add.f32 [tilespmem:s7], [sflag:$0x5], $0x20, s24, s6, $0xb8;
	[tilespmem:$0x10800] =	vst v63  }
0x15f: {  	_ =	swait.ge [sflag:s0], $0x1000  }
0x160: {  	[sflag:s0] =	ssyncset.done $0x0  }
0x161: {  	s24 =	sadd.s32 $0x280, s23;
	[sflag:s0] =	ssyncadd.s32 $0xFFFFF000  }
0x162: {  	[tilespmem:s7], [sflag:$0x2] =	stream.indirect.gather [spmem:s2], $0x20, s24, s6, $0xb8;
	[tilespmem:$0x10800] =	vst v63  }
0x163: {  	_ =	swait.ge [sflag:s14], $0x1000  }
0x164: {  	[sflag:s14] =	ssyncset.done $0x0  }
0x165: {  	s24 =	sadd.s32 $0x1500, s23;
	[sflag:s14] =	ssyncadd.s32 $0xFFFFF000  }
0x166: {  	[spmem:s3] =	stream.indirect.scatter.add.f32 [tilespmem:s9], [sflag:$0x5], $0x20, s24, s6, $0xb8;
	[tilespmem:$0x10800] =	vst v63  }
0x167: {  	_ =	swait.ge [sflag:s0], $0x1000  }
0x168: {  	[sflag:s0] =	ssyncset.done $0x0  }
0x169: {  	s24 =	sadd.s32 $0x300, s23;
	[sflag:s0] =	ssyncadd.s32 $0xFFFFF000  }
0x16a: {  	[tilespmem:s9], [sflag:$0x3] =	stream.indirect.gather [spmem:s2], $0x20, s24, s6, $0xb8;
	[tilespmem:$0x10800] =	vst v63  }
0x16b: {  	_ =	swait.ge [sflag:s15], $0x1000  }
0x16c: {  	[sflag:s15] =	ssyncset.done $0x0  }
.Ltmp3:
0x16d: {  	s24 =	sadd.s32 $0x1580, s23;
	[sflag:s15] =	ssyncadd.s32 $0xFFFFF000;
	(pc) =	sbr.rel @p0 .LBB2_8-.Ltmp3, $4  }
0x16e: {  	[spmem:s3] =	stream.indirect.scatter.add.f32 [tilespmem:s11], [sflag:$0x5], $0x20, s24, s6, $0xb8;
	[tilespmem:$0x10800] =	vst v63  }
0x16f: {  	_ =	swait.ge [sflag:s0], $0x1000  }
0x170: {  	[sflag:s0] =	ssyncset.done $0x0  }
0x171: {  	s23 =	sadd.s32 $0x380, s23;
	[sflag:s0] =	ssyncadd.s32 $0xFFFFF000  }
0x172: {  	[tilespmem:s11], [sflag:$0x4] =	stream.indirect.gather [spmem:s2], $0x20, s23, s6, $0xb8;
	[tilespmem:$0x10800] =	vst v63  }
0x173: {  	_ =	swait.ge [sflag:s12], $0x1000  }
0x174: {  	[sflag:s12] =	ssyncset.done $0x0  }
0x175: {  	[sflag:s12] =	ssyncadd.s32 $0xFFFFF000  }
0x176: {  	[spmem:s3] =	stream.indirect.scatter.add.f32 [tilespmem:s1], [sflag:$0x5], $0x20, s16, s6, $0xb8;
	[tilespmem:$0x10800] =	vst v63  }
0x177: {  	_ =	swait.ge [sflag:s0], $0x1000  }
0x178: {  	[sflag:s0] =	ssyncset.done $0x0  }
0x179: {  	[sflag:s0] =	ssyncadd.s32 $0xFFFFF000  }
0x17a: {  	_ =	swait.ge [sflag:s13], $0x1000  }
0x17b: {  	[sflag:s13] =	ssyncset.done $0x0  }
0x17c: {  	[sflag:s13] =	ssyncadd.s32 $0xFFFFF000  }
0x17d: {  	[spmem:s3] =	stream.indirect.scatter.add.f32 [tilespmem:s7], [sflag:$0x5], $0x20, s17, s6, $0xb8;
	[tilespmem:$0x10800] =	vst v63  }
0x17e: {  	_ =	swait.ge [sflag:s0], $0x1000  }
0x17f: {  	[sflag:s0] =	ssyncset.done $0x0  }
0x180: {  	[sflag:s0] =	ssyncadd.s32 $0xFFFFF000  }
0x181: {  	_ =	swait.ge [sflag:s14], $0x1000  }
0x182: {  	[sflag:s14] =	ssyncset.done $0x0  }
0x183: {  	[sflag:s14] =	ssyncadd.s32 $0xFFFFF000  }
0x184: {  	[spmem:s3] =	stream.indirect.scatter.add.f32 [tilespmem:s9], [sflag:$0x5], $0x20, s18, s6, $0xb8;
	[tilespmem:$0x10800] =	vst v63  }
0x185: {  	_ =	swait.ge [sflag:s0], $0x1000  }
0x186: {  	[sflag:s0] =	ssyncset.done $0x0  }
0x187: {  	[sflag:s0] =	ssyncadd.s32 $0xFFFFF000  }
0x188: {  	_ =	swait.ge [sflag:s15], $0x1000  }
0x189: {  	[sflag:s15] =	ssyncset.done $0x0  }
0x18a: {  	[sflag:s15] =	ssyncadd.s32 $0xFFFFF000  }
0x18b: {  	[spmem:s3] =	stream.indirect.scatter.add.f32 [tilespmem:s11], [sflag:$0x5], $0x20, s21, s6, $0xb8;
	[tilespmem:$0x10800] =	vst v63  }
0x18c: {  	_ =	swait.ge [sflag:s0], $0x1000  }
0x18d: {  	[sflag:s0] =	ssyncset.done $0x0  }
0x18e: {  	s22 =	simm.s32 $0x0;
	s24 =	rddreg [dreg:$0xc];
	[sflag:s0] =	ssyncadd.s32 $0xFFFFF000  }
0x18f: {  	[tilespmem:s22], [sflag:$0x5] =	stream.linear.gather [hbm4b:s24+s22], $0x1400, $0x38;
	[tilespmem:$0x10800] =	vst v63  }
0x190: {  	_ =	swait.ge [sflag:s0], $0x1400  }
0x191: {  	[sflag:s0] =	ssyncset.done $0x0  }
0x192: {  	s24 =	rddreg [dreg:$0xd];
	[sflag:s0] =	ssyncadd.s32 $0xFFFFEC00  }
0x193: {  	[tilespmem:s5], [sflag:$0x5] =	stream.linear.gather [hbm4b:s24+s22], $0x1400, $0x38;
	[tilespmem:$0x10800] =	vst v63  }
0x194: {  	_ =	swait.ge [sflag:s0], $0x1400  }
0x195: {  	[sflag:s0] =	ssyncset.done $0x0  }
0x196: {  	[sflag:s0] =	ssyncadd.s32 $0xFFFFEC00  }
0x197: {  	[tilespmem:s1], [sflag:$0x1] =	stream.indirect.gather [spmem:s2], $0x20, s22, s6, $0xb8;
	[tilespmem:$0x10800] =	vst v63  }
0x198: {  	_ = 	snop  }
0x199: {  	[tilespmem:s7], [sflag:$0x2] =	stream.indirect.gather [spmem:s2], $0x20, s6, s6, $0xb8;
	[tilespmem:$0x10800] =	vst v63  }
0x19a: {  	_ = 	snop  }
0x19b: {  	[tilespmem:s9], [sflag:$0x3] =	stream.indirect.gather [spmem:s2], $0x20, s8, s6, $0xb8;
	[tilespmem:$0x10800] =	vst v63  }
0x19c: {  	_ = 	snop  }
0x19d: {  	[tilespmem:s11], [sflag:$0x4] =	stream.indirect.gather [spmem:s2], $0x20, s10, s6, $0xb8;
	[tilespmem:$0x10800] =	vst v63  }
0x19e: {  	_ =	swait.ge [sflag:s12], $0x1000  }
0x19f: {  	[sflag:s12] =	ssyncset.done $0x0  }
0x1a0: {  	s24 =	simm.s32 $0x1400;
	[sflag:s12] =	ssyncadd.s32 $0xFFFFF000  }
0x1a1: {  	[spmem:s3] =	stream.indirect.scatter.add.f32 [tilespmem:s1], [sflag:$0x5], $0x20, s24, s6, $0xb8;
	[tilespmem:$0x10800] =	vst v63  }
0x1a2: {  	_ =	swait.ge [sflag:s0], $0x1000  }
0x1a3: {  	[sflag:s0] =	ssyncset.done $0x0  }
0x1a4: {  	s23 =	simm.s32 $0x200;
	[sflag:s0] =	ssyncadd.s32 $0xFFFFF000  }
0x1a5: {  	[tilespmem:s1], [sflag:$0x1] =	stream.indirect.gather [spmem:s2], $0x20, s23, s6, $0xb8;
	[tilespmem:$0x10800] =	vst v63  }
0x1a6: {  	_ =	swait.ge [sflag:s13], $0x1000  }
0x1a7: {  	[sflag:s13] =	ssyncset.done $0x0  }
0x1a8: {  	s24 =	simm.s32 $0x1480;
	[sflag:s13] =	ssyncadd.s32 $0xFFFFF000  }
0x1a9: {  	[spmem:s3] =	stream.indirect.scatter.add.f32 [tilespmem:s7], [sflag:$0x5], $0x20, s24, s6, $0xb8;
	[tilespmem:$0x10800] =	vst v63  }
0x1aa: {  	_ =	swait.ge [sflag:s0], $0x1000  }
0x1ab: {  	[sflag:s0] =	ssyncset.done $0x0  }
0x1ac: {  	s23 =	simm.s32 $0x280;
	[sflag:s0] =	ssyncadd.s32 $0xFFFFF000  }
0x1ad: {  	[tilespmem:s7], [sflag:$0x2] =	stream.indirect.gather [spmem:s2], $0x20, s23, s6, $0xb8;
	[tilespmem:$0x10800] =	vst v63  }
0x1ae: {  	_ =	swait.ge [sflag:s14], $0x1000  }
0x1af: {  	[sflag:s14] =	ssyncset.done $0x0  }
0x1b0: {  	s24 =	simm.s32 $0x1500;
	[sflag:s14] =	ssyncadd.s32 $0xFFFFF000  }
0x1b1: {  	[spmem:s3] =	stream.indirect.scatter.add.f32 [tilespmem:s9], [sflag:$0x5], $0x20, s24, s6, $0xb8;
	[tilespmem:$0x10800] =	vst v63  }
0x1b2: {  	_ =	swait.ge [sflag:s0], $0x1000  }
0x1b3: {  	[sflag:s0] =	ssyncset.done $0x0  }
0x1b4: {  	s23 =	simm.s32 $0x300;
	[sflag:s0] =	ssyncadd.s32 $0xFFFFF000  }
0x1b5: {  	[tilespmem:s9], [sflag:$0x3] =	stream.indirect.gather [spmem:s2], $0x20, s23, s6, $0xb8;
	[tilespmem:$0x10800] =	vst v63  }
0x1b6: {  	_ =	swait.ge [sflag:s15], $0x1000  }
0x1b7: {  	[sflag:s15] =	ssyncset.done $0x0  }
0x1b8: {  	s24 =	simm.s32 $0x1580;
	[sflag:s15] =	ssyncadd.s32 $0xFFFFF000  }
0x1b9: {  	[spmem:s3] =	stream.indirect.scatter.add.f32 [tilespmem:s11], [sflag:$0x5], $0x20, s24, s6, $0xb8;
	[tilespmem:$0x10800] =	vst v63  }
0x1ba: {  	_ =	swait.ge [sflag:s0], $0x1000  }
0x1bb: {  	[sflag:s0] =	ssyncset.done $0x0  }
0x1bc: {  	s22 =	simm.s32 $0x800;
	s23 =	simm.s32 $0x380;
	[sflag:s0] =	ssyncadd.s32 $0xFFFFF000  }
.LBB2_10:
0x1bd: {  	[tilespmem:s11], [sflag:$0x4] =	stream.indirect.gather [spmem:s2], $0x20, s23, s6, $0xb8;
	[tilespmem:$0x10800] =	vst v63  }
0x1be: {  	s23 =	smov.u32 s22  }
0x1bf: {  	p0 =	sne.s32 s22, $0x4000;
	s22 =	sadd.s32 $0x800, s22;
	_ =	swait.ge [sflag:s12], $0x1000  }
0x1c0: {  	s23 =	sshra.s32 s23, $0x2;
	[sflag:s12] =	ssyncset.done $0x0  }
0x1c1: {  	s24 =	sadd.s32 $0x1400, s23;
	[sflag:s12] =	ssyncadd.s32 $0xFFFFF000  }
0x1c2: {  	[spmem:s3] =	stream.indirect.scatter.add.f32 [tilespmem:s1], [sflag:$0x5], $0x20, s24, s6, $0xb8;
	[tilespmem:$0x10800] =	vst v63  }
0x1c3: {  	_ =	swait.ge [sflag:s0], $0x1000  }
0x1c4: {  	[sflag:s0] =	ssyncset.done $0x0  }
0x1c5: {  	s24 =	sadd.s32 $0x200, s23;
	[sflag:s0] =	ssyncadd.s32 $0xFFFFF000  }
0x1c6: {  	[tilespmem:s1], [sflag:$0x1] =	stream.indirect.gather [spmem:s2], $0x20, s24, s6, $0xb8;
	[tilespmem:$0x10800] =	vst v63  }
0x1c7: {  	_ =	swait.ge [sflag:s13], $0x1000  }
0x1c8: {  	[sflag:s13] =	ssyncset.done $0x0  }
0x1c9: {  	s24 =	sadd.s32 $0x1480, s23;
	[sflag:s13] =	ssyncadd.s32 $0xFFFFF000  }
0x1ca: {  	[spmem:s3] =	stream.indirect.scatter.add.f32 [tilespmem:s7], [sflag:$0x5], $0x20, s24, s6, $0xb8;
	[tilespmem:$0x10800] =	vst v63  }
0x1cb: {  	_ =	swait.ge [sflag:s0], $0x1000  }
0x1cc: {  	[sflag:s0] =	ssyncset.done $0x0  }
0x1cd: {  	s24 =	sadd.s32 $0x280, s23;
	[sflag:s0] =	ssyncadd.s32 $0xFFFFF000  }
0x1ce: {  	[tilespmem:s7], [sflag:$0x2] =	stream.indirect.gather [spmem:s2], $0x20, s24, s6, $0xb8;
	[tilespmem:$0x10800] =	vst v63  }
0x1cf: {  	_ =	swait.ge [sflag:s14], $0x1000  }
0x1d0: {  	[sflag:s14] =	ssyncset.done $0x0  }
0x1d1: {  	s24 =	sadd.s32 $0x1500, s23;
	[sflag:s14] =	ssyncadd.s32 $0xFFFFF000  }
0x1d2: {  	[spmem:s3] =	stream.indirect.scatter.add.f32 [tilespmem:s9], [sflag:$0x5], $0x20, s24, s6, $0xb8;
	[tilespmem:$0x10800] =	vst v63  }
0x1d3: {  	_ =	swait.ge [sflag:s0], $0x1000  }
0x1d4: {  	[sflag:s0] =	ssyncset.done $0x0  }
0x1d5: {  	s24 =	sadd.s32 $0x300, s23;
	[sflag:s0] =	ssyncadd.s32 $0xFFFFF000  }
0x1d6: {  	[tilespmem:s9], [sflag:$0x3] =	stream.indirect.gather [spmem:s2], $0x20, s24, s6, $0xb8;
	[tilespmem:$0x10800] =	vst v63  }
0x1d7: {  	_ =	swait.ge [sflag:s15], $0x1000  }
0x1d8: {  	[sflag:s15] =	ssyncset.done $0x0  }
.Ltmp4:
0x1d9: {  	s24 =	sadd.s32 $0x1580, s23;
	[sflag:s15] =	ssyncadd.s32 $0xFFFFF000;
	(pc) =	sbr.rel @p0 .LBB2_10-.Ltmp4, $4  }
0x1da: {  	[spmem:s3] =	stream.indirect.scatter.add.f32 [tilespmem:s11], [sflag:$0x5], $0x20, s24, s6, $0xb8;
	[tilespmem:$0x10800] =	vst v63  }
0x1db: {  	_ =	swait.ge [sflag:s0], $0x1000  }
0x1dc: {  	[sflag:s0] =	ssyncset.done $0x0  }
0x1dd: {  	s23 =	sadd.s32 $0x380, s23;
	[sflag:s0] =	ssyncadd.s32 $0xFFFFF000  }
0x1de: {  	[tilespmem:s11], [sflag:$0x4] =	stream.indirect.gather [spmem:s2], $0x20, s23, s6, $0xb8;
	[tilespmem:$0x10800] =	vst v63  }
0x1df: {  	_ =	swait.ge [sflag:s12], $0x1000  }
0x1e0: {  	[sflag:s12] =	ssyncset.done $0x0  }
0x1e1: {  	[sflag:s12] =	ssyncadd.s32 $0xFFFFF000  }
0x1e2: {  	[spmem:s3] =	stream.indirect.scatter.add.f32 [tilespmem:s1], [sflag:$0x5], $0x20, s16, s6, $0xb8;
	[tilespmem:$0x10800] =	vst v63  }
0x1e3: {  	_ =	swait.ge [sflag:s0], $0x1000  }
0x1e4: {  	[sflag:s0] =	ssyncset.done $0x0  }
0x1e5: {  	[sflag:s0] =	ssyncadd.s32 $0xFFFFF000  }
0x1e6: {  	_ =	swait.ge [sflag:s13], $0x1000  }
0x1e7: {  	[sflag:s13] =	ssyncset.done $0x0  }
0x1e8: {  	[sflag:s13] =	ssyncadd.s32 $0xFFFFF000  }
0x1e9: {  	[spmem:s3] =	stream.indirect.scatter.add.f32 [tilespmem:s7], [sflag:$0x5], $0x20, s17, s6, $0xb8;
	[tilespmem:$0x10800] =	vst v63  }
0x1ea: {  	_ =	swait.ge [sflag:s0], $0x1000  }
0x1eb: {  	[sflag:s0] =	ssyncset.done $0x0  }
0x1ec: {  	[sflag:s0] =	ssyncadd.s32 $0xFFFFF000  }
0x1ed: {  	_ =	swait.ge [sflag:s14], $0x1000  }
0x1ee: {  	[sflag:s14] =	ssyncset.done $0x0  }
0x1ef: {  	[sflag:s14] =	ssyncadd.s32 $0xFFFFF000  }
0x1f0: {  	[spmem:s3] =	stream.indirect.scatter.add.f32 [tilespmem:s9], [sflag:$0x5], $0x20, s18, s6, $0xb8;
	[tilespmem:$0x10800] =	vst v63  }
0x1f1: {  	_ =	swait.ge [sflag:s0], $0x1000  }
0x1f2: {  	[sflag:s0] =	ssyncset.done $0x0  }
0x1f3: {  	[sflag:s0] =	ssyncadd.s32 $0xFFFFF000  }
0x1f4: {  	_ =	swait.ge [sflag:s15], $0x1000  }
0x1f5: {  	[sflag:s15] =	ssyncset.done $0x0  }
0x1f6: {  	[sflag:s15] =	ssyncadd.s32 $0xFFFFF000  }
0x1f7: {  	[spmem:s3] =	stream.indirect.scatter.add.f32 [tilespmem:s11], [sflag:$0x5], $0x20, s21, s6, $0xb8;
	[tilespmem:$0x10800] =	vst v63  }
0x1f8: {  	_ =	swait.ge [sflag:s0], $0x1000  }
0x1f9: {  	[sflag:s0] =	ssyncset.done $0x0  }
0x1fa: {  	[sflag:s0] =	ssyncadd.s32 $0xFFFFF000  }
0x1fb: {  	[bflag:$0x0] =	sbarrier.arrive $0xFFFF  }
0x1fc: {  	s22 =	sshrl.u32 s20, $0x3;
	s24 =	rddreg [dreg:$0xe]  }
0x1fd: {  	[hbm:s24], [sflag:s19] =	dma.local [spmem:s22], $0x200  }
0x1fe: {  	_ =	swait.ge [sflag:s0], $0x200  }
0x1ff: {  	[sflag:s0] =	ssyncset.done $0x0;
	s23 =	rddreg [dreg:$0xf]  }
0x200: {  	s24 =	rddreg [dreg:$0x16];
	[sflag:s0] =	ssyncadd.s32 $0xFFFFFE00  }
0x201: {  	[hbm:s23], [sflag:s19] =	dma.local [spmem:s24], $0x200  }
0x202: {  	_ =	swait.ge [sflag:s0], $0x200  }
0x203: {  	[sflag:s0] =	ssyncset.done $0x0;
	s23 =	rddreg [dreg:$0x10]  }
0x204: {  	s24 =	rddreg [dreg:$0x17];
	[sflag:s0] =	ssyncadd.s32 $0xFFFFFE00  }
0x205: {  	[hbm:s23], [sflag:s19] =	dma.local [spmem:s24], $0x200  }
0x206: {  	_ =	swait.ge [sflag:s0], $0x200  }
0x207: {  	[sflag:s0] =	ssyncset.done $0x0  }
0x208: {  	s24 =	rddreg [dreg:$0x11];
	[sflag:s0] =	ssyncadd.s32 $0xFFFFFE00  }
0x209: {  	[hbm:s24], [sflag:s19] =	dma.local [spmem:s25], $0x200  }
0x20a: {  	_ =	swait.ge [sflag:s0], $0x200  }
0x20b: {  	[sflag:s0] =	ssyncset.done $0x0  }
0x20c: {  	s23 =	rddreg [dreg:$0x12];
	[sflag:s0] =	ssyncadd.s32 $0xFFFFFE00  }
0x20d: {  	[hbm:s23], [sflag:s19] =	dma.local [spmem:s26], $0x200  }
0x20e: {  	_ =	swait.ge [sflag:s0], $0x200  }
0x20f: {  	s4 =	sadd.s32 $0x1, s4;
	s24 =	rddreg [dreg:$0x14]  }
0x210: {  	p0 =	sne.s32 s4, s24  }
.Ltmp5:
0x211: {  	_ = 	snop;
	(pc) =	sbr.rel @p0 .LBB2_1-.Ltmp5, $3  }
0x212: {  	_ =	sdelay $0x1  }
0x213: {  	[sflag:s0] =	ssyncset.done $0x0  }
0x214: {  	[sflag:s0] =	ssyncadd.s32 $0xFFFFFE00  }
0x215: {  	_ =	sfence.sel $0x180000  }
0x216: {  	[bflag:$0x0] =	sbarrier.arrive $0xFFFF  }
0x217: {  	_ =	strace $0x9000004D  }
0x218: {  	s0 =	stileid.u32;
	[bflag:$0x2] =	sbarrier.arrive $0xFFFF  }
0x219: {  	p0 =	sne.s32 s0, $0x0;
	s0 =	rddreg [dreg:$0x5]  }
0x21a: {  	s0 =	sadd.s32 @!p0 $0x100000, s0  }
0x21b: {  	[sflag:s0] =	ssyncadd.tile.s32 @!p0 $0x1;
	_ =	shalt  }
.Lfunc_end2:
_tile_overlayer_lowered:
.L_overlay_start_2:
0x21c: {  	(tag) =	ssettag $0x2  }
0x21d: {  	s0 =	rddreg [dreg:$0x0];
	s2 =	stileid.u32  }
0x21e: {  	s1 =	rddreg [dreg:$0x1];
	p0 =	sne.s32 s2, $0x0  }
0x21f: {  	s3 =	rddreg [dreg:$0x2];
	[bflag:$0x3] =	sbarrier.arrive $0xFFFF;
	s2 =	simm.s32 @!p0 $0x1C05  }
0x220: {  	[timem:s3], [sflag:s2] =	dma.local @!p0 [hbm:s0], s1  }
0x221: {  	s0 =	simm.s32 @!p0 $0x5  }
0x222: {  	_ =	swait.ge @!p0 [sflag:s0], s1  }
0x223: {  	s1 =	ssub.s32 @!p0 $0x0, s1;
	[sflag:s0] =	ssyncset.done @!p0 $0x0  }
0x224: {  	[sflag:s0] =	ssyncadd.s32 @!p0 s1  }
0x225: {  	[bflag:$0x3] =	sbarrier.arrive $0xFFFF  }
0x226: {  	_ =	shalt  }

// kernel: kernel.8.cloned.1.call-start
scs
__scs_entry_jumppad:
0x0: {  	(pc) =	sbr.rel $0x88, $3  }
0x1: {  	(tag) =	ssettag $0x0;
	lr =	simm.s32 $0x1  }
0x2: {  	[smem:$0x3F9B] =	sst lr;
	_ =	strace $0xD0000000  }
0x3: {  	_ = 	snop  }
0x4: {  	_ = 	snop  }
0x5: {  	_ = 	snop  }
0x6: {  	_ = 	snop  }
0x7: {  	_ = 	snop  }
__scs_overlays_trampoline_lowered:
0x8: {  	[smem:$0x3FAA] =	sst s0  }
0x9: {  	[smem:$0x3FAB] =	sst s1  }
0xa: {  	[smem:$0x3FAC] =	sst s2  }
0xb: {  	[smem:$0x3FAD] =	sst s3  }
0xc: {  	[smem:$0x3FAE] =	sst s4  }
0xd: {  	[smem:$0x3FAF] =	sst s5  }
0xe: {  	[smem:$0x3FB0] =	sst s6  }
0xf: {  	[smem:$0x3FB1] =	sst s7  }
0x10: {  	[smem:$0x3FB2] =	sst s8  }
0x11: {  	[smem:$0x3FB3] =	sst s9;
	s0 =	simm.s32 @!p0 $0x0  }
0x12: {  	s1 =	sld [smem:$0x3F99];
	s0 =	simm.s32 @p0 $0x1  }
0x13: {  	[smem:$0x3FB4] =	sst s0;
	s0 =	simm.s32 @!p1 $0x0  }
0x14: {  	s2 =	sld [smem:$0x3F98];
	s0 =	simm.s32 @p1 $0x1  }
0x15: {  	[smem:$0x3FB5] =	sst s0;
	s0 =	simm.s32 @!p2 $0x0  }
0x16: {  	s3 =	sld [smem:$0x3FDB];
	s0 =	simm.s32 @p2 $0x1  }
0x17: {  	s4 =	simm.s32 $0x1BF5;
	[smem:$0x3FB7] =	sst s0  }
0x18: {  	s0 =	sld [smem:$0x3F9A];
	_ =	swait.ge [sflag:s4], $0x0  }
0x19: {  	s7 =	sld [smem:$0x3F9B]  }
0x1a: {  	s8 =	sadd.s32 $0xFFFFE003, lr  }
0x1b: {  	s9 =	sadd.s32 $0xFFFFFEF7, lr;
	s5 =	simm.s32 $0xFFFFFFFF;
	p2 =	slt.u32 s8, $0xFFFFF086  }
0x1c: {  	p1 =	slt.u32 s9, $0xF7A;
	s5 =	simm.s32 @!p2 $0x0  }
0x1d: {  	s5 =	simm.s32 @p1 $0x1;
	p0 =	seq.s32 s7, s2  }
0x1e: {  	s7 =	smul.u32 @!p0 $0xF7A, s2;
	p2 =	seq.s32 @!p0 s5, $0x0  }
0x1f: {  	s9 =	smul.u32 $0xF7A, s1;
	s8 =	simm.s32 @!p0 $0x1BF5;
	p2 =	por !p2, p0  }
0x20: {  	[sflag:s8] =	ssyncset.s32 @!p0 $0xFFFFF086;
	s6 =	sadd.s32 @!p0 s3, s7;
	s7 =	simm.s32 @!p0 $0x108  }
0x21: {  	s3 =	sadd.s32 s3, s9;
	s6 =	sadd.s32 @!p0 $0x88, s6;
	s7 =	simm.s32 @p2 $0x1082  }
0x22: {  	[simem:s7], [sflag:s8] =	dma.local @!p0 [hbm:s6], $0xF7A  }
0x23: {  	s9 =	sor.u32 $0xD0000000, s2;
	s6 =	simm.s32 $0x108;
	_ =	swait.ge @!p0 [sflag:s8], $0x0  }
0x24: {  	s3 =	sadd.s32 $0x88, s3;
	s6 =	simm.s32 @!p1 $0x1082;
	[sflag:s4] =	ssyncset.s32 $0xFFFFF086  }
0x25: {  	[simem:s6], [sflag:s4] =	dma.local [hbm:s3], $0xF7A  }
0x26: {  	[smem:$0x3F9B] =	sst s1;
	(tag) =	ssettag s2;
	_ =	strace s9  }
0x27: {  	s1 =	sld [smem:$0x3FAB]  }
0x28: {  	s2 =	sld [smem:$0x3FAC]  }
0x29: {  	s4 =	sld [smem:$0x3FAE]  }
0x2a: {  	p0 =	seq.s32 s5, $0x0;
	s5 =	sld [smem:$0x3FAF]  }
0x2b: {  	s6 =	sld [smem:$0x3FB0]  }
0x2c: {  	s7 =	sld [smem:$0x3FB1]  }
0x2d: {  	s3 =	simm.s32 $0x108;
	s8 =	sld [smem:$0x3FB2]  }
0x2e: {  	s3 =	simm.s32 @!p0 $0x1082;
	s9 =	sld [smem:$0x3FB3]  }
0x2f: {  	lr =	sadd.s32 s0, s3;
	s0 =	sld [smem:$0x3FAA]  }
0x30: {  	s3 =	sld [smem:$0x3FAD]  }
0x31: {  	[smem:$0x3FB6] =	sst s10  }
0x32: {  	s10 =	sld [smem:$0x3FB4];
	_ =	sdelay $0x3  }
0x33: {  	p0 =	seq.s32 s10, $0x1;
	s10 =	sld [smem:$0x3FB6];
	_ =	sdelay $0x3  }
0x34: {  	[smem:$0x3FB6] =	sst s10  }
0x35: {  	s10 =	sld [smem:$0x3FB5];
	_ =	sdelay $0x3  }
0x36: {  	p1 =	seq.s32 s10, $0x1;
	s10 =	sld [smem:$0x3FB6];
	_ =	sdelay $0x3  }
0x37: {  	[smem:$0x3FB6] =	sst s10  }
0x38: {  	s10 =	sld [smem:$0x3FB7]  }
0x39: {  	_ = 	snop;
	(pc) =	sbr.ind lr, $3  }
0x3a: {  	_ = 	snop  }
0x3b: {  	_ = 	snop  }
0x3c: {  	p2 =	seq.s32 s10, $0x1;
	s10 =	sld [smem:$0x3FB6]  }
0x3d: {  	_ =	shalt  }
0x3e: {  	_ =	shalt  }
0x3f: {  	_ =	shalt  }
0x40: {  	_ =	shalt  }
0x41: {  	_ =	shalt  }
0x42: {  	_ =	shalt  }
0x43: {  	_ =	shalt  }
0x44: {  	_ =	shalt  }
0x45: {  	_ =	shalt  }
0x46: {  	_ =	shalt  }
0x47: {  	_ =	shalt  }
0x48: {  	_ =	shalt  }
0x49: {  	_ =	shalt  }
0x4a: {  	_ =	shalt  }
0x4b: {  	_ =	shalt  }
0x4c: {  	_ =	shalt  }
0x4d: {  	_ =	shalt  }
0x4e: {  	_ =	shalt  }
0x4f: {  	_ =	shalt  }
0x50: {  	_ =	shalt  }
0x51: {  	_ =	shalt  }
0x52: {  	_ =	shalt  }
0x53: {  	_ =	shalt  }
0x54: {  	_ =	shalt  }
0x55: {  	_ =	shalt  }
0x56: {  	_ =	shalt  }
0x57: {  	_ =	shalt  }
0x58: {  	_ =	shalt  }
0x59: {  	_ =	shalt  }
0x5a: {  	_ =	shalt  }
0x5b: {  	_ =	shalt  }
0x5c: {  	_ =	shalt  }
0x5d: {  	_ =	shalt  }
0x5e: {  	_ =	shalt  }
0x5f: {  	_ =	shalt  }
0x60: {  	_ =	shalt  }
0x61: {  	_ =	shalt  }
0x62: {  	_ =	shalt  }
0x63: {  	_ =	shalt  }
0x64: {  	_ =	shalt  }
0x65: {  	_ =	shalt  }
0x66: {  	_ =	shalt  }
0x67: {  	_ =	shalt  }
0x68: {  	_ =	shalt  }
0x69: {  	_ =	shalt  }
0x6a: {  	_ =	shalt  }
0x6b: {  	_ =	shalt  }
0x6c: {  	_ =	shalt  }
0x6d: {  	_ =	shalt  }
0x6e: {  	_ =	shalt  }
0x6f: {  	_ =	shalt  }
0x70: {  	_ =	shalt  }
0x71: {  	_ =	shalt  }
0x72: {  	_ =	shalt  }
0x73: {  	_ =	shalt  }
0x74: {  	_ =	shalt  }
0x75: {  	_ =	shalt  }
0x76: {  	_ =	shalt  }
0x77: {  	_ =	shalt  }
0x78: {  	_ =	shalt  }
0x79: {  	_ =	shalt  }
0x7a: {  	_ =	shalt  }
0x7b: {  	_ =	shalt  }
0x7c: {  	_ =	shalt  }
0x7d: {  	_ =	shalt  }
0x7e: {  	_ =	shalt  }
0x7f: {  	_ =	shalt  }
0x80: {  	_ =	shalt  }
0x81: {  	_ =	shalt  }
0x82: {  	_ =	shalt  }
0x83: {  	_ =	shalt  }
0x84: {  	_ =	shalt  }
0x85: {  	_ =	shalt  }
0x86: {  	_ =	shalt  }
0x87: {  	_ =	shalt  }
.Lfunc_end0:
.L_simem_size_0:
called_computation_lowered:
.L_overlay_start_0:
0x88: {  	s2 =	sld [smem:$0x3FD9]  }
0x89: {  	s3 =	sld [smem:$0x3FFE];
	_ =	sdelay $0x1  }
0x8a: {  	s1 =	srdreg.scid  }
0x8b: {  	s0 =	sand.u32 $0x1, s1  }
0x8c: {  	s14 =	sshll.u32 s0, $0xA;
	s2 =	sadd.s32 s3, s2  }
0x8d: {  	s2 =	sadd.s32 s2, s14  }
0x8e: {  	[smem:$0x3FC2] =	sst s2  }
0x8f: {  	_ = 	snop  }
0x90: {  	s2 =	sld [smem:$0x3FD0];
	_ =	sdelay $0x2  }
0x91: {  	s15 =	simm.s32 $0xA;
	s4 =	simm.s32 $0x10  }
0x92: {  	[smem:s4], [sflag:s15] =	dma.local [hbm:s2], $0x1  }
0x93: {  	_ =	swait.eq [sflag:s15], $0x1  }
0x94: {  	[sflag:s15] =	ssyncset.done $0x0  }
0x95: {  	[sflag:s15] =	ssyncadd.s32 $0xFFFFFFFF  }
0x96: {  	s16 =	sld [smem:$0x11];
	(tm) =	ssettm $0x1  }
0x97: {  	s17 =	sld [smem:$0x3FFB];
	_ =	sdelay $0x3  }
0x98: {  	_ =	strace s17  }
0x99: {  	s3 =	sld [smem:$0x3FFC];
	_ =	sdelay $0x3  }
0x9a: {  	_ =	strace s3  }
0x9b: {  	s3 =	sld [smem:$0x3FFD];
	_ =	sdelay $0x3  }
0x9c: {  	_ =	strace s3  }
0x9d: {  	_ =	strace $0x8FFFFFFF  }
0x9e: {  	s18 =	sld [smem:$0x3FDB];
	_ =	sdelay $0x1  }
0x9f: {  	s19 =	simm.s32 $_scs_section_size  }
0xa0: {  	s5 =	simm.s32 $_size__tile_overlayer_lowered;
	s6 =	simm.s32 $_tile_overlayer_lowered  }
0xa1: {  	s22 =	simm.s32 $0x1BFF;
	s21 =	sshll.u32 s6, $0x1;
	s3 =	sadd.s32 s19, s18  }
0xa2: {  	s7 =	simm.s32 $0x0;
	s20 =	sshll.u32 s5, $0x1;
	s5 =	sadd.s32 s21, s3  }
0xa3: {  	[timem:s7], [sflag:s22] =	dma.local [hbm:s5], s20  }
0xa4: {  	_ =	swait.ge [sflag:s22], s20  }
0xa5: {  	s4 =	ssub.s32 $0x0, s20;
	[sflag:s22] =	ssyncset.done $0x0  }
0xa6: {  	[sflag:s22] =	ssyncadd.s32 s4;
	_ =	sdelay $0x1  }
0xa7: {  	s23 =	simm.s32 $0x1B8B  }
0xa8: {  	_ =	swait.ge [sflag:s23], $0x1  }
0xa9: {  	[sflag:s23] =	ssyncset.done $0x0  }
0xaa: {  	s25 =	simm.s32 $0x1B8E;
	s24 =	sld [smem:$0x3FFE];
	[sflag:s23] =	ssyncadd.s32 $0xFFFFFFFF  }
0xab: {  	s26 =	simm.s32 $execute0_lowered;
	[smem:$0x3FD2] =	sst s25  }
0xac: {  	s5 =	sshll.u32 s26, $0x1;
	_ =	strace $0x80000046;
	[dreg:$0x1] =	wrdreg $0xFFFFFFFF  }
0xad: {  	s28 =	simm.s32 $_size_execute0_lowered;
	s3 =	sadd.s32 s3, s5;
	[dreg:$0x0] =	wrdreg $0x0  }
0xae: {  	s5 =	sshll.u32 s28, $0x1;
	[dreg:$0x2] =	wrdreg s3  }
0xaf: {  	[dreg:$0x3] =	wrdreg s5  }
0xb0: {  	[dreg:$0x4] =	wrdreg $0xC0  }
0xb1: {  	_ =	task [dreg:s7], $0x5FFFF  }
0xb2: {  	[dreg:$0x1] =	wrdreg $0xFFFFFFFF  }
0xb3: {  	[dreg:$0x0] =	wrdreg $0x60  }
0xb4: {  	[dreg:$0x2] =	wrdreg s16  }
0xb5: {  	[dreg:$0x3] =	wrdreg s24  }
0xb6: {  	[dreg:$0x4] =	wrdreg $0x18000  }
0xb7: {  	[dreg:$0x5] =	wrdreg $0x9  }
0xb8: {  	_ =	task.clear_ibuf [dreg:s7], $0x6FFFF;
	_ =	strace $0x90000046  }
0xb9: {  	s29 =	simm.s32 $0x9;
	_ =	strace $0x80000048  }
0xba: {  	_ =	swait.ge [sflag:s29], $0x1  }
0xbb: {  	[sflag:s29] =	ssyncadd.s32 $0xFFFFFFFF  }
0xbc: {  	_ =	strace $0x90000048  }
0xbd: {  	_ =	sfence  }
0xbe: {  	s30 =	sld [smem:$0x0];
	_ =	sdelay $0x2  }
0xbf: {  	s31 =	sshll.u32 s1, $0xD;
	s1 =	sshrl.u32 s1, $0x2  }
0xc0: {  	s3 =	sand.u32 $0x4000, s31;
	s1 =	sadd.s32 s1, s30  }
0xc1: {  	s0 =	sor.u32 s3, s0;
	s1 =	sshll.u32 s1, $0x11  }
0xc2: {  	s0 =	sor.u32 s1, s0  }
0xc3: {  	s0 =	sadd.s32 $0x8F2B, s0  }
0xc4: {  	[sflag:s0] =	ssyncadd.remote.s32 $0x1  }
0xc5: {  	_ =	sfence.sel $0xFFFF  }
0xc6: {  	[dreg:$0x0] =	wrdreg $0xFFFFFFFF;
	(pc) =	sbr.abs _section_cstart, $3  }
0xc7: {  	[dreg:$0x1] =	wrdreg $0xFFFFFFFF  }
0xc8: {  	_ =	task.clear_ibuf [dreg:s7], $0x2FFFF;
	_ =	strace $0x9FFFFFFF  }
0xc9: {  	(tm) =	ssettm $0x7FFFFFFF  }
tec
execute0_lowered:
.L_overlay_start_1:
0x0: {  	(tag) =	ssettag $0x1  }
0x1: {  	s0 =	rddreg [dreg:$0x0]  }
0x2: {  	s1 =	rddreg [dreg:$0x1];
	s3 =	srdreg.scid  }
0x3: {  	s12 =	stileid.u32;
	s2 =	rddreg [dreg:$0x2];
	s28 =	simm.s32 $0x280  }
0x4: {  	s29 =	simm.s32 $0x300;
	s30 =	simm.s32 $0x380;
	s5 =	smul.u32 $0xA000, s12  }
0x5: {  	s31 =	simm.s32 $0x400;
	s4 =	sand.u32 $0x1, s3;
	s7 =	smul.u32 $0x280, s12  }
0x6: {  	s3 =	simm.s32 $0x0;
	s1 =	sadd.s32 $0x1C00, s1;
	s23 =	smul.u32 $0x5000, s12  }
0x7: {  	s6 =	smul.u32 $0x2800, s4;
	[smem:$0x7FF] =	sst s3;
	s4 =	ssub.s32 $0x2, s4  }
0x8: {  	_ =	strace $0x80000047;
	s8 =	sshrl.u32 s4, $0x1;
	s5 =	sshrl.u32 s5, $0x2  }
0x9: {  	s14 =	sadd.s32 $0x80, s7;
	s20 =	sadd.s32 $0x100, s7;
	s10 =	sadd.s32 $0x180, s7  }
0xa: {  	s9 =	sadd.s32 s6, s7;
	s8 =	ssub.s32 s4, s8;
	s4 =	sadd.s32 s5, s2  }
0xb: {  	s17 =	sadd.s32 s6, s14;
	s21 =	sadd.s32 s6, s20;
	s7 =	sadd.s32 $0x200, s7  }
0xc: {  	s11 =	sshll.u32 s9, $0x1;
	s13 =	smax.u32 s8, $0x1;
	s15 =	sadd.s32 $0x800, s4  }
0xd: {  	s16 =	sadd.s32 $0x1000, s4;
	s18 =	sadd.s32 $0x1800, s4;
	[dreg:$0x5] =	wrdreg s13  }
0xe: {  	s19 =	sadd.s32 $0x2000, s4;
	s8 =	sshll.u32 s17, $0x1;
	[dreg:$0x6] =	wrdreg s15  }
0xf: {  	s9 =	sshll.u32 s21, $0x1;
	s25 =	sadd.s32 s6, s7;
	[dreg:$0x7] =	wrdreg s16  }
0x10: {  	s7 =	sshll.u32 s7, $0x4;
	s17 =	simm.s32 $0x1;
	[dreg:$0x8] =	wrdreg s18  }
0x11: {  	s21 =	simm.s32 $0x180;
	s5 =	sadd.s32 s1, s11;
	[dreg:$0x9] =	wrdreg s19  }
0x12: {  	s8 =	sadd.s32 s1, s8;
	s11 =	sadd.s32 s6, s10;
	s9 =	sadd.s32 s1, s9  }
0x13: {  	s10 =	sshll.u32 s10, $0x4;
	s6 =	sadd.s32 s6, s23;
	s26 =	sadd.s32 s7, s2  }
0x14: {  	s16 =	simm.s32 $0x1000;
	s18 =	simm.s32 $0x80;
	[dreg:$0x4] =	wrdreg s5  }
0x15: {  	s19 =	simm.s32 $0x800;
	s7 =	simm.s32 $0x680;
	[dreg:$0xa] =	wrdreg s8  }
0x16: {  	s5 =	sshll.u32 s14, $0x4;
	s8 =	sshll.u32 s20, $0x4;
	[dreg:$0xb] =	wrdreg s9  }
0x17: {  	s22 =	sshll.u32 s11, $0x1;
	s24 =	sadd.s32 s10, s2;
	s10 =	sshll.u32 s25, $0x1  }
0x18: {  	s6 =	sshrl.u32 s6, $0x3;
	s20 =	simm.s32 $0x100;
	s25 =	sshrl.u32 s26, $0x3  }
0x19: {  	s26 =	simm.s32 $0x200;
	s5 =	sadd.s32 s5, s2;
	s8 =	sadd.s32 s8, s2  }
0x1a: {  	s9 =	sadd.s32 s1, s22;
	s1 =	sadd.s32 s1, s10;
	s15 =	sadd.s32 s6, s0  }
0x1b: {  	s24 =	sshrl.u32 s24, $0x3;
	s0 =	simm.s32 $0x500;
	[dreg:$0xc] =	wrdreg s9  }
0x1c: {  	s6 =	simm.s32 $0x600;
	s10 =	simm.s32 $0x0;
	[dreg:$0xd] =	wrdreg s1  }
0x1d: {  	s22 =	sshrl.u32 s5, $0x3;
	s23 =	sshrl.u32 s8, $0x3;
	s1 =	simm.s32 $0x480  }
0x1e: {  	v0 =	vimm.f32 $1.000000000e+00;
	v1 =	vimm.f32 $0.0e+00;
	s5 =	simm.s32 $0x580;
	s8 =	simm.s32 $0x700;
	s9 =	simm.s32 $0x780  }
.LBB2_1:
0x1f: {  	s11 =	simm.s32 $0x0  }
.LBB2_2:
0x20: {  	p0 =	sne.s32 s11, $0x1FC0  }
.Ltmp0:
0x21: {  	_ = 	snop;
	(pc) =	sbr.rel @p0 .LBB2_2-.Ltmp0, $3  }
0x22: {  	_ =	sdelay $0x1  }
0x23: {  	s12 =	sshra.s32 s11, $0x2  }
0x24: {  	s11 =	sadd.s32 $0x40, s11;
	[tilespmem:s12+$0x800] =	vst v0  }
0x25: {  	s11 =	simm.s32 $0x40;
	s12 =	simm.s32 $0x0  }
.LBB2_4:
0x26: {  	p0 =	sne.s32 s11, $0x1FC0;
	[tilespmem:s12+$0x1000] =	vst v1;
	s12 =	smov.u32 s11;
	s11 =	sadd.s32 $0x40, s11  }
.Ltmp1:
0x27: {  	(pc) =	sbr.rel @p0 .LBB2_4-.Ltmp1, $2  }
0x28: {  	_ =	sdelay $0x2  }
0x29: {  	s12 =	sshra.s32 s12, $0x2  }
0x2a: {  	[tilespmem:s12+$0x1000] =	vst v1  }
0x2b: {  	[spmem:s4] =	stream.linear.scatter [tilespmem:s16], [sflag:$0x1], $0x800, $0x38;
	[tilespmem:$0x4000] =	vst v63  }
0x2c: {  	_ =	swait.ge [sflag:s17], $0x800  }
0x2d: {  	[sflag:s17] =	ssyncset.done $0x0  }
0x2e: {  	s11 =	rddreg [dreg:$0x6];
	[sflag:s17] =	ssyncadd.s32 $0xFFFFF800  }
0x2f: {  	[spmem:s11] =	stream.linear.scatter [tilespmem:s16], [sflag:$0x1], $0x800, $0x38;
	[tilespmem:$0x4000] =	vst v63  }
0x30: {  	_ =	swait.ge [sflag:s17], $0x800  }
0x31: {  	[sflag:s17] =	ssyncset.done $0x0  }
0x32: {  	s14 =	rddreg [dreg:$0x7];
	[sflag:s17] =	ssyncadd.s32 $0xFFFFF800  }
0x33: {  	[spmem:s14] =	stream.linear.scatter [tilespmem:s16], [sflag:$0x1], $0x800, $0x38;
	[tilespmem:$0x4000] =	vst v63  }
0x34: {  	_ =	swait.ge [sflag:s17], $0x800  }
0x35: {  	[sflag:s17] =	ssyncset.done $0x0  }
0x36: {  	s12 =	rddreg [dreg:$0x8];
	[sflag:s17] =	ssyncadd.s32 $0xFFFFF800  }
0x37: {  	[spmem:s12] =	stream.linear.scatter [tilespmem:s16], [sflag:$0x1], $0x800, $0x38;
	[tilespmem:$0x4000] =	vst v63  }
0x38: {  	_ =	swait.ge [sflag:s17], $0x800  }
0x39: {  	[sflag:s17] =	ssyncset.done $0x0  }
0x3a: {  	s13 =	rddreg [dreg:$0x9];
	[sflag:s17] =	ssyncadd.s32 $0xFFFFF800  }
0x3b: {  	[spmem:s13] =	stream.linear.scatter [tilespmem:s16], [sflag:$0x1], $0x800, $0x38;
	[tilespmem:$0x4000] =	vst v63  }
0x3c: {  	_ =	swait.ge [sflag:s17], $0x800  }
0x3d: {  	[sflag:s17] =	ssyncset.done $0x0  }
0x3e: {  	[sflag:s17] =	ssyncadd.s32 $0xFFFFF800  }
0x3f: {  	s14 =	sadd.s32 $0x0, s15;
	[bflag:$0x0] =	sbarrier.arrive $0xFFFF  }
0x40: {  	[tilespmem:s3], [sflag:$0x1] =	stream.linear.gather [hbm4b:s14+s3], $0x800, $0x38;
	[tilespmem:$0x4000] =	vst v63  }
0x41: {  	_ =	swait.ge [sflag:s17], $0x800  }
0x42: {  	[sflag:s17] =	ssyncset.done $0x0  }
0x43: {  	[sflag:s17] =	ssyncadd.s32 $0xFFFFF800  }
0x44: {  	[spmem:s2] =	stream.indirect.scatter.add.f32 [tilespmem:s19], [sflag:$0x1], $0x10, s3, s18, $0xb8;
	[tilespmem:$0x4000] =	vst v63  }
0x45: {  	_ =	swait.ge [sflag:s17], $0x800  }
0x46: {  	[sflag:s17] =	ssyncset.done $0x0  }
0x47: {  	[sflag:s17] =	ssyncadd.s32 $0xFFFFF800  }
0x48: {  	[spmem:s2] =	stream.indirect.scatter.add.f32 [tilespmem:s19], [sflag:$0x1], $0x10, s18, s18, $0xb8;
	[tilespmem:$0x4000] =	vst v63  }
0x49: {  	_ =	swait.ge [sflag:s17], $0x800  }
0x4a: {  	[sflag:s17] =	ssyncset.done $0x0  }
0x4b: {  	[sflag:s17] =	ssyncadd.s32 $0xFFFFF800  }
0x4c: {  	[spmem:s2] =	stream.indirect.scatter.add.f32 [tilespmem:s19], [sflag:$0x1], $0x10, s20, s18, $0xb8;
	[tilespmem:$0x4000] =	vst v63  }
0x4d: {  	_ =	swait.ge [sflag:s17], $0x800  }
0x4e: {  	[sflag:s17] =	ssyncset.done $0x0  }
0x4f: {  	[sflag:s17] =	ssyncadd.s32 $0xFFFFF800  }
0x50: {  	[spmem:s2] =	stream.indirect.scatter.add.f32 [tilespmem:s19], [sflag:$0x1], $0x10, s21, s18, $0xb8;
	[tilespmem:$0x4000] =	vst v63  }
0x51: {  	_ =	swait.ge [sflag:s17], $0x800  }
0x52: {  	[sflag:s17] =	ssyncset.done $0x0  }
0x53: {  	[sflag:s17] =	ssyncadd.s32 $0xFFFFF800  }
0x54: {  	[spmem:s2] =	stream.indirect.scatter.add.f32 [tilespmem:s19], [sflag:$0x1], $0x10, s26, s18, $0xb8;
	[tilespmem:$0x4000] =	vst v63  }
0x55: {  	_ =	swait.ge [sflag:s17], $0x800  }
0x56: {  	[sflag:s17] =	ssyncset.done $0x0  }
0x57: {  	[sflag:s17] =	ssyncadd.s32 $0xFFFFF800  }
0x58: {  	[spmem:s2] =	stream.indirect.scatter.add.f32 [tilespmem:s19], [sflag:$0x1], $0x10, s28, s18, $0xb8;
	[tilespmem:$0x4000] =	vst v63  }
0x59: {  	_ =	swait.ge [sflag:s17], $0x800  }
0x5a: {  	[sflag:s17] =	ssyncset.done $0x0  }
0x5b: {  	[sflag:s17] =	ssyncadd.s32 $0xFFFFF800  }
0x5c: {  	[spmem:s2] =	stream.indirect.scatter.add.f32 [tilespmem:s19], [sflag:$0x1], $0x10, s29, s18, $0xb8;
	[tilespmem:$0x4000] =	vst v63  }
0x5d: {  	_ =	swait.ge [sflag:s17], $0x800  }
0x5e: {  	[sflag:s17] =	ssyncset.done $0x0  }
0x5f: {  	[sflag:s17] =	ssyncadd.s32 $0xFFFFF800  }
0x60: {  	[spmem:s2] =	stream.indirect.scatter.add.f32 [tilespmem:s19], [sflag:$0x1], $0x10, s30, s18, $0xb8;
	[tilespmem:$0x4000] =	vst v63  }
0x61: {  	_ =	swait.ge [sflag:s17], $0x800  }
0x62: {  	[sflag:s17] =	ssyncset.done $0x0  }
0x63: {  	[sflag:s17] =	ssyncadd.s32 $0xFFFFF800  }
0x64: {  	[spmem:s2] =	stream.indirect.scatter.add.f32 [tilespmem:s19], [sflag:$0x1], $0x10, s31, s18, $0xb8;
	[tilespmem:$0x4000] =	vst v63  }
0x65: {  	_ =	swait.ge [sflag:s17], $0x800  }
0x66: {  	[sflag:s17] =	ssyncset.done $0x0  }
0x67: {  	[sflag:s17] =	ssyncadd.s32 $0xFFFFF800  }
0x68: {  	[spmem:s2] =	stream.indirect.scatter.add.f32 [tilespmem:s19], [sflag:$0x1], $0x10, s1, s18, $0xb8;
	[tilespmem:$0x4000] =	vst v63  }
0x69: {  	_ =	swait.ge [sflag:s17], $0x800  }
0x6a: {  	[sflag:s17] =	ssyncset.done $0x0  }
0x6b: {  	[sflag:s17] =	ssyncadd.s32 $0xFFFFF800  }
0x6c: {  	[spmem:s2] =	stream.indirect.scatter.add.f32 [tilespmem:s19], [sflag:$0x1], $0x10, s0, s18, $0xb8;
	[tilespmem:$0x4000] =	vst v63  }
0x6d: {  	_ =	swait.ge [sflag:s17], $0x800  }
0x6e: {  	[sflag:s17] =	ssyncset.done $0x0  }
0x6f: {  	[sflag:s17] =	ssyncadd.s32 $0xFFFFF800  }
0x70: {  	[spmem:s2] =	stream.indirect.scatter.add.f32 [tilespmem:s19], [sflag:$0x1], $0x10, s5, s18, $0xb8;
	[tilespmem:$0x4000] =	vst v63  }
0x71: {  	_ =	swait.ge [sflag:s17], $0x800  }
0x72: {  	[sflag:s17] =	ssyncset.done $0x0  }
0x73: {  	[sflag:s17] =	ssyncadd.s32 $0xFFFFF800  }
0x74: {  	[spmem:s2] =	stream.indirect.scatter.add.f32 [tilespmem:s19], [sflag:$0x1], $0x10, s6, s18, $0xb8;
	[tilespmem:$0x4000] =	vst v63  }
0x75: {  	_ =	swait.ge [sflag:s17], $0x800  }
0x76: {  	[sflag:s17] =	ssyncset.done $0x0  }
0x77: {  	[sflag:s17] =	ssyncadd.s32 $0xFFFFF800  }
0x78: {  	[spmem:s2] =	stream.indirect.scatter.add.f32 [tilespmem:s19], [sflag:$0x1], $0x10, s7, s18, $0xb8;
	[tilespmem:$0x4000] =	vst v63  }
0x79: {  	_ =	swait.ge [sflag:s17], $0x800  }
0x7a: {  	[sflag:s17] =	ssyncset.done $0x0  }
0x7b: {  	[sflag:s17] =	ssyncadd.s32 $0xFFFFF800  }
0x7c: {  	[spmem:s2] =	stream.indirect.scatter.add.f32 [tilespmem:s19], [sflag:$0x1], $0x10, s8, s18, $0xb8;
	[tilespmem:$0x4000] =	vst v63  }
0x7d: {  	_ =	swait.ge [sflag:s17], $0x800  }
0x7e: {  	[sflag:s17] =	ssyncset.done $0x0  }
0x7f: {  	[sflag:s17] =	ssyncadd.s32 $0xFFFFF800  }
0x80: {  	[spmem:s2] =	stream.indirect.scatter.add.f32 [tilespmem:s19], [sflag:$0x1], $0x10, s9, s18, $0xb8;
	[tilespmem:$0x4000] =	vst v63  }
0x81: {  	_ =	swait.ge [sflag:s17], $0x800  }
0x82: {  	s11 =	simm.s32 $0x100;
	s12 =	simm.s32 $0x200;
	[sflag:s17] =	ssyncset.done $0x0  }
.LBB2_6:
0x83: {  	s14 =	sadd.s32 s11, s15  }
0x84: {  	[sflag:s17] =	ssyncadd.s32 $0xFFFFF800;
	s11 =	smov.u32 s12;
	s13 =	sadd.s32 $0x100, s12  }
0x85: {  	[tilespmem:s3], [sflag:$0x1] =	stream.linear.gather [hbm4b:s14+s3], $0x800, $0x38;
	[tilespmem:$0x4000] =	vst v63  }
0x86: {  	p0 =	sne.s32 s12, $0x400;
	_ =	swait.ge [sflag:s17], $0x800  }
0x87: {  	[sflag:s17] =	ssyncset.done $0x0  }
0x88: {  	[sflag:s17] =	ssyncadd.s32 $0xFFFFF800  }
0x89: {  	[spmem:s2] =	stream.indirect.scatter.add.f32 [tilespmem:s19], [sflag:$0x1], $0x10, s3, s18, $0xb8;
	[tilespmem:$0x4000] =	vst v63  }
0x8a: {  	_ =	swait.ge [sflag:s17], $0x800  }
0x8b: {  	[sflag:s17] =	ssyncset.done $0x0  }
0x8c: {  	[sflag:s17] =	ssyncadd.s32 $0xFFFFF800  }
0x8d: {  	[spmem:s2] =	stream.indirect.scatter.add.f32 [tilespmem:s19], [sflag:$0x1], $0x10, s18, s18, $0xb8;
	[tilespmem:$0x4000] =	vst v63  }
0x8e: {  	_ =	swait.ge [sflag:s17], $0x800  }
0x8f: {  	[sflag:s17] =	ssyncset.done $0x0  }
0x90: {  	[sflag:s17] =	ssyncadd.s32 $0xFFFFF800  }
0x91: {  	[spmem:s2] =	stream.indirect.scatter.add.f32 [tilespmem:s19], [sflag:$0x1], $0x10, s20, s18, $0xb8;
	[tilespmem:$0x4000] =	vst v63  }
0x92: {  	_ =	swait.ge [sflag:s17], $0x800  }
0x93: {  	[sflag:s17] =	ssyncset.done $0x0  }
0x94: {  	[sflag:s17] =	ssyncadd.s32 $0xFFFFF800  }
0x95: {  	[spmem:s2] =	stream.indirect.scatter.add.f32 [tilespmem:s19], [sflag:$0x1], $0x10, s21, s18, $0xb8;
	[tilespmem:$0x4000] =	vst v63  }
0x96: {  	_ =	swait.ge [sflag:s17], $0x800  }
0x97: {  	[sflag:s17] =	ssyncset.done $0x0  }
0x98: {  	[sflag:s17] =	ssyncadd.s32 $0xFFFFF800  }
0x99: {  	[spmem:s2] =	stream.indirect.scatter.add.f32 [tilespmem:s19], [sflag:$0x1], $0x10, s26, s18, $0xb8;
	[tilespmem:$0x4000] =	vst v63  }
0x9a: {  	_ =	swait.ge [sflag:s17], $0x800  }
0x9b: {  	[sflag:s17] =	ssyncset.done $0x0  }
0x9c: {  	[sflag:s17] =	ssyncadd.s32 $0xFFFFF800  }
0x9d: {  	[spmem:s2] =	stream.indirect.scatter.add.f32 [tilespmem:s19], [sflag:$0x1], $0x10, s28, s18, $0xb8;
	[tilespmem:$0x4000] =	vst v63  }
0x9e: {  	_ =	swait.ge [sflag:s17], $0x800  }
0x9f: {  	[sflag:s17] =	ssyncset.done $0x0  }
0xa0: {  	[sflag:s17] =	ssyncadd.s32 $0xFFFFF800  }
0xa1: {  	[spmem:s2] =	stream.indirect.scatter.add.f32 [tilespmem:s19], [sflag:$0x1], $0x10, s29, s18, $0xb8;
	[tilespmem:$0x4000] =	vst v63  }
0xa2: {  	_ =	swait.ge [sflag:s17], $0x800  }
0xa3: {  	[sflag:s17] =	ssyncset.done $0x0  }
0xa4: {  	[sflag:s17] =	ssyncadd.s32 $0xFFFFF800  }
0xa5: {  	[spmem:s2] =	stream.indirect.scatter.add.f32 [tilespmem:s19], [sflag:$0x1], $0x10, s30, s18, $0xb8;
	[tilespmem:$0x4000] =	vst v63  }
0xa6: {  	_ =	swait.ge [sflag:s17], $0x800  }
0xa7: {  	[sflag:s17] =	ssyncset.done $0x0  }
0xa8: {  	[sflag:s17] =	ssyncadd.s32 $0xFFFFF800  }
0xa9: {  	[spmem:s2] =	stream.indirect.scatter.add.f32 [tilespmem:s19], [sflag:$0x1], $0x10, s31, s18, $0xb8;
	[tilespmem:$0x4000] =	vst v63  }
0xaa: {  	_ =	swait.ge [sflag:s17], $0x800  }
0xab: {  	[sflag:s17] =	ssyncset.done $0x0  }
0xac: {  	[sflag:s17] =	ssyncadd.s32 $0xFFFFF800  }
0xad: {  	[spmem:s2] =	stream.indirect.scatter.add.f32 [tilespmem:s19], [sflag:$0x1], $0x10, s1, s18, $0xb8;
	[tilespmem:$0x4000] =	vst v63  }
0xae: {  	_ =	swait.ge [sflag:s17], $0x800  }
0xaf: {  	[sflag:s17] =	ssyncset.done $0x0  }
0xb0: {  	[sflag:s17] =	ssyncadd.s32 $0xFFFFF800  }
0xb1: {  	[spmem:s2] =	stream.indirect.scatter.add.f32 [tilespmem:s19], [sflag:$0x1], $0x10, s0, s18, $0xb8;
	[tilespmem:$0x4000] =	vst v63  }
0xb2: {  	_ =	swait.ge [sflag:s17], $0x800  }
0xb3: {  	[sflag:s17] =	ssyncset.done $0x0  }
0xb4: {  	[sflag:s17] =	ssyncadd.s32 $0xFFFFF800  }
0xb5: {  	[spmem:s2] =	stream.indirect.scatter.add.f32 [tilespmem:s19], [sflag:$0x1], $0x10, s5, s18, $0xb8;
	[tilespmem:$0x4000] =	vst v63  }
0xb6: {  	_ =	swait.ge [sflag:s17], $0x800  }
0xb7: {  	[sflag:s17] =	ssyncset.done $0x0  }
0xb8: {  	[sflag:s17] =	ssyncadd.s32 $0xFFFFF800  }
0xb9: {  	[spmem:s2] =	stream.indirect.scatter.add.f32 [tilespmem:s19], [sflag:$0x1], $0x10, s6, s18, $0xb8;
	[tilespmem:$0x4000] =	vst v63  }
0xba: {  	_ =	swait.ge [sflag:s17], $0x800  }
0xbb: {  	[sflag:s17] =	ssyncset.done $0x0  }
0xbc: {  	[sflag:s17] =	ssyncadd.s32 $0xFFFFF800  }
0xbd: {  	[spmem:s2] =	stream.indirect.scatter.add.f32 [tilespmem:s19], [sflag:$0x1], $0x10, s7, s18, $0xb8;
	[tilespmem:$0x4000] =	vst v63  }
0xbe: {  	_ =	swait.ge [sflag:s17], $0x800  }
0xbf: {  	[sflag:s17] =	ssyncset.done $0x0  }
0xc0: {  	[sflag:s17] =	ssyncadd.s32 $0xFFFFF800  }
0xc1: {  	[spmem:s2] =	stream.indirect.scatter.add.f32 [tilespmem:s19], [sflag:$0x1], $0x10, s8, s18, $0xb8;
	[tilespmem:$0x4000] =	vst v63  }
0xc2: {  	_ =	swait.ge [sflag:s17], $0x800  }
.Ltmp2:
0xc3: {  	[sflag:s17] =	ssyncset.done $0x0;
	(pc) =	sbr.rel @p0 .LBB2_6-.Ltmp2, $4  }
0xc4: {  	[sflag:s17] =	ssyncadd.s32 $0xFFFFF800  }
0xc5: {  	[spmem:s2] =	stream.indirect.scatter.add.f32 [tilespmem:s19], [sflag:$0x1], $0x10, s9, s18, $0xb8;
	[tilespmem:$0x4000] =	vst v63  }
0xc6: {  	_ =	swait.ge [sflag:s17], $0x800  }
0xc7: {  	s12 =	smov.u32 s13;
	[sflag:s17] =	ssyncset.done $0x0  }
0xc8: {  	s11 =	sadd.s32 s11, s15;
	[sflag:s17] =	ssyncadd.s32 $0xFFFFF800  }
0xc9: {  	[tilespmem:s3], [sflag:$0x1] =	stream.linear.gather [hbm4b:s11+s3], $0x800, $0x38;
	[tilespmem:$0x4000] =	vst v63  }
0xca: {  	_ =	swait.ge [sflag:s17], $0x800  }
0xcb: {  	[sflag:s17] =	ssyncset.done $0x0  }
0xcc: {  	[sflag:s17] =	ssyncadd.s32 $0xFFFFF800  }
0xcd: {  	[spmem:s2] =	stream.indirect.scatter.add.f32 [tilespmem:s19], [sflag:$0x1], $0x10, s3, s18, $0xb8;
	[tilespmem:$0x4000] =	vst v63  }
0xce: {  	_ =	swait.ge [sflag:s17], $0x800  }
0xcf: {  	[sflag:s17] =	ssyncset.done $0x0  }
0xd0: {  	[sflag:s17] =	ssyncadd.s32 $0xFFFFF800  }
0xd1: {  	[spmem:s2] =	stream.indirect.scatter.add.f32 [tilespmem:s19], [sflag:$0x1], $0x10, s18, s18, $0xb8;
	[tilespmem:$0x4000] =	vst v63  }
0xd2: {  	_ =	swait.ge [sflag:s17], $0x800  }
0xd3: {  	[sflag:s17] =	ssyncset.done $0x0  }
0xd4: {  	[sflag:s17] =	ssyncadd.s32 $0xFFFFF800  }
0xd5: {  	[spmem:s2] =	stream.indirect.scatter.add.f32 [tilespmem:s19], [sflag:$0x1], $0x10, s20, s18, $0xb8;
	[tilespmem:$0x4000] =	vst v63  }
0xd6: {  	_ =	swait.ge [sflag:s17], $0x800  }
0xd7: {  	[sflag:s17] =	ssyncset.done $0x0  }
0xd8: {  	[sflag:s17] =	ssyncadd.s32 $0xFFFFF800  }
0xd9: {  	[spmem:s2] =	stream.indirect.scatter.add.f32 [tilespmem:s19], [sflag:$0x1], $0x10, s21, s18, $0xb8;
	[tilespmem:$0x4000] =	vst v63  }
0xda: {  	_ =	swait.ge [sflag:s17], $0x800  }
0xdb: {  	[sflag:s17] =	ssyncset.done $0x0  }
0xdc: {  	[sflag:s17] =	ssyncadd.s32 $0xFFFFF800  }
0xdd: {  	[spmem:s2] =	stream.indirect.scatter.add.f32 [tilespmem:s19], [sflag:$0x1], $0x10, s26, s18, $0xb8;
	[tilespmem:$0x4000] =	vst v63  }
0xde: {  	_ =	swait.ge [sflag:s17], $0x800  }
0xdf: {  	[sflag:s17] =	ssyncset.done $0x0  }
0xe0: {  	[sflag:s17] =	ssyncadd.s32 $0xFFFFF800  }
0xe1: {  	[spmem:s2] =	stream.indirect.scatter.add.f32 [tilespmem:s19], [sflag:$0x1], $0x10, s28, s18, $0xb8;
	[tilespmem:$0x4000] =	vst v63  }
0xe2: {  	_ =	swait.ge [sflag:s17], $0x800  }
0xe3: {  	[sflag:s17] =	ssyncset.done $0x0  }
0xe4: {  	[sflag:s17] =	ssyncadd.s32 $0xFFFFF800  }
0xe5: {  	[spmem:s2] =	stream.indirect.scatter.add.f32 [tilespmem:s19], [sflag:$0x1], $0x10, s29, s18, $0xb8;
	[tilespmem:$0x4000] =	vst v63  }
0xe6: {  	_ =	swait.ge [sflag:s17], $0x800  }
0xe7: {  	[sflag:s17] =	ssyncset.done $0x0  }
0xe8: {  	[sflag:s17] =	ssyncadd.s32 $0xFFFFF800  }
0xe9: {  	[spmem:s2] =	stream.indirect.scatter.add.f32 [tilespmem:s19], [sflag:$0x1], $0x10, s30, s18, $0xb8;
	[tilespmem:$0x4000] =	vst v63  }
0xea: {  	_ =	swait.ge [sflag:s17], $0x800  }
0xeb: {  	[sflag:s17] =	ssyncset.done $0x0  }
0xec: {  	[sflag:s17] =	ssyncadd.s32 $0xFFFFF800  }
0xed: {  	[spmem:s2] =	stream.indirect.scatter.add.f32 [tilespmem:s19], [sflag:$0x1], $0x10, s31, s18, $0xb8;
	[tilespmem:$0x4000] =	vst v63  }
0xee: {  	_ =	swait.ge [sflag:s17], $0x800  }
0xef: {  	[sflag:s17] =	ssyncset.done $0x0  }
0xf0: {  	[sflag:s17] =	ssyncadd.s32 $0xFFFFF800  }
0xf1: {  	[spmem:s2] =	stream.indirect.scatter.add.f32 [tilespmem:s19], [sflag:$0x1], $0x10, s1, s18, $0xb8;
	[tilespmem:$0x4000] =	vst v63  }
0xf2: {  	_ =	swait.ge [sflag:s17], $0x800  }
0xf3: {  	[sflag:s17] =	ssyncset.done $0x0  }
0xf4: {  	[sflag:s17] =	ssyncadd.s32 $0xFFFFF800  }
0xf5: {  	[spmem:s2] =	stream.indirect.scatter.add.f32 [tilespmem:s19], [sflag:$0x1], $0x10, s0, s18, $0xb8;
	[tilespmem:$0x4000] =	vst v63  }
0xf6: {  	_ =	swait.ge [sflag:s17], $0x800  }
0xf7: {  	[sflag:s17] =	ssyncset.done $0x0  }
0xf8: {  	[sflag:s17] =	ssyncadd.s32 $0xFFFFF800  }
0xf9: {  	[spmem:s2] =	stream.indirect.scatter.add.f32 [tilespmem:s19], [sflag:$0x1], $0x10, s5, s18, $0xb8;
	[tilespmem:$0x4000] =	vst v63  }
0xfa: {  	_ =	swait.ge [sflag:s17], $0x800  }
0xfb: {  	[sflag:s17] =	ssyncset.done $0x0  }
0xfc: {  	[sflag:s17] =	ssyncadd.s32 $0xFFFFF800  }
0xfd: {  	[spmem:s2] =	stream.indirect.scatter.add.f32 [tilespmem:s19], [sflag:$0x1], $0x10, s6, s18, $0xb8;
	[tilespmem:$0x4000] =	vst v63  }
0xfe: {  	_ =	swait.ge [sflag:s17], $0x800  }
0xff: {  	[sflag:s17] =	ssyncset.done $0x0  }
0x100: {  	[sflag:s17] =	ssyncadd.s32 $0xFFFFF800  }
0x101: {  	[spmem:s2] =	stream.indirect.scatter.add.f32 [tilespmem:s19], [sflag:$0x1], $0x10, s7, s18, $0xb8;
	[tilespmem:$0x4000] =	vst v63  }
0x102: {  	_ =	swait.ge [sflag:s17], $0x800  }
0x103: {  	[sflag:s17] =	ssyncset.done $0x0  }
0x104: {  	[sflag:s17] =	ssyncadd.s32 $0xFFFFF800  }
0x105: {  	[spmem:s2] =	stream.indirect.scatter.add.f32 [tilespmem:s19], [sflag:$0x1], $0x10, s8, s18, $0xb8;
	[tilespmem:$0x4000] =	vst v63  }
0x106: {  	_ =	swait.ge [sflag:s17], $0x800  }
0x107: {  	[sflag:s17] =	ssyncset.done $0x0  }
0x108: {  	[sflag:s17] =	ssyncadd.s32 $0xFFFFF800  }
0x109: {  	[spmem:s2] =	stream.indirect.scatter.add.f32 [tilespmem:s19], [sflag:$0x1], $0x10, s9, s18, $0xb8;
	[tilespmem:$0x4000] =	vst v63  }
0x10a: {  	_ =	swait.ge [sflag:s17], $0x800  }
0x10b: {  	[sflag:s17] =	ssyncset.done $0x0  }
0x10c: {  	s13 =	stileid.u32;
	[sflag:s17] =	ssyncadd.s32 $0xFFFFF800  }
0x10d: {  	s11 =	sshll.u32 s13, $0x6;
	[bflag:$0x0] =	sbarrier.arrive $0xFFFF  }
0x10e: {  	s12 =	sshrl.u32 s4, $0x3;
	s11 =	sor.u32 $0x1C01, s11;
	s13 =	rddreg [dreg:$0x4]  }
0x10f: {  	[hbm:s13], [sflag:s11] =	dma.local [spmem:s12], $0x100  }
0x110: {  	_ =	swait.ge [sflag:s17], $0x100  }
0x111: {  	[sflag:s17] =	ssyncset.done $0x0  }
0x112: {  	s14 =	rddreg [dreg:$0xa];
	[sflag:s17] =	ssyncadd.s32 $0xFFFFFF00  }
0x113: {  	[hbm:s14], [sflag:s11] =	dma.local [spmem:s22], $0x100  }
0x114: {  	_ =	swait.ge [sflag:s17], $0x100  }
0x115: {  	[sflag:s17] =	ssyncset.done $0x0  }
0x116: {  	s13 =	rddreg [dreg:$0xb];
	[sflag:s17] =	ssyncadd.s32 $0xFFFFFF00  }
0x117: {  	[hbm:s13], [sflag:s11] =	dma.local [spmem:s23], $0x100  }
0x118: {  	_ =	swait.ge [sflag:s17], $0x100  }
0x119: {  	[sflag:s17] =	ssyncset.done $0x0  }
0x11a: {  	s14 =	rddreg [dreg:$0xc];
	[sflag:s17] =	ssyncadd.s32 $0xFFFFFF00  }
0x11b: {  	[hbm:s14], [sflag:s11] =	dma.local [spmem:s24], $0x100  }
0x11c: {  	_ =	swait.ge [sflag:s17], $0x100  }
0x11d: {  	[sflag:s17] =	ssyncset.done $0x0  }
0x11e: {  	s13 =	rddreg [dreg:$0xd];
	[sflag:s17] =	ssyncadd.s32 $0xFFFFFF00  }
0x11f: {  	[hbm:s13], [sflag:s11] =	dma.local [spmem:s25], $0x100  }
0x120: {  	_ =	swait.ge [sflag:s17], $0x100  }
0x121: {  	s10 =	sadd.s32 $0x1, s10;
	s14 =	rddreg [dreg:$0x5]  }
0x122: {  	p0 =	sne.s32 s10, s14  }
.Ltmp3:
0x123: {  	_ = 	snop;
	(pc) =	sbr.rel @p0 .LBB2_1-.Ltmp3, $3  }
0x124: {  	_ =	sdelay $0x1  }
0x125: {  	[sflag:s17] =	ssyncset.done $0x0  }
0x126: {  	[sflag:s17] =	ssyncadd.s32 $0xFFFFFF00  }
0x127: {  	_ =	sfence.sel $0x180000  }
0x128: {  	[bflag:$0x0] =	sbarrier.arrive $0xFFFF  }
0x129: {  	_ =	strace $0x90000047  }
0x12a: {  	s0 =	stileid.u32;
	[bflag:$0x2] =	sbarrier.arrive $0xFFFF  }
0x12b: {  	p0 =	sne.s32 s0, $0x0;
	s0 =	rddreg [dreg:$0x3]  }
0x12c: {  	s0 =	sadd.s32 @!p0 $0x100000, s0  }
0x12d: {  	[sflag:s0] =	ssyncadd.tile.s32 @!p0 $0x1;
	_ =	shalt  }
.Lfunc_end2:
_tile_overlayer_lowered:
.L_overlay_start_2:
0x12e: {  	(tag) =	ssettag $0x2  }
0x12f: {  	s0 =	rddreg [dreg:$0x0];
	s2 =	stileid.u32  }
0x130: {  	s1 =	rddreg [dreg:$0x1];
	p0 =	sne.s32 s2, $0x0  }
0x131: {  	s3 =	rddreg [dreg:$0x2];
	[bflag:$0x3] =	sbarrier.arrive $0xFFFF;
	s2 =	simm.s32 @!p0 $0x1C01  }
0x132: {  	[timem:s3], [sflag:s2] =	dma.local @!p0 [hbm:s0], s1  }
0x133: {  	s0 =	simm.s32 @!p0 $0x1  }
0x134: {  	_ =	swait.ge @!p0 [sflag:s0], s1  }
0x135: {  	s1 =	ssub.s32 @!p0 $0x0, s1;
	[sflag:s0] =	ssyncset.done @!p0 $0x0  }
0x136: {  	[sflag:s0] =	ssyncadd.s32 @!p0 s1  }
0x137: {  	[bflag:$0x3] =	sbarrier.arrive $0xFFFF  }
0x138: {  	_ =	shalt  }

</sc_bundles>
